<compile_context>
chip_gen: v7x
topology: tpu7x:2x2x1
jax: 0.10.2.dev20260603
libtpu: 0.0.44.dev20260713+nightly
codegen_flags: <defaults>
</compile_context>

<pallas_src>
import functools

import jax
import jax.numpy as jnp
from jax import lax
from jax.experimental import pallas as pl
from jax.experimental.pallas import tpu as pltpu
from jax.experimental.pallas import tpu_sc as plsc

V = 1000000
D = 64
H = D // 2
B = 16384
LANES = 128

NC = 2
NS = 16
NW = NC * NS
B_SC = B
B_PER_W = B_SC // NW
GRP = 4


def _sc_gather_t(table_t, ids):
    ids2 = ids.reshape(NW, B_PER_W)
    mesh = plsc.VectorSubcoreMesh(core_axis_name="c", subcore_axis_name="s")

    @functools.partial(
        pl.kernel,
        mesh=mesh,
        out_type=jax.ShapeDtypeStruct((B_SC, D), jnp.float32),
        scratch_types=[
            pltpu.VMEM((B_PER_W,), jnp.int32),
            pltpu.VMEM((GRP, D, LANES), jnp.float32),
            pltpu.VMEM((GRP, D, LANES), jnp.float32),
            pltpu.VMEM((GRP, D, LANES), jnp.float32),
            pltpu.VMEM((16, D), jnp.float32),
            pltpu.SemaphoreType.DMA,
            pltpu.SemaphoreType.DMA,
            pltpu.SemaphoreType.DMA,
        ],
        compiler_params=pltpu.CompilerParams(needs_layout_passes=False),
    )
    def k(table_hbm, idx_hbm, out_hbm, idx_s, buf0, buf1, buf2, rows_v,
          sem0, sem1, sem2):
        wid = lax.axis_index("s") * NC + lax.axis_index("c")
        pltpu.sync_copy(idx_hbm.at[wid], idx_s)

        jiota = lax.iota(jnp.int32, 16)

        def fire(grp_ids, buf, sem):
            for l, idv in enumerate(grp_ids):
                blk = pl.multiple_of((idv >> 7) << 7, LANES)
                for t in range(8):
                    pltpu.async_copy(
                        table_hbm.at[pl.ds(8 * t, 8), pl.ds(blk, LANES)],
                        buf.at[l].at[pl.ds(8 * t, 8)],
                        sem,
                    )

        def drain(buf, sem):
            for l in range(GRP):
                pltpu.make_async_copy(
                    table_hbm.at[:, pl.ds(0, LANES)],
                    buf.at[l],
                    sem,
                ).wait()

        def extract(base_k, grp_ids, buf):
            for l, idv in enumerate(grp_ids):
                col = jnp.broadcast_to(idv & 127, (16,))
                kv = jnp.broadcast_to(jnp.int32(base_k + l), (16,))
                lv = jnp.broadcast_to(jnp.int32(l), (16,))
                for q in range(D // 16):
                    jv = jiota + (16 * q)
                    x = plsc.load_gather(buf, [lv, jv, col])
                    plsc.store_scatter(rows_v, [kv, jv], x)

        def body(s, _):
            base = s * 16
            vec = idx_s[pl.ds(base, 16)]
            grp = [[vec[4 * g + l] for l in range(GRP)] for g in range(4)]
            fire(grp[0], buf0, sem0)
            fire(grp[1], buf1, sem1)
            fire(grp[2], buf2, sem2)
            drain(buf0, sem0)
            extract(0, grp[0], buf0)
            fire(grp[3], buf0, sem0)
            drain(buf1, sem1)
            extract(4, grp[1], buf1)
            drain(buf2, sem2)
            extract(8, grp[2], buf2)
            drain(buf0, sem0)
            extract(12, grp[3], buf0)
            pltpu.sync_copy(rows_v, out_hbm.at[pl.ds(wid * B_PER_W + base, 16)])
            return ()

        lax.fori_loop(0, B_PER_W // 16, body, (), unroll=False)

    return k(table_t, ids2)


def _mlp_body(x_ref, w1_ref, b1_ref, w2_ref, b2_ref, o1_ref, o2_ref, o3_ref):
    x = x_ref[...]
    h = jnp.dot(x, w1_ref[...], preferred_element_type=jnp.float32) + b1_ref[...]
    h = jnp.maximum(h, 0.0)
    out3 = jnp.dot(h, w2_ref[...], preferred_element_type=jnp.float32) + b2_ref[...]
    o1_ref[...] = out3[:, 0]
    o2_ref[...] = out3[:, 1]
    o3_ref[...] = out3[:, 2]


def _tc_mlp(emb, w1c, b1c, w2blk, b2c):
    blk = 4096
    grid = B // blk
    head = jax.ShapeDtypeStruct((B,), jnp.float32)
    return pl.pallas_call(
        _mlp_body,
        grid=(grid,),
        in_specs=[
            pl.BlockSpec((blk, D), lambda i: (i, 0)),
            pl.BlockSpec((D, 3 * H), lambda i: (0, 0)),
            pl.BlockSpec((1, 3 * H), lambda i: (0, 0)),
            pl.BlockSpec((3 * H, 3), lambda i: (0, 0)),
            pl.BlockSpec((1, 3), lambda i: (0, 0)),
        ],
        out_specs=[pl.BlockSpec((blk,), lambda i: (i,))] * 3,
        out_shape=[head, head, head],
    )(emb, w1c, b1c, w2blk, b2c)


def kernel(instrument_ids, table, vW1, vb1, vW2, vb2,
           lW1, lb1, lW2, lb2, tW1, tb1, tW2, tb2):
    ids = instrument_ids.astype(jnp.int32)
    embeddings = _sc_gather_t(table.T, ids)

    w1c = jnp.concatenate([vW1, lW1, tW1], axis=1)
    b1c = jnp.concatenate([vb1, lb1, tb1], axis=0)[None, :]
    zero = jnp.zeros((H, 1), jnp.float32)
    w2blk = jnp.concatenate(
        [
            jnp.concatenate([vW2, zero, zero], axis=1),
            jnp.concatenate([zero, lW2, zero], axis=1),
            jnp.concatenate([zero, zero, tW2], axis=1),
        ],
        axis=0,
    )
    b2c = jnp.concatenate([vb2, lb2, tb2], axis=0)[None, :]

    vol, liq, trd = _tc_mlp(embeddings, w1c, b1c, w2blk, b2c)
    return (embeddings, vol[:, None], liq[:, None], trd[:, None])

# --- scband reference (transcript-rebuilt; emitter-appended) ---
"""Pipeline reference for scband-instrument-embedding-layer-39762807226738 (READ-ONLY COPY).

The authoritative reference and input builder live on the scoring server;
editing this copy changes nothing except your own understanding.
"""

import jax, jax.numpy as jnp
import numpy as np

V = 1000000
D = 64
H = D // 2
B = 16384


def _mlp(x, W1, b1, W2, b2):
    h = jnp.maximum(jnp.dot(x, W1) + b1, 0.0)
    return jnp.dot(h, W2) + b2


def setup_inputs(seed: int = 0) -> dict:
    key = jax.random.key(seed)
    ks = jax.random.split(key, 14)
    instrument_ids = jax.random.randint(ks[0], (B,), 0, V)
    # xavier-uniform-ish embedding table
    limit = float(np.sqrt(6.0 / (V + D)))
    table = jax.random.uniform(ks[1], (V, D), minval=-limit, maxval=limit, dtype=jnp.float32)
    def lin(k, fan_in, fan_out):
        lim = float(np.sqrt(1.0 / fan_in))
        kw, kb = jax.random.split(k)
        W = jax.random.uniform(kw, (fan_in, fan_out), minval=-lim, maxval=lim, dtype=jnp.float32)
        b = jax.random.uniform(kb, (fan_out,), minval=-lim, maxval=lim, dtype=jnp.float32)
        return W, b
    vW1, vb1 = lin(ks[2], D, H)
    vW2, vb2 = lin(ks[3], H, 1)
    lW1, lb1 = lin(ks[4], D, H)
    lW2, lb2 = lin(ks[5], H, 1)
    tW1, tb1 = lin(ks[6], D, H)
    tW2, tb2 = lin(ks[7], H, 1)
    return {
        "instrument_ids": instrument_ids,
        "table": table,
        "vW1": vW1, "vb1": vb1, "vW2": vW2, "vb2": vb2,
        "lW1": lW1, "lb1": lb1, "lW2": lW2, "lb2": lb2,
        "tW1": tW1, "tb1": tb1, "tW2": tW2, "tb2": tb2,
    }


def reference(instrument_ids, table, vW1, vb1, vW2, vb2, lW1, lb1, lW2, lb2, tW1, tb1, tW2, tb2):
    embeddings = jnp.take(table, instrument_ids, axis=0)
    volatility = _mlp(embeddings, vW1, vb1, vW2, vb2)
    liquidity = _mlp(embeddings, lW1, lb1, lW2, lb2)
    trend = _mlp(embeddings, tW1, tb1, tW2, tb2)
    return (embeddings, volatility, liquidity, trend)

if __name__ == "__main__":
    import jax
    _d = setup_inputs()
    print(jax.jit(kernel)(*tuple(_d.values())))

</pallas_src>

<mosaic_0001>
#map = affine_map<(d0, d1) -> (0, 0)>
module attributes {stable_mosaic.version = 14 : i64} {
  func.func @k(%arg0: i32, %arg1: i32, %arg2: memref<64x1000000xf32, #tpu.memory_space<hbm>>, %arg3: memref<32x512xi32, #tpu.memory_space<hbm>>, %arg4: memref<16384x64xf32, #tpu.memory_space<hbm>>, %arg5: memref<512xi32, #tpu.memory_space<vmem>>, %arg6: memref<4x64x128xf32, #tpu.memory_space<vmem>>, %arg7: memref<4x64x128xf32, #tpu.memory_space<vmem>>, %arg8: memref<4x64x128xf32, #tpu.memory_space<vmem>>, %arg9: memref<16x64xf32, #tpu.memory_space<vmem>>, %arg10: memref<!tpu.dma_semaphore, #tpu.memory_space<semaphore_mem>>, %arg11: memref<!tpu.dma_semaphore, #tpu.memory_space<semaphore_mem>>, %arg12: memref<!tpu.dma_semaphore, #tpu.memory_space<semaphore_mem>>) attributes {dimension_semantics = [#tpu.dimension_semantics<core_parallel>, #tpu.dimension_semantics<subcore_parallel>], iteration_bounds = array<i64: 2, 16>, scalar_prefetch = 0 : i64, scratch_operands = 8 : i64, tpu.core_type = #tpu.core_type<sc_vector_subcore>, window_params = [{transform_indices = #map}, {transform_indices = #map}, {transform_indices = #map}]} {
    %mul3A = arith.constant 2 : i32
    %mul3A_0 = arith.muli %arg1, %mul3A : i32
    %add3A = arith.addi %mul3A_0, %arg0 : i32
    "tpu.region"() ({
      %run_scoped3A = tpu.sem_alloc : memref<!tpu.dma_semaphore, #tpu.memory_space<semaphore_mem>>
      %dma_start3A = arith.constant 0 : i32
      %dma_start3A_5 = tpu.memref_slice %arg3[%add3A, %dma_start3A] : memref<32x512xi32, #tpu.memory_space<hbm>> -> memref<1x512xi32, #tpu.memory_space<hbm>>
      %dma_start3A_6 = tpu.memref_squeeze %dma_start3A_5 : memref<1x512xi32, #tpu.memory_space<hbm>> -> memref<512xi32, #tpu.memory_space<hbm>>
      %dma_start3A_7 = arith.constant 0 : i32
      %dma_start3A_8 = tpu.memref_slice %arg3[%add3A, %dma_start3A_7] : memref<32x512xi32, #tpu.memory_space<hbm>> -> memref<1x512xi32, #tpu.memory_space<hbm>>
      %dma_start3A_9 = tpu.memref_squeeze %dma_start3A_8 : memref<1x512xi32, #tpu.memory_space<hbm>> -> memref<512xi32, #tpu.memory_space<hbm>>
      tpu.enqueue_dma source(%dma_start3A_9 : memref<512xi32, #tpu.memory_space<hbm>>) target(%arg5 : memref<512xi32, #tpu.memory_space<vmem>>) target_semaphore(%run_scoped3A : memref<!tpu.dma_semaphore, #tpu.memory_space<semaphore_mem>>)
      %dma_wait3A = arith.constant 0 : i32
      %dma_wait3A_10 = tpu.memref_slice %arg3[%add3A, %dma_wait3A] : memref<32x512xi32, #tpu.memory_space<hbm>> -> memref<1x512xi32, #tpu.memory_space<hbm>>
      %dma_wait3A_11 = tpu.memref_squeeze %dma_wait3A_10 : memref<1x512xi32, #tpu.memory_space<hbm>> -> memref<512xi32, #tpu.memory_space<hbm>>
      %dma_wait3A_12 = arith.constant 0 : i32
      %dma_wait3A_13 = tpu.memref_slice %arg3[%add3A, %dma_wait3A_12] : memref<32x512xi32, #tpu.memory_space<hbm>> -> memref<1x512xi32, #tpu.memory_space<hbm>>
      %dma_wait3A_14 = tpu.memref_squeeze %dma_wait3A_13 : memref<1x512xi32, #tpu.memory_space<hbm>> -> memref<512xi32, #tpu.memory_space<hbm>>
      tpu.wait_dma2 semaphore(%run_scoped3A : memref<!tpu.dma_semaphore, #tpu.memory_space<semaphore_mem>>) src(%dma_wait3A_14 : memref<512xi32, #tpu.memory_space<hbm>>) dst(%arg5 : memref<512xi32, #tpu.memory_space<vmem>>)
      tpu.yield
    }) : () -> ()
    %iota3A = tpu.iota {dimensions = array<i32: 0>} : vector<16xi32>
    %scan3A = arith.constant 0 : i32
    %scan3A_1 = arith.constant 32 : i32
    %scan3A_2 = arith.addi %scan3A, %scan3A_1 : i32
    %scan3A_3 = arith.constant 1 : i32
    scf.for %scan3A_5 = %scan3A to %scan3A_2 step %scan3A_3  : i32 {
      %mul3A_6 = arith.constant 16 : i32
      %mul3A_7 = arith.muli %scan3A_5, %mul3A_6 : i32
      %get3A = arith.index_cast %mul3A_7 : i32 to index
      %get3A_8 = tpu.vector_load %arg5[%get3A] {strides = array<i32>} : memref<512xi32, #tpu.memory_space<vmem>>, vector<16xi32>,
      %slice3A = vector.extract_strided_slice %get3A_8 {offsets = [0], sizes = [1], strides = [1]} : vector<16xi32> to vector<1xi32>
      %squeeze3A = vector.extract %slice3A[0] : i32 from vector<1xi32>
      %slice3A_9 = vector.extract_strided_slice %get3A_8 {offsets = [1], sizes = [1], strides = [1]} : vector<16xi32> to vector<1xi32>
      %squeeze3A_10 = vector.extract %slice3A_9[0] : i32 from vector<1xi32>
      %slice3A_11 = vector.extract_strided_slice %get3A_8 {offsets = [2], sizes = [1], strides = [1]} : vector<16xi32> to vector<1xi32>
      %squeeze3A_12 = vector.extract %slice3A_11[0] : i32 from vector<1xi32>
      %slice3A_13 = vector.extract_strided_slice %get3A_8 {offsets = [3], sizes = [1], strides = [1]} : vector<16xi32> to vector<1xi32>
      %squeeze3A_14 = vector.extract %slice3A_13[0] : i32 from vector<1xi32>
      %slice3A_15 = vector.extract_strided_slice %get3A_8 {offsets = [4], sizes = [1], strides = [1]} : vector<16xi32> to vector<1xi32>
      %squeeze3A_16 = vector.extract %slice3A_15[0] : i32 from vector<1xi32>
      %slice3A_17 = vector.extract_strided_slice %get3A_8 {offsets = [5], sizes = [1], strides = [1]} : vector<16xi32> to vector<1xi32>
      %squeeze3A_18 = vector.extract %slice3A_17[0] : i32 from vector<1xi32>
      %slice3A_19 = vector.extract_strided_slice %get3A_8 {offsets = [6], sizes = [1], strides = [1]} : vector<16xi32> to vector<1xi32>
      %squeeze3A_20 = vector.extract %slice3A_19[0] : i32 from vector<1xi32>
      %slice3A_21 = vector.extract_strided_slice %get3A_8 {offsets = [7], sizes = [1], strides = [1]} : vector<16xi32> to vector<1xi32>
      %squeeze3A_22 = vector.extract %slice3A_21[0] : i32 from vector<1xi32>
      %slice3A_23 = vector.extract_strided_slice %get3A_8 {offsets = [8], sizes = [1], strides = [1]} : vector<16xi32> to vector<1xi32>
      %squeeze3A_24 = vector.extract %slice3A_23[0] : i32 from vector<1xi32>
      %slice3A_25 = vector.extract_strided_slice %get3A_8 {offsets = [9], sizes = [1], strides = [1]} : vector<16xi32> to vector<1xi32>
      %squeeze3A_26 = vector.extract %slice3A_25[0] : i32 from vector<1xi32>
      %slice3A_27 = vector.extract_strided_slice %get3A_8 {offsets = [10], sizes = [1], strides = [1]} : vector<16xi32> to vector<1xi32>
      %squeeze3A_28 = vector.extract %slice3A_27[0] : i32 from vector<1xi32>
      %slice3A_29 = vector.extract_strided_slice %get3A_8 {offsets = [11], sizes = [1], strides = [1]} : vector<16xi32> to vector<1xi32>
      %squeeze3A_30 = vector.extract %slice3A_29[0] : i32 from vector<1xi32>
      %slice3A_31 = vector.extract_strided_slice %get3A_8 {offsets = [12], sizes = [1], strides = [1]} : vector<16xi32> to vector<1xi32>
      %squeeze3A_32 = vector.extract %slice3A_31[0] : i32 from vector<1xi32>
      %slice3A_33 = vector.extract_strided_slice %get3A_8 {offsets = [13], sizes = [1], strides = [1]} : vector<16xi32> to vector<1xi32>
      %squeeze3A_34 = vector.extract %slice3A_33[0] : i32 from vector<1xi32>
      %slice3A_35 = vector.extract_strided_slice %get3A_8 {offsets = [14], sizes = [1], strides = [1]} : vector<16xi32> to vector<1xi32>
      %squeeze3A_36 = vector.extract %slice3A_35[0] : i32 from vector<1xi32>
      %slice3A_37 = vector.extract_strided_slice %get3A_8 {offsets = [15], sizes = [1], strides = [1]} : vector<16xi32> to vector<1xi32>
      %squeeze3A_38 = vector.extract %slice3A_37[0] : i32 from vector<1xi32>
      %shift_right_arithmetic3A = arith.constant 7 : i32
      %shift_right_arithmetic3A_39 = arith.shrsi %squeeze3A, %shift_right_arithmetic3A : i32
      %shift_left3A = arith.constant 7 : i32
      %shift_left3A_40 = arith.shli %shift_right_arithmetic3A_39, %shift_left3A : i32
      %multiple_of3A = tpu.assume_multiple %shift_left3A_40, 128 : i32
      %dma_start3A = arith.constant 0 : i32
      %dma_start3A_41 = arith.constant 0 : i32
      %dma_start3A_42 = arith.constant 0 : i32
      %dma_start3A_43 = tpu.memref_slice %arg6[%dma_start3A, %dma_start3A_41, %dma_start3A_42] : memref<4x64x128xf32, #tpu.memory_space<vmem>> -> memref<1x64x128xf32, #tpu.memory_space<vmem>>
      %dma_start3A_44 = tpu.memref_squeeze %dma_start3A_43 : memref<1x64x128xf32, #tpu.memory_space<vmem>> -> memref<64x128xf32, #tpu.memory_space<vmem>>
      %dma_start3A_45 = arith.constant 0 : i32
      %dma_start3A_46 = arith.constant 0 : i32
      %dma_start3A_47 = tpu.memref_slice %dma_start3A_44[%dma_start3A_45, %dma_start3A_46] : memref<64x128xf32, #tpu.memory_space<vmem>> -> memref<8x128xf32, #tpu.memory_space<vmem>>
      %dma_start3A_48 = arith.constant 0 : i32
      %dma_start3A_49 = tpu.memref_slice %arg2[%dma_start3A_48, %multiple_of3A] : memref<64x1000000xf32, #tpu.memory_space<hbm>> -> memref<8x128xf32, #tpu.memory_space<hbm>>
      %dma_start3A_50 = arith.constant 0 : i32
      %dma_start3A_51 = arith.constant 0 : i32
      %dma_start3A_52 = tpu.memref_slice %arg6[%dma_start3A, %dma_start3A_50, %dma_start3A_51] : memref<4x64x128xf32, #tpu.memory_space<vmem>> -> memref<1x64x128xf32, #tpu.memory_space<vmem>>
      %dma_start3A_53 = tpu.memref_squeeze %dma_start3A_52 : memref<1x64x128xf32, #tpu.memory_space<vmem>> -> memref<64x128xf32, #tpu.memory_space<vmem>>
      %dma_start3A_54 = arith.constant 0 : i32
      %dma_start3A_55 = arith.constant 0 : i32
      %dma_start3A_56 = tpu.memref_slice %dma_start3A_53[%dma_start3A_54, %dma_start3A_55] : memref<64x128xf32, #tpu.memory_space<vmem>> -> memref<8x128xf32, #tpu.memory_space<vmem>>
      %dma_start3A_57 = arith.constant 0 : i32
      %dma_start3A_58 = tpu.memref_slice %arg2[%dma_start3A_57, %multiple_of3A] : memref<64x1000000xf32, #tpu.memory_space<hbm>> -> memref<8x128xf32, #tpu.memory_space<hbm>>
      tpu.enqueue_dma source(%dma_start3A_58 : memref<8x128xf32, #tpu.memory_space<hbm>>) target(%dma_start3A_56 : memref<8x128xf32, #tpu.memory_space<vmem>>) target_semaphore(%arg10 : memref<!tpu.dma_semaphore, #tpu.memory_space<semaphore_mem>>)
      %dma_start3A_59 = arith.constant 0 : i32
      %dma_start3A_60 = arith.constant 0 : i32
      %dma_start3A_61 = arith.constant 0 : i32
      %dma_start3A_62 = tpu.memref_slice %arg6[%dma_start3A_59, %dma_start3A_60, %dma_start3A_61] : memref<4x64x128xf32, #tpu.memory_space<vmem>> -> memref<1x64x128xf32, #tpu.memory_space<vmem>>
      %dma_start3A_63 = tpu.memref_squeeze %dma_start3A_62 : memref<1x64x128xf32, #tpu.memory_space<vmem>> -> memref<64x128xf32, #tpu.memory_space<vmem>>
      %dma_start3A_64 = arith.constant 8 : i32
      %dma_start3A_65 = arith.constant 0 : i32
      %dma_start3A_66 = tpu.memref_slice %dma_start3A_63[%dma_start3A_64, %dma_start3A_65] : memref<64x128xf32, #tpu.memory_space<vmem>> -> memref<8x128xf32, #tpu.memory_space<vmem>>
      %dma_start3A_67 = arith.constant 8 : i32
      %dma_start3A_68 = tpu.memref_slice %arg2[%dma_start3A_67, %multiple_of3A] : memref<64x1000000xf32, #tpu.memory_space<hbm>> -> memref<8x128xf32, #tpu.memory_space<hbm>>
      %dma_start3A_69 = arith.constant 0 : i32
      %dma_start3A_70 = arith.constant 0 : i32
      %dma_start3A_71 = tpu.memref_slice %arg6[%dma_start3A_59, %dma_start3A_69, %dma_start3A_70] : memref<4x64x128xf32, #tpu.memory_space<vmem>> -> memref<1x64x128xf32, #tpu.memory_space<vmem>>
      %dma_start3A_72 = tpu.memref_squeeze %dma_start3A_71 : memref<1x64x128xf32, #tpu.memory_space<vmem>> -> memref<64x128xf32, #tpu.memory_space<vmem>>
      %dma_start3A_73 = arith.constant 8 : i32
      %dma_start3A_74 = arith.constant 0 : i32
      %dma_start3A_75 = tpu.memref_slice %dma_start3A_72[%dma_start3A_73, %dma_start3A_74] : memref<64x128xf32, #tpu.memory_space<vmem>> -> memref<8x128xf32, #tpu.memory_space<vmem>>
      %dma_start3A_76 = arith.constant 8 : i32
      %dma_start3A_77 = tpu.memref_slice %arg2[%dma_start3A_76, %multiple_of3A] : memref<64x1000000xf32, #tpu.memory_space<hbm>> -> memref<8x128xf32, #tpu.memory_space<hbm>>
      tpu.enqueue_dma source(%dma_start3A_77 : memref<8x128xf32, #tpu.memory_space<hbm>>) target(%dma_start3A_75 : memref<8x128xf32, #tpu.memory_space<vmem>>) target_semaphore(%arg10 : memref<!tpu.dma_semaphore, #tpu.memory_space<semaphore_mem>>)
      %dma_start3A_78 = arith.constant 0 : i32
      %dma_start3A_79 = arith.constant 0 : i32
      %dma_start3A_80 = arith.constant 0 : i32
      %dma_start3A_81 = tpu.memref_slice %arg6[%dma_start3A_78, %dma_start3A_79, %dma_start3A_80] : memref<4x64x128xf32, #tpu.memory_space<vmem>> -> memref<1x64x128xf32, #tpu.memory_space<vmem>>
      %dma_start3A_82 = tpu.memref_squeeze %dma_start3A_81 : memref<1x64x128xf32, #tpu.memory_space<vmem>> -> memref<64x128xf32, #tpu.memory_space<vmem>>
      %dma_start3A_83 = arith.constant 16 : i32
      %dma_start3A_84 = arith.constant 0 : i32
      %dma_start3A_85 = tpu.memref_slice %dma_start3A_82[%dma_start3A_83, %dma_start3A_84] : memref<64x128xf32, #tpu.memory_space<vmem>> -> memref<8x128xf32, #tpu.memory_space<vmem>>
      %dma_start3A_86 = arith.constant 16 : i32
      %dma_start3A_87 = tpu.memref_slice %arg2[%dma_start3A_86, %multiple_of3A] : memref<64x1000000xf32, #tpu.memory_space<hbm>> -> memref<8x128xf32, #tpu.memory_space<hbm>>
      %dma_start3A_88 = arith.constant 0 : i32
      %dma_start3A_89 = arith.constant 0 : i32
      %dma_start3A_90 = tpu.memref_slice %arg6[%dma_start3A_78, %dma_start3A_88, %dma_start3A_89] : memref<4x64x128xf32, #tpu.memory_space<vmem>> -> memref<1x64x128xf32, #tpu.memory_space<vmem>>
      %dma_start3A_91 = tpu.memref_squeeze %dma_start3A_90 : memref<1x64x128xf32, #tpu.memory_space<vmem>> -> memref<64x128xf32, #tpu.memory_space<vmem>>
      %dma_start3A_92 = arith.constant 16 : i32
      %dma_start3A_93 = arith.constant 0 : i32
      %dma_start3A_94 = tpu.memref_slice %dma_start3A_91[%dma_start3A_92, %dma_start3A_93] : memref<64x128xf32, #tpu.memory_space<vmem>> -> memref<8x128xf32, #tpu.memory_space<vmem>>
      %dma_start3A_95 = arith.constant 16 : i32
      %dma_start3A_96 = tpu.memref_slice %arg2[%dma_start3A_95, %multiple_of3A] : memref<64x1000000xf32, #tpu.memory_space<hbm>> -> memref<8x128xf32, #tpu.memory_space<hbm>>
      tpu.enqueue_dma source(%dma_start3A_96 : memref<8x128xf32, #tpu.memory_space<hbm>>) target(%dma_start3A_94 : memref<8x128xf32, #tpu.memory_space<vmem>>) target_semaphore(%arg10 : memref<!tpu.dma_semaphore, #tpu.memory_space<semaphore_mem>>)
      %dma_start3A_97 = arith.constant 0 : i32
      %dma_start3A_98 = arith.constant 0 : i32
      %dma_start3A_99 = arith.constant 0 : i32
      %dma_start3A_100 = tpu.memref_slice %arg6[%dma_start3A_97, %dma_start3A_98, %dma_start3A_99] : memref<4x64x128xf32, #tpu.memory_space<vmem>> -> memref<1x64x128xf32, #tpu.memory_space<vmem>>
      %dma_start3A_101 = tpu.memref_squeeze %dma_start3A_100 : memref<1x64x128xf32, #tpu.memory_space<vmem>> -> memref<64x128xf32, #tpu.memory_space<vmem>>
      %dma_start3A_102 = arith.constant 24 : i32
      %dma_start3A_103 = arith.constant 0 : i32
      %dma_start3A_104 = tpu.memref_slice %dma_start3A_101[%dma_start3A_102, %dma_start3A_103] : memref<64x128xf32, #tpu.memory_space<vmem>> -> memref<8x128xf32, #tpu.memory_space<vmem>>
      %dma_start3A_105 = arith.constant 24 : i32
      %dma_start3A_106 = tpu.memref_slice %arg2[%dma_start3A_105, %multiple_of3A] : memref<64x1000000xf32, #tpu.memory_space<hbm>> -> memref<8x128xf32, #tpu.memory_space<hbm>>
      %dma_start3A_107 = arith.constant 0 : i32
      %dma_start3A_108 = arith.constant 0 : i32
      %dma_start3A_109 = tpu.memref_slice %arg6[%dma_start3A_97, %dma_start3A_107, %dma_start3A_108] : memref<4x64x128xf32, #tpu.memory_space<vmem>> -> memref<1x64x128xf32, #tpu.memory_space<vmem>>
      %dma_start3A_110 = tpu.memref_squeeze %dma_start3A_109 : memref<1x64x128xf32, #tpu.memory_space<vmem>> -> memref<64x128xf32, #tpu.memory_space<vmem>>
      %dma_start3A_111 = arith.constant 24 : i32
      %dma_start3A_112 = arith.constant 0 : i32
      %dma_start3A_113 = tpu.memref_slice %dma_start3A_110[%dma_start3A_111, %dma_start3A_112] : memref<64x128xf32, #tpu.memory_space<vmem>> -> memref<8x128xf32, #tpu.memory_space<vmem>>
      %dma_start3A_114 = arith.constant 24 : i32
      %dma_start3A_115 = tpu.memref_slice %arg2[%dma_start3A_114, %multiple_of3A] : memref<64x1000000xf32, #tpu.memory_space<hbm>> -> memref<8x128xf32, #tpu.memory_space<hbm>>
      tpu.enqueue_dma source(%dma_start3A_115 : memref<8x128xf32, #tpu.memory_space<hbm>>) target(%dma_start3A_113 : memref<8x128xf32, #tpu.memory_space<vmem>>) target_semaphore(%arg10 : memref<!tpu.dma_semaphore, #tpu.memory_space<semaphore_mem>>)
      %dma_start3A_116 = arith.constant 0 : i32
      %dma_start3A_117 = arith.constant 0 : i32
      %dma_start3A_118 = arith.constant 0 : i32
      %dma_start3A_119 = tpu.memref_slice %arg6[%dma_start3A_116, %dma_start3A_117, %dma_start3A_118] : memref<4x64x128xf32, #tpu.memory_space<vmem>> -> memref<1x64x128xf32, #tpu.memory_space<vmem>>
      %dma_start3A_120 = tpu.memref_squeeze %dma_start3A_119 : memref<1x64x128xf32, #tpu.memory_space<vmem>> -> memref<64x128xf32, #tpu.memory_space<vmem>>
      %dma_start3A_121 = arith.constant 32 : i32
      %dma_start3A_122 = arith.constant 0 : i32
      %dma_start3A_123 = tpu.memref_slice %dma_start3A_120[%dma_start3A_121, %dma_start3A_122] : memref<64x128xf32, #tpu.memory_space<vmem>> -> memref<8x128xf32, #tpu.memory_space<vmem>>
      %dma_start3A_124 = arith.constant 32 : i32
      %dma_start3A_125 = tpu.memref_slice %arg2[%dma_start3A_124, %multiple_of3A] : memref<64x1000000xf32, #tpu.memory_space<hbm>> -> memref<8x128xf32, #tpu.memory_space<hbm>>
      %dma_start3A_126 = arith.constant 0 : i32
      %dma_start3A_127 = arith.constant 0 : i32
      %dma_start3A_128 = tpu.memref_slice %arg6[%dma_start3A_116, %dma_start3A_126, %dma_start3A_127] : memref<4x64x128xf32, #tpu.memory_space<vmem>> -> memref<1x64x128xf32, #tpu.memory_space<vmem>>
      %dma_start3A_129 = tpu.memref_squeeze %dma_start3A_128 : memref<1x64x128xf32, #tpu.memory_space<vmem>> -> memref<64x128xf32, #tpu.memory_space<vmem>>
      %dma_start3A_130 = arith.constant 32 : i32
      %dma_start3A_131 = arith.constant 0 : i32
      %dma_start3A_132 = tpu.memref_slice %dma_start3A_129[%dma_start3A_130, %dma_start3A_131] : memref<64x128xf32, #tpu.memory_space<vmem>> -> memref<8x128xf32, #tpu.memory_space<vmem>>
      %dma_start3A_133 = arith.constant 32 : i32
      %dma_start3A_134 = tpu.memref_slice %arg2[%dma_start3A_133, %multiple_of3A] : memref<64x1000000xf32, #tpu.memory_space<hbm>> -> memref<8x128xf32, #tpu.memory_space<hbm>>
      tpu.enqueue_dma source(%dma_start3A_134 : memref<8x128xf32, #tpu.memory_space<hbm>>) target(%dma_start3A_132 : memref<8x128xf32, #tpu.memory_space<vmem>>) target_semaphore(%arg10 : memref<!tpu.dma_semaphore, #tpu.memory_space<semaphore_mem>>)
      %dma_start3A_135 = arith.constant 0 : i32
      %dma_start3A_136 = arith.constant 0 : i32
      %dma_start3A_137 = arith.constant 0 : i32
      %dma_start3A_138 = tpu.memref_slice %arg6[%dma_start3A_135, %dma_start3A_136, %dma_start3A_137] : memref<4x64x128xf32, #tpu.memory_space<vmem>> -> memref<1x64x128xf32, #tpu.memory_space<vmem>>
      %dma_start3A_139 = tpu.memref_squeeze %dma_start3A_138 : memref<1x64x128xf32, #tpu.memory_space<vmem>> -> memref<64x128xf32, #tpu.memory_space<vmem>>
      %dma_start3A_140 = arith.constant 40 : i32
      %dma_start3A_141 = arith.constant 0 : i32
      %dma_start3A_142 = tpu.memref_slice %dma_start3A_139[%dma_start3A_140, %dma_start3A_141] : memref<64x128xf32, #tpu.memory_space<vmem>> -> memref<8x128xf32, #tpu.memory_space<vmem>>
      %dma_start3A_143 = arith.constant 40 : i32
      %dma_start3A_144 = tpu.memref_slice %arg2[%dma_start3A_143, %multiple_of3A] : memref<64x1000000xf32, #tpu.memory_space<hbm>> -> memref<8x128xf32, #tpu.memory_space<hbm>>
      %dma_start3A_145 = arith.constant 0 : i32
      %dma_start3A_146 = arith.constant 0 : i32
      %dma_start3A_147 = tpu.memref_slice %arg6[%dma_start3A_135, %dma_start3A_145, %dma_start3A_146] : memref<4x64x128xf32, #tpu.memory_space<vmem>> -> memref<1x64x128xf32, #tpu.memory_space<vmem>>
      %dma_start3A_148 = tpu.memref_squeeze %dma_start3A_147 : memref<1x64x128xf32, #tpu.memory_space<vmem>> -> memref<64x128xf32, #tpu.memory_space<vmem>>
      %dma_start3A_149 = arith.constant 40 : i32
      %dma_start3A_150 = arith.constant 0 : i32
      %dma_start3A_151 = tpu.memref_slice %dma_start3A_148[%dma_start3A_149, %dma_start3A_150] : memref<64x128xf32, #tpu.memory_space<vmem>> -> memref<8x128xf32, #tpu.memory_space<vmem>>
      %dma_start3A_152 = arith.constant 40 : i32
      %dma_start3A_153 = tpu.memref_slice %arg2[%dma_start3A_152, %multiple_of3A] : memref<64x1000000xf32, #tpu.memory_space<hbm>> -> memref<8x128xf32, #tpu.memory_space<hbm>>
      tpu.enqueue_dma source(%dma_start3A_153 : memref<8x128xf32, #tpu.memory_space<hbm>>) target(%dma_start3A_151 : memref<8x128xf32, #tpu.memory_space<vmem>>) target_semaphore(%arg10 : memref<!tpu.dma_semaphore, #tpu.memory_space<semaphore_mem>>)
      %dma_start3A_154 = arith.constant 0 : i32
      %dma_start3A_155 = arith.constant 0 : i32
      %dma_start3A_156 = arith.constant 0 : i32
      %dma_start3A_157 = tpu.memref_slice %arg6[%dma_start3A_154, %dma_start3A_155, %dma_start3A_156] : memref<4x64x128xf32, #tpu.memory_space<vmem>> -> memref<1x64x128xf32, #tpu.memory_space<vmem>>
      %dma_start3A_158 = tpu.memref_squeeze %dma_start3A_157 : memref<1x64x128xf32, #tpu.memory_space<vmem>> -> memref<64x128xf32, #tpu.memory_space<vmem>>
      %dma_start3A_159 = arith.constant 48 : i32
      %dma_start3A_160 = arith.constant 0 : i32
      %dma_start3A_161 = tpu.memref_slice %dma_start3A_158[%dma_start3A_159, %dma_start3A_160] : memref<64x128xf32, #tpu.memory_space<vmem>> -> memref<8x128xf32, #tpu.memory_space<vmem>>
      %dma_start3A_162 = arith.constant 48 : i32
      %dma_start3A_163 = tpu.memref_slice %arg2[%dma_start3A_162, %multiple_of3A] : memref<64x1000000xf32, #tpu.memory_space<hbm>> -> memref<8x128xf32, #tpu.memory_space<hbm>>
      %dma_start3A_164 = arith.constant 0 : i32
      %dma_start3A_165 = arith.constant 0 : i32
      %dma_start3A_166 = tpu.memref_slice %arg6[%dma_start3A_154, %dma_start3A_164, %dma_start3A_165] : memref<4x64x128xf32, #tpu.memory_space<vmem>> -> memref<1x64x128xf32, #tpu.memory_space<vmem>>
      %dma_start3A_167 = tpu.memref_squeeze %dma_start3A_166 : memref<1x64x128xf32, #tpu.memory_space<vmem>> -> memref<64x128xf32, #tpu.memory_space<vmem>>
      %dma_start3A_168 = arith.constant 48 : i32
      %dma_start3A_169 = arith.constant 0 : i32
      %dma_start3A_170 = tpu.memref_slice %dma_start3A_167[%dma_start3A_168, %dma_start3A_169] : memref<64x128xf32, #tpu.memory_space<vmem>> -> memref<8x128xf32, #tpu.memory_space<vmem>>
      %dma_start3A_171 = arith.constant 48 : i32
      %dma_start3A_172 = tpu.memref_slice %arg2[%dma_start3A_171, %multiple_of3A] : memref<64x1000000xf32, #tpu.memory_space<hbm>> -> memref<8x128xf32, #tpu.memory_space<hbm>>
      tpu.enqueue_dma source(%dma_start3A_172 : memref<8x128xf32, #tpu.memory_space<hbm>>) target(%dma_start3A_170 : memref<8x128xf32, #tpu.memory_space<vmem>>) target_semaphore(%arg10 : memref<!tpu.dma_semaphore, #tpu.memory_space<semaphore_mem>>)
      %dma_start3A_173 = arith.constant 0 : i32
      %dma_start3A_174 = arith.constant 0 : i32
      %dma_start3A_175 = arith.constant 0 : i32
      %dma_start3A_176 = tpu.memref_slice %arg6[%dma_start3A_173, %dma_start3A_174, %dma_start3A_175] : memref<4x64x128xf32, #tpu.memory_space<vmem>> -> memref<1x64x128xf32, #tpu.memory_space<vmem>>
      %dma_start3A_177 = tpu.memref_squeeze %dma_start3A_176 : memref<1x64x128xf32, #tpu.memory_space<vmem>> -> memref<64x128xf32, #tpu.memory_space<vmem>>
      %dma_start3A_178 = arith.constant 56 : i32
      %dma_start3A_179 = arith.constant 0 : i32
      %dma_start3A_180 = tpu.memref_slice %dma_start3A_177[%dma_start3A_178, %dma_start3A_179] : memref<64x128xf32, #tpu.memory_space<vmem>> -> memref<8x128xf32, #tpu.memory_space<vmem>>
      %dma_start3A_181 = arith.constant 56 : i32
      %dma_start3A_182 = tpu.memref_slice %arg2[%dma_start3A_181, %multiple_of3A] : memref<64x1000000xf32, #tpu.memory_space<hbm>> -> memref<8x128xf32, #tpu.memory_space<hbm>>
      %dma_start3A_183 = arith.constant 0 : i32
      %dma_start3A_184 = arith.constant 0 : i32
      %dma_start3A_185 = tpu.memref_slice %arg6[%dma_start3A_173, %dma_start3A_183, %dma_start3A_184] : memref<4x64x128xf32, #tpu.memory_space<vmem>> -> memref<1x64x128xf32, #tpu.memory_space<vmem>>
      %dma_start3A_186 = tpu.memref_squeeze %dma_start3A_185 : memref<1x64x128xf32, #tpu.memory_space<vmem>> -> memref<64x128xf32, #tpu.memory_space<vmem>>
      %dma_start3A_187 = arith.constant 56 : i32
      %dma_start3A_188 = arith.constant 0 : i32
      %dma_start3A_189 = tpu.memref_slice %dma_start3A_186[%dma_start3A_187, %dma_start3A_188] : memref<64x128xf32, #tpu.memory_space<vmem>> -> memref<8x128xf32, #tpu.memory_space<vmem>>
      %dma_start3A_190 = arith.constant 56 : i32
      %dma_start3A_191 = tpu.memref_slice %arg2[%dma_start3A_190, %multiple_of3A] : memref<64x1000000xf32, #tpu.memory_space<hbm>> -> memref<8x128xf32, #tpu.memory_space<hbm>>
      tpu.enqueue_dma source(%dma_start3A_191 : memref<8x128xf32, #tpu.memory_space<hbm>>) target(%dma_start3A_189 : memref<8x128xf32, #tpu.memory_space<vmem>>) target_semaphore(%arg10 : memref<!tpu.dma_semaphore, #tpu.memory_space<semaphore_mem>>)
      %shift_right_arithmetic3A_192 = arith.constant 7 : i32
      %shift_right_arithmetic3A_193 = arith.shrsi %squeeze3A_10, %shift_right_arithmetic3A_192 : i32
      %shift_left3A_194 = arith.constant 7 : i32
      %shift_left3A_195 = arith.shli %shift_right_arithmetic3A_193, %shift_left3A_194 : i32
      %multiple_of3A_196 = tpu.assume_multiple %shift_left3A_195, 128 : i32
      %dma_start3A_197 = arith.constant 1 : i32
      %dma_start3A_198 = arith.constant 0 : i32
      %dma_start3A_199 = arith.constant 0 : i32
      %dma_start3A_200 = tpu.memref_slice %arg6[%dma_start3A_197, %dma_start3A_198, %dma_start3A_199] : memref<4x64x128xf32, #tpu.memory_space<vmem>> -> memref<1x64x128xf32, #tpu.memory_space<vmem>>
      %dma_start3A_201 = tpu.memref_squeeze %dma_start3A_200 : memref<1x64x128xf32, #tpu.memory_space<vmem>> -> memref<64x128xf32, #tpu.memory_space<vmem>>
      %dma_start3A_202 = arith.constant 0 : i32
      %dma_start3A_203 = arith.constant 0 : i32
      %dma_start3A_204 = tpu.memref_slice %dma_start3A_201[%dma_start3A_202, %dma_start3A_203] : memref<64x128xf32, #tpu.memory_space<vmem>> -> memref<8x128xf32, #tpu.memory_space<vmem>>
      %dma_start3A_205 = arith.constant 0 : i32
      %dma_start3A_206 = tpu.memref_slice %arg2[%dma_start3A_205, %multiple_of3A_196] : memref<64x1000000xf32, #tpu.memory_space<hbm>> -> memref<8x128xf32, #tpu.memory_space<hbm>>
      %dma_start3A_207 = arith.constant 0 : i32
      %dma_start3A_208 = arith.constant 0 : i32
      %dma_start3A_209 = tpu.memref_slice %arg6[%dma_start3A_197, %dma_start3A_207, %dma_start3A_208] : memref<4x64x128xf32, #tpu.memory_space<vmem>> -> memref<1x64x128xf32, #tpu.memory_space<vmem>>
      %dma_start3A_210 = tpu.memref_squeeze %dma_start3A_209 : memref<1x64x128xf32, #tpu.memory_space<vmem>> -> memref<64x128xf32, #tpu.memory_space<vmem>>
      %dma_start3A_211 = arith.constant 0 : i32
      %dma_start3A_212 = arith.constant 0 : i32
      %dma_start3A_213 = tpu.memref_slice %dma_start3A_210[%dma_start3A_211, %dma_start3A_212] : memref<64x128xf32, #tpu.memory_space<vmem>> -> memref<8x128xf32, #tpu.memory_space<vmem>>
      %dma_start3A_214 = arith.constant 0 : i32
      %dma_start3A_215 = tpu.memref_slice %arg2[%dma_start3A_214, %multiple_of3A_196] : memref<64x1000000xf32, #tpu.memory_space<hbm>> -> memref<8x128xf32, #tpu.memory_space<hbm>>
      tpu.enqueue_dma source(%dma_start3A_215 : memref<8x128xf32, #tpu.memory_space<hbm>>) target(%dma_start3A_213 : memref<8x128xf32, #tpu.memory_space<vmem>>) target_semaphore(%arg10 : memref<!tpu.dma_semaphore, #tpu.memory_space<semaphore_mem>>)
      %dma_start3A_216 = arith.constant 1 : i32
      %dma_start3A_217 = arith.constant 0 : i32
      %dma_start3A_218 = arith.constant 0 : i32
      %dma_start3A_219 = tpu.memref_slice %arg6[%dma_start3A_216, %dma_start3A_217, %dma_start3A_218] : memref<4x64x128xf32, #tpu.memory_space<vmem>> -> memref<1x64x128xf32, #tpu.memory_space<vmem>>
      %dma_start3A_220 = tpu.memref_squeeze %dma_start3A_219 : memref<1x64x128xf32, #tpu.memory_space<vmem>> -> memref<64x128xf32, #tpu.memory_space<vmem>>
      %dma_start3A_221 = arith.constant 8 : i32
      %dma_start3A_222 = arith.constant 0 : i32
      %dma_start3A_223 = tpu.memref_slice %dma_start3A_220[%dma_start3A_221, %dma_start3A_222] : memref<64x128xf32, #tpu.memory_space<vmem>> -> memref<8x128xf32, #tpu.memory_space<vmem>>
      %dma_start3A_224 = arith.constant 8 : i32
      %dma_start3A_225 = tpu.memref_slice %arg2[%dma_start3A_224, %multiple_of3A_196] : memref<64x1000000xf32, #tpu.memory_space<hbm>> -> memref<8x128xf32, #tpu.memory_space<hbm>>
      %dma_start3A_226 = arith.constant 0 : i32
      %dma_start3A_227 = arith.constant 0 : i32
      %dma_start3A_228 = tpu.memref_slice %arg6[%dma_start3A_216, %dma_start3A_226, %dma_start3A_227] : memref<4x64x128xf32, #tpu.memory_space<vmem>> -> memref<1x64x128xf32, #tpu.memory_space<vmem>>
      %dma_start3A_229 = tpu.memref_squeeze %dma_start3A_228 : memref<1x64x128xf32, #tpu.memory_space<vmem>> -> memref<64x128xf32, #tpu.memory_space<vmem>>
      %dma_start3A_230 = arith.constant 8 : i32
      %dma_start3A_231 = arith.constant 0 : i32
      %dma_start3A_232 = tpu.memref_slice %dma_start3A_229[%dma_start3A_230, %dma_start3A_231] : memref<64x128xf32, #tpu.memory_space<vmem>> -> memref<8x128xf32, #tpu.memory_space<vmem>>
      %dma_start3A_233 = arith.constant 8 : i32
      %dma_start3A_234 = tpu.memref_slice %arg2[%dma_start3A_233, %multiple_of3A_196] : memref<64x1000000xf32, #tpu.memory_space<hbm>> -> memref<8x128xf32, #tpu.memory_space<hbm>>
      tpu.enqueue_dma source(%dma_start3A_234 : memref<8x128xf32, #tpu.memory_space<hbm>>) target(%dma_start3A_232 : memref<8x128xf32, #tpu.memory_space<vmem>>) target_semaphore(%arg10 : memref<!tpu.dma_semaphore, #tpu.memory_space<semaphore_mem>>)
      %dma_start3A_235 = arith.constant 1 : i32
      %dma_start3A_236 = arith.constant 0 : i32
      %dma_start3A_237 = arith.constant 0 : i32
      %dma_start3A_238 = tpu.memref_slice %arg6[%dma_start3A_235, %dma_start3A_236, %dma_start3A_237] : memref<4x64x128xf32, #tpu.memory_space<vmem>> -> memref<1x64x128xf32, #tpu.memory_space<vmem>>
      %dma_start3A_239 = tpu.memref_squeeze %dma_start3A_238 : memref<1x64x128xf32, #tpu.memory_space<vmem>> -> memref<64x128xf32, #tpu.memory_space<vmem>>
      %dma_start3A_240 = arith.constant 16 : i32
      %dma_start3A_241 = arith.constant 0 : i32
      %dma_start3A_242 = tpu.memref_slice %dma_start3A_239[%dma_start3A_240, %dma_start3A_241] : memref<64x128xf32, #tpu.memory_space<vmem>> -> memref<8x128xf32, #tpu.memory_space<vmem>>
      %dma_start3A_243 = arith.constant 16 : i32
      %dma_start3A_244 = tpu.memref_slice %arg2[%dma_start3A_243, %multiple_of3A_196] : memref<64x1000000xf32, #tpu.memory_space<hbm>> -> memref<8x128xf32, #tpu.memory_space<hbm>>
      %dma_start3A_245 = arith.constant 0 : i32
      %dma_start3A_246 = arith.constant 0 : i32
      %dma_start3A_247 = tpu.memref_slice %arg6[%dma_start3A_235, %dma_start3A_245, %dma_start3A_246] : memref<4x64x128xf32, #tpu.memory_space<vmem>> -> memref<1x64x128xf32, #tpu.memory_space<vmem>>
      %dma_start3A_248 = tpu.memref_squeeze %dma_start3A_247 : memref<1x64x128xf32, #tpu.memory_space<vmem>> -> memref<64x128xf32, #tpu.memory_space<vmem>>
      %dma_start3A_249 = arith.constant 16 : i32
      %dma_start3A_250 = arith.constant 0 : i32
      %dma_start3A_251 = tpu.memref_slice %dma_start3A_248[%dma_start3A_249, %dma_start3A_250] : memref<64x128xf32, #tpu.memory_space<vmem>> -> memref<8x128xf32, #tpu.memory_space<vmem>>
      %dma_start3A_252 = arith.constant 16 : i32
      %dma_start3A_253 = tpu.memref_slice %arg2[%dma_start3A_252, %multiple_of3A_196] : memref<64x1000000xf32, #tpu.memory_space<hbm>> -> memref<8x128xf32, #tpu.memory_space<hbm>>
      tpu.enqueue_dma source(%dma_start3A_253 : memref<8x128xf32, #tpu.memory_space<hbm>>) target(%dma_start3A_251 : memref<8x128xf32, #tpu.memory_space<vmem>>) target_semaphore(%arg10 : memref<!tpu.dma_semaphore, #tpu.memory_space<semaphore_mem>>)
      %dma_start3A_254 = arith.constant 1 : i32
      %dma_start3A_255 = arith.constant 0 : i32
      %dma_start3A_256 = arith.constant 0 : i32
      %dma_start3A_257 = tpu.memref_slice %arg6[%dma_start3A_254, %dma_start3A_255, %dma_start3A_256] : memref<4x64x128xf32, #tpu.memory_space<vmem>> -> memref<1x64x128xf32, #tpu.memory_space<vmem>>
      %dma_start3A_258 = tpu.memref_squeeze %dma_start3A_257 : memref<1x64x128xf32, #tpu.memory_space<vmem>> -> memref<64x128xf32, #tpu.memory_space<vmem>>
      %dma_start3A_259 = arith.constant 24 : i32
      %dma_start3A_260 = arith.constant 0 : i32
      %dma_start3A_261 = tpu.memref_slice %dma_start3A_258[%dma_start3A_259, %dma_start3A_260] : memref<64x128xf32, #tpu.memory_space<vmem>> -> memref<8x128xf32, #tpu.memory_space<vmem>>
      %dma_start3A_262 = arith.constant 24 : i32
      %dma_start3A_263 = tpu.memref_slice %arg2[%dma_start3A_262, %multiple_of3A_196] : memref<64x1000000xf32, #tpu.memory_space<hbm>> -> memref<8x128xf32, #tpu.memory_space<hbm>>
      %dma_start3A_264 = arith.constant 0 : i32
      %dma_start3A_265 = arith.constant 0 : i32
      %dma_start3A_266 = tpu.memref_slice %arg6[%dma_start3A_254, %dma_start3A_264, %dma_start3A_265] : memref<4x64x128xf32, #tpu.memory_space<vmem>> -> memref<1x64x128xf32, #tpu.memory_space<vmem>>
      %dma_start3A_267 = tpu.memref_squeeze %dma_start3A_266 : memref<1x64x128xf32, #tpu.memory_space<vmem>> -> memref<64x128xf32, #tpu.memory_space<vmem>>
      %dma_start3A_268 = arith.constant 24 : i32
      %dma_start3A_269 = arith.constant 0 : i32
      %dma_start3A_270 = tpu.memref_slice %dma_start3A_267[%dma_start3A_268, %dma_start3A_269] : memref<64x128xf32, #tpu.memory_space<vmem>> -> memref<8x128xf32, #tpu.memory_space<vmem>>
      %dma_start3A_271 = arith.constant 24 : i32
      %dma_start3A_272 = tpu.memref_slice %arg2[%dma_start3A_271, %multiple_of3A_196] : memref<64x1000000xf32, #tpu.memory_space<hbm>> -> memref<8x128xf32, #tpu.memory_space<hbm>>
      tpu.enqueue_dma source(%dma_start3A_272 : memref<8x128xf32, #tpu.memory_space<hbm>>) target(%dma_start3A_270 : memref<8x128xf32, #tpu.memory_space<vmem>>) target_semaphore(%arg10 : memref<!tpu.dma_semaphore, #tpu.memory_space<semaphore_mem>>)
      %dma_start3A_273 = arith.constant 1 : i32
      %dma_start3A_274 = arith.constant 0 : i32
      %dma_start3A_275 = arith.constant 0 : i32
      %dma_start3A_276 = tpu.memref_slice %arg6[%dma_start3A_273, %dma_start3A_274, %dma_start3A_275] : memref<4x64x128xf32, #tpu.memory_space<vmem>> -> memref<1x64x128xf32, #tpu.memory_space<vmem>>
      %dma_start3A_277 = tpu.memref_squeeze %dma_start3A_276 : memref<1x64x128xf32, #tpu.memory_space<vmem>> -> memref<64x128xf32, #tpu.memory_space<vmem>>
      %dma_start3A_278 = arith.constant 32 : i32
      %dma_start3A_279 = arith.constant 0 : i32
      %dma_start3A_280 = tpu.memref_slice %dma_start3A_277[%dma_start3A_278, %dma_start3A_279] : memref<64x128xf32, #tpu.memory_space<vmem>> -> memref<8x128xf32, #tpu.memory_space<vmem>>
      %dma_start3A_281 = arith.constant 32 : i32
      %dma_start3A_282 = tpu.memref_slice %arg2[%dma_start3A_281, %multiple_of3A_196] : memref<64x1000000xf32, #tpu.memory_space<hbm>> -> memref<8x128xf32, #tpu.memory_space<hbm>>
      %dma_start3A_283 = arith.constant 0 : i32
      %dma_start3A_284 = arith.constant 0 : i32
      %dma_start3A_285 = tpu.memref_slice %arg6[%dma_start3A_273, %dma_start3A_283, %dma_start3A_284] : memref<4x64x128xf32, #tpu.memory_space<vmem>> -> memref<1x64x128xf32, #tpu.memory_space<vmem>>
      %dma_start3A_286 = tpu.memref_squeeze %dma_start3A_285 : memref<1x64x128xf32, #tpu.memory_space<vmem>> -> memref<64x128xf32, #tpu.memory_space<vmem>>
      %dma_start3A_287 = arith.constant 32 : i32
      %dma_start3A_288 = arith.constant 0 : i32
      %dma_start3A_289 = tpu.memref_slice %dma_start3A_286[%dma_start3A_287, %dma_start3A_288] : memref<64x128xf32, #tpu.memory_space<vmem>> -> memref<8x128xf32, #tpu.memory_space<vmem>>
      %dma_start3A_290 = arith.constant 32 : i32
      %dma_start3A_291 = tpu.memref_slice %arg2[%dma_start3A_290, %multiple_of3A_196] : memref<64x1000000xf32, #tpu.memory_space<hbm>> -> memref<8x128xf32, #tpu.memory_space<hbm>>
      tpu.enqueue_dma source(%dma_start3A_291 : memref<8x128xf32, #tpu.memory_space<hbm>>) target(%dma_start3A_289 : memref<8x128xf32, #tpu.memory_space<vmem>>) target_semaphore(%arg10 : memref<!tpu.dma_semaphore, #tpu.memory_space<semaphore_mem>>)
      %dma_start3A_292 = arith.constant 1 : i32
      %dma_start3A_293 = arith.constant 0 : i32
      %dma_start3A_294 = arith.constant 0 : i32
      %dma_start3A_295 = tpu.memref_slice %arg6[%dma_start3A_292, %dma_start3A_293, %dma_start3A_294] : memref<4x64x128xf32, #tpu.memory_space<vmem>> -> memref<1x64x128xf32, #tpu.memory_space<vmem>>
      %dma_start3A_296 = tpu.memref_squeeze %dma_start3A_295 : memref<1x64x128xf32, #tpu.memory_space<vmem>> -> memref<64x128xf32, #tpu.memory_space<vmem>>
      %dma_start3A_297 = arith.constant 40 : i32
      %dma_start3A_298 = arith.constant 0 : i32
      %dma_start3A_299 = tpu.memref_slice %dma_start3A_296[%dma_start3A_297, %dma_start3A_298] : memref<64x128xf32, #tpu.memory_space<vmem>> -> memref<8x128xf32, #tpu.memory_space<vmem>>
      %dma_start3A_300 = arith.constant 40 : i32
      %dma_start3A_301 = tpu.memref_slice %arg2[%dma_start3A_300, %multiple_of3A_196] : memref<64x1000000xf32, #tpu.memory_space<hbm>> -> memref<8x128xf32, #tpu.memory_space<hbm>>
      %dma_start3A_302 = arith.constant 0 : i32
      %dma_start3A_303 = arith.constant 0 : i32
      %dma_start3A_304 = tpu.memref_slice %arg6[%dma_start3A_292, %dma_start3A_302, %dma_start3A_303] : memref<4x64x128xf32, #tpu.memory_space<vmem>> -> memref<1x64x128xf32, #tpu.memory_space<vmem>>
      %dma_start3A_305 = tpu.memref_squeeze %dma_start3A_304 : memref<1x64x128xf32, #tpu.memory_space<vmem>> -> memref<64x128xf32, #tpu.memory_space<vmem>>
      %dma_start3A_306 = arith.constant 40 : i32
      %dma_start3A_307 = arith.constant 0 : i32
      %dma_start3A_308 = tpu.memref_slice %dma_start3A_305[%dma_start3A_306, %dma_start3A_307] : memref<64x128xf32, #tpu.memory_space<vmem>> -> memref<8x128xf32, #tpu.memory_space<vmem>>
      %dma_start3A_309 = arith.constant 40 : i32
      %dma_start3A_310 = tpu.memref_slice %arg2[%dma_start3A_309, %multiple_of3A_196] : memref<64x1000000xf32, #tpu.memory_space<hbm>> -> memref<8x128xf32, #tpu.memory_space<hbm>>
      tpu.enqueue_dma source(%dma_start3A_310 : memref<8x128xf32, #tpu.memory_space<hbm>>) target(%dma_start3A_308 : memref<8x128xf32, #tpu.memory_space<vmem>>) target_semaphore(%arg10 : memref<!tpu.dma_semaphore, #tpu.memory_space<semaphore_mem>>)
      %dma_start3A_311 = arith.constant 1 : i32
      %dma_start3A_312 = arith.constant 0 : i32
      %dma_start3A_313 = arith.constant 0 : i32
      %dma_start3A_314 = tpu.memref_slice %arg6[%dma_start3A_311, %dma_start3A_312, %dma_start3A_313] : memref<4x64x128xf32, #tpu.memory_space<vmem>> -> memref<1x64x128xf32, #tpu.memory_space<vmem>>
      %dma_start3A_315 = tpu.memref_squeeze %dma_start3A_314 : memref<1x64x128xf32, #tpu.memory_space<vmem>> -> memref<64x128xf32, #tpu.memory_space<vmem>>
      %dma_start3A_316 = arith.constant 48 : i32
      %dma_start3A_317 = arith.constant 0 : i32
      %dma_start3A_318 = tpu.memref_slice %dma_start3A_315[%dma_start3A_316, %dma_start3A_317] : memref<64x128xf32, #tpu.memory_space<vmem>> -> memref<8x128xf32, #tpu.memory_space<vmem>>
      %dma_start3A_319 = arith.constant 48 : i32
      %dma_start3A_320 = tpu.memref_slice %arg2[%dma_start3A_319, %multiple_of3A_196] : memref<64x1000000xf32, #tpu.memory_space<hbm>> -> memref<8x128xf32, #tpu.memory_space<hbm>>
      %dma_start3A_321 = arith.constant 0 : i32
      %dma_start3A_322 = arith.constant 0 : i32
      %dma_start3A_323 = tpu.memref_slice %arg6[%dma_start3A_311, %dma_start3A_321, %dma_start3A_322] : memref<4x64x128xf32, #tpu.memory_space<vmem>> -> memref<1x64x128xf32, #tpu.memory_space<vmem>>
      %dma_start3A_324 = tpu.memref_squeeze %dma_start3A_323 : memref<1x64x128xf32, #tpu.memory_space<vmem>> -> memref<64x128xf32, #tpu.memory_space<vmem>>
      %dma_start3A_325 = arith.constant 48 : i32
      %dma_start3A_326 = arith.constant 0 : i32
      %dma_start3A_327 = tpu.memref_slice %dma_start3A_324[%dma_start3A_325, %dma_start3A_326] : memref<64x128xf32, #tpu.memory_space<vmem>> -> memref<8x128xf32, #tpu.memory_space<vmem>>
      %dma_start3A_328 = arith.constant 48 : i32
      %dma_start3A_329 = tpu.memref_slice %arg2[%dma_start3A_328, %multiple_of3A_196] : memref<64x1000000xf32, #tpu.memory_space<hbm>> -> memref<8x128xf32, #tpu.memory_space<hbm>>
      tpu.enqueue_dma source(%dma_start3A_329 : memref<8x128xf32, #tpu.memory_space<hbm>>) target(%dma_start3A_327 : memref<8x128xf32, #tpu.memory_space<vmem>>) target_semaphore(%arg10 : memref<!tpu.dma_semaphore, #tpu.memory_space<semaphore_mem>>)
      %dma_start3A_330 = arith.constant 1 : i32
      %dma_start3A_331 = arith.constant 0 : i32
      %dma_start3A_332 = arith.constant 0 : i32
      %dma_start3A_333 = tpu.memref_slice %arg6[%dma_start3A_330, %dma_start3A_331, %dma_start3A_332] : memref<4x64x128xf32, #tpu.memory_space<vmem>> -> memref<1x64x128xf32, #tpu.memory_space<vmem>>
      %dma_start3A_334 = tpu.memref_squeeze %dma_start3A_333 : memref<1x64x128xf32, #tpu.memory_space<vmem>> -> memref<64x128xf32, #tpu.memory_space<vmem>>
      %dma_start3A_335 = arith.constant 56 : i32
      %dma_start3A_336 = arith.constant 0 : i32
      %dma_start3A_337 = tpu.memref_slice %dma_start3A_334[%dma_start3A_335, %dma_start3A_336] : memref<64x128xf32, #tpu.memory_space<vmem>> -> memref<8x128xf32, #tpu.memory_space<vmem>>
      %dma_start3A_338 = arith.constant 56 : i32
      %dma_start3A_339 = tpu.memref_slice %arg2[%dma_start3A_338, %multiple_of3A_196] : memref<64x1000000xf32, #tpu.memory_space<hbm>> -> memref<8x128xf32, #tpu.memory_space<hbm>>
      %dma_start3A_340 = arith.constant 0 : i32
      %dma_start3A_341 = arith.constant 0 : i32
      %dma_start3A_342 = tpu.memref_slice %arg6[%dma_start3A_330, %dma_start3A_340, %dma_start3A_341] : memref<4x64x128xf32, #tpu.memory_space<vmem>> -> memref<1x64x128xf32, #tpu.memory_space<vmem>>
      %dma_start3A_343 = tpu.memref_squeeze %dma_start3A_342 : memref<1x64x128xf32, #tpu.memory_space<vmem>> -> memref<64x128xf32, #tpu.memory_space<vmem>>
      %dma_start3A_344 = arith.constant 56 : i32
      %dma_start3A_345 = arith.constant 0 : i32
      %dma_start3A_346 = tpu.memref_slice %dma_start3A_343[%dma_start3A_344, %dma_start3A_345] : memref<64x128xf32, #tpu.memory_space<vmem>> -> memref<8x128xf32, #tpu.memory_space<vmem>>
      %dma_start3A_347 = arith.constant 56 : i32
      %dma_start3A_348 = tpu.memref_slice %arg2[%dma_start3A_347, %multiple_of3A_196] : memref<64x1000000xf32, #tpu.memory_space<hbm>> -> memref<8x128xf32, #tpu.memory_space<hbm>>
      tpu.enqueue_dma source(%dma_start3A_348 : memref<8x128xf32, #tpu.memory_space<hbm>>) target(%dma_start3A_346 : memref<8x128xf32, #tpu.memory_space<vmem>>) target_semaphore(%arg10 : memref<!tpu.dma_semaphore, #tpu.memory_space<semaphore_mem>>)
      %shift_right_arithmetic3A_349 = arith.constant 7 : i32
      %shift_right_arithmetic3A_350 = arith.shrsi %squeeze3A_12, %shift_right_arithmetic3A_349 : i32
      %shift_left3A_351 = arith.constant 7 : i32
      %shift_left3A_352 = arith.shli %shift_right_arithmetic3A_350, %shift_left3A_351 : i32
      %multiple_of3A_353 = tpu.assume_multiple %shift_left3A_352, 128 : i32
      %dma_start3A_354 = arith.constant 2 : i32
      %dma_start3A_355 = arith.constant 0 : i32
      %dma_start3A_356 = arith.constant 0 : i32
      %dma_start3A_357 = tpu.memref_slice %arg6[%dma_start3A_354, %dma_start3A_355, %dma_start3A_356] : memref<4x64x128xf32, #tpu.memory_space<vmem>> -> memref<1x64x128xf32, #tpu.memory_space<vmem>>
      %dma_start3A_358 = tpu.memref_squeeze %dma_start3A_357 : memref<1x64x128xf32, #tpu.memory_space<vmem>> -> memref<64x128xf32, #tpu.memory_space<vmem>>
      %dma_start3A_359 = arith.constant 0 : i32
      %dma_start3A_360 = arith.constant 0 : i32
      %dma_start3A_361 = tpu.memref_slice %dma_start3A_358[%dma_start3A_359, %dma_start3A_360] : memref<64x128xf32, #tpu.memory_space<vmem>> -> memref<8x128xf32, #tpu.memory_space<vmem>>
      %dma_start3A_362 = arith.constant 0 : i32
      %dma_start3A_363 = tpu.memref_slice %arg2[%dma_start3A_362, %multiple_of3A_353] : memref<64x1000000xf32, #tpu.memory_space<hbm>> -> memref<8x128xf32, #tpu.memory_space<hbm>>
      %dma_start3A_364 = arith.constant 0 : i32
      %dma_start3A_365 = arith.constant 0 : i32
      %dma_start3A_366 = tpu.memref_slice %arg6[%dma_start3A_354, %dma_start3A_364, %dma_start3A_365] : memref<4x64x128xf32, #tpu.memory_space<vmem>> -> memref<1x64x128xf32, #tpu.memory_space<vmem>>
      %dma_start3A_367 = tpu.memref_squeeze %dma_start3A_366 : memref<1x64x128xf32, #tpu.memory_space<vmem>> -> memref<64x128xf32, #tpu.memory_space<vmem>>
      %dma_start3A_368 = arith.constant 0 : i32
      %dma_start3A_369 = arith.constant 0 : i32
      %dma_start3A_370 = tpu.memref_slice %dma_start3A_367[%dma_start3A_368, %dma_start3A_369] : memref<64x128xf32, #tpu.memory_space<vmem>> -> memref<8x128xf32, #tpu.memory_space<vmem>>
      %dma_start3A_371 = arith.constant 0 : i32
      %dma_start3A_372 = tpu.memref_slice %arg2[%dma_start3A_371, %multiple_of3A_353] : memref<64x1000000xf32, #tpu.memory_space<hbm>> -> memref<8x128xf32, #tpu.memory_space<hbm>>
      tpu.enqueue_dma source(%dma_start3A_372 : memref<8x128xf32, #tpu.memory_space<hbm>>) target(%dma_start3A_370 : memref<8x128xf32, #tpu.memory_space<vmem>>) target_semaphore(%arg10 : memref<!tpu.dma_semaphore, #tpu.memory_space<semaphore_mem>>)
      %dma_start3A_373 = arith.constant 2 : i32
      %dma_start3A_374 = arith.constant 0 : i32
      %dma_start3A_375 = arith.constant 0 : i32
      %dma_start3A_376 = tpu.memref_slice %arg6[%dma_start3A_373, %dma_start3A_374, %dma_start3A_375] : memref<4x64x128xf32, #tpu.memory_space<vmem>> -> memref<1x64x128xf32, #tpu.memory_space<vmem>>
      %dma_start3A_377 = tpu.memref_squeeze %dma_start3A_376 : memref<1x64x128xf32, #tpu.memory_space<vmem>> -> memref<64x128xf32, #tpu.memory_space<vmem>>
      %dma_start3A_378 = arith.constant 8 : i32
      %dma_start3A_379 = arith.constant 0 : i32
      %dma_start3A_380 = tpu.memref_slice %dma_start3A_377[%dma_start3A_378, %dma_start3A_379] : memref<64x128xf32, #tpu.memory_space<vmem>> -> memref<8x128xf32, #tpu.memory_space<vmem>>
      %dma_start3A_381 = arith.constant 8 : i32
      %dma_start3A_382 = tpu.memref_slice %arg2[%dma_start3A_381, %multiple_of3A_353] : memref<64x1000000xf32, #tpu.memory_space<hbm>> -> memref<8x128xf32, #tpu.memory_space<hbm>>
      %dma_start3A_383 = arith.constant 0 : i32
      %dma_start3A_384 = arith.constant 0 : i32
      %dma_start3A_385 = tpu.memref_slice %arg6[%dma_start3A_373, %dma_start3A_383, %dma_start3A_384] : memref<4x64x128xf32, #tpu.memory_space<vmem>> -> memref<1x64x128xf32, #tpu.memory_space<vmem>>
      %dma_start3A_386 = tpu.memref_squeeze %dma_start3A_385 : memref<1x64x128xf32, #tpu.memory_space<vmem>> -> memref<64x128xf32, #tpu.memory_space<vmem>>
      %dma_start3A_387 = arith.constant 8 : i32
      %dma_start3A_388 = arith.constant 0 : i32
      %dma_start3A_389 = tpu.memref_slice %dma_start3A_386[%dma_start3A_387, %dma_start3A_388] : memref<64x128xf32, #tpu.memory_space<vmem>> -> memref<8x128xf32, #tpu.memory_space<vmem>>
      %dma_start3A_390 = arith.constant 8 : i32
      %dma_start3A_391 = tpu.memref_slice %arg2[%dma_start3A_390, %multiple_of3A_353] : memref<64x1000000xf32, #tpu.memory_space<hbm>> -> memref<8x128xf32, #tpu.memory_space<hbm>>
      tpu.enqueue_dma source(%dma_start3A_391 : memref<8x128xf32, #tpu.memory_space<hbm>>) target(%dma_start3A_389 : memref<8x128xf32, #tpu.memory_space<vmem>>) target_semaphore(%arg10 : memref<!tpu.dma_semaphore, #tpu.memory_space<semaphore_mem>>)
      %dma_start3A_392 = arith.constant 2 : i32
      %dma_start3A_393 = arith.constant 0 : i32
      %dma_start3A_394 = arith.constant 0 : i32
      %dma_start3A_395 = tpu.memref_slice %arg6[%dma_start3A_392, %dma_start3A_393, %dma_start3A_394] : memref<4x64x128xf32, #tpu.memory_space<vmem>> -> memref<1x64x128xf32, #tpu.memory_space<vmem>>
      %dma_start3A_396 = tpu.memref_squeeze %dma_start3A_395 : memref<1x64x128xf32, #tpu.memory_space<vmem>> -> memref<64x128xf32, #tpu.memory_space<vmem>>
      %dma_start3A_397 = arith.constant 16 : i32
      %dma_start3A_398 = arith.constant 0 : i32
      %dma_start3A_399 = tpu.memref_slice %dma_start3A_396[%dma_start3A_397, %dma_start3A_398] : memref<64x128xf32, #tpu.memory_space<vmem>> -> memref<8x128xf32, #tpu.memory_space<vmem>>
      %dma_start3A_400 = arith.constant 16 : i32
      %dma_start3A_401 = tpu.memref_slice %arg2[%dma_start3A_400, %multiple_of3A_353] : memref<64x1000000xf32, #tpu.memory_space<hbm>> -> memref<8x128xf32, #tpu.memory_space<hbm>>
      %dma_start3A_402 = arith.constant 0 : i32
      %dma_start3A_403 = arith.constant 0 : i32
      %dma_start3A_404 = tpu.memref_slice %arg6[%dma_start3A_392, %dma_start3A_402, %dma_start3A_403] : memref<4x64x128xf32, #tpu.memory_space<vmem>> -> memref<1x64x128xf32, #tpu.memory_space<vmem>>
      %dma_start3A_405 = tpu.memref_squeeze %dma_start3A_404 : memref<1x64x128xf32, #tpu.memory_space<vmem>> -> memref<64x128xf32, #tpu.memory_space<vmem>>
      %dma_start3A_406 = arith.constant 16 : i32
      %dma_start3A_407 = arith.constant 0 : i32
      %dma_start3A_408 = tpu.memref_slice %dma_start3A_405[%dma_start3A_406, %dma_start3A_407] : memref<64x128xf32, #tpu.memory_space<vmem>> -> memref<8x128xf32, #tpu.memory_space<vmem>>
      %dma_start3A_409 = arith.constant 16 : i32
      %dma_start3A_410 = tpu.memref_slice %arg2[%dma_start3A_409, %multiple_of3A_353] : memref<64x1000000xf32, #tpu.memory_space<hbm>> -> memref<8x128xf32, #tpu.memory_space<hbm>>
      tpu.enqueue_dma source(%dma_start3A_410 : memref<8x128xf32, #tpu.memory_space<hbm>>) target(%dma_start3A_408 : memref<8x128xf32, #tpu.memory_space<vmem>>) target_semaphore(%arg10 : memref<!tpu.dma_semaphore, #tpu.memory_space<semaphore_mem>>)
      %dma_start3A_411 = arith.constant 2 : i32
      %dma_start3A_412 = arith.constant 0 : i32
      %dma_start3A_413 = arith.constant 0 : i32
      %dma_start3A_414 = tpu.memref_slice %arg6[%dma_start3A_411, %dma_start3A_412, %dma_start3A_413] : memref<4x64x128xf32, #tpu.memory_space<vmem>> -> memref<1x64x128xf32, #tpu.memory_space<vmem>>
      %dma_start3A_415 = tpu.memref_squeeze %dma_start3A_414 : memref<1x64x128xf32, #tpu.memory_space<vmem>> -> memref<64x128xf32, #tpu.memory_space<vmem>>
      %dma_start3A_416 = arith.constant 24 : i32
      %dma_start3A_417 = arith.constant 0 : i32
      %dma_start3A_418 = tpu.memref_slice %dma_start3A_415[%dma_start3A_416, %dma_start3A_417] : memref<64x128xf32, #tpu.memory_space<vmem>> -> memref<8x128xf32, #tpu.memory_space<vmem>>
      %dma_start3A_419 = arith.constant 24 : i32
      %dma_start3A_420 = tpu.memref_slice %arg2[%dma_start3A_419, %multiple_of3A_353] : memref<64x1000000xf32, #tpu.memory_space<hbm>> -> memref<8x128xf32, #tpu.memory_space<hbm>>
      %dma_start3A_421 = arith.constant 0 : i32
      %dma_start3A_422 = arith.constant 0 : i32
      %dma_start3A_423 = tpu.memref_slice %arg6[%dma_start3A_411, %dma_start3A_421, %dma_start3A_422] : memref<4x64x128xf32, #tpu.memory_space<vmem>> -> memref<1x64x128xf32, #tpu.memory_space<vmem>>
      %dma_start3A_424 = tpu.memref_squeeze %dma_start3A_423 : memref<1x64x128xf32, #tpu.memory_space<vmem>> -> memref<64x128xf32, #tpu.memory_space<vmem>>
      %dma_start3A_425 = arith.constant 24 : i32
      %dma_start3A_426 = arith.constant 0 : i32
      %dma_start3A_427 = tpu.memref_slice %dma_start3A_424[%dma_start3A_425, %dma_start3A_426] : memref<64x128xf32, #tpu.memory_space<vmem>> -> memref<8x128xf32, #tpu.memory_space<vmem>>
      %dma_start3A_428 = arith.constant 24 : i32
      %dma_start3A_429 = tpu.memref_slice %arg2[%dma_start3A_428, %multiple_of3A_353] : memref<64x1000000xf32, #tpu.memory_space<hbm>> -> memref<8x128xf32, #tpu.memory_space<hbm>>
      tpu.enqueue_dma source(%dma_start3A_429 : memref<8x128xf32, #tpu.memory_space<hbm>>) target(%dma_start3A_427 : memref<8x128xf32, #tpu.memory_space<vmem>>) target_semaphore(%arg10 : memref<!tpu.dma_semaphore, #tpu.memory_space<semaphore_mem>>)
      %dma_start3A_430 = arith.constant 2 : i32
      %dma_start3A_431 = arith.constant 0 : i32
      %dma_start3A_432 = arith.constant 0 : i32
      %dma_start3A_433 = tpu.memref_slice %arg6[%dma_start3A_430, %dma_start3A_431, %dma_start3A_432] : memref<4x64x128xf32, #tpu.memory_space<vmem>> -> memref<1x64x128xf32, #tpu.memory_space<vmem>>
      %dma_start3A_434 = tpu.memref_squeeze %dma_start3A_433 : memref<1x64x128xf32, #tpu.memory_space<vmem>> -> memref<64x128xf32, #tpu.memory_space<vmem>>
      %dma_start3A_435 = arith.constant 32 : i32
      %dma_start3A_436 = arith.constant 0 : i32
      %dma_start3A_437 = tpu.memref_slice %dma_start3A_434[%dma_start3A_435, %dma_start3A_436] : memref<64x128xf32, #tpu.memory_space<vmem>> -> memref<8x128xf32, #tpu.memory_space<vmem>>
      %dma_start3A_438 = arith.constant 32 : i32
      %dma_start3A_439 = tpu.memref_slice %arg2[%dma_start3A_438, %multiple_of3A_353] : memref<64x1000000xf32, #tpu.memory_space<hbm>> -> memref<8x128xf32, #tpu.memory_space<hbm>>
      %dma_start3A_440 = arith.constant 0 : i32
      %dma_start3A_441 = arith.constant 0 : i32
      %dma_start3A_442 = tpu.memref_slice %arg6[%dma_start3A_430, %dma_start3A_440, %dma_start3A_441] : memref<4x64x128xf32, #tpu.memory_space<vmem>> -> memref<1x64x128xf32, #tpu.memory_space<vmem>>
      %dma_start3A_443 = tpu.memref_squeeze %dma_start3A_442 : memref<1x64x128xf32, #tpu.memory_space<vmem>> -> memref<64x128xf32, #tpu.memory_space<vmem>>
      %dma_start3A_444 = arith.constant 32 : i32
      %dma_start3A_445 = arith.constant 0 : i32
      %dma_start3A_446 = tpu.memref_slice %dma_start3A_443[%dma_start3A_444, %dma_start3A_445] : memref<64x128xf32, #tpu.memory_space<vmem>> -> memref<8x128xf32, #tpu.memory_space<vmem>>
      %dma_start3A_447 = arith.constant 32 : i32
      %dma_start3A_448 = tpu.memref_slice %arg2[%dma_start3A_447, %multiple_of3A_353] : memref<64x1000000xf32, #tpu.memory_space<hbm>> -> memref<8x128xf32, #tpu.memory_space<hbm>>
      tpu.enqueue_dma source(%dma_start3A_448 : memref<8x128xf32, #tpu.memory_space<hbm>>) target(%dma_start3A_446 : memref<8x128xf32, #tpu.memory_space<vmem>>) target_semaphore(%arg10 : memref<!tpu.dma_semaphore, #tpu.memory_space<semaphore_mem>>)
      %dma_start3A_449 = arith.constant 2 : i32
      %dma_start3A_450 = arith.constant 0 : i32
      %dma_start3A_451 = arith.constant 0 : i32
      %dma_start3A_452 = tpu.memref_slice %arg6[%dma_start3A_449, %dma_start3A_450, %dma_start3A_451] : memref<4x64x128xf32, #tpu.memory_space<vmem>> -> memref<1x64x128xf32, #tpu.memory_space<vmem>>
      %dma_start3A_453 = tpu.memref_squeeze %dma_start3A_452 : memref<1x64x128xf32, #tpu.memory_space<vmem>> -> memref<64x128xf32, #tpu.memory_space<vmem>>
      %dma_start3A_454 = arith.constant 40 : i32
      %dma_start3A_455 = arith.constant 0 : i32
      %dma_start3A_456 = tpu.memref_slice %dma_start3A_453[%dma_start3A_454, %dma_start3A_455] : memref<64x128xf32, #tpu.memory_space<vmem>> -> memref<8x128xf32, #tpu.memory_space<vmem>>
      %dma_start3A_457 = arith.constant 40 : i32
      %dma_start3A_458 = tpu.memref_slice %arg2[%dma_start3A_457, %multiple_of3A_353] : memref<64x1000000xf32, #tpu.memory_space<hbm>> -> memref<8x128xf32, #tpu.memory_space<hbm>>
      %dma_start3A_459 = arith.constant 0 : i32
      %dma_start3A_460 = arith.constant 0 : i32
      %dma_start3A_461 = tpu.memref_slice %arg6[%dma_start3A_449, %dma_start3A_459, %dma_start3A_460] : memref<4x64x128xf32, #tpu.memory_space<vmem>> -> memref<1x64x128xf32, #tpu.memory_space<vmem>>
      %dma_start3A_462 = tpu.memref_squeeze %dma_start3A_461 : memref<1x64x128xf32, #tpu.memory_space<vmem>> -> memref<64x128xf32, #tpu.memory_space<vmem>>
      %dma_start3A_463 = arith.constant 40 : i32
      %dma_start3A_464 = arith.constant 0 : i32
      %dma_start3A_465 = tpu.memref_slice %dma_start3A_462[%dma_start3A_463, %dma_start3A_464] : memref<64x128xf32, #tpu.memory_space<vmem>> -> memref<8x128xf32, #tpu.memory_space<vmem>>
      %dma_start3A_466 = arith.constant 40 : i32
      %dma_start3A_467 = tpu.memref_slice %arg2[%dma_start3A_466, %multiple_of3A_353] : memref<64x1000000xf32, #tpu.memory_space<hbm>> -> memref<8x128xf32, #tpu.memory_space<hbm>>
      tpu.enqueue_dma source(%dma_start3A_467 : memref<8x128xf32, #tpu.memory_space<hbm>>) target(%dma_start3A_465 : memref<8x128xf32, #tpu.memory_space<vmem>>) target_semaphore(%arg10 : memref<!tpu.dma_semaphore, #tpu.memory_space<semaphore_mem>>)
      %dma_start3A_468 = arith.constant 2 : i32
      %dma_start3A_469 = arith.constant 0 : i32
      %dma_start3A_470 = arith.constant 0 : i32
      %dma_start3A_471 = tpu.memref_slice %arg6[%dma_start3A_468, %dma_start3A_469, %dma_start3A_470] : memref<4x64x128xf32, #tpu.memory_space<vmem>> -> memref<1x64x128xf32, #tpu.memory_space<vmem>>
      %dma_start3A_472 = tpu.memref_squeeze %dma_start3A_471 : memref<1x64x128xf32, #tpu.memory_space<vmem>> -> memref<64x128xf32, #tpu.memory_space<vmem>>
      %dma_start3A_473 = arith.constant 48 : i32
      %dma_start3A_474 = arith.constant 0 : i32
      %dma_start3A_475 = tpu.memref_slice %dma_start3A_472[%dma_start3A_473, %dma_start3A_474] : memref<64x128xf32, #tpu.memory_space<vmem>> -> memref<8x128xf32, #tpu.memory_space<vmem>>
      %dma_start3A_476 = arith.constant 48 : i32
      %dma_start3A_477 = tpu.memref_slice %arg2[%dma_start3A_476, %multiple_of3A_353] : memref<64x1000000xf32, #tpu.memory_space<hbm>> -> memref<8x128xf32, #tpu.memory_space<hbm>>
      %dma_start3A_478 = arith.constant 0 : i32
      %dma_start3A_479 = arith.constant 0 : i32
      %dma_start3A_480 = tpu.memref_slice %arg6[%dma_start3A_468, %dma_start3A_478, %dma_start3A_479] : memref<4x64x128xf32, #tpu.memory_space<vmem>> -> memref<1x64x128xf32, #tpu.memory_space<vmem>>
      %dma_start3A_481 = tpu.memref_squeeze %dma_start3A_480 : memref<1x64x128xf32, #tpu.memory_space<vmem>> -> memref<64x128xf32, #tpu.memory_space<vmem>>
      %dma_start3A_482 = arith.constant 48 : i32
      %dma_start3A_483 = arith.constant 0 : i32
      %dma_start3A_484 = tpu.memref_slice %dma_start3A_481[%dma_start3A_482, %dma_start3A_483] : memref<64x128xf32, #tpu.memory_space<vmem>> -> memref<8x128xf32, #tpu.memory_space<vmem>>
      %dma_start3A_485 = arith.constant 48 : i32
      %dma_start3A_486 = tpu.memref_slice %arg2[%dma_start3A_485, %multiple_of3A_353] : memref<64x1000000xf32, #tpu.memory_space<hbm>> -> memref<8x128xf32, #tpu.memory_space<hbm>>
      tpu.enqueue_dma source(%dma_start3A_486 : memref<8x128xf32, #tpu.memory_space<hbm>>) target(%dma_start3A_484 : memref<8x128xf32, #tpu.memory_space<vmem>>) target_semaphore(%arg10 : memref<!tpu.dma_semaphore, #tpu.memory_space<semaphore_mem>>)
      %dma_start3A_487 = arith.constant 2 : i32
      %dma_start3A_488 = arith.constant 0 : i32
      %dma_start3A_489 = arith.constant 0 : i32
      %dma_start3A_490 = tpu.memref_slice %arg6[%dma_start3A_487, %dma_start3A_488, %dma_start3A_489] : memref<4x64x128xf32, #tpu.memory_space<vmem>> -> memref<1x64x128xf32, #tpu.memory_space<vmem>>
      %dma_start3A_491 = tpu.memref_squeeze %dma_start3A_490 : memref<1x64x128xf32, #tpu.memory_space<vmem>> -> memref<64x128xf32, #tpu.memory_space<vmem>>
      %dma_start3A_492 = arith.constant 56 : i32
      %dma_start3A_493 = arith.constant 0 : i32
      %dma_start3A_494 = tpu.memref_slice %dma_start3A_491[%dma_start3A_492, %dma_start3A_493] : memref<64x128xf32, #tpu.memory_space<vmem>> -> memref<8x128xf32, #tpu.memory_space<vmem>>
      %dma_start3A_495 = arith.constant 56 : i32
      %dma_start3A_496 = tpu.memref_slice %arg2[%dma_start3A_495, %multiple_of3A_353] : memref<64x1000000xf32, #tpu.memory_space<hbm>> -> memref<8x128xf32, #tpu.memory_space<hbm>>
      %dma_start3A_497 = arith.constant 0 : i32
      %dma_start3A_498 = arith.constant 0 : i32
      %dma_start3A_499 = tpu.memref_slice %arg6[%dma_start3A_487, %dma_start3A_497, %dma_start3A_498] : memref<4x64x128xf32, #tpu.memory_space<vmem>> -> memref<1x64x128xf32, #tpu.memory_space<vmem>>
      %dma_start3A_500 = tpu.memref_squeeze %dma_start3A_499 : memref<1x64x128xf32, #tpu.memory_space<vmem>> -> memref<64x128xf32, #tpu.memory_space<vmem>>
      %dma_start3A_501 = arith.constant 56 : i32
      %dma_start3A_502 = arith.constant 0 : i32
      %dma_start3A_503 = tpu.memref_slice %dma_start3A_500[%dma_start3A_501, %dma_start3A_502] : memref<64x128xf32, #tpu.memory_space<vmem>> -> memref<8x128xf32, #tpu.memory_space<vmem>>
      %dma_start3A_504 = arith.constant 56 : i32
      %dma_start3A_505 = tpu.memref_slice %arg2[%dma_start3A_504, %multiple_of3A_353] : memref<64x1000000xf32, #tpu.memory_space<hbm>> -> memref<8x128xf32, #tpu.memory_space<hbm>>
      tpu.enqueue_dma source(%dma_start3A_505 : memref<8x128xf32, #tpu.memory_space<hbm>>) target(%dma_start3A_503 : memref<8x128xf32, #tpu.memory_space<vmem>>) target_semaphore(%arg10 : memref<!tpu.dma_semaphore, #tpu.memory_space<semaphore_mem>>)
      %shift_right_arithmetic3A_506 = arith.constant 7 : i32
      %shift_right_arithmetic3A_507 = arith.shrsi %squeeze3A_14, %shift_right_arithmetic3A_506 : i32
      %shift_left3A_508 = arith.constant 7 : i32
      %shift_left3A_509 = arith.shli %shift_right_arithmetic3A_507, %shift_left3A_508 : i32
      %multiple_of3A_510 = tpu.assume_multiple %shift_left3A_509, 128 : i32
      %dma_start3A_511 = arith.constant 3 : i32
      %dma_start3A_512 = arith.constant 0 : i32
      %dma_start3A_513 = arith.constant 0 : i32
      %dma_start3A_514 = tpu.memref_slice %arg6[%dma_start3A_511, %dma_start3A_512, %dma_start3A_513] : memref<4x64x128xf32, #tpu.memory_space<vmem>> -> memref<1x64x128xf32, #tpu.memory_space<vmem>>
      %dma_start3A_515 = tpu.memref_squeeze %dma_start3A_514 : memref<1x64x128xf32, #tpu.memory_space<vmem>> -> memref<64x128xf32, #tpu.memory_space<vmem>>
      %dma_start3A_516 = arith.constant 0 : i32
      %dma_start3A_517 = arith.constant 0 : i32
      %dma_start3A_518 = tpu.memref_slice %dma_start3A_515[%dma_start3A_516, %dma_start3A_517] : memref<64x128xf32, #tpu.memory_space<vmem>> -> memref<8x128xf32, #tpu.memory_space<vmem>>
      %dma_start3A_519 = arith.constant 0 : i32
      %dma_start3A_520 = tpu.memref_slice %arg2[%dma_start3A_519, %multiple_of3A_510] : memref<64x1000000xf32, #tpu.memory_space<hbm>> -> memref<8x128xf32, #tpu.memory_space<hbm>>
      %dma_start3A_521 = arith.constant 0 : i32
      %dma_start3A_522 = arith.constant 0 : i32
      %dma_start3A_523 = tpu.memref_slice %arg6[%dma_start3A_511, %dma_start3A_521, %dma_start3A_522] : memref<4x64x128xf32, #tpu.memory_space<vmem>> -> memref<1x64x128xf32, #tpu.memory_space<vmem>>
      %dma_start3A_524 = tpu.memref_squeeze %dma_start3A_523 : memref<1x64x128xf32, #tpu.memory_space<vmem>> -> memref<64x128xf32, #tpu.memory_space<vmem>>
      %dma_start3A_525 = arith.constant 0 : i32
      %dma_start3A_526 = arith.constant 0 : i32
      %dma_start3A_527 = tpu.memref_slice %dma_start3A_524[%dma_start3A_525, %dma_start3A_526] : memref<64x128xf32, #tpu.memory_space<vmem>> -> memref<8x128xf32, #tpu.memory_space<vmem>>
      %dma_start3A_528 = arith.constant 0 : i32
      %dma_start3A_529 = tpu.memref_slice %arg2[%dma_start3A_528, %multiple_of3A_510] : memref<64x1000000xf32, #tpu.memory_space<hbm>> -> memref<8x128xf32, #tpu.memory_space<hbm>>
      tpu.enqueue_dma source(%dma_start3A_529 : memref<8x128xf32, #tpu.memory_space<hbm>>) target(%dma_start3A_527 : memref<8x128xf32, #tpu.memory_space<vmem>>) target_semaphore(%arg10 : memref<!tpu.dma_semaphore, #tpu.memory_space<semaphore_mem>>)
      %dma_start3A_530 = arith.constant 3 : i32
      %dma_start3A_531 = arith.constant 0 : i32
      %dma_start3A_532 = arith.constant 0 : i32
      %dma_start3A_533 = tpu.memref_slice %arg6[%dma_start3A_530, %dma_start3A_531, %dma_start3A_532] : memref<4x64x128xf32, #tpu.memory_space<vmem>> -> memref<1x64x128xf32, #tpu.memory_space<vmem>>
      %dma_start3A_534 = tpu.memref_squeeze %dma_start3A_533 : memref<1x64x128xf32, #tpu.memory_space<vmem>> -> memref<64x128xf32, #tpu.memory_space<vmem>>
      %dma_start3A_535 = arith.constant 8 : i32
      %dma_start3A_536 = arith.constant 0 : i32
      %dma_start3A_537 = tpu.memref_slice %dma_start3A_534[%dma_start3A_535, %dma_start3A_536] : memref<64x128xf32, #tpu.memory_space<vmem>> -> memref<8x128xf32, #tpu.memory_space<vmem>>
      %dma_start3A_538 = arith.constant 8 : i32
      %dma_start3A_539 = tpu.memref_slice %arg2[%dma_start3A_538, %multiple_of3A_510] : memref<64x1000000xf32, #tpu.memory_space<hbm>> -> memref<8x128xf32, #tpu.memory_space<hbm>>
      %dma_start3A_540 = arith.constant 0 : i32
      %dma_start3A_541 = arith.constant 0 : i32
      %dma_start3A_542 = tpu.memref_slice %arg6[%dma_start3A_530, %dma_start3A_540, %dma_start3A_541] : memref<4x64x128xf32, #tpu.memory_space<vmem>> -> memref<1x64x128xf32, #tpu.memory_space<vmem>>
      %dma_start3A_543 = tpu.memref_squeeze %dma_start3A_542 : memref<1x64x128xf32, #tpu.memory_space<vmem>> -> memref<64x128xf32, #tpu.memory_space<vmem>>
      %dma_start3A_544 = arith.constant 8 : i32
      %dma_start3A_545 = arith.constant 0 : i32
      %dma_start3A_546 = tpu.memref_slice %dma_start3A_543[%dma_start3A_544, %dma_start3A_545] : memref<64x128xf32, #tpu.memory_space<vmem>> -> memref<8x128xf32, #tpu.memory_space<vmem>>
      %dma_start3A_547 = arith.constant 8 : i32
      %dma_start3A_548 = tpu.memref_slice %arg2[%dma_start3A_547, %multiple_of3A_510] : memref<64x1000000xf32, #tpu.memory_space<hbm>> -> memref<8x128xf32, #tpu.memory_space<hbm>>
      tpu.enqueue_dma source(%dma_start3A_548 : memref<8x128xf32, #tpu.memory_space<hbm>>) target(%dma_start3A_546 : memref<8x128xf32, #tpu.memory_space<vmem>>) target_semaphore(%arg10 : memref<!tpu.dma_semaphore, #tpu.memory_space<semaphore_mem>>)
      %dma_start3A_549 = arith.constant 3 : i32
      %dma_start3A_550 = arith.constant 0 : i32
      %dma_start3A_551 = arith.constant 0 : i32
      %dma_start3A_552 = tpu.memref_slice %arg6[%dma_start3A_549, %dma_start3A_550, %dma_start3A_551] : memref<4x64x128xf32, #tpu.memory_space<vmem>> -> memref<1x64x128xf32, #tpu.memory_space<vmem>>
      %dma_start3A_553 = tpu.memref_squeeze %dma_start3A_552 : memref<1x64x128xf32, #tpu.memory_space<vmem>> -> memref<64x128xf32, #tpu.memory_space<vmem>>
      %dma_start3A_554 = arith.constant 16 : i32
      %dma_start3A_555 = arith.constant 0 : i32
      %dma_start3A_556 = tpu.memref_slice %dma_start3A_553[%dma_start3A_554, %dma_start3A_555] : memref<64x128xf32, #tpu.memory_space<vmem>> -> memref<8x128xf32, #tpu.memory_space<vmem>>
      %dma_start3A_557 = arith.constant 16 : i32
      %dma_start3A_558 = tpu.memref_slice %arg2[%dma_start3A_557, %multiple_of3A_510] : memref<64x1000000xf32, #tpu.memory_space<hbm>> -> memref<8x128xf32, #tpu.memory_space<hbm>>
      %dma_start3A_559 = arith.constant 0 : i32
      %dma_start3A_560 = arith.constant 0 : i32
      %dma_start3A_561 = tpu.memref_slice %arg6[%dma_start3A_549, %dma_start3A_559, %dma_start3A_560] : memref<4x64x128xf32, #tpu.memory_space<vmem>> -> memref<1x64x128xf32, #tpu.memory_space<vmem>>
      %dma_start3A_562 = tpu.memref_squeeze %dma_start3A_561 : memref<1x64x128xf32, #tpu.memory_space<vmem>> -> memref<64x128xf32, #tpu.memory_space<vmem>>
      %dma_start3A_563 = arith.constant 16 : i32
      %dma_start3A_564 = arith.constant 0 : i32
      %dma_start3A_565 = tpu.memref_slice %dma_start3A_562[%dma_start3A_563, %dma_start3A_564] : memref<64x128xf32, #tpu.memory_space<vmem>> -> memref<8x128xf32, #tpu.memory_space<vmem>>
      %dma_start3A_566 = arith.constant 16 : i32
      %dma_start3A_567 = tpu.memref_slice %arg2[%dma_start3A_566, %multiple_of3A_510] : memref<64x1000000xf32, #tpu.memory_space<hbm>> -> memref<8x128xf32, #tpu.memory_space<hbm>>
      tpu.enqueue_dma source(%dma_start3A_567 : memref<8x128xf32, #tpu.memory_space<hbm>>) target(%dma_start3A_565 : memref<8x128xf32, #tpu.memory_space<vmem>>) target_semaphore(%arg10 : memref<!tpu.dma_semaphore, #tpu.memory_space<semaphore_mem>>)
      %dma_start3A_568 = arith.constant 3 : i32
      %dma_start3A_569 = arith.constant 0 : i32
      %dma_start3A_570 = arith.constant 0 : i32
      %dma_start3A_571 = tpu.memref_slice %arg6[%dma_start3A_568, %dma_start3A_569, %dma_start3A_570] : memref<4x64x128xf32, #tpu.memory_space<vmem>> -> memref<1x64x128xf32, #tpu.memory_space<vmem>>
      %dma_start3A_572 = tpu.memref_squeeze %dma_start3A_571 : memref<1x64x128xf32, #tpu.memory_space<vmem>> -> memref<64x128xf32, #tpu.memory_space<vmem>>
      %dma_start3A_573 = arith.constant 24 : i32
      %dma_start3A_574 = arith.constant 0 : i32
      %dma_start3A_575 = tpu.memref_slice %dma_start3A_572[%dma_start3A_573, %dma_start3A_574] : memref<64x128xf32, #tpu.memory_space<vmem>> -> memref<8x128xf32, #tpu.memory_space<vmem>>
      %dma_start3A_576 = arith.constant 24 : i32
      %dma_start3A_577 = tpu.memref_slice %arg2[%dma_start3A_576, %multiple_of3A_510] : memref<64x1000000xf32, #tpu.memory_space<hbm>> -> memref<8x128xf32, #tpu.memory_space<hbm>>
      %dma_start3A_578 = arith.constant 0 : i32
      %dma_start3A_579 = arith.constant 0 : i32
      %dma_start3A_580 = tpu.memref_slice %arg6[%dma_start3A_568, %dma_start3A_578, %dma_start3A_579] : memref<4x64x128xf32, #tpu.memory_space<vmem>> -> memref<1x64x128xf32, #tpu.memory_space<vmem>>
      %dma_start3A_581 = tpu.memref_squeeze %dma_start3A_580 : memref<1x64x128xf32, #tpu.memory_space<vmem>> -> memref<64x128xf32, #tpu.memory_space<vmem>>
      %dma_start3A_582 = arith.constant 24 : i32
      %dma_start3A_583 = arith.constant 0 : i32
      %dma_start3A_584 = tpu.memref_slice %dma_start3A_581[%dma_start3A_582, %dma_start3A_583] : memref<64x128xf32, #tpu.memory_space<vmem>> -> memref<8x128xf32, #tpu.memory_space<vmem>>
      %dma_start3A_585 = arith.constant 24 : i32
      %dma_start3A_586 = tpu.memref_slice %arg2[%dma_start3A_585, %multiple_of3A_510] : memref<64x1000000xf32, #tpu.memory_space<hbm>> -> memref<8x128xf32, #tpu.memory_space<hbm>>
      tpu.enqueue_dma source(%dma_start3A_586 : memref<8x128xf32, #tpu.memory_space<hbm>>) target(%dma_start3A_584 : memref<8x128xf32, #tpu.memory_space<vmem>>) target_semaphore(%arg10 : memref<!tpu.dma_semaphore, #tpu.memory_space<semaphore_mem>>)
      %dma_start3A_587 = arith.constant 3 : i32
      %dma_start3A_588 = arith.constant 0 : i32
      %dma_start3A_589 = arith.constant 0 : i32
      %dma_start3A_590 = tpu.memref_slice %arg6[%dma_start3A_587, %dma_start3A_588, %dma_start3A_589] : memref<4x64x128xf32, #tpu.memory_space<vmem>> -> memref<1x64x128xf32, #tpu.memory_space<vmem>>
      %dma_start3A_591 = tpu.memref_squeeze %dma_start3A_590 : memref<1x64x128xf32, #tpu.memory_space<vmem>> -> memref<64x128xf32, #tpu.memory_space<vmem>>
      %dma_start3A_592 = arith.constant 32 : i32
      %dma_start3A_593 = arith.constant 0 : i32
      %dma_start3A_594 = tpu.memref_slice %dma_start3A_591[%dma_start3A_592, %dma_start3A_593] : memref<64x128xf32, #tpu.memory_space<vmem>> -> memref<8x128xf32, #tpu.memory_space<vmem>>
      %dma_start3A_595 = arith.constant 32 : i32
      %dma_start3A_596 = tpu.memref_slice %arg2[%dma_start3A_595, %multiple_of3A_510] : memref<64x1000000xf32, #tpu.memory_space<hbm>> -> memref<8x128xf32, #tpu.memory_space<hbm>>
      %dma_start3A_597 = arith.constant 0 : i32
      %dma_start3A_598 = arith.constant 0 : i32
      %dma_start3A_599 = tpu.memref_slice %arg6[%dma_start3A_587, %dma_start3A_597, %dma_start3A_598] : memref<4x64x128xf32, #tpu.memory_space<vmem>> -> memref<1x64x128xf32, #tpu.memory_space<vmem>>
      %dma_start3A_600 = tpu.memref_squeeze %dma_start3A_599 : memref<1x64x128xf32, #tpu.memory_space<vmem>> -> memref<64x128xf32, #tpu.memory_space<vmem>>
      %dma_start3A_601 = arith.constant 32 : i32
      %dma_start3A_602 = arith.constant 0 : i32
      %dma_start3A_603 = tpu.memref_slice %dma_start3A_600[%dma_start3A_601, %dma_start3A_602] : memref<64x128xf32, #tpu.memory_space<vmem>> -> memref<8x128xf32, #tpu.memory_space<vmem>>
      %dma_start3A_604 = arith.constant 32 : i32
      %dma_start3A_605 = tpu.memref_slice %arg2[%dma_start3A_604, %multiple_of3A_510] : memref<64x1000000xf32, #tpu.memory_space<hbm>> -> memref<8x128xf32, #tpu.memory_space<hbm>>
      tpu.enqueue_dma source(%dma_start3A_605 : memref<8x128xf32, #tpu.memory_space<hbm>>) target(%dma_start3A_603 : memref<8x128xf32, #tpu.memory_space<vmem>>) target_semaphore(%arg10 : memref<!tpu.dma_semaphore, #tpu.memory_space<semaphore_mem>>)
      %dma_start3A_606 = arith.constant 3 : i32
      %dma_start3A_607 = arith.constant 0 : i32
      %dma_start3A_608 = arith.constant 0 : i32
      %dma_start3A_609 = tpu.memref_slice %arg6[%dma_start3A_606, %dma_start3A_607, %dma_start3A_608] : memref<4x64x128xf32, #tpu.memory_space<vmem>> -> memref<1x64x128xf32, #tpu.memory_space<vmem>>
      %dma_start3A_610 = tpu.memref_squeeze %dma_start3A_609 : memref<1x64x128xf32, #tpu.memory_space<vmem>> -> memref<64x128xf32, #tpu.memory_space<vmem>>
      %dma_start3A_611 = arith.constant 40 : i32
      %dma_start3A_612 = arith.constant 0 : i32
      %dma_start3A_613 = tpu.memref_slice %dma_start3A_610[%dma_start3A_611, %dma_start3A_612] : memref<64x128xf32, #tpu.memory_space<vmem>> -> memref<8x128xf32, #tpu.memory_space<vmem>>
      %dma_start3A_614 = arith.constant 40 : i32
      %dma_start3A_615 = tpu.memref_slice %arg2[%dma_start3A_614, %multiple_of3A_510] : memref<64x1000000xf32, #tpu.memory_space<hbm>> -> memref<8x128xf32, #tpu.memory_space<hbm>>
      %dma_start3A_616 = arith.constant 0 : i32
      %dma_start3A_617 = arith.constant 0 : i32
      %dma_start3A_618 = tpu.memref_slice %arg6[%dma_start3A_606, %dma_start3A_616, %dma_start3A_617] : memref<4x64x128xf32, #tpu.memory_space<vmem>> -> memref<1x64x128xf32, #tpu.memory_space<vmem>>
      %dma_start3A_619 = tpu.memref_squeeze %dma_start3A_618 : memref<1x64x128xf32, #tpu.memory_space<vmem>> -> memref<64x128xf32, #tpu.memory_space<vmem>>
      %dma_start3A_620 = arith.constant 40 : i32
      %dma_start3A_621 = arith.constant 0 : i32
      %dma_start3A_622 = tpu.memref_slice %dma_start3A_619[%dma_start3A_620, %dma_start3A_621] : memref<64x128xf32, #tpu.memory_space<vmem>> -> memref<8x128xf32, #tpu.memory_space<vmem>>
      %dma_start3A_623 = arith.constant 40 : i32
      %dma_start3A_624 = tpu.memref_slice %arg2[%dma_start3A_623, %multiple_of3A_510] : memref<64x1000000xf32, #tpu.memory_space<hbm>> -> memref<8x128xf32, #tpu.memory_space<hbm>>
      tpu.enqueue_dma source(%dma_start3A_624 : memref<8x128xf32, #tpu.memory_space<hbm>>) target(%dma_start3A_622 : memref<8x128xf32, #tpu.memory_space<vmem>>) target_semaphore(%arg10 : memref<!tpu.dma_semaphore, #tpu.memory_space<semaphore_mem>>)
      %dma_start3A_625 = arith.constant 3 : i32
      %dma_start3A_626 = arith.constant 0 : i32
      %dma_start3A_627 = arith.constant 0 : i32
      %dma_start3A_628 = tpu.memref_slice %arg6[%dma_start3A_625, %dma_start3A_626, %dma_start3A_627] : memref<4x64x128xf32, #tpu.memory_space<vmem>> -> memref<1x64x128xf32, #tpu.memory_space<vmem>>
      %dma_start3A_629 = tpu.memref_squeeze %dma_start3A_628 : memref<1x64x128xf32, #tpu.memory_space<vmem>> -> memref<64x128xf32, #tpu.memory_space<vmem>>
      %dma_start3A_630 = arith.constant 48 : i32
      %dma_start3A_631 = arith.constant 0 : i32
      %dma_start3A_632 = tpu.memref_slice %dma_start3A_629[%dma_start3A_630, %dma_start3A_631] : memref<64x128xf32, #tpu.memory_space<vmem>> -> memref<8x128xf32, #tpu.memory_space<vmem>>
      %dma_start3A_633 = arith.constant 48 : i32
      %dma_start3A_634 = tpu.memref_slice %arg2[%dma_start3A_633, %multiple_of3A_510] : memref<64x1000000xf32, #tpu.memory_space<hbm>> -> memref<8x128xf32, #tpu.memory_space<hbm>>
      %dma_start3A_635 = arith.constant 0 : i32
      %dma_start3A_636 = arith.constant 0 : i32
      %dma_start3A_637 = tpu.memref_slice %arg6[%dma_start3A_625, %dma_start3A_635, %dma_start3A_636] : memref<4x64x128xf32, #tpu.memory_space<vmem>> -> memref<1x64x128xf32, #tpu.memory_space<vmem>>
      %dma_start3A_638 = tpu.memref_squeeze %dma_start3A_637 : memref<1x64x128xf32, #tpu.memory_space<vmem>> -> memref<64x128xf32, #tpu.memory_space<vmem>>
      %dma_start3A_639 = arith.constant 48 : i32
      %dma_start3A_640 = arith.constant 0 : i32
      %dma_start3A_641 = tpu.memref_slice %dma_start3A_638[%dma_start3A_639, %dma_start3A_640] : memref<64x128xf32, #tpu.memory_space<vmem>> -> memref<8x128xf32, #tpu.memory_space<vmem>>
      %dma_start3A_642 = arith.constant 48 : i32
      %dma_start3A_643 = tpu.memref_slice %arg2[%dma_start3A_642, %multiple_of3A_510] : memref<64x1000000xf32, #tpu.memory_space<hbm>> -> memref<8x128xf32, #tpu.memory_space<hbm>>
      tpu.enqueue_dma source(%dma_start3A_643 : memref<8x128xf32, #tpu.memory_space<hbm>>) target(%dma_start3A_641 : memref<8x128xf32, #tpu.memory_space<vmem>>) target_semaphore(%arg10 : memref<!tpu.dma_semaphore, #tpu.memory_space<semaphore_mem>>)
      %dma_start3A_644 = arith.constant 3 : i32
      %dma_start3A_645 = arith.constant 0 : i32
      %dma_start3A_646 = arith.constant 0 : i32
      %dma_start3A_647 = tpu.memref_slice %arg6[%dma_start3A_644, %dma_start3A_645, %dma_start3A_646] : memref<4x64x128xf32, #tpu.memory_space<vmem>> -> memref<1x64x128xf32, #tpu.memory_space<vmem>>
      %dma_start3A_648 = tpu.memref_squeeze %dma_start3A_647 : memref<1x64x128xf32, #tpu.memory_space<vmem>> -> memref<64x128xf32, #tpu.memory_space<vmem>>
      %dma_start3A_649 = arith.constant 56 : i32
      %dma_start3A_650 = arith.constant 0 : i32
      %dma_start3A_651 = tpu.memref_slice %dma_start3A_648[%dma_start3A_649, %dma_start3A_650] : memref<64x128xf32, #tpu.memory_space<vmem>> -> memref<8x128xf32, #tpu.memory_space<vmem>>
      %dma_start3A_652 = arith.constant 56 : i32
      %dma_start3A_653 = tpu.memref_slice %arg2[%dma_start3A_652, %multiple_of3A_510] : memref<64x1000000xf32, #tpu.memory_space<hbm>> -> memref<8x128xf32, #tpu.memory_space<hbm>>
      %dma_start3A_654 = arith.constant 0 : i32
      %dma_start3A_655 = arith.constant 0 : i32
      %dma_start3A_656 = tpu.memref_slice %arg6[%dma_start3A_644, %dma_start3A_654, %dma_start3A_655] : memref<4x64x128xf32, #tpu.memory_space<vmem>> -> memref<1x64x128xf32, #tpu.memory_space<vmem>>
      %dma_start3A_657 = tpu.memref_squeeze %dma_start3A_656 : memref<1x64x128xf32, #tpu.memory_space<vmem>> -> memref<64x128xf32, #tpu.memory_space<vmem>>
      %dma_start3A_658 = arith.constant 56 : i32
      %dma_start3A_659 = arith.constant 0 : i32
      %dma_start3A_660 = tpu.memref_slice %dma_start3A_657[%dma_start3A_658, %dma_start3A_659] : memref<64x128xf32, #tpu.memory_space<vmem>> -> memref<8x128xf32, #tpu.memory_space<vmem>>
      %dma_start3A_661 = arith.constant 56 : i32
      %dma_start3A_662 = tpu.memref_slice %arg2[%dma_start3A_661, %multiple_of3A_510] : memref<64x1000000xf32, #tpu.memory_space<hbm>> -> memref<8x128xf32, #tpu.memory_space<hbm>>
      tpu.enqueue_dma source(%dma_start3A_662 : memref<8x128xf32, #tpu.memory_space<hbm>>) target(%dma_start3A_660 : memref<8x128xf32, #tpu.memory_space<vmem>>) target_semaphore(%arg10 : memref<!tpu.dma_semaphore, #tpu.memory_space<semaphore_mem>>)
      %shift_right_arithmetic3A_663 = arith.constant 7 : i32
      %shift_right_arithmetic3A_664 = arith.shrsi %squeeze3A_16, %shift_right_arithmetic3A_663 : i32
      %shift_left3A_665 = arith.constant 7 : i32
      %shift_left3A_666 = arith.shli %shift_right_arithmetic3A_664, %shift_left3A_665 : i32
      %multiple_of3A_667 = tpu.assume_multiple %shift_left3A_666, 128 : i32
      %dma_start3A_668 = arith.constant 0 : i32
      %dma_start3A_669 = arith.constant 0 : i32
      %dma_start3A_670 = arith.constant 0 : i32
      %dma_start3A_671 = tpu.memref_slice %arg7[%dma_start3A_668, %dma_start3A_669, %dma_start3A_670] : memref<4x64x128xf32, #tpu.memory_space<vmem>> -> memref<1x64x128xf32, #tpu.memory_space<vmem>>
      %dma_start3A_672 = tpu.memref_squeeze %dma_start3A_671 : memref<1x64x128xf32, #tpu.memory_space<vmem>> -> memref<64x128xf32, #tpu.memory_space<vmem>>
      %dma_start3A_673 = arith.constant 0 : i32
      %dma_start3A_674 = arith.constant 0 : i32
      %dma_start3A_675 = tpu.memref_slice %dma_start3A_672[%dma_start3A_673, %dma_start3A_674] : memref<64x128xf32, #tpu.memory_space<vmem>> -> memref<8x128xf32, #tpu.memory_space<vmem>>
      %dma_start3A_676 = arith.constant 0 : i32
      %dma_start3A_677 = tpu.memref_slice %arg2[%dma_start3A_676, %multiple_of3A_667] : memref<64x1000000xf32, #tpu.memory_space<hbm>> -> memref<8x128xf32, #tpu.memory_space<hbm>>
      %dma_start3A_678 = arith.constant 0 : i32
      %dma_start3A_679 = arith.constant 0 : i32
      %dma_start3A_680 = tpu.memref_slice %arg7[%dma_start3A_668, %dma_start3A_678, %dma_start3A_679] : memref<4x64x128xf32, #tpu.memory_space<vmem>> -> memref<1x64x128xf32, #tpu.memory_space<vmem>>
      %dma_start3A_681 = tpu.memref_squeeze %dma_start3A_680 : memref<1x64x128xf32, #tpu.memory_space<vmem>> -> memref<64x128xf32, #tpu.memory_space<vmem>>
      %dma_start3A_682 = arith.constant 0 : i32
      %dma_start3A_683 = arith.constant 0 : i32
      %dma_start3A_684 = tpu.memref_slice %dma_start3A_681[%dma_start3A_682, %dma_start3A_683] : memref<64x128xf32, #tpu.memory_space<vmem>> -> memref<8x128xf32, #tpu.memory_space<vmem>>
      %dma_start3A_685 = arith.constant 0 : i32
      %dma_start3A_686 = tpu.memref_slice %arg2[%dma_start3A_685, %multiple_of3A_667] : memref<64x1000000xf32, #tpu.memory_space<hbm>> -> memref<8x128xf32, #tpu.memory_space<hbm>>
      tpu.enqueue_dma source(%dma_start3A_686 : memref<8x128xf32, #tpu.memory_space<hbm>>) target(%dma_start3A_684 : memref<8x128xf32, #tpu.memory_space<vmem>>) target_semaphore(%arg11 : memref<!tpu.dma_semaphore, #tpu.memory_space<semaphore_mem>>)
      %dma_start3A_687 = arith.constant 0 : i32
      %dma_start3A_688 = arith.constant 0 : i32
      %dma_start3A_689 = arith.constant 0 : i32
      %dma_start3A_690 = tpu.memref_slice %arg7[%dma_start3A_687, %dma_start3A_688, %dma_start3A_689] : memref<4x64x128xf32, #tpu.memory_space<vmem>> -> memref<1x64x128xf32, #tpu.memory_space<vmem>>
      %dma_start3A_691 = tpu.memref_squeeze %dma_start3A_690 : memref<1x64x128xf32, #tpu.memory_space<vmem>> -> memref<64x128xf32, #tpu.memory_space<vmem>>
      %dma_start3A_692 = arith.constant 8 : i32
      %dma_start3A_693 = arith.constant 0 : i32
      %dma_start3A_694 = tpu.memref_slice %dma_start3A_691[%dma_start3A_692, %dma_start3A_693] : memref<64x128xf32, #tpu.memory_space<vmem>> -> memref<8x128xf32, #tpu.memory_space<vmem>>
      %dma_start3A_695 = arith.constant 8 : i32
      %dma_start3A_696 = tpu.memref_slice %arg2[%dma_start3A_695, %multiple_of3A_667] : memref<64x1000000xf32, #tpu.memory_space<hbm>> -> memref<8x128xf32, #tpu.memory_space<hbm>>
      %dma_start3A_697 = arith.constant 0 : i32
      %dma_start3A_698 = arith.constant 0 : i32
      %dma_start3A_699 = tpu.memref_slice %arg7[%dma_start3A_687, %dma_start3A_697, %dma_start3A_698] : memref<4x64x128xf32, #tpu.memory_space<vmem>> -> memref<1x64x128xf32, #tpu.memory_space<vmem>>
      %dma_start3A_700 = tpu.memref_squeeze %dma_start3A_699 : memref<1x64x128xf32, #tpu.memory_space<vmem>> -> memref<64x128xf32, #tpu.memory_space<vmem>>
      %dma_start3A_701 = arith.constant 8 : i32
      %dma_start3A_702 = arith.constant 0 : i32
      %dma_start3A_703 = tpu.memref_slice %dma_start3A_700[%dma_start3A_701, %dma_start3A_702] : memref<64x128xf32, #tpu.memory_space<vmem>> -> memref<8x128xf32, #tpu.memory_space<vmem>>
      %dma_start3A_704 = arith.constant 8 : i32
      %dma_start3A_705 = tpu.memref_slice %arg2[%dma_start3A_704, %multiple_of3A_667] : memref<64x1000000xf32, #tpu.memory_space<hbm>> -> memref<8x128xf32, #tpu.memory_space<hbm>>
      tpu.enqueue_dma source(%dma_start3A_705 : memref<8x128xf32, #tpu.memory_space<hbm>>) target(%dma_start3A_703 : memref<8x128xf32, #tpu.memory_space<vmem>>) target_semaphore(%arg11 : memref<!tpu.dma_semaphore, #tpu.memory_space<semaphore_mem>>)
      %dma_start3A_706 = arith.constant 0 : i32
      %dma_start3A_707 = arith.constant 0 : i32
      %dma_start3A_708 = arith.constant 0 : i32
      %dma_start3A_709 = tpu.memref_slice %arg7[%dma_start3A_706, %dma_start3A_707, %dma_start3A_708] : memref<4x64x128xf32, #tpu.memory_space<vmem>> -> memref<1x64x128xf32, #tpu.memory_space<vmem>>
      %dma_start3A_710 = tpu.memref_squeeze %dma_start3A_709 : memref<1x64x128xf32, #tpu.memory_space<vmem>> -> memref<64x128xf32, #tpu.memory_space<vmem>>
      %dma_start3A_711 = arith.constant 16 : i32
      %dma_start3A_712 = arith.constant 0 : i32
      %dma_start3A_713 = tpu.memref_slice %dma_start3A_710[%dma_start3A_711, %dma_start3A_712] : memref<64x128xf32, #tpu.memory_space<vmem>> -> memref<8x128xf32, #tpu.memory_space<vmem>>
      %dma_start3A_714 = arith.constant 16 : i32
      %dma_start3A_715 = tpu.memref_slice %arg2[%dma_start3A_714, %multiple_of3A_667] : memref<64x1000000xf32, #tpu.memory_space<hbm>> -> memref<8x128xf32, #tpu.memory_space<hbm>>
      %dma_start3A_716 = arith.constant 0 : i32
      %dma_start3A_717 = arith.constant 0 : i32
      %dma_start3A_718 = tpu.memref_slice %arg7[%dma_start3A_706, %dma_start3A_716, %dma_start3A_717] : memref<4x64x128xf32, #tpu.memory_space<vmem>> -> memref<1x64x128xf32, #tpu.memory_space<vmem>>
      %dma_start3A_719 = tpu.memref_squeeze %dma_start3A_718 : memref<1x64x128xf32, #tpu.memory_space<vmem>> -> memref<64x128xf32, #tpu.memory_space<vmem>>
      %dma_start3A_720 = arith.constant 16 : i32
      %dma_start3A_721 = arith.constant 0 : i32
      %dma_start3A_722 = tpu.memref_slice %dma_start3A_719[%dma_start3A_720, %dma_start3A_721] : memref<64x128xf32, #tpu.memory_space<vmem>> -> memref<8x128xf32, #tpu.memory_space<vmem>>
      %dma_start3A_723 = arith.constant 16 : i32
      %dma_start3A_724 = tpu.memref_slice %arg2[%dma_start3A_723, %multiple_of3A_667] : memref<64x1000000xf32, #tpu.memory_space<hbm>> -> memref<8x128xf32, #tpu.memory_space<hbm>>
      tpu.enqueue_dma source(%dma_start3A_724 : memref<8x128xf32, #tpu.memory_space<hbm>>) target(%dma_start3A_722 : memref<8x128xf32, #tpu.memory_space<vmem>>) target_semaphore(%arg11 : memref<!tpu.dma_semaphore, #tpu.memory_space<semaphore_mem>>)
      %dma_start3A_725 = arith.constant 0 : i32
      %dma_start3A_726 = arith.constant 0 : i32
      %dma_start3A_727 = arith.constant 0 : i32
      %dma_start3A_728 = tpu.memref_slice %arg7[%dma_start3A_725, %dma_start3A_726, %dma_start3A_727] : memref<4x64x128xf32, #tpu.memory_space<vmem>> -> memref<1x64x128xf32, #tpu.memory_space<vmem>>
      %dma_start3A_729 = tpu.memref_squeeze %dma_start3A_728 : memref<1x64x128xf32, #tpu.memory_space<vmem>> -> memref<64x128xf32, #tpu.memory_space<vmem>>
      %dma_start3A_730 = arith.constant 24 : i32
      %dma_start3A_731 = arith.constant 0 : i32
      %dma_start3A_732 = tpu.memref_slice %dma_start3A_729[%dma_start3A_730, %dma_start3A_731] : memref<64x128xf32, #tpu.memory_space<vmem>> -> memref<8x128xf32, #tpu.memory_space<vmem>>
      %dma_start3A_733 = arith.constant 24 : i32
      %dma_start3A_734 = tpu.memref_slice %arg2[%dma_start3A_733, %multiple_of3A_667] : memref<64x1000000xf32, #tpu.memory_space<hbm>> -> memref<8x128xf32, #tpu.memory_space<hbm>>
      %dma_start3A_735 = arith.constant 0 : i32
      %dma_start3A_736 = arith.constant 0 : i32
      %dma_start3A_737 = tpu.memref_slice %arg7[%dma_start3A_725, %dma_start3A_735, %dma_start3A_736] : memref<4x64x128xf32, #tpu.memory_space<vmem>> -> memref<1x64x128xf32, #tpu.memory_space<vmem>>
      %dma_start3A_738 = tpu.memref_squeeze %dma_start3A_737 : memref<1x64x128xf32, #tpu.memory_space<vmem>> -> memref<64x128xf32, #tpu.memory_space<vmem>>
      %dma_start3A_739 = arith.constant 24 : i32
      %dma_start3A_740 = arith.constant 0 : i32
      %dma_start3A_741 = tpu.memref_slice %dma_start3A_738[%dma_start3A_739, %dma_start3A_740] : memref<64x128xf32, #tpu.memory_space<vmem>> -> memref<8x128xf32, #tpu.memory_space<vmem>>
      %dma_start3A_742 = arith.constant 24 : i32
      %dma_start3A_743 = tpu.memref_slice %arg2[%dma_start3A_742, %multiple_of3A_667] : memref<64x1000000xf32, #tpu.memory_space<hbm>> -> memref<8x128xf32, #tpu.memory_space<hbm>>
      tpu.enqueue_dma source(%dma_start3A_743 : memref<8x128xf32, #tpu.memory_space<hbm>>) target(%dma_start3A_741 : memref<8x128xf32, #tpu.memory_space<vmem>>) target_semaphore(%arg11 : memref<!tpu.dma_semaphore, #tpu.memory_space<semaphore_mem>>)
      %dma_start3A_744 = arith.constant 0 : i32
      %dma_start3A_745 = arith.constant 0 : i32
      %dma_start3A_746 = arith.constant 0 : i32
      %dma_start3A_747 = tpu.memref_slice %arg7[%dma_start3A_744, %dma_start3A_745, %dma_start3A_746] : memref<4x64x128xf32, #tpu.memory_space<vmem>> -> memref<1x64x128xf32, #tpu.memory_space<vmem>>
      %dma_start3A_748 = tpu.memref_squeeze %dma_start3A_747 : memref<1x64x128xf32, #tpu.memory_space<vmem>> -> memref<64x128xf32, #tpu.memory_space<vmem>>
      %dma_start3A_749 = arith.constant 32 : i32
      %dma_start3A_750 = arith.constant 0 : i32
      %dma_start3A_751 = tpu.memref_slice %dma_start3A_748[%dma_start3A_749, %dma_start3A_750] : memref<64x128xf32, #tpu.memory_space<vmem>> -> memref<8x128xf32, #tpu.memory_space<vmem>>
      %dma_start3A_752 = arith.constant 32 : i32
      %dma_start3A_753 = tpu.memref_slice %arg2[%dma_start3A_752, %multiple_of3A_667] : memref<64x1000000xf32, #tpu.memory_space<hbm>> -> memref<8x128xf32, #tpu.memory_space<hbm>>
      %dma_start3A_754 = arith.constant 0 : i32
      %dma_start3A_755 = arith.constant 0 : i32
      %dma_start3A_756 = tpu.memref_slice %arg7[%dma_start3A_744, %dma_start3A_754, %dma_start3A_755] : memref<4x64x128xf32, #tpu.memory_space<vmem>> -> memref<1x64x128xf32, #tpu.memory_space<vmem>>
      %dma_start3A_757 = tpu.memref_squeeze %dma_start3A_756 : memref<1x64x128xf32, #tpu.memory_space<vmem>> -> memref<64x128xf32, #tpu.memory_space<vmem>>
      %dma_start3A_758 = arith.constant 32 : i32
      %dma_start3A_759 = arith.constant 0 : i32
      %dma_start3A_760 = tpu.memref_slice %dma_start3A_757[%dma_start3A_758, %dma_start3A_759] : memref<64x128xf32, #tpu.memory_space<vmem>> -> memref<8x128xf32, #tpu.memory_space<vmem>>
      %dma_start3A_761 = arith.constant 32 : i32
      %dma_start3A_762 = tpu.memref_slice %arg2[%dma_start3A_761, %multiple_of3A_667] : memref<64x1000000xf32, #tpu.memory_space<hbm>> -> memref<8x128xf32, #tpu.memory_space<hbm>>
      tpu.enqueue_dma source(%dma_start3A_762 : memref<8x128xf32, #tpu.memory_space<hbm>>) target(%dma_start3A_760 : memref<8x128xf32, #tpu.memory_space<vmem>>) target_semaphore(%arg11 : memref<!tpu.dma_semaphore, #tpu.memory_space<semaphore_mem>>)
      %dma_start3A_763 = arith.constant 0 : i32
      %dma_start3A_764 = arith.constant 0 : i32
      %dma_start3A_765 = arith.constant 0 : i32
      %dma_start3A_766 = tpu.memref_slice %arg7[%dma_start3A_763, %dma_start3A_764, %dma_start3A_765] : memref<4x64x128xf32, #tpu.memory_space<vmem>> -> memref<1x64x128xf32, #tpu.memory_space<vmem>>
      %dma_start3A_767 = tpu.memref_squeeze %dma_start3A_766 : memref<1x64x128xf32, #tpu.memory_space<vmem>> -> memref<64x128xf32, #tpu.memory_space<vmem>>
      %dma_start3A_768 = arith.constant 40 : i32
      %dma_start3A_769 = arith.constant 0 : i32
      %dma_start3A_770 = tpu.memref_slice %dma_start3A_767[%dma_start3A_768, %dma_start3A_769] : memref<64x128xf32, #tpu.memory_space<vmem>> -> memref<8x128xf32, #tpu.memory_space<vmem>>
      %dma_start3A_771 = arith.constant 40 : i32
      %dma_start3A_772 = tpu.memref_slice %arg2[%dma_start3A_771, %multiple_of3A_667] : memref<64x1000000xf32, #tpu.memory_space<hbm>> -> memref<8x128xf32, #tpu.memory_space<hbm>>
      %dma_start3A_773 = arith.constant 0 : i32
      %dma_start3A_774 = arith.constant 0 : i32
      %dma_start3A_775 = tpu.memref_slice %arg7[%dma_start3A_763, %dma_start3A_773, %dma_start3A_774] : memref<4x64x128xf32, #tpu.memory_space<vmem>> -> memref<1x64x128xf32, #tpu.memory_space<vmem>>
      %dma_start3A_776 = tpu.memref_squeeze %dma_start3A_775 : memref<1x64x128xf32, #tpu.memory_space<vmem>> -> memref<64x128xf32, #tpu.memory_space<vmem>>
      %dma_start3A_777 = arith.constant 40 : i32
      %dma_start3A_778 = arith.constant 0 : i32
      %dma_start3A_779 = tpu.memref_slice %dma_start3A_776[%dma_start3A_777, %dma_start3A_778] : memref<64x128xf32, #tpu.memory_space<vmem>> -> memref<8x128xf32, #tpu.memory_space<vmem>>
      %dma_start3A_780 = arith.constant 40 : i32
      %dma_start3A_781 = tpu.memref_slice %arg2[%dma_start3A_780, %multiple_of3A_667] : memref<64x1000000xf32, #tpu.memory_space<hbm>> -> memref<8x128xf32, #tpu.memory_space<hbm>>
      tpu.enqueue_dma source(%dma_start3A_781 : memref<8x128xf32, #tpu.memory_space<hbm>>) target(%dma_start3A_779 : memref<8x128xf32, #tpu.memory_space<vmem>>) target_semaphore(%arg11 : memref<!tpu.dma_semaphore, #tpu.memory_space<semaphore_mem>>)
      %dma_start3A_782 = arith.constant 0 : i32
      %dma_start3A_783 = arith.constant 0 : i32
      %dma_start3A_784 = arith.constant 0 : i32
      %dma_start3A_785 = tpu.memref_slice %arg7[%dma_start3A_782, %dma_start3A_783, %dma_start3A_784] : memref<4x64x128xf32, #tpu.memory_space<vmem>> -> memref<1x64x128xf32, #tpu.memory_space<vmem>>
      %dma_start3A_786 = tpu.memref_squeeze %dma_start3A_785 : memref<1x64x128xf32, #tpu.memory_space<vmem>> -> memref<64x128xf32, #tpu.memory_space<vmem>>
      %dma_start3A_787 = arith.constant 48 : i32
      %dma_start3A_788 = arith.constant 0 : i32
      %dma_start3A_789 = tpu.memref_slice %dma_start3A_786[%dma_start3A_787, %dma_start3A_788] : memref<64x128xf32, #tpu.memory_space<vmem>> -> memref<8x128xf32, #tpu.memory_space<vmem>>
      %dma_start3A_790 = arith.constant 48 : i32
      %dma_start3A_791 = tpu.memref_slice %arg2[%dma_start3A_790, %multiple_of3A_667] : memref<64x1000000xf32, #tpu.memory_space<hbm>> -> memref<8x128xf32, #tpu.memory_space<hbm>>
      %dma_start3A_792 = arith.constant 0 : i32
      %dma_start3A_793 = arith.constant 0 : i32
      %dma_start3A_794 = tpu.memref_slice %arg7[%dma_start3A_782, %dma_start3A_792, %dma_start3A_793] : memref<4x64x128xf32, #tpu.memory_space<vmem>> -> memref<1x64x128xf32, #tpu.memory_space<vmem>>
      %dma_start3A_795 = tpu.memref_squeeze %dma_start3A_794 : memref<1x64x128xf32, #tpu.memory_space<vmem>> -> memref<64x128xf32, #tpu.memory_space<vmem>>
      %dma_start3A_796 = arith.constant 48 : i32
      %dma_start3A_797 = arith.constant 0 : i32
      %dma_start3A_798 = tpu.memref_slice %dma_start3A_795[%dma_start3A_796, %dma_start3A_797] : memref<64x128xf32, #tpu.memory_space<vmem>> -> memref<8x128xf32, #tpu.memory_space<vmem>>
      %dma_start3A_799 = arith.constant 48 : i32
      %dma_start3A_800 = tpu.memref_slice %arg2[%dma_start3A_799, %multiple_of3A_667] : memref<64x1000000xf32, #tpu.memory_space<hbm>> -> memref<8x128xf32, #tpu.memory_space<hbm>>
      tpu.enqueue_dma source(%dma_start3A_800 : memref<8x128xf32, #tpu.memory_space<hbm>>) target(%dma_start3A_798 : memref<8x128xf32, #tpu.memory_space<vmem>>) target_semaphore(%arg11 : memref<!tpu.dma_semaphore, #tpu.memory_space<semaphore_mem>>)
      %dma_start3A_801 = arith.constant 0 : i32
      %dma_start3A_802 = arith.constant 0 : i32
      %dma_start3A_803 = arith.constant 0 : i32
      %dma_start3A_804 = tpu.memref_slice %arg7[%dma_start3A_801, %dma_start3A_802, %dma_start3A_803] : memref<4x64x128xf32, #tpu.memory_space<vmem>> -> memref<1x64x128xf32, #tpu.memory_space<vmem>>
      %dma_start3A_805 = tpu.memref_squeeze %dma_start3A_804 : memref<1x64x128xf32, #tpu.memory_space<vmem>> -> memref<64x128xf32, #tpu.memory_space<vmem>>
      %dma_start3A_806 = arith.constant 56 : i32
      %dma_start3A_807 = arith.constant 0 : i32
      %dma_start3A_808 = tpu.memref_slice %dma_start3A_805[%dma_start3A_806, %dma_start3A_807] : memref<64x128xf32, #tpu.memory_space<vmem>> -> memref<8x128xf32, #tpu.memory_space<vmem>>
      %dma_start3A_809 = arith.constant 56 : i32
      %dma_start3A_810 = tpu.memref_slice %arg2[%dma_start3A_809, %multiple_of3A_667] : memref<64x1000000xf32, #tpu.memory_space<hbm>> -> memref<8x128xf32, #tpu.memory_space<hbm>>
      %dma_start3A_811 = arith.constant 0 : i32
      %dma_start3A_812 = arith.constant 0 : i32
      %dma_start3A_813 = tpu.memref_slice %arg7[%dma_start3A_801, %dma_start3A_811, %dma_start3A_812] : memref<4x64x128xf32, #tpu.memory_space<vmem>> -> memref<1x64x128xf32, #tpu.memory_space<vmem>>
      %dma_start3A_814 = tpu.memref_squeeze %dma_start3A_813 : memref<1x64x128xf32, #tpu.memory_space<vmem>> -> memref<64x128xf32, #tpu.memory_space<vmem>>
      %dma_start3A_815 = arith.constant 56 : i32
      %dma_start3A_816 = arith.constant 0 : i32
      %dma_start3A_817 = tpu.memref_slice %dma_start3A_814[%dma_start3A_815, %dma_start3A_816] : memref<64x128xf32, #tpu.memory_space<vmem>> -> memref<8x128xf32, #tpu.memory_space<vmem>>
      %dma_start3A_818 = arith.constant 56 : i32
      %dma_start3A_819 = tpu.memref_slice %arg2[%dma_start3A_818, %multiple_of3A_667] : memref<64x1000000xf32, #tpu.memory_space<hbm>> -> memref<8x128xf32, #tpu.memory_space<hbm>>
      tpu.enqueue_dma source(%dma_start3A_819 : memref<8x128xf32, #tpu.memory_space<hbm>>) target(%dma_start3A_817 : memref<8x128xf32, #tpu.memory_space<vmem>>) target_semaphore(%arg11 : memref<!tpu.dma_semaphore, #tpu.memory_space<semaphore_mem>>)
      %shift_right_arithmetic3A_820 = arith.constant 7 : i32
      %shift_right_arithmetic3A_821 = arith.shrsi %squeeze3A_18, %shift_right_arithmetic3A_820 : i32
      %shift_left3A_822 = arith.constant 7 : i32
      %shift_left3A_823 = arith.shli %shift_right_arithmetic3A_821, %shift_left3A_822 : i32
      %multiple_of3A_824 = tpu.assume_multiple %shift_left3A_823, 128 : i32
      %dma_start3A_825 = arith.constant 1 : i32
      %dma_start3A_826 = arith.constant 0 : i32
      %dma_start3A_827 = arith.constant 0 : i32
      %dma_start3A_828 = tpu.memref_slice %arg7[%dma_start3A_825, %dma_start3A_826, %dma_start3A_827] : memref<4x64x128xf32, #tpu.memory_space<vmem>> -> memref<1x64x128xf32, #tpu.memory_space<vmem>>
      %dma_start3A_829 = tpu.memref_squeeze %dma_start3A_828 : memref<1x64x128xf32, #tpu.memory_space<vmem>> -> memref<64x128xf32, #tpu.memory_space<vmem>>
      %dma_start3A_830 = arith.constant 0 : i32
      %dma_start3A_831 = arith.constant 0 : i32
      %dma_start3A_832 = tpu.memref_slice %dma_start3A_829[%dma_start3A_830, %dma_start3A_831] : memref<64x128xf32, #tpu.memory_space<vmem>> -> memref<8x128xf32, #tpu.memory_space<vmem>>
      %dma_start3A_833 = arith.constant 0 : i32
      %dma_start3A_834 = tpu.memref_slice %arg2[%dma_start3A_833, %multiple_of3A_824] : memref<64x1000000xf32, #tpu.memory_space<hbm>> -> memref<8x128xf32, #tpu.memory_space<hbm>>
      %dma_start3A_835 = arith.constant 0 : i32
      %dma_start3A_836 = arith.constant 0 : i32
      %dma_start3A_837 = tpu.memref_slice %arg7[%dma_start3A_825, %dma_start3A_835, %dma_start3A_836] : memref<4x64x128xf32, #tpu.memory_space<vmem>> -> memref<1x64x128xf32, #tpu.memory_space<vmem>>
      %dma_start3A_838 = tpu.memref_squeeze %dma_start3A_837 : memref<1x64x128xf32, #tpu.memory_space<vmem>> -> memref<64x128xf32, #tpu.memory_space<vmem>>
      %dma_start3A_839 = arith.constant 0 : i32
      %dma_start3A_840 = arith.constant 0 : i32
      %dma_start3A_841 = tpu.memref_slice %dma_start3A_838[%dma_start3A_839, %dma_start3A_840] : memref<64x128xf32, #tpu.memory_space<vmem>> -> memref<8x128xf32, #tpu.memory_space<vmem>>
      %dma_start3A_842 = arith.constant 0 : i32
      %dma_start3A_843 = tpu.memref_slice %arg2[%dma_start3A_842, %multiple_of3A_824] : memref<64x1000000xf32, #tpu.memory_space<hbm>> -> memref<8x128xf32, #tpu.memory_space<hbm>>
      tpu.enqueue_dma source(%dma_start3A_843 : memref<8x128xf32, #tpu.memory_space<hbm>>) target(%dma_start3A_841 : memref<8x128xf32, #tpu.memory_space<vmem>>) target_semaphore(%arg11 : memref<!tpu.dma_semaphore, #tpu.memory_space<semaphore_mem>>)
      %dma_start3A_844 = arith.constant 1 : i32
      %dma_start3A_845 = arith.constant 0 : i32
      %dma_start3A_846 = arith.constant 0 : i32
      %dma_start3A_847 = tpu.memref_slice %arg7[%dma_start3A_844, %dma_start3A_845, %dma_start3A_846] : memref<4x64x128xf32, #tpu.memory_space<vmem>> -> memref<1x64x128xf32, #tpu.memory_space<vmem>>
      %dma_start3A_848 = tpu.memref_squeeze %dma_start3A_847 : memref<1x64x128xf32, #tpu.memory_space<vmem>> -> memref<64x128xf32, #tpu.memory_space<vmem>>
      %dma_start3A_849 = arith.constant 8 : i32
      %dma_start3A_850 = arith.constant 0 : i32
      %dma_start3A_851 = tpu.memref_slice %dma_start3A_848[%dma_start3A_849, %dma_start3A_850] : memref<64x128xf32, #tpu.memory_space<vmem>> -> memref<8x128xf32, #tpu.memory_space<vmem>>
      %dma_start3A_852 = arith.constant 8 : i32
      %dma_start3A_853 = tpu.memref_slice %arg2[%dma_start3A_852, %multiple_of3A_824] : memref<64x1000000xf32, #tpu.memory_space<hbm>> -> memref<8x128xf32, #tpu.memory_space<hbm>>
      %dma_start3A_854 = arith.constant 0 : i32
      %dma_start3A_855 = arith.constant 0 : i32
      %dma_start3A_856 = tpu.memref_slice %arg7[%dma_start3A_844, %dma_start3A_854, %dma_start3A_855] : memref<4x64x128xf32, #tpu.memory_space<vmem>> -> memref<1x64x128xf32, #tpu.memory_space<vmem>>
      %dma_start3A_857 = tpu.memref_squeeze %dma_start3A_856 : memref<1x64x128xf32, #tpu.memory_space<vmem>> -> memref<64x128xf32, #tpu.memory_space<vmem>>
      %dma_start3A_858 = arith.constant 8 : i32
      %dma_start3A_859 = arith.constant 0 : i32
      %dma_start3A_860 = tpu.memref_slice %dma_start3A_857[%dma_start3A_858, %dma_start3A_859] : memref<64x128xf32, #tpu.memory_space<vmem>> -> memref<8x128xf32, #tpu.memory_space<vmem>>
      %dma_start3A_861 = arith.constant 8 : i32
      %dma_start3A_862 = tpu.memref_slice %arg2[%dma_start3A_861, %multiple_of3A_824] : memref<64x1000000xf32, #tpu.memory_space<hbm>> -> memref<8x128xf32, #tpu.memory_space<hbm>>
      tpu.enqueue_dma source(%dma_start3A_862 : memref<8x128xf32, #tpu.memory_space<hbm>>) target(%dma_start3A_860 : memref<8x128xf32, #tpu.memory_space<vmem>>) target_semaphore(%arg11 : memref<!tpu.dma_semaphore, #tpu.memory_space<semaphore_mem>>)
      %dma_start3A_863 = arith.constant 1 : i32
      %dma_start3A_864 = arith.constant 0 : i32
      %dma_start3A_865 = arith.constant 0 : i32
      %dma_start3A_866 = tpu.memref_slice %arg7[%dma_start3A_863, %dma_start3A_864, %dma_start3A_865] : memref<4x64x128xf32, #tpu.memory_space<vmem>> -> memref<1x64x128xf32, #tpu.memory_space<vmem>>
      %dma_start3A_867 = tpu.memref_squeeze %dma_start3A_866 : memref<1x64x128xf32, #tpu.memory_space<vmem>> -> memref<64x128xf32, #tpu.memory_space<vmem>>
      %dma_start3A_868 = arith.constant 16 : i32
      %dma_start3A_869 = arith.constant 0 : i32
      %dma_start3A_870 = tpu.memref_slice %dma_start3A_867[%dma_start3A_868, %dma_start3A_869] : memref<64x128xf32, #tpu.memory_space<vmem>> -> memref<8x128xf32, #tpu.memory_space<vmem>>
      %dma_start3A_871 = arith.constant 16 : i32
      %dma_start3A_872 = tpu.memref_slice %arg2[%dma_start3A_871, %multiple_of3A_824] : memref<64x1000000xf32, #tpu.memory_space<hbm>> -> memref<8x128xf32, #tpu.memory_space<hbm>>
      %dma_start3A_873 = arith.constant 0 : i32
      %dma_start3A_874 = arith.constant 0 : i32
      %dma_start3A_875 = tpu.memref_slice %arg7[%dma_start3A_863, %dma_start3A_873, %dma_start3A_874] : memref<4x64x128xf32, #tpu.memory_space<vmem>> -> memref<1x64x128xf32, #tpu.memory_space<vmem>>
      %dma_start3A_876 = tpu.memref_squeeze %dma_start3A_875 : memref<1x64x128xf32, #tpu.memory_space<vmem>> -> memref<64x128xf32, #tpu.memory_space<vmem>>
      %dma_start3A_877 = arith.constant 16 : i32
      %dma_start3A_878 = arith.constant 0 : i32
      %dma_start3A_879 = tpu.memref_slice %dma_start3A_876[%dma_start3A_877, %dma_start3A_878] : memref<64x128xf32, #tpu.memory_space<vmem>> -> memref<8x128xf32, #tpu.memory_space<vmem>>
      %dma_start3A_880 = arith.constant 16 : i32
      %dma_start3A_881 = tpu.memref_slice %arg2[%dma_start3A_880, %multiple_of3A_824] : memref<64x1000000xf32, #tpu.memory_space<hbm>> -> memref<8x128xf32, #tpu.memory_space<hbm>>
      tpu.enqueue_dma source(%dma_start3A_881 : memref<8x128xf32, #tpu.memory_space<hbm>>) target(%dma_start3A_879 : memref<8x128xf32, #tpu.memory_space<vmem>>) target_semaphore(%arg11 : memref<!tpu.dma_semaphore, #tpu.memory_space<semaphore_mem>>)
      %dma_start3A_882 = arith.constant 1 : i32
      %dma_start3A_883 = arith.constant 0 : i32
      %dma_start3A_884 = arith.constant 0 : i32
      %dma_start3A_885 = tpu.memref_slice %arg7[%dma_start3A_882, %dma_start3A_883, %dma_start3A_884] : memref<4x64x128xf32, #tpu.memory_space<vmem>> -> memref<1x64x128xf32, #tpu.memory_space<vmem>>
      %dma_start3A_886 = tpu.memref_squeeze %dma_start3A_885 : memref<1x64x128xf32, #tpu.memory_space<vmem>> -> memref<64x128xf32, #tpu.memory_space<vmem>>
      %dma_start3A_887 = arith.constant 24 : i32
      %dma_start3A_888 = arith.constant 0 : i32
      %dma_start3A_889 = tpu.memref_slice %dma_start3A_886[%dma_start3A_887, %dma_start3A_888] : memref<64x128xf32, #tpu.memory_space<vmem>> -> memref<8x128xf32, #tpu.memory_space<vmem>>
      %dma_start3A_890 = arith.constant 24 : i32
      %dma_start3A_891 = tpu.memref_slice %arg2[%dma_start3A_890, %multiple_of3A_824] : memref<64x1000000xf32, #tpu.memory_space<hbm>> -> memref<8x128xf32, #tpu.memory_space<hbm>>
      %dma_start3A_892 = arith.constant 0 : i32
      %dma_start3A_893 = arith.constant 0 : i32
      %dma_start3A_894 = tpu.memref_slice %arg7[%dma_start3A_882, %dma_start3A_892, %dma_start3A_893] : memref<4x64x128xf32, #tpu.memory_space<vmem>> -> memref<1x64x128xf32, #tpu.memory_space<vmem>>
      %dma_start3A_895 = tpu.memref_squeeze %dma_start3A_894 : memref<1x64x128xf32, #tpu.memory_space<vmem>> -> memref<64x128xf32, #tpu.memory_space<vmem>>
      %dma_start3A_896 = arith.constant 24 : i32
      %dma_start3A_897 = arith.constant 0 : i32
      %dma_start3A_898 = tpu.memref_slice %dma_start3A_895[%dma_start3A_896, %dma_start3A_897] : memref<64x128xf32, #tpu.memory_space<vmem>> -> memref<8x128xf32, #tpu.memory_space<vmem>>
      %dma_start3A_899 = arith.constant 24 : i32
      %dma_start3A_900 = tpu.memref_slice %arg2[%dma_start3A_899, %multiple_of3A_824] : memref<64x1000000xf32, #tpu.memory_space<hbm>> -> memref<8x128xf32, #tpu.memory_space<hbm>>
      tpu.enqueue_dma source(%dma_start3A_900 : memref<8x128xf32, #tpu.memory_space<hbm>>) target(%dma_start3A_898 : memref<8x128xf32, #tpu.memory_space<vmem>>) target_semaphore(%arg11 : memref<!tpu.dma_semaphore, #tpu.memory_space<semaphore_mem>>)
      %dma_start3A_901 = arith.constant 1 : i32
      %dma_start3A_902 = arith.constant 0 : i32
      %dma_start3A_903 = arith.constant 0 : i32
      %dma_start3A_904 = tpu.memref_slice %arg7[%dma_start3A_901, %dma_start3A_902, %dma_start3A_903] : memref<4x64x128xf32, #tpu.memory_space<vmem>> -> memref<1x64x128xf32, #tpu.memory_space<vmem>>
      %dma_start3A_905 = tpu.memref_squeeze %dma_start3A_904 : memref<1x64x128xf32, #tpu.memory_space<vmem>> -> memref<64x128xf32, #tpu.memory_space<vmem>>
      %dma_start3A_906 = arith.constant 32 : i32
      %dma_start3A_907 = arith.constant 0 : i32
      %dma_start3A_908 = tpu.memref_slice %dma_start3A_905[%dma_start3A_906, %dma_start3A_907] : memref<64x128xf32, #tpu.memory_space<vmem>> -> memref<8x128xf32, #tpu.memory_space<vmem>>
      %dma_start3A_909 = arith.constant 32 : i32
      %dma_start3A_910 = tpu.memref_slice %arg2[%dma_start3A_909, %multiple_of3A_824] : memref<64x1000000xf32, #tpu.memory_space<hbm>> -> memref<8x128xf32, #tpu.memory_space<hbm>>
      %dma_start3A_911 = arith.constant 0 : i32
      %dma_start3A_912 = arith.constant 0 : i32
      %dma_start3A_913 = tpu.memref_slice %arg7[%dma_start3A_901, %dma_start3A_911, %dma_start3A_912] : memref<4x64x128xf32, #tpu.memory_space<vmem>> -> memref<1x64x128xf32, #tpu.memory_space<vmem>>
      %dma_start3A_914 = tpu.memref_squeeze %dma_start3A_913 : memref<1x64x128xf32, #tpu.memory_space<vmem>> -> memref<64x128xf32, #tpu.memory_space<vmem>>
      %dma_start3A_915 = arith.constant 32 : i32
      %dma_start3A_916 = arith.constant 0 : i32
      %dma_start3A_917 = tpu.memref_slice %dma_start3A_914[%dma_start3A_915, %dma_start3A_916] : memref<64x128xf32, #tpu.memory_space<vmem>> -> memref<8x128xf32, #tpu.memory_space<vmem>>
      %dma_start3A_918 = arith.constant 32 : i32
      %dma_start3A_919 = tpu.memref_slice %arg2[%dma_start3A_918, %multiple_of3A_824] : memref<64x1000000xf32, #tpu.memory_space<hbm>> -> memref<8x128xf32, #tpu.memory_space<hbm>>
      tpu.enqueue_dma source(%dma_start3A_919 : memref<8x128xf32, #tpu.memory_space<hbm>>) target(%dma_start3A_917 : memref<8x128xf32, #tpu.memory_space<vmem>>) target_semaphore(%arg11 : memref<!tpu.dma_semaphore, #tpu.memory_space<semaphore_mem>>)
      %dma_start3A_920 = arith.constant 1 : i32
      %dma_start3A_921 = arith.constant 0 : i32
      %dma_start3A_922 = arith.constant 0 : i32
      %dma_start3A_923 = tpu.memref_slice %arg7[%dma_start3A_920, %dma_start3A_921, %dma_start3A_922] : memref<4x64x128xf32, #tpu.memory_space<vmem>> -> memref<1x64x128xf32, #tpu.memory_space<vmem>>
      %dma_start3A_924 = tpu.memref_squeeze %dma_start3A_923 : memref<1x64x128xf32, #tpu.memory_space<vmem>> -> memref<64x128xf32, #tpu.memory_space<vmem>>
      %dma_start3A_925 = arith.constant 40 : i32
      %dma_start3A_926 = arith.constant 0 : i32
      %dma_start3A_927 = tpu.memref_slice %dma_start3A_924[%dma_start3A_925, %dma_start3A_926] : memref<64x128xf32, #tpu.memory_space<vmem>> -> memref<8x128xf32, #tpu.memory_space<vmem>>
      %dma_start3A_928 = arith.constant 40 : i32
      %dma_start3A_929 = tpu.memref_slice %arg2[%dma_start3A_928, %multiple_of3A_824] : memref<64x1000000xf32, #tpu.memory_space<hbm>> -> memref<8x128xf32, #tpu.memory_space<hbm>>
      %dma_start3A_930 = arith.constant 0 : i32
      %dma_start3A_931 = arith.constant 0 : i32
      %dma_start3A_932 = tpu.memref_slice %arg7[%dma_start3A_920, %dma_start3A_930, %dma_start3A_931] : memref<4x64x128xf32, #tpu.memory_space<vmem>> -> memref<1x64x128xf32, #tpu.memory_space<vmem>>
      %dma_start3A_933 = tpu.memref_squeeze %dma_start3A_932 : memref<1x64x128xf32, #tpu.memory_space<vmem>> -> memref<64x128xf32, #tpu.memory_space<vmem>>
      %dma_start3A_934 = arith.constant 40 : i32
      %dma_start3A_935 = arith.constant 0 : i32
      %dma_start3A_936 = tpu.memref_slice %dma_start3A_933[%dma_start3A_934, %dma_start3A_935] : memref<64x128xf32, #tpu.memory_space<vmem>> -> memref<8x128xf32, #tpu.memory_space<vmem>>
      %dma_start3A_937 = arith.constant 40 : i32
      %dma_start3A_938 = tpu.memref_slice %arg2[%dma_start3A_937, %multiple_of3A_824] : memref<64x1000000xf32, #tpu.memory_space<hbm>> -> memref<8x128xf32, #tpu.memory_space<hbm>>
      tpu.enqueue_dma source(%dma_start3A_938 : memref<8x128xf32, #tpu.memory_space<hbm>>) target(%dma_start3A_936 : memref<8x128xf32, #tpu.memory_space<vmem>>) target_semaphore(%arg11 : memref<!tpu.dma_semaphore, #tpu.memory_space<semaphore_mem>>)
      %dma_start3A_939 = arith.constant 1 : i32
      %dma_start3A_940 = arith.constant 0 : i32
      %dma_start3A_941 = arith.constant 0 : i32
      %dma_start3A_942 = tpu.memref_slice %arg7[%dma_start3A_939, %dma_start3A_940, %dma_start3A_941] : memref<4x64x128xf32, #tpu.memory_space<vmem>> -> memref<1x64x128xf32, #tpu.memory_space<vmem>>
      %dma_start3A_943 = tpu.memref_squeeze %dma_start3A_942 : memref<1x64x128xf32, #tpu.memory_space<vmem>> -> memref<64x128xf32, #tpu.memory_space<vmem>>
      %dma_start3A_944 = arith.constant 48 : i32
      %dma_start3A_945 = arith.constant 0 : i32
      %dma_start3A_946 = tpu.memref_slice %dma_start3A_943[%dma_start3A_944, %dma_start3A_945] : memref<64x128xf32, #tpu.memory_space<vmem>> -> memref<8x128xf32, #tpu.memory_space<vmem>>
      %dma_start3A_947 = arith.constant 48 : i32
      %dma_start3A_948 = tpu.memref_slice %arg2[%dma_start3A_947, %multiple_of3A_824] : memref<64x1000000xf32, #tpu.memory_space<hbm>> -> memref<8x128xf32, #tpu.memory_space<hbm>>
      %dma_start3A_949 = arith.constant 0 : i32
      %dma_start3A_950 = arith.constant 0 : i32
      %dma_start3A_951 = tpu.memref_slice %arg7[%dma_start3A_939, %dma_start3A_949, %dma_start3A_950] : memref<4x64x128xf32, #tpu.memory_space<vmem>> -> memref<1x64x128xf32, #tpu.memory_space<vmem>>
      %dma_start3A_952 = tpu.memref_squeeze %dma_start3A_951 : memref<1x64x128xf32, #tpu.memory_space<vmem>> -> memref<64x128xf32, #tpu.memory_space<vmem>>
      %dma_start3A_953 = arith.constant 48 : i32
      %dma_start3A_954 = arith.constant 0 : i32
      %dma_start3A_955 = tpu.memref_slice %dma_start3A_952[%dma_start3A_953, %dma_start3A_954] : memref<64x128xf32, #tpu.memory_space<vmem>> -> memref<8x128xf32, #tpu.memory_space<vmem>>
      %dma_start3A_956 = arith.constant 48 : i32
      %dma_start3A_957 = tpu.memref_slice %arg2[%dma_start3A_956, %multiple_of3A_824] : memref<64x1000000xf32, #tpu.memory_space<hbm>> -> memref<8x128xf32, #tpu.memory_space<hbm>>
      tpu.enqueue_dma source(%dma_start3A_957 : memref<8x128xf32, #tpu.memory_space<hbm>>) target(%dma_start3A_955 : memref<8x128xf32, #tpu.memory_space<vmem>>) target_semaphore(%arg11 : memref<!tpu.dma_semaphore, #tpu.memory_space<semaphore_mem>>)
      %dma_start3A_958 = arith.constant 1 : i32
      %dma_start3A_959 = arith.constant 0 : i32
      %dma_start3A_960 = arith.constant 0 : i32
      %dma_start3A_961 = tpu.memref_slice %arg7[%dma_start3A_958, %dma_start3A_959, %dma_start3A_960] : memref<4x64x128xf32, #tpu.memory_space<vmem>> -> memref<1x64x128xf32, #tpu.memory_space<vmem>>
      %dma_start3A_962 = tpu.memref_squeeze %dma_start3A_961 : memref<1x64x128xf32, #tpu.memory_space<vmem>> -> memref<64x128xf32, #tpu.memory_space<vmem>>
      %dma_start3A_963 = arith.constant 56 : i32
      %dma_start3A_964 = arith.constant 0 : i32
      %dma_start3A_965 = tpu.memref_slice %dma_start3A_962[%dma_start3A_963, %dma_start3A_964] : memref<64x128xf32, #tpu.memory_space<vmem>> -> memref<8x128xf32, #tpu.memory_space<vmem>>
      %dma_start3A_966 = arith.constant 56 : i32
      %dma_start3A_967 = tpu.memref_slice %arg2[%dma_start3A_966, %multiple_of3A_824] : memref<64x1000000xf32, #tpu.memory_space<hbm>> -> memref<8x128xf32, #tpu.memory_space<hbm>>
      %dma_start3A_968 = arith.constant 0 : i32
      %dma_start3A_969 = arith.constant 0 : i32
      %dma_start3A_970 = tpu.memref_slice %arg7[%dma_start3A_958, %dma_start3A_968, %dma_start3A_969] : memref<4x64x128xf32, #tpu.memory_space<vmem>> -> memref<1x64x128xf32, #tpu.memory_space<vmem>>
      %dma_start3A_971 = tpu.memref_squeeze %dma_start3A_970 : memref<1x64x128xf32, #tpu.memory_space<vmem>> -> memref<64x128xf32, #tpu.memory_space<vmem>>
      %dma_start3A_972 = arith.constant 56 : i32
      %dma_start3A_973 = arith.constant 0 : i32
      %dma_start3A_974 = tpu.memref_slice %dma_start3A_971[%dma_start3A_972, %dma_start3A_973] : memref<64x128xf32, #tpu.memory_space<vmem>> -> memref<8x128xf32, #tpu.memory_space<vmem>>
      %dma_start3A_975 = arith.constant 56 : i32
      %dma_start3A_976 = tpu.memref_slice %arg2[%dma_start3A_975, %multiple_of3A_824] : memref<64x1000000xf32, #tpu.memory_space<hbm>> -> memref<8x128xf32, #tpu.memory_space<hbm>>
      tpu.enqueue_dma source(%dma_start3A_976 : memref<8x128xf32, #tpu.memory_space<hbm>>) target(%dma_start3A_974 : memref<8x128xf32, #tpu.memory_space<vmem>>) target_semaphore(%arg11 : memref<!tpu.dma_semaphore, #tpu.memory_space<semaphore_mem>>)
      %shift_right_arithmetic3A_977 = arith.constant 7 : i32
      %shift_right_arithmetic3A_978 = arith.shrsi %squeeze3A_20, %shift_right_arithmetic3A_977 : i32
      %shift_left3A_979 = arith.constant 7 : i32
      %shift_left3A_980 = arith.shli %shift_right_arithmetic3A_978, %shift_left3A_979 : i32
      %multiple_of3A_981 = tpu.assume_multiple %shift_left3A_980, 128 : i32
      %dma_start3A_982 = arith.constant 2 : i32
      %dma_start3A_983 = arith.constant 0 : i32
      %dma_start3A_984 = arith.constant 0 : i32
      %dma_start3A_985 = tpu.memref_slice %arg7[%dma_start3A_982, %dma_start3A_983, %dma_start3A_984] : memref<4x64x128xf32, #tpu.memory_space<vmem>> -> memref<1x64x128xf32, #tpu.memory_space<vmem>>
      %dma_start3A_986 = tpu.memref_squeeze %dma_start3A_985 : memref<1x64x128xf32, #tpu.memory_space<vmem>> -> memref<64x128xf32, #tpu.memory_space<vmem>>
      %dma_start3A_987 = arith.constant 0 : i32
      %dma_start3A_988 = arith.constant 0 : i32
      %dma_start3A_989 = tpu.memref_slice %dma_start3A_986[%dma_start3A_987, %dma_start3A_988] : memref<64x128xf32, #tpu.memory_space<vmem>> -> memref<8x128xf32, #tpu.memory_space<vmem>>
      %dma_start3A_990 = arith.constant 0 : i32
      %dma_start3A_991 = tpu.memref_slice %arg2[%dma_start3A_990, %multiple_of3A_981] : memref<64x1000000xf32, #tpu.memory_space<hbm>> -> memref<8x128xf32, #tpu.memory_space<hbm>>
      %dma_start3A_992 = arith.constant 0 : i32
      %dma_start3A_993 = arith.constant 0 : i32
      %dma_start3A_994 = tpu.memref_slice %arg7[%dma_start3A_982, %dma_start3A_992, %dma_start3A_993] : memref<4x64x128xf32, #tpu.memory_space<vmem>> -> memref<1x64x128xf32, #tpu.memory_space<vmem>>
      %dma_start3A_995 = tpu.memref_squeeze %dma_start3A_994 : memref<1x64x128xf32, #tpu.memory_space<vmem>> -> memref<64x128xf32, #tpu.memory_space<vmem>>
      %dma_start3A_996 = arith.constant 0 : i32
      %dma_start3A_997 = arith.constant 0 : i32
      %dma_start3A_998 = tpu.memref_slice %dma_start3A_995[%dma_start3A_996, %dma_start3A_997] : memref<64x128xf32, #tpu.memory_space<vmem>> -> memref<8x128xf32, #tpu.memory_space<vmem>>
      %dma_start3A_999 = arith.constant 0 : i32
      %dma_start3A_1000 = tpu.memref_slice %arg2[%dma_start3A_999, %multiple_of3A_981] : memref<64x1000000xf32, #tpu.memory_space<hbm>> -> memref<8x128xf32, #tpu.memory_space<hbm>>
      tpu.enqueue_dma source(%dma_start3A_1000 : memref<8x128xf32, #tpu.memory_space<hbm>>) target(%dma_start3A_998 : memref<8x128xf32, #tpu.memory_space<vmem>>) target_semaphore(%arg11 : memref<!tpu.dma_semaphore, #tpu.memory_space<semaphore_mem>>)
      %dma_start3A_1001 = arith.constant 2 : i32
      %dma_start3A_1002 = arith.constant 0 : i32
      %dma_start3A_1003 = arith.constant 0 : i32
      %dma_start3A_1004 = tpu.memref_slice %arg7[%dma_start3A_1001, %dma_start3A_1002, %dma_start3A_1003] : memref<4x64x128xf32, #tpu.memory_space<vmem>> -> memref<1x64x128xf32, #tpu.memory_space<vmem>>
      %dma_start3A_1005 = tpu.memref_squeeze %dma_start3A_1004 : memref<1x64x128xf32, #tpu.memory_space<vmem>> -> memref<64x128xf32, #tpu.memory_space<vmem>>
      %dma_start3A_1006 = arith.constant 8 : i32
      %dma_start3A_1007 = arith.constant 0 : i32
      %dma_start3A_1008 = tpu.memref_slice %dma_start3A_1005[%dma_start3A_1006, %dma_start3A_1007] : memref<64x128xf32, #tpu.memory_space<vmem>> -> memref<8x128xf32, #tpu.memory_space<vmem>>
      %dma_start3A_1009 = arith.constant 8 : i32
      %dma_start3A_1010 = tpu.memref_slice %arg2[%dma_start3A_1009, %multiple_of3A_981] : memref<64x1000000xf32, #tpu.memory_space<hbm>> -> memref<8x128xf32, #tpu.memory_space<hbm>>
      %dma_start3A_1011 = arith.constant 0 : i32
      %dma_start3A_1012 = arith.constant 0 : i32
      %dma_start3A_1013 = tpu.memref_slice %arg7[%dma_start3A_1001, %dma_start3A_1011, %dma_start3A_1012] : memref<4x64x128xf32, #tpu.memory_space<vmem>> -> memref<1x64x128xf32, #tpu.memory_space<vmem>>
      %dma_start3A_1014 = tpu.memref_squeeze %dma_start3A_1013 : memref<1x64x128xf32, #tpu.memory_space<vmem>> -> memref<64x128xf32, #tpu.memory_space<vmem>>
      %dma_start3A_1015 = arith.constant 8 : i32
      %dma_start3A_1016 = arith.constant 0 : i32
      %dma_start3A_1017 = tpu.memref_slice %dma_start3A_1014[%dma_start3A_1015, %dma_start3A_1016] : memref<64x128xf32, #tpu.memory_space<vmem>> -> memref<8x128xf32, #tpu.memory_space<vmem>>
      %dma_start3A_1018 = arith.constant 8 : i32
      %dma_start3A_1019 = tpu.memref_slice %arg2[%dma_start3A_1018, %multiple_of3A_981] : memref<64x1000000xf32, #tpu.memory_space<hbm>> -> memref<8x128xf32, #tpu.memory_space<hbm>>
      tpu.enqueue_dma source(%dma_start3A_1019 : memref<8x128xf32, #tpu.memory_space<hbm>>) target(%dma_start3A_1017 : memref<8x128xf32, #tpu.memory_space<vmem>>) target_semaphore(%arg11 : memref<!tpu.dma_semaphore, #tpu.memory_space<semaphore_mem>>)
      %dma_start3A_1020 = arith.constant 2 : i32
      %dma_start3A_1021 = arith.constant 0 : i32
      %dma_start3A_1022 = arith.constant 0 : i32
      %dma_start3A_1023 = tpu.memref_slice %arg7[%dma_start3A_1020, %dma_start3A_1021, %dma_start3A_1022] : memref<4x64x128xf32, #tpu.memory_space<vmem>> -> memref<1x64x128xf32, #tpu.memory_space<vmem>>
      %dma_start3A_1024 = tpu.memref_squeeze %dma_start3A_1023 : memref<1x64x128xf32, #tpu.memory_space<vmem>> -> memref<64x128xf32, #tpu.memory_space<vmem>>
      %dma_start3A_1025 = arith.constant 16 : i32
      %dma_start3A_1026 = arith.constant 0 : i32
      %dma_start3A_1027 = tpu.memref_slice %dma_start3A_1024[%dma_start3A_1025, %dma_start3A_1026] : memref<64x128xf32, #tpu.memory_space<vmem>> -> memref<8x128xf32, #tpu.memory_space<vmem>>
      %dma_start3A_1028 = arith.constant 16 : i32
      %dma_start3A_1029 = tpu.memref_slice %arg2[%dma_start3A_1028, %multiple_of3A_981] : memref<64x1000000xf32, #tpu.memory_space<hbm>> -> memref<8x128xf32, #tpu.memory_space<hbm>>
      %dma_start3A_1030 = arith.constant 0 : i32
      %dma_start3A_1031 = arith.constant 0 : i32
      %dma_start3A_1032 = tpu.memref_slice %arg7[%dma_start3A_1020, %dma_start3A_1030, %dma_start3A_1031] : memref<4x64x128xf32, #tpu.memory_space<vmem>> -> memref<1x64x128xf32, #tpu.memory_space<vmem>>
      %dma_start3A_1033 = tpu.memref_squeeze %dma_start3A_1032 : memref<1x64x128xf32, #tpu.memory_space<vmem>> -> memref<64x128xf32, #tpu.memory_space<vmem>>
      %dma_start3A_1034 = arith.constant 16 : i32
      %dma_start3A_1035 = arith.constant 0 : i32
      %dma_start3A_1036 = tpu.memref_slice %dma_start3A_1033[%dma_start3A_1034, %dma_start3A_1035] : memref<64x128xf32, #tpu.memory_space<vmem>> -> memref<8x128xf32, #tpu.memory_space<vmem>>
      %dma_start3A_1037 = arith.constant 16 : i32
      %dma_start3A_1038 = tpu.memref_slice %arg2[%dma_start3A_1037, %multiple_of3A_981] : memref<64x1000000xf32, #tpu.memory_space<hbm>> -> memref<8x128xf32, #tpu.memory_space<hbm>>
      tpu.enqueue_dma source(%dma_start3A_1038 : memref<8x128xf32, #tpu.memory_space<hbm>>) target(%dma_start3A_1036 : memref<8x128xf32, #tpu.memory_space<vmem>>) target_semaphore(%arg11 : memref<!tpu.dma_semaphore, #tpu.memory_space<semaphore_mem>>)
      %dma_start3A_1039 = arith.constant 2 : i32
      %dma_start3A_1040 = arith.constant 0 : i32
      %dma_start3A_1041 = arith.constant 0 : i32
      %dma_start3A_1042 = tpu.memref_slice %arg7[%dma_start3A_1039, %dma_start3A_1040, %dma_start3A_1041] : memref<4x64x128xf32, #tpu.memory_space<vmem>> -> memref<1x64x128xf32, #tpu.memory_space<vmem>>
      %dma_start3A_1043 = tpu.memref_squeeze %dma_start3A_1042 : memref<1x64x128xf32, #tpu.memory_space<vmem>> -> memref<64x128xf32, #tpu.memory_space<vmem>>
      %dma_start3A_1044 = arith.constant 24 : i32
      %dma_start3A_1045 = arith.constant 0 : i32
      %dma_start3A_1046 = tpu.memref_slice %dma_start3A_1043[%dma_start3A_1044, %dma_start3A_1045] : memref<64x128xf32, #tpu.memory_space<vmem>> -> memref<8x128xf32, #tpu.memory_space<vmem>>
      %dma_start3A_1047 = arith.constant 24 : i32
      %dma_start3A_1048 = tpu.memref_slice %arg2[%dma_start3A_1047, %multiple_of3A_981] : memref<64x1000000xf32, #tpu.memory_space<hbm>> -> memref<8x128xf32, #tpu.memory_space<hbm>>
      %dma_start3A_1049 = arith.constant 0 : i32
      %dma_start3A_1050 = arith.constant 0 : i32
      %dma_start3A_1051 = tpu.memref_slice %arg7[%dma_start3A_1039, %dma_start3A_1049, %dma_start3A_1050] : memref<4x64x128xf32, #tpu.memory_space<vmem>> -> memref<1x64x128xf32, #tpu.memory_space<vmem>>
      %dma_start3A_1052 = tpu.memref_squeeze %dma_start3A_1051 : memref<1x64x128xf32, #tpu.memory_space<vmem>> -> memref<64x128xf32, #tpu.memory_space<vmem>>
      %dma_start3A_1053 = arith.constant 24 : i32
      %dma_start3A_1054 = arith.constant 0 : i32
      %dma_start3A_1055 = tpu.memref_slice %dma_start3A_1052[%dma_start3A_1053, %dma_start3A_1054] : memref<64x128xf32, #tpu.memory_space<vmem>> -> memref<8x128xf32, #tpu.memory_space<vmem>>
      %dma_start3A_1056 = arith.constant 24 : i32
      %dma_start3A_1057 = tpu.memref_slice %arg2[%dma_start3A_1056, %multiple_of3A_981] : memref<64x1000000xf32, #tpu.memory_space<hbm>> -> memref<8x128xf32, #tpu.memory_space<hbm>>
      tpu.enqueue_dma source(%dma_start3A_1057 : memref<8x128xf32, #tpu.memory_space<hbm>>) target(%dma_start3A_1055 : memref<8x128xf32, #tpu.memory_space<vmem>>) target_semaphore(%arg11 : memref<!tpu.dma_semaphore, #tpu.memory_space<semaphore_mem>>)
      %dma_start3A_1058 = arith.constant 2 : i32
      %dma_start3A_1059 = arith.constant 0 : i32
      %dma_start3A_1060 = arith.constant 0 : i32
      %dma_start3A_1061 = tpu.memref_slice %arg7[%dma_start3A_1058, %dma_start3A_1059, %dma_start3A_1060] : memref<4x64x128xf32, #tpu.memory_space<vmem>> -> memref<1x64x128xf32, #tpu.memory_space<vmem>>
      %dma_start3A_1062 = tpu.memref_squeeze %dma_start3A_1061 : memref<1x64x128xf32, #tpu.memory_space<vmem>> -> memref<64x128xf32, #tpu.memory_space<vmem>>
      %dma_start3A_1063 = arith.constant 32 : i32
      %dma_start3A_1064 = arith.constant 0 : i32
      %dma_start3A_1065 = tpu.memref_slice %dma_start3A_1062[%dma_start3A_1063, %dma_start3A_1064] : memref<64x128xf32, #tpu.memory_space<vmem>> -> memref<8x128xf32, #tpu.memory_space<vmem>>
      %dma_start3A_1066 = arith.constant 32 : i32
      %dma_start3A_1067 = tpu.memref_slice %arg2[%dma_start3A_1066, %multiple_of3A_981] : memref<64x1000000xf32, #tpu.memory_space<hbm>> -> memref<8x128xf32, #tpu.memory_space<hbm>>
      %dma_start3A_1068 = arith.constant 0 : i32
      %dma_start3A_1069 = arith.constant 0 : i32
      %dma_start3A_1070 = tpu.memref_slice %arg7[%dma_start3A_1058, %dma_start3A_1068, %dma_start3A_1069] : memref<4x64x128xf32, #tpu.memory_space<vmem>> -> memref<1x64x128xf32, #tpu.memory_space<vmem>>
      %dma_start3A_1071 = tpu.memref_squeeze %dma_start3A_1070 : memref<1x64x128xf32, #tpu.memory_space<vmem>> -> memref<64x128xf32, #tpu.memory_space<vmem>>
      %dma_start3A_1072 = arith.constant 32 : i32
      %dma_start3A_1073 = arith.constant 0 : i32
      %dma_start3A_1074 = tpu.memref_slice %dma_start3A_1071[%dma_start3A_1072, %dma_start3A_1073] : memref<64x128xf32, #tpu.memory_space<vmem>> -> memref<8x128xf32, #tpu.memory_space<vmem>>
      %dma_start3A_1075 = arith.constant 32 : i32
      %dma_start3A_1076 = tpu.memref_slice %arg2[%dma_start3A_1075, %multiple_of3A_981] : memref<64x1000000xf32, #tpu.memory_space<hbm>> -> memref<8x128xf32, #tpu.memory_space<hbm>>
      tpu.enqueue_dma source(%dma_start3A_1076 : memref<8x128xf32, #tpu.memory_space<hbm>>) target(%dma_start3A_1074 : memref<8x128xf32, #tpu.memory_space<vmem>>) target_semaphore(%arg11 : memref<!tpu.dma_semaphore, #tpu.memory_space<semaphore_mem>>)
      %dma_start3A_1077 = arith.constant 2 : i32
      %dma_start3A_1078 = arith.constant 0 : i32
      %dma_start3A_1079 = arith.constant 0 : i32
      %dma_start3A_1080 = tpu.memref_slice %arg7[%dma_start3A_1077, %dma_start3A_1078, %dma_start3A_1079] : memref<4x64x128xf32, #tpu.memory_space<vmem>> -> memref<1x64x128xf32, #tpu.memory_space<vmem>>
      %dma_start3A_1081 = tpu.memref_squeeze %dma_start3A_1080 : memref<1x64x128xf32, #tpu.memory_space<vmem>> -> memref<64x128xf32, #tpu.memory_space<vmem>>
      %dma_start3A_1082 = arith.constant 40 : i32
      %dma_start3A_1083 = arith.constant 0 : i32
      %dma_start3A_1084 = tpu.memref_slice %dma_start3A_1081[%dma_start3A_1082, %dma_start3A_1083] : memref<64x128xf32, #tpu.memory_space<vmem>> -> memref<8x128xf32, #tpu.memory_space<vmem>>
      %dma_start3A_1085 = arith.constant 40 : i32
      %dma_start3A_1086 = tpu.memref_slice %arg2[%dma_start3A_1085, %multiple_of3A_981] : memref<64x1000000xf32, #tpu.memory_space<hbm>> -> memref<8x128xf32, #tpu.memory_space<hbm>>
      %dma_start3A_1087 = arith.constant 0 : i32
      %dma_start3A_1088 = arith.constant 0 : i32
      %dma_start3A_1089 = tpu.memref_slice %arg7[%dma_start3A_1077, %dma_start3A_1087, %dma_start3A_1088] : memref<4x64x128xf32, #tpu.memory_space<vmem>> -> memref<1x64x128xf32, #tpu.memory_space<vmem>>
      %dma_start3A_1090 = tpu.memref_squeeze %dma_start3A_1089 : memref<1x64x128xf32, #tpu.memory_space<vmem>> -> memref<64x128xf32, #tpu.memory_space<vmem>>
      %dma_start3A_1091 = arith.constant 40 : i32
      %dma_start3A_1092 = arith.constant 0 : i32
      %dma_start3A_1093 = tpu.memref_slice %dma_start3A_1090[%dma_start3A_1091, %dma_start3A_1092] : memref<64x128xf32, #tpu.memory_space<vmem>> -> memref<8x128xf32, #tpu.memory_space<vmem>>
      %dma_start3A_1094 = arith.constant 40 : i32
      %dma_start3A_1095 = tpu.memref_slice %arg2[%dma_start3A_1094, %multiple_of3A_981] : memref<64x1000000xf32, #tpu.memory_space<hbm>> -> memref<8x128xf32, #tpu.memory_space<hbm>>
      tpu.enqueue_dma source(%dma_start3A_1095 : memref<8x128xf32, #tpu.memory_space<hbm>>) target(%dma_start3A_1093 : memref<8x128xf32, #tpu.memory_space<vmem>>) target_semaphore(%arg11 : memref<!tpu.dma_semaphore, #tpu.memory_space<semaphore_mem>>)
      %dma_start3A_1096 = arith.constant 2 : i32
      %dma_start3A_1097 = arith.constant 0 : i32
      %dma_start3A_1098 = arith.constant 0 : i32
      %dma_start3A_1099 = tpu.memref_slice %arg7[%dma_start3A_1096, %dma_start3A_1097, %dma_start3A_1098] : memref<4x64x128xf32, #tpu.memory_space<vmem>> -> memref<1x64x128xf32, #tpu.memory_space<vmem>>
      %dma_start3A_1100 = tpu.memref_squeeze %dma_start3A_1099 : memref<1x64x128xf32, #tpu.memory_space<vmem>> -> memref<64x128xf32, #tpu.memory_space<vmem>>
      %dma_start3A_1101 = arith.constant 48 : i32
      %dma_start3A_1102 = arith.constant 0 : i32
      %dma_start3A_1103 = tpu.memref_slice %dma_start3A_1100[%dma_start3A_1101, %dma_start3A_1102] : memref<64x128xf32, #tpu.memory_space<vmem>> -> memref<8x128xf32, #tpu.memory_space<vmem>>
      %dma_start3A_1104 = arith.constant 48 : i32
      %dma_start3A_1105 = tpu.memref_slice %arg2[%dma_start3A_1104, %multiple_of3A_981] : memref<64x1000000xf32, #tpu.memory_space<hbm>> -> memref<8x128xf32, #tpu.memory_space<hbm>>
      %dma_start3A_1106 = arith.constant 0 : i32
      %dma_start3A_1107 = arith.constant 0 : i32
      %dma_start3A_1108 = tpu.memref_slice %arg7[%dma_start3A_1096, %dma_start3A_1106, %dma_start3A_1107] : memref<4x64x128xf32, #tpu.memory_space<vmem>> -> memref<1x64x128xf32, #tpu.memory_space<vmem>>
      %dma_start3A_1109 = tpu.memref_squeeze %dma_start3A_1108 : memref<1x64x128xf32, #tpu.memory_space<vmem>> -> memref<64x128xf32, #tpu.memory_space<vmem>>
      %dma_start3A_1110 = arith.constant 48 : i32
      %dma_start3A_1111 = arith.constant 0 : i32
      %dma_start3A_1112 = tpu.memref_slice %dma_start3A_1109[%dma_start3A_1110, %dma_start3A_1111] : memref<64x128xf32, #tpu.memory_space<vmem>> -> memref<8x128xf32, #tpu.memory_space<vmem>>
      %dma_start3A_1113 = arith.constant 48 : i32
      %dma_start3A_1114 = tpu.memref_slice %arg2[%dma_start3A_1113, %multiple_of3A_981] : memref<64x1000000xf32, #tpu.memory_space<hbm>> -> memref<8x128xf32, #tpu.memory_space<hbm>>
      tpu.enqueue_dma source(%dma_start3A_1114 : memref<8x128xf32, #tpu.memory_space<hbm>>) target(%dma_start3A_1112 : memref<8x128xf32, #tpu.memory_space<vmem>>) target_semaphore(%arg11 : memref<!tpu.dma_semaphore, #tpu.memory_space<semaphore_mem>>)
      %dma_start3A_1115 = arith.constant 2 : i32
      %dma_start3A_1116 = arith.constant 0 : i32
      %dma_start3A_1117 = arith.constant 0 : i32
      %dma_start3A_1118 = tpu.memref_slice %arg7[%dma_start3A_1115, %dma_start3A_1116, %dma_start3A_1117] : memref<4x64x128xf32, #tpu.memory_space<vmem>> -> memref<1x64x128xf32, #tpu.memory_space<vmem>>
      %dma_start3A_1119 = tpu.memref_squeeze %dma_start3A_1118 : memref<1x64x128xf32, #tpu.memory_space<vmem>> -> memref<64x128xf32, #tpu.memory_space<vmem>>
      %dma_start3A_1120 = arith.constant 56 : i32
      %dma_start3A_1121 = arith.constant 0 : i32
      %dma_start3A_1122 = tpu.memref_slice %dma_start3A_1119[%dma_start3A_1120, %dma_start3A_1121] : memref<64x128xf32, #tpu.memory_space<vmem>> -> memref<8x128xf32, #tpu.memory_space<vmem>>
      %dma_start3A_1123 = arith.constant 56 : i32
      %dma_start3A_1124 = tpu.memref_slice %arg2[%dma_start3A_1123, %multiple_of3A_981] : memref<64x1000000xf32, #tpu.memory_space<hbm>> -> memref<8x128xf32, #tpu.memory_space<hbm>>
      %dma_start3A_1125 = arith.constant 0 : i32
      %dma_start3A_1126 = arith.constant 0 : i32
      %dma_start3A_1127 = tpu.memref_slice %arg7[%dma_start3A_1115, %dma_start3A_1125, %dma_start3A_1126] : memref<4x64x128xf32, #tpu.memory_space<vmem>> -> memref<1x64x128xf32, #tpu.memory_space<vmem>>
      %dma_start3A_1128 = tpu.memref_squeeze %dma_start3A_1127 : memref<1x64x128xf32, #tpu.memory_space<vmem>> -> memref<64x128xf32, #tpu.memory_space<vmem>>
      %dma_start3A_1129 = arith.constant 56 : i32
      %dma_start3A_1130 = arith.constant 0 : i32
      %dma_start3A_1131 = tpu.memref_slice %dma_start3A_1128[%dma_start3A_1129, %dma_start3A_1130] : memref<64x128xf32, #tpu.memory_space<vmem>> -> memref<8x128xf32, #tpu.memory_space<vmem>>
      %dma_start3A_1132 = arith.constant 56 : i32
      %dma_start3A_1133 = tpu.memref_slice %arg2[%dma_start3A_1132, %multiple_of3A_981] : memref<64x1000000xf32, #tpu.memory_space<hbm>> -> memref<8x128xf32, #tpu.memory_space<hbm>>
      tpu.enqueue_dma source(%dma_start3A_1133 : memref<8x128xf32, #tpu.memory_space<hbm>>) target(%dma_start3A_1131 : memref<8x128xf32, #tpu.memory_space<vmem>>) target_semaphore(%arg11 : memref<!tpu.dma_semaphore, #tpu.memory_space<semaphore_mem>>)
      %shift_right_arithmetic3A_1134 = arith.constant 7 : i32
      %shift_right_arithmetic3A_1135 = arith.shrsi %squeeze3A_22, %shift_right_arithmetic3A_1134 : i32
      %shift_left3A_1136 = arith.constant 7 : i32
      %shift_left3A_1137 = arith.shli %shift_right_arithmetic3A_1135, %shift_left3A_1136 : i32
      %multiple_of3A_1138 = tpu.assume_multiple %shift_left3A_1137, 128 : i32
      %dma_start3A_1139 = arith.constant 3 : i32
      %dma_start3A_1140 = arith.constant 0 : i32
      %dma_start3A_1141 = arith.constant 0 : i32
      %dma_start3A_1142 = tpu.memref_slice %arg7[%dma_start3A_1139, %dma_start3A_1140, %dma_start3A_1141] : memref<4x64x128xf32, #tpu.memory_space<vmem>> -> memref<1x64x128xf32, #tpu.memory_space<vmem>>
      %dma_start3A_1143 = tpu.memref_squeeze %dma_start3A_1142 : memref<1x64x128xf32, #tpu.memory_space<vmem>> -> memref<64x128xf32, #tpu.memory_space<vmem>>
      %dma_start3A_1144 = arith.constant 0 : i32
      %dma_start3A_1145 = arith.constant 0 : i32
      %dma_start3A_1146 = tpu.memref_slice %dma_start3A_1143[%dma_start3A_1144, %dma_start3A_1145] : memref<64x128xf32, #tpu.memory_space<vmem>> -> memref<8x128xf32, #tpu.memory_space<vmem>>
      %dma_start3A_1147 = arith.constant 0 : i32
      %dma_start3A_1148 = tpu.memref_slice %arg2[%dma_start3A_1147, %multiple_of3A_1138] : memref<64x1000000xf32, #tpu.memory_space<hbm>> -> memref<8x128xf32, #tpu.memory_space<hbm>>
      %dma_start3A_1149 = arith.constant 0 : i32
      %dma_start3A_1150 = arith.constant 0 : i32
      %dma_start3A_1151 = tpu.memref_slice %arg7[%dma_start3A_1139, %dma_start3A_1149, %dma_start3A_1150] : memref<4x64x128xf32, #tpu.memory_space<vmem>> -> memref<1x64x128xf32, #tpu.memory_space<vmem>>
      %dma_start3A_1152 = tpu.memref_squeeze %dma_start3A_1151 : memref<1x64x128xf32, #tpu.memory_space<vmem>> -> memref<64x128xf32, #tpu.memory_space<vmem>>
      %dma_start3A_1153 = arith.constant 0 : i32
      %dma_start3A_1154 = arith.constant 0 : i32
      %dma_start3A_1155 = tpu.memref_slice %dma_start3A_1152[%dma_start3A_1153, %dma_start3A_1154] : memref<64x128xf32, #tpu.memory_space<vmem>> -> memref<8x128xf32, #tpu.memory_space<vmem>>
      %dma_start3A_1156 = arith.constant 0 : i32
      %dma_start3A_1157 = tpu.memref_slice %arg2[%dma_start3A_1156, %multiple_of3A_1138] : memref<64x1000000xf32, #tpu.memory_space<hbm>> -> memref<8x128xf32, #tpu.memory_space<hbm>>
      tpu.enqueue_dma source(%dma_start3A_1157 : memref<8x128xf32, #tpu.memory_space<hbm>>) target(%dma_start3A_1155 : memref<8x128xf32, #tpu.memory_space<vmem>>) target_semaphore(%arg11 : memref<!tpu.dma_semaphore, #tpu.memory_space<semaphore_mem>>)
      %dma_start3A_1158 = arith.constant 3 : i32
      %dma_start3A_1159 = arith.constant 0 : i32
      %dma_start3A_1160 = arith.constant 0 : i32
      %dma_start3A_1161 = tpu.memref_slice %arg7[%dma_start3A_1158, %dma_start3A_1159, %dma_start3A_1160] : memref<4x64x128xf32, #tpu.memory_space<vmem>> -> memref<1x64x128xf32, #tpu.memory_space<vmem>>
      %dma_start3A_1162 = tpu.memref_squeeze %dma_start3A_1161 : memref<1x64x128xf32, #tpu.memory_space<vmem>> -> memref<64x128xf32, #tpu.memory_space<vmem>>
      %dma_start3A_1163 = arith.constant 8 : i32
      %dma_start3A_1164 = arith.constant 0 : i32
      %dma_start3A_1165 = tpu.memref_slice %dma_start3A_1162[%dma_start3A_1163, %dma_start3A_1164] : memref<64x128xf32, #tpu.memory_space<vmem>> -> memref<8x128xf32, #tpu.memory_space<vmem>>
      %dma_start3A_1166 = arith.constant 8 : i32
      %dma_start3A_1167 = tpu.memref_slice %arg2[%dma_start3A_1166, %multiple_of3A_1138] : memref<64x1000000xf32, #tpu.memory_space<hbm>> -> memref<8x128xf32, #tpu.memory_space<hbm>>
      %dma_start3A_1168 = arith.constant 0 : i32
      %dma_start3A_1169 = arith.constant 0 : i32
      %dma_start3A_1170 = tpu.memref_slice %arg7[%dma_start3A_1158, %dma_start3A_1168, %dma_start3A_1169] : memref<4x64x128xf32, #tpu.memory_space<vmem>> -> memref<1x64x128xf32, #tpu.memory_space<vmem>>
      %dma_start3A_1171 = tpu.memref_squeeze %dma_start3A_1170 : memref<1x64x128xf32, #tpu.memory_space<vmem>> -> memref<64x128xf32, #tpu.memory_space<vmem>>
      %dma_start3A_1172 = arith.constant 8 : i32
      %dma_start3A_1173 = arith.constant 0 : i32
      %dma_start3A_1174 = tpu.memref_slice %dma_start3A_1171[%dma_start3A_1172, %dma_start3A_1173] : memref<64x128xf32, #tpu.memory_space<vmem>> -> memref<8x128xf32, #tpu.memory_space<vmem>>
      %dma_start3A_1175 = arith.constant 8 : i32
      %dma_start3A_1176 = tpu.memref_slice %arg2[%dma_start3A_1175, %multiple_of3A_1138] : memref<64x1000000xf32, #tpu.memory_space<hbm>> -> memref<8x128xf32, #tpu.memory_space<hbm>>
      tpu.enqueue_dma source(%dma_start3A_1176 : memref<8x128xf32, #tpu.memory_space<hbm>>) target(%dma_start3A_1174 : memref<8x128xf32, #tpu.memory_space<vmem>>) target_semaphore(%arg11 : memref<!tpu.dma_semaphore, #tpu.memory_space<semaphore_mem>>)
      %dma_start3A_1177 = arith.constant 3 : i32
      %dma_start3A_1178 = arith.constant 0 : i32
      %dma_start3A_1179 = arith.constant 0 : i32
      %dma_start3A_1180 = tpu.memref_slice %arg7[%dma_start3A_1177, %dma_start3A_1178, %dma_start3A_1179] : memref<4x64x128xf32, #tpu.memory_space<vmem>> -> memref<1x64x128xf32, #tpu.memory_space<vmem>>
      %dma_start3A_1181 = tpu.memref_squeeze %dma_start3A_1180 : memref<1x64x128xf32, #tpu.memory_space<vmem>> -> memref<64x128xf32, #tpu.memory_space<vmem>>
      %dma_start3A_1182 = arith.constant 16 : i32
      %dma_start3A_1183 = arith.constant 0 : i32
      %dma_start3A_1184 = tpu.memref_slice %dma_start3A_1181[%dma_start3A_1182, %dma_start3A_1183] : memref<64x128xf32, #tpu.memory_space<vmem>> -> memref<8x128xf32, #tpu.memory_space<vmem>>
      %dma_start3A_1185 = arith.constant 16 : i32
      %dma_start3A_1186 = tpu.memref_slice %arg2[%dma_start3A_1185, %multiple_of3A_1138] : memref<64x1000000xf32, #tpu.memory_space<hbm>> -> memref<8x128xf32, #tpu.memory_space<hbm>>
      %dma_start3A_1187 = arith.constant 0 : i32
      %dma_start3A_1188 = arith.constant 0 : i32
      %dma_start3A_1189 = tpu.memref_slice %arg7[%dma_start3A_1177, %dma_start3A_1187, %dma_start3A_1188] : memref<4x64x128xf32, #tpu.memory_space<vmem>> -> memref<1x64x128xf32, #tpu.memory_space<vmem>>
      %dma_start3A_1190 = tpu.memref_squeeze %dma_start3A_1189 : memref<1x64x128xf32, #tpu.memory_space<vmem>> -> memref<64x128xf32, #tpu.memory_space<vmem>>
      %dma_start3A_1191 = arith.constant 16 : i32
      %dma_start3A_1192 = arith.constant 0 : i32
      %dma_start3A_1193 = tpu.memref_slice %dma_start3A_1190[%dma_start3A_1191, %dma_start3A_1192] : memref<64x128xf32, #tpu.memory_space<vmem>> -> memref<8x128xf32, #tpu.memory_space<vmem>>
      %dma_start3A_1194 = arith.constant 16 : i32
      %dma_start3A_1195 = tpu.memref_slice %arg2[%dma_start3A_1194, %multiple_of3A_1138] : memref<64x1000000xf32, #tpu.memory_space<hbm>> -> memref<8x128xf32, #tpu.memory_space<hbm>>
      tpu.enqueue_dma source(%dma_start3A_1195 : memref<8x128xf32, #tpu.memory_space<hbm>>) target(%dma_start3A_1193 : memref<8x128xf32, #tpu.memory_space<vmem>>) target_semaphore(%arg11 : memref<!tpu.dma_semaphore, #tpu.memory_space<semaphore_mem>>)
      %dma_start3A_1196 = arith.constant 3 : i32
      %dma_start3A_1197 = arith.constant 0 : i32
      %dma_start3A_1198 = arith.constant 0 : i32
      %dma_start3A_1199 = tpu.memref_slice %arg7[%dma_start3A_1196, %dma_start3A_1197, %dma_start3A_1198] : memref<4x64x128xf32, #tpu.memory_space<vmem>> -> memref<1x64x128xf32, #tpu.memory_space<vmem>>
      %dma_start3A_1200 = tpu.memref_squeeze %dma_start3A_1199 : memref<1x64x128xf32, #tpu.memory_space<vmem>> -> memref<64x128xf32, #tpu.memory_space<vmem>>
      %dma_start3A_1201 = arith.constant 24 : i32
      %dma_start3A_1202 = arith.constant 0 : i32
      %dma_start3A_1203 = tpu.memref_slice %dma_start3A_1200[%dma_start3A_1201, %dma_start3A_1202] : memref<64x128xf32, #tpu.memory_space<vmem>> -> memref<8x128xf32, #tpu.memory_space<vmem>>
      %dma_start3A_1204 = arith.constant 24 : i32
      %dma_start3A_1205 = tpu.memref_slice %arg2[%dma_start3A_1204, %multiple_of3A_1138] : memref<64x1000000xf32, #tpu.memory_space<hbm>> -> memref<8x128xf32, #tpu.memory_space<hbm>>
      %dma_start3A_1206 = arith.constant 0 : i32
      %dma_start3A_1207 = arith.constant 0 : i32
      %dma_start3A_1208 = tpu.memref_slice %arg7[%dma_start3A_1196, %dma_start3A_1206, %dma_start3A_1207] : memref<4x64x128xf32, #tpu.memory_space<vmem>> -> memref<1x64x128xf32, #tpu.memory_space<vmem>>
      %dma_start3A_1209 = tpu.memref_squeeze %dma_start3A_1208 : memref<1x64x128xf32, #tpu.memory_space<vmem>> -> memref<64x128xf32, #tpu.memory_space<vmem>>
      %dma_start3A_1210 = arith.constant 24 : i32
      %dma_start3A_1211 = arith.constant 0 : i32
      %dma_start3A_1212 = tpu.memref_slice %dma_start3A_1209[%dma_start3A_1210, %dma_start3A_1211] : memref<64x128xf32, #tpu.memory_space<vmem>> -> memref<8x128xf32, #tpu.memory_space<vmem>>
      %dma_start3A_1213 = arith.constant 24 : i32
      %dma_start3A_1214 = tpu.memref_slice %arg2[%dma_start3A_1213, %multiple_of3A_1138] : memref<64x1000000xf32, #tpu.memory_space<hbm>> -> memref<8x128xf32, #tpu.memory_space<hbm>>
      tpu.enqueue_dma source(%dma_start3A_1214 : memref<8x128xf32, #tpu.memory_space<hbm>>) target(%dma_start3A_1212 : memref<8x128xf32, #tpu.memory_space<vmem>>) target_semaphore(%arg11 : memref<!tpu.dma_semaphore, #tpu.memory_space<semaphore_mem>>)
      %dma_start3A_1215 = arith.constant 3 : i32
      %dma_start3A_1216 = arith.constant 0 : i32
      %dma_start3A_1217 = arith.constant 0 : i32
      %dma_start3A_1218 = tpu.memref_slice %arg7[%dma_start3A_1215, %dma_start3A_1216, %dma_start3A_1217] : memref<4x64x128xf32, #tpu.memory_space<vmem>> -> memref<1x64x128xf32, #tpu.memory_space<vmem>>
      %dma_start3A_1219 = tpu.memref_squeeze %dma_start3A_1218 : memref<1x64x128xf32, #tpu.memory_space<vmem>> -> memref<64x128xf32, #tpu.memory_space<vmem>>
      %dma_start3A_1220 = arith.constant 32 : i32
      %dma_start3A_1221 = arith.constant 0 : i32
      %dma_start3A_1222 = tpu.memref_slice %dma_start3A_1219[%dma_start3A_1220, %dma_start3A_1221] : memref<64x128xf32, #tpu.memory_space<vmem>> -> memref<8x128xf32, #tpu.memory_space<vmem>>
      %dma_start3A_1223 = arith.constant 32 : i32
      %dma_start3A_1224 = tpu.memref_slice %arg2[%dma_start3A_1223, %multiple_of3A_1138] : memref<64x1000000xf32, #tpu.memory_space<hbm>> -> memref<8x128xf32, #tpu.memory_space<hbm>>
      %dma_start3A_1225 = arith.constant 0 : i32
      %dma_start3A_1226 = arith.constant 0 : i32
      %dma_start3A_1227 = tpu.memref_slice %arg7[%dma_start3A_1215, %dma_start3A_1225, %dma_start3A_1226] : memref<4x64x128xf32, #tpu.memory_space<vmem>> -> memref<1x64x128xf32, #tpu.memory_space<vmem>>
      %dma_start3A_1228 = tpu.memref_squeeze %dma_start3A_1227 : memref<1x64x128xf32, #tpu.memory_space<vmem>> -> memref<64x128xf32, #tpu.memory_space<vmem>>
      %dma_start3A_1229 = arith.constant 32 : i32
      %dma_start3A_1230 = arith.constant 0 : i32
      %dma_start3A_1231 = tpu.memref_slice %dma_start3A_1228[%dma_start3A_1229, %dma_start3A_1230] : memref<64x128xf32, #tpu.memory_space<vmem>> -> memref<8x128xf32, #tpu.memory_space<vmem>>
      %dma_start3A_1232 = arith.constant 32 : i32
      %dma_start3A_1233 = tpu.memref_slice %arg2[%dma_start3A_1232, %multiple_of3A_1138] : memref<64x1000000xf32, #tpu.memory_space<hbm>> -> memref<8x128xf32, #tpu.memory_space<hbm>>
      tpu.enqueue_dma source(%dma_start3A_1233 : memref<8x128xf32, #tpu.memory_space<hbm>>) target(%dma_start3A_1231 : memref<8x128xf32, #tpu.memory_space<vmem>>) target_semaphore(%arg11 : memref<!tpu.dma_semaphore, #tpu.memory_space<semaphore_mem>>)
      %dma_start3A_1234 = arith.constant 3 : i32
      %dma_start3A_1235 = arith.constant 0 : i32
      %dma_start3A_1236 = arith.constant 0 : i32
      %dma_start3A_1237 = tpu.memref_slice %arg7[%dma_start3A_1234, %dma_start3A_1235, %dma_start3A_1236] : memref<4x64x128xf32, #tpu.memory_space<vmem>> -> memref<1x64x128xf32, #tpu.memory_space<vmem>>
      %dma_start3A_1238 = tpu.memref_squeeze %dma_start3A_1237 : memref<1x64x128xf32, #tpu.memory_space<vmem>> -> memref<64x128xf32, #tpu.memory_space<vmem>>
      %dma_start3A_1239 = arith.constant 40 : i32
      %dma_start3A_1240 = arith.constant 0 : i32
      %dma_start3A_1241 = tpu.memref_slice %dma_start3A_1238[%dma_start3A_1239, %dma_start3A_1240] : memref<64x128xf32, #tpu.memory_space<vmem>> -> memref<8x128xf32, #tpu.memory_space<vmem>>
      %dma_start3A_1242 = arith.constant 40 : i32
      %dma_start3A_1243 = tpu.memref_slice %arg2[%dma_start3A_1242, %multiple_of3A_1138] : memref<64x1000000xf32, #tpu.memory_space<hbm>> -> memref<8x128xf32, #tpu.memory_space<hbm>>
      %dma_start3A_1244 = arith.constant 0 : i32
      %dma_start3A_1245 = arith.constant 0 : i32
      %dma_start3A_1246 = tpu.memref_slice %arg7[%dma_start3A_1234, %dma_start3A_1244, %dma_start3A_1245] : memref<4x64x128xf32, #tpu.memory_space<vmem>> -> memref<1x64x128xf32, #tpu.memory_space<vmem>>
      %dma_start3A_1247 = tpu.memref_squeeze %dma_start3A_1246 : memref<1x64x128xf32, #tpu.memory_space<vmem>> -> memref<64x128xf32, #tpu.memory_space<vmem>>
      %dma_start3A_1248 = arith.constant 40 : i32
      %dma_start3A_1249 = arith.constant 0 : i32
      %dma_start3A_1250 = tpu.memref_slice %dma_start3A_1247[%dma_start3A_1248, %dma_start3A_1249] : memref<64x128xf32, #tpu.memory_space<vmem>> -> memref<8x128xf32, #tpu.memory_space<vmem>>
      %dma_start3A_1251 = arith.constant 40 : i32
      %dma_start3A_1252 = tpu.memref_slice %arg2[%dma_start3A_1251, %multiple_of3A_1138] : memref<64x1000000xf32, #tpu.memory_space<hbm>> -> memref<8x128xf32, #tpu.memory_space<hbm>>
      tpu.enqueue_dma source(%dma_start3A_1252 : memref<8x128xf32, #tpu.memory_space<hbm>>) target(%dma_start3A_1250 : memref<8x128xf32, #tpu.memory_space<vmem>>) target_semaphore(%arg11 : memref<!tpu.dma_semaphore, #tpu.memory_space<semaphore_mem>>)
      %dma_start3A_1253 = arith.constant 3 : i32
      %dma_start3A_1254 = arith.constant 0 : i32
      %dma_start3A_1255 = arith.constant 0 : i32
      %dma_start3A_1256 = tpu.memref_slice %arg7[%dma_start3A_1253, %dma_start3A_1254, %dma_start3A_1255] : memref<4x64x128xf32, #tpu.memory_space<vmem>> -> memref<1x64x128xf32, #tpu.memory_space<vmem>>
      %dma_start3A_1257 = tpu.memref_squeeze %dma_start3A_1256 : memref<1x64x128xf32, #tpu.memory_space<vmem>> -> memref<64x128xf32, #tpu.memory_space<vmem>>
      %dma_start3A_1258 = arith.constant 48 : i32
      %dma_start3A_1259 = arith.constant 0 : i32
      %dma_start3A_1260 = tpu.memref_slice %dma_start3A_1257[%dma_start3A_1258, %dma_start3A_1259] : memref<64x128xf32, #tpu.memory_space<vmem>> -> memref<8x128xf32, #tpu.memory_space<vmem>>
      %dma_start3A_1261 = arith.constant 48 : i32
      %dma_start3A_1262 = tpu.memref_slice %arg2[%dma_start3A_1261, %multiple_of3A_1138] : memref<64x1000000xf32, #tpu.memory_space<hbm>> -> memref<8x128xf32, #tpu.memory_space<hbm>>
      %dma_start3A_1263 = arith.constant 0 : i32
      %dma_start3A_1264 = arith.constant 0 : i32
      %dma_start3A_1265 = tpu.memref_slice %arg7[%dma_start3A_1253, %dma_start3A_1263, %dma_start3A_1264] : memref<4x64x128xf32, #tpu.memory_space<vmem>> -> memref<1x64x128xf32, #tpu.memory_space<vmem>>
      %dma_start3A_1266 = tpu.memref_squeeze %dma_start3A_1265 : memref<1x64x128xf32, #tpu.memory_space<vmem>> -> memref<64x128xf32, #tpu.memory_space<vmem>>
      %dma_start3A_1267 = arith.constant 48 : i32
      %dma_start3A_1268 = arith.constant 0 : i32
      %dma_start3A_1269 = tpu.memref_slice %dma_start3A_1266[%dma_start3A_1267, %dma_start3A_1268] : memref<64x128xf32, #tpu.memory_space<vmem>> -> memref<8x128xf32, #tpu.memory_space<vmem>>
      %dma_start3A_1270 = arith.constant 48 : i32
      %dma_start3A_1271 = tpu.memref_slice %arg2[%dma_start3A_1270, %multiple_of3A_1138] : memref<64x1000000xf32, #tpu.memory_space<hbm>> -> memref<8x128xf32, #tpu.memory_space<hbm>>
      tpu.enqueue_dma source(%dma_start3A_1271 : memref<8x128xf32, #tpu.memory_space<hbm>>) target(%dma_start3A_1269 : memref<8x128xf32, #tpu.memory_space<vmem>>) target_semaphore(%arg11 : memref<!tpu.dma_semaphore, #tpu.memory_space<semaphore_mem>>)
      %dma_start3A_1272 = arith.constant 3 : i32
      %dma_start3A_1273 = arith.constant 0 : i32
      %dma_start3A_1274 = arith.constant 0 : i32
      %dma_start3A_1275 = tpu.memref_slice %arg7[%dma_start3A_1272, %dma_start3A_1273, %dma_start3A_1274] : memref<4x64x128xf32, #tpu.memory_space<vmem>> -> memref<1x64x128xf32, #tpu.memory_space<vmem>>
      %dma_start3A_1276 = tpu.memref_squeeze %dma_start3A_1275 : memref<1x64x128xf32, #tpu.memory_space<vmem>> -> memref<64x128xf32, #tpu.memory_space<vmem>>
      %dma_start3A_1277 = arith.constant 56 : i32
      %dma_start3A_1278 = arith.constant 0 : i32
      %dma_start3A_1279 = tpu.memref_slice %dma_start3A_1276[%dma_start3A_1277, %dma_start3A_1278] : memref<64x128xf32, #tpu.memory_space<vmem>> -> memref<8x128xf32, #tpu.memory_space<vmem>>
      %dma_start3A_1280 = arith.constant 56 : i32
      %dma_start3A_1281 = tpu.memref_slice %arg2[%dma_start3A_1280, %multiple_of3A_1138] : memref<64x1000000xf32, #tpu.memory_space<hbm>> -> memref<8x128xf32, #tpu.memory_space<hbm>>
      %dma_start3A_1282 = arith.constant 0 : i32
      %dma_start3A_1283 = arith.constant 0 : i32
      %dma_start3A_1284 = tpu.memref_slice %arg7[%dma_start3A_1272, %dma_start3A_1282, %dma_start3A_1283] : memref<4x64x128xf32, #tpu.memory_space<vmem>> -> memref<1x64x128xf32, #tpu.memory_space<vmem>>
      %dma_start3A_1285 = tpu.memref_squeeze %dma_start3A_1284 : memref<1x64x128xf32, #tpu.memory_space<vmem>> -> memref<64x128xf32, #tpu.memory_space<vmem>>
      %dma_start3A_1286 = arith.constant 56 : i32
      %dma_start3A_1287 = arith.constant 0 : i32
      %dma_start3A_1288 = tpu.memref_slice %dma_start3A_1285[%dma_start3A_1286, %dma_start3A_1287] : memref<64x128xf32, #tpu.memory_space<vmem>> -> memref<8x128xf32, #tpu.memory_space<vmem>>
      %dma_start3A_1289 = arith.constant 56 : i32
      %dma_start3A_1290 = tpu.memref_slice %arg2[%dma_start3A_1289, %multiple_of3A_1138] : memref<64x1000000xf32, #tpu.memory_space<hbm>> -> memref<8x128xf32, #tpu.memory_space<hbm>>
      tpu.enqueue_dma source(%dma_start3A_1290 : memref<8x128xf32, #tpu.memory_space<hbm>>) target(%dma_start3A_1288 : memref<8x128xf32, #tpu.memory_space<vmem>>) target_semaphore(%arg11 : memref<!tpu.dma_semaphore, #tpu.memory_space<semaphore_mem>>)
      %shift_right_arithmetic3A_1291 = arith.constant 7 : i32
      %shift_right_arithmetic3A_1292 = arith.shrsi %squeeze3A_24, %shift_right_arithmetic3A_1291 : i32
      %shift_left3A_1293 = arith.constant 7 : i32
      %shift_left3A_1294 = arith.shli %shift_right_arithmetic3A_1292, %shift_left3A_1293 : i32
      %multiple_of3A_1295 = tpu.assume_multiple %shift_left3A_1294, 128 : i32
      %dma_start3A_1296 = arith.constant 0 : i32
      %dma_start3A_1297 = arith.constant 0 : i32
      %dma_start3A_1298 = arith.constant 0 : i32
      %dma_start3A_1299 = tpu.memref_slice %arg8[%dma_start3A_1296, %dma_start3A_1297, %dma_start3A_1298] : memref<4x64x128xf32, #tpu.memory_space<vmem>> -> memref<1x64x128xf32, #tpu.memory_space<vmem>>
      %dma_start3A_1300 = tpu.memref_squeeze %dma_start3A_1299 : memref<1x64x128xf32, #tpu.memory_space<vmem>> -> memref<64x128xf32, #tpu.memory_space<vmem>>
      %dma_start3A_1301 = arith.constant 0 : i32
      %dma_start3A_1302 = arith.constant 0 : i32
      %dma_start3A_1303 = tpu.memref_slice %dma_start3A_1300[%dma_start3A_1301, %dma_start3A_1302] : memref<64x128xf32, #tpu.memory_space<vmem>> -> memref<8x128xf32, #tpu.memory_space<vmem>>
      %dma_start3A_1304 = arith.constant 0 : i32
      %dma_start3A_1305 = tpu.memref_slice %arg2[%dma_start3A_1304, %multiple_of3A_1295] : memref<64x1000000xf32, #tpu.memory_space<hbm>> -> memref<8x128xf32, #tpu.memory_space<hbm>>
      %dma_start3A_1306 = arith.constant 0 : i32
      %dma_start3A_1307 = arith.constant 0 : i32
      %dma_start3A_1308 = tpu.memref_slice %arg8[%dma_start3A_1296, %dma_start3A_1306, %dma_start3A_1307] : memref<4x64x128xf32, #tpu.memory_space<vmem>> -> memref<1x64x128xf32, #tpu.memory_space<vmem>>
      %dma_start3A_1309 = tpu.memref_squeeze %dma_start3A_1308 : memref<1x64x128xf32, #tpu.memory_space<vmem>> -> memref<64x128xf32, #tpu.memory_space<vmem>>
      %dma_start3A_1310 = arith.constant 0 : i32
      %dma_start3A_1311 = arith.constant 0 : i32
      %dma_start3A_1312 = tpu.memref_slice %dma_start3A_1309[%dma_start3A_1310, %dma_start3A_1311] : memref<64x128xf32, #tpu.memory_space<vmem>> -> memref<8x128xf32, #tpu.memory_space<vmem>>
      %dma_start3A_1313 = arith.constant 0 : i32
      %dma_start3A_1314 = tpu.memref_slice %arg2[%dma_start3A_1313, %multiple_of3A_1295] : memref<64x1000000xf32, #tpu.memory_space<hbm>> -> memref<8x128xf32, #tpu.memory_space<hbm>>
      tpu.enqueue_dma source(%dma_start3A_1314 : memref<8x128xf32, #tpu.memory_space<hbm>>) target(%dma_start3A_1312 : memref<8x128xf32, #tpu.memory_space<vmem>>) target_semaphore(%arg12 : memref<!tpu.dma_semaphore, #tpu.memory_space<semaphore_mem>>)
      %dma_start3A_1315 = arith.constant 0 : i32
      %dma_start3A_1316 = arith.constant 0 : i32
      %dma_start3A_1317 = arith.constant 0 : i32
      %dma_start3A_1318 = tpu.memref_slice %arg8[%dma_start3A_1315, %dma_start3A_1316, %dma_start3A_1317] : memref<4x64x128xf32, #tpu.memory_space<vmem>> -> memref<1x64x128xf32, #tpu.memory_space<vmem>>
      %dma_start3A_1319 = tpu.memref_squeeze %dma_start3A_1318 : memref<1x64x128xf32, #tpu.memory_space<vmem>> -> memref<64x128xf32, #tpu.memory_space<vmem>>
      %dma_start3A_1320 = arith.constant 8 : i32
      %dma_start3A_1321 = arith.constant 0 : i32
      %dma_start3A_1322 = tpu.memref_slice %dma_start3A_1319[%dma_start3A_1320, %dma_start3A_1321] : memref<64x128xf32, #tpu.memory_space<vmem>> -> memref<8x128xf32, #tpu.memory_space<vmem>>
      %dma_start3A_1323 = arith.constant 8 : i32
      %dma_start3A_1324 = tpu.memref_slice %arg2[%dma_start3A_1323, %multiple_of3A_1295] : memref<64x1000000xf32, #tpu.memory_space<hbm>> -> memref<8x128xf32, #tpu.memory_space<hbm>>
      %dma_start3A_1325 = arith.constant 0 : i32
      %dma_start3A_1326 = arith.constant 0 : i32
      %dma_start3A_1327 = tpu.memref_slice %arg8[%dma_start3A_1315, %dma_start3A_1325, %dma_start3A_1326] : memref<4x64x128xf32, #tpu.memory_space<vmem>> -> memref<1x64x128xf32, #tpu.memory_space<vmem>>
      %dma_start3A_1328 = tpu.memref_squeeze %dma_start3A_1327 : memref<1x64x128xf32, #tpu.memory_space<vmem>> -> memref<64x128xf32, #tpu.memory_space<vmem>>
      %dma_start3A_1329 = arith.constant 8 : i32
      %dma_start3A_1330 = arith.constant 0 : i32
      %dma_start3A_1331 = tpu.memref_slice %dma_start3A_1328[%dma_start3A_1329, %dma_start3A_1330] : memref<64x128xf32, #tpu.memory_space<vmem>> -> memref<8x128xf32, #tpu.memory_space<vmem>>
      %dma_start3A_1332 = arith.constant 8 : i32
      %dma_start3A_1333 = tpu.memref_slice %arg2[%dma_start3A_1332, %multiple_of3A_1295] : memref<64x1000000xf32, #tpu.memory_space<hbm>> -> memref<8x128xf32, #tpu.memory_space<hbm>>
      tpu.enqueue_dma source(%dma_start3A_1333 : memref<8x128xf32, #tpu.memory_space<hbm>>) target(%dma_start3A_1331 : memref<8x128xf32, #tpu.memory_space<vmem>>) target_semaphore(%arg12 : memref<!tpu.dma_semaphore, #tpu.memory_space<semaphore_mem>>)
      %dma_start3A_1334 = arith.constant 0 : i32
      %dma_start3A_1335 = arith.constant 0 : i32
      %dma_start3A_1336 = arith.constant 0 : i32
      %dma_start3A_1337 = tpu.memref_slice %arg8[%dma_start3A_1334, %dma_start3A_1335, %dma_start3A_1336] : memref<4x64x128xf32, #tpu.memory_space<vmem>> -> memref<1x64x128xf32, #tpu.memory_space<vmem>>
      %dma_start3A_1338 = tpu.memref_squeeze %dma_start3A_1337 : memref<1x64x128xf32, #tpu.memory_space<vmem>> -> memref<64x128xf32, #tpu.memory_space<vmem>>
      %dma_start3A_1339 = arith.constant 16 : i32
      %dma_start3A_1340 = arith.constant 0 : i32
      %dma_start3A_1341 = tpu.memref_slice %dma_start3A_1338[%dma_start3A_1339, %dma_start3A_1340] : memref<64x128xf32, #tpu.memory_space<vmem>> -> memref<8x128xf32, #tpu.memory_space<vmem>>
      %dma_start3A_1342 = arith.constant 16 : i32
      %dma_start3A_1343 = tpu.memref_slice %arg2[%dma_start3A_1342, %multiple_of3A_1295] : memref<64x1000000xf32, #tpu.memory_space<hbm>> -> memref<8x128xf32, #tpu.memory_space<hbm>>
      %dma_start3A_1344 = arith.constant 0 : i32
      %dma_start3A_1345 = arith.constant 0 : i32
      %dma_start3A_1346 = tpu.memref_slice %arg8[%dma_start3A_1334, %dma_start3A_1344, %dma_start3A_1345] : memref<4x64x128xf32, #tpu.memory_space<vmem>> -> memref<1x64x128xf32, #tpu.memory_space<vmem>>
      %dma_start3A_1347 = tpu.memref_squeeze %dma_start3A_1346 : memref<1x64x128xf32, #tpu.memory_space<vmem>> -> memref<64x128xf32, #tpu.memory_space<vmem>>
      %dma_start3A_1348 = arith.constant 16 : i32
      %dma_start3A_1349 = arith.constant 0 : i32
      %dma_start3A_1350 = tpu.memref_slice %dma_start3A_1347[%dma_start3A_1348, %dma_start3A_1349] : memref<64x128xf32, #tpu.memory_space<vmem>> -> memref<8x128xf32, #tpu.memory_space<vmem>>
      %dma_start3A_1351 = arith.constant 16 : i32
      %dma_start3A_1352 = tpu.memref_slice %arg2[%dma_start3A_1351, %multiple_of3A_1295] : memref<64x1000000xf32, #tpu.memory_space<hbm>> -> memref<8x128xf32, #tpu.memory_space<hbm>>
      tpu.enqueue_dma source(%dma_start3A_1352 : memref<8x128xf32, #tpu.memory_space<hbm>>) target(%dma_start3A_1350 : memref<8x128xf32, #tpu.memory_space<vmem>>) target_semaphore(%arg12 : memref<!tpu.dma_semaphore, #tpu.memory_space<semaphore_mem>>)
      %dma_start3A_1353 = arith.constant 0 : i32
      %dma_start3A_1354 = arith.constant 0 : i32
      %dma_start3A_1355 = arith.constant 0 : i32
      %dma_start3A_1356 = tpu.memref_slice %arg8[%dma_start3A_1353, %dma_start3A_1354, %dma_start3A_1355] : memref<4x64x128xf32, #tpu.memory_space<vmem>> -> memref<1x64x128xf32, #tpu.memory_space<vmem>>
      %dma_start3A_1357 = tpu.memref_squeeze %dma_start3A_1356 : memref<1x64x128xf32, #tpu.memory_space<vmem>> -> memref<64x128xf32, #tpu.memory_space<vmem>>
      %dma_start3A_1358 = arith.constant 24 : i32
      %dma_start3A_1359 = arith.constant 0 : i32
      %dma_start3A_1360 = tpu.memref_slice %dma_start3A_1357[%dma_start3A_1358, %dma_start3A_1359] : memref<64x128xf32, #tpu.memory_space<vmem>> -> memref<8x128xf32, #tpu.memory_space<vmem>>
      %dma_start3A_1361 = arith.constant 24 : i32
      %dma_start3A_1362 = tpu.memref_slice %arg2[%dma_start3A_1361, %multiple_of3A_1295] : memref<64x1000000xf32, #tpu.memory_space<hbm>> -> memref<8x128xf32, #tpu.memory_space<hbm>>
      %dma_start3A_1363 = arith.constant 0 : i32
      %dma_start3A_1364 = arith.constant 0 : i32
      %dma_start3A_1365 = tpu.memref_slice %arg8[%dma_start3A_1353, %dma_start3A_1363, %dma_start3A_1364] : memref<4x64x128xf32, #tpu.memory_space<vmem>> -> memref<1x64x128xf32, #tpu.memory_space<vmem>>
      %dma_start3A_1366 = tpu.memref_squeeze %dma_start3A_1365 : memref<1x64x128xf32, #tpu.memory_space<vmem>> -> memref<64x128xf32, #tpu.memory_space<vmem>>
      %dma_start3A_1367 = arith.constant 24 : i32
      %dma_start3A_1368 = arith.constant 0 : i32
      %dma_start3A_1369 = tpu.memref_slice %dma_start3A_1366[%dma_start3A_1367, %dma_start3A_1368] : memref<64x128xf32, #tpu.memory_space<vmem>> -> memref<8x128xf32, #tpu.memory_space<vmem>>
      %dma_start3A_1370 = arith.constant 24 : i32
      %dma_start3A_1371 = tpu.memref_slice %arg2[%dma_start3A_1370, %multiple_of3A_1295] : memref<64x1000000xf32, #tpu.memory_space<hbm>> -> memref<8x128xf32, #tpu.memory_space<hbm>>
      tpu.enqueue_dma source(%dma_start3A_1371 : memref<8x128xf32, #tpu.memory_space<hbm>>) target(%dma_start3A_1369 : memref<8x128xf32, #tpu.memory_space<vmem>>) target_semaphore(%arg12 : memref<!tpu.dma_semaphore, #tpu.memory_space<semaphore_mem>>)
      %dma_start3A_1372 = arith.constant 0 : i32
      %dma_start3A_1373 = arith.constant 0 : i32
      %dma_start3A_1374 = arith.constant 0 : i32
      %dma_start3A_1375 = tpu.memref_slice %arg8[%dma_start3A_1372, %dma_start3A_1373, %dma_start3A_1374] : memref<4x64x128xf32, #tpu.memory_space<vmem>> -> memref<1x64x128xf32, #tpu.memory_space<vmem>>
      %dma_start3A_1376 = tpu.memref_squeeze %dma_start3A_1375 : memref<1x64x128xf32, #tpu.memory_space<vmem>> -> memref<64x128xf32, #tpu.memory_space<vmem>>
      %dma_start3A_1377 = arith.constant 32 : i32
      %dma_start3A_1378 = arith.constant 0 : i32
      %dma_start3A_1379 = tpu.memref_slice %dma_start3A_1376[%dma_start3A_1377, %dma_start3A_1378] : memref<64x128xf32, #tpu.memory_space<vmem>> -> memref<8x128xf32, #tpu.memory_space<vmem>>
      %dma_start3A_1380 = arith.constant 32 : i32
      %dma_start3A_1381 = tpu.memref_slice %arg2[%dma_start3A_1380, %multiple_of3A_1295] : memref<64x1000000xf32, #tpu.memory_space<hbm>> -> memref<8x128xf32, #tpu.memory_space<hbm>>
      %dma_start3A_1382 = arith.constant 0 : i32
      %dma_start3A_1383 = arith.constant 0 : i32
      %dma_start3A_1384 = tpu.memref_slice %arg8[%dma_start3A_1372, %dma_start3A_1382, %dma_start3A_1383] : memref<4x64x128xf32, #tpu.memory_space<vmem>> -> memref<1x64x128xf32, #tpu.memory_space<vmem>>
      %dma_start3A_1385 = tpu.memref_squeeze %dma_start3A_1384 : memref<1x64x128xf32, #tpu.memory_space<vmem>> -> memref<64x128xf32, #tpu.memory_space<vmem>>
      %dma_start3A_1386 = arith.constant 32 : i32
      %dma_start3A_1387 = arith.constant 0 : i32
      %dma_start3A_1388 = tpu.memref_slice %dma_start3A_1385[%dma_start3A_1386, %dma_start3A_1387] : memref<64x128xf32, #tpu.memory_space<vmem>> -> memref<8x128xf32, #tpu.memory_space<vmem>>
      %dma_start3A_1389 = arith.constant 32 : i32
      %dma_start3A_1390 = tpu.memref_slice %arg2[%dma_start3A_1389, %multiple_of3A_1295] : memref<64x1000000xf32, #tpu.memory_space<hbm>> -> memref<8x128xf32, #tpu.memory_space<hbm>>
      tpu.enqueue_dma source(%dma_start3A_1390 : memref<8x128xf32, #tpu.memory_space<hbm>>) target(%dma_start3A_1388 : memref<8x128xf32, #tpu.memory_space<vmem>>) target_semaphore(%arg12 : memref<!tpu.dma_semaphore, #tpu.memory_space<semaphore_mem>>)
      %dma_start3A_1391 = arith.constant 0 : i32
      %dma_start3A_1392 = arith.constant 0 : i32
      %dma_start3A_1393 = arith.constant 0 : i32
      %dma_start3A_1394 = tpu.memref_slice %arg8[%dma_start3A_1391, %dma_start3A_1392, %dma_start3A_1393] : memref<4x64x128xf32, #tpu.memory_space<vmem>> -> memref<1x64x128xf32, #tpu.memory_space<vmem>>
      %dma_start3A_1395 = tpu.memref_squeeze %dma_start3A_1394 : memref<1x64x128xf32, #tpu.memory_space<vmem>> -> memref<64x128xf32, #tpu.memory_space<vmem>>
      %dma_start3A_1396 = arith.constant 40 : i32
      %dma_start3A_1397 = arith.constant 0 : i32
      %dma_start3A_1398 = tpu.memref_slice %dma_start3A_1395[%dma_start3A_1396, %dma_start3A_1397] : memref<64x128xf32, #tpu.memory_space<vmem>> -> memref<8x128xf32, #tpu.memory_space<vmem>>
      %dma_start3A_1399 = arith.constant 40 : i32
      %dma_start3A_1400 = tpu.memref_slice %arg2[%dma_start3A_1399, %multiple_of3A_1295] : memref<64x1000000xf32, #tpu.memory_space<hbm>> -> memref<8x128xf32, #tpu.memory_space<hbm>>
      %dma_start3A_1401 = arith.constant 0 : i32
      %dma_start3A_1402 = arith.constant 0 : i32
      %dma_start3A_1403 = tpu.memref_slice %arg8[%dma_start3A_1391, %dma_start3A_1401, %dma_start3A_1402] : memref<4x64x128xf32, #tpu.memory_space<vmem>> -> memref<1x64x128xf32, #tpu.memory_space<vmem>>
      %dma_start3A_1404 = tpu.memref_squeeze %dma_start3A_1403 : memref<1x64x128xf32, #tpu.memory_space<vmem>> -> memref<64x128xf32, #tpu.memory_space<vmem>>
      %dma_start3A_1405 = arith.constant 40 : i32
      %dma_start3A_1406 = arith.constant 0 : i32
      %dma_start3A_1407 = tpu.memref_slice %dma_start3A_1404[%dma_start3A_1405, %dma_start3A_1406] : memref<64x128xf32, #tpu.memory_space<vmem>> -> memref<8x128xf32, #tpu.memory_space<vmem>>
      %dma_start3A_1408 = arith.constant 40 : i32
      %dma_start3A_1409 = tpu.memref_slice %arg2[%dma_start3A_1408, %multiple_of3A_1295] : memref<64x1000000xf32, #tpu.memory_space<hbm>> -> memref<8x128xf32, #tpu.memory_space<hbm>>
      tpu.enqueue_dma source(%dma_start3A_1409 : memref<8x128xf32, #tpu.memory_space<hbm>>) target(%dma_start3A_1407 : memref<8x128xf32, #tpu.memory_space<vmem>>) target_semaphore(%arg12 : memref<!tpu.dma_semaphore, #tpu.memory_space<semaphore_mem>>)
      %dma_start3A_1410 = arith.constant 0 : i32
      %dma_start3A_1411 = arith.constant 0 : i32
      %dma_start3A_1412 = arith.constant 0 : i32
      %dma_start3A_1413 = tpu.memref_slice %arg8[%dma_start3A_1410, %dma_start3A_1411, %dma_start3A_1412] : memref<4x64x128xf32, #tpu.memory_space<vmem>> -> memref<1x64x128xf32, #tpu.memory_space<vmem>>
      %dma_start3A_1414 = tpu.memref_squeeze %dma_start3A_1413 : memref<1x64x128xf32, #tpu.memory_space<vmem>> -> memref<64x128xf32, #tpu.memory_space<vmem>>
      %dma_start3A_1415 = arith.constant 48 : i32
      %dma_start3A_1416 = arith.constant 0 : i32
      %dma_start3A_1417 = tpu.memref_slice %dma_start3A_1414[%dma_start3A_1415, %dma_start3A_1416] : memref<64x128xf32, #tpu.memory_space<vmem>> -> memref<8x128xf32, #tpu.memory_space<vmem>>
      %dma_start3A_1418 = arith.constant 48 : i32
      %dma_start3A_1419 = tpu.memref_slice %arg2[%dma_start3A_1418, %multiple_of3A_1295] : memref<64x1000000xf32, #tpu.memory_space<hbm>> -> memref<8x128xf32, #tpu.memory_space<hbm>>
      %dma_start3A_1420 = arith.constant 0 : i32
      %dma_start3A_1421 = arith.constant 0 : i32
      %dma_start3A_1422 = tpu.memref_slice %arg8[%dma_start3A_1410, %dma_start3A_1420, %dma_start3A_1421] : memref<4x64x128xf32, #tpu.memory_space<vmem>> -> memref<1x64x128xf32, #tpu.memory_space<vmem>>
      %dma_start3A_1423 = tpu.memref_squeeze %dma_start3A_1422 : memref<1x64x128xf32, #tpu.memory_space<vmem>> -> memref<64x128xf32, #tpu.memory_space<vmem>>
      %dma_start3A_1424 = arith.constant 48 : i32
      %dma_start3A_1425 = arith.constant 0 : i32
      %dma_start3A_1426 = tpu.memref_slice %dma_start3A_1423[%dma_start3A_1424, %dma_start3A_1425] : memref<64x128xf32, #tpu.memory_space<vmem>> -> memref<8x128xf32, #tpu.memory_space<vmem>>
      %dma_start3A_1427 = arith.constant 48 : i32
      %dma_start3A_1428 = tpu.memref_slice %arg2[%dma_start3A_1427, %multiple_of3A_1295] : memref<64x1000000xf32, #tpu.memory_space<hbm>> -> memref<8x128xf32, #tpu.memory_space<hbm>>
      tpu.enqueue_dma source(%dma_start3A_1428 : memref<8x128xf32, #tpu.memory_space<hbm>>) target(%dma_start3A_1426 : memref<8x128xf32, #tpu.memory_space<vmem>>) target_semaphore(%arg12 : memref<!tpu.dma_semaphore, #tpu.memory_space<semaphore_mem>>)
      %dma_start3A_1429 = arith.constant 0 : i32
      %dma_start3A_1430 = arith.constant 0 : i32
      %dma_start3A_1431 = arith.constant 0 : i32
      %dma_start3A_1432 = tpu.memref_slice %arg8[%dma_start3A_1429, %dma_start3A_1430, %dma_start3A_1431] : memref<4x64x128xf32, #tpu.memory_space<vmem>> -> memref<1x64x128xf32, #tpu.memory_space<vmem>>
      %dma_start3A_1433 = tpu.memref_squeeze %dma_start3A_1432 : memref<1x64x128xf32, #tpu.memory_space<vmem>> -> memref<64x128xf32, #tpu.memory_space<vmem>>
      %dma_start3A_1434 = arith.constant 56 : i32
      %dma_start3A_1435 = arith.constant 0 : i32
      %dma_start3A_1436 = tpu.memref_slice %dma_start3A_1433[%dma_start3A_1434, %dma_start3A_1435] : memref<64x128xf32, #tpu.memory_space<vmem>> -> memref<8x128xf32, #tpu.memory_space<vmem>>
      %dma_start3A_1437 = arith.constant 56 : i32
      %dma_start3A_1438 = tpu.memref_slice %arg2[%dma_start3A_1437, %multiple_of3A_1295] : memref<64x1000000xf32, #tpu.memory_space<hbm>> -> memref<8x128xf32, #tpu.memory_space<hbm>>
      %dma_start3A_1439 = arith.constant 0 : i32
      %dma_start3A_1440 = arith.constant 0 : i32
      %dma_start3A_1441 = tpu.memref_slice %arg8[%dma_start3A_1429, %dma_start3A_1439, %dma_start3A_1440] : memref<4x64x128xf32, #tpu.memory_space<vmem>> -> memref<1x64x128xf32, #tpu.memory_space<vmem>>
      %dma_start3A_1442 = tpu.memref_squeeze %dma_start3A_1441 : memref<1x64x128xf32, #tpu.memory_space<vmem>> -> memref<64x128xf32, #tpu.memory_space<vmem>>
      %dma_start3A_1443 = arith.constant 56 : i32
      %dma_start3A_1444 = arith.constant 0 : i32
      %dma_start3A_1445 = tpu.memref_slice %dma_start3A_1442[%dma_start3A_1443, %dma_start3A_1444] : memref<64x128xf32, #tpu.memory_space<vmem>> -> memref<8x128xf32, #tpu.memory_space<vmem>>
      %dma_start3A_1446 = arith.constant 56 : i32
      %dma_start3A_1447 = tpu.memref_slice %arg2[%dma_start3A_1446, %multiple_of3A_1295] : memref<64x1000000xf32, #tpu.memory_space<hbm>> -> memref<8x128xf32, #tpu.memory_space<hbm>>
      tpu.enqueue_dma source(%dma_start3A_1447 : memref<8x128xf32, #tpu.memory_space<hbm>>) target(%dma_start3A_1445 : memref<8x128xf32, #tpu.memory_space<vmem>>) target_semaphore(%arg12 : memref<!tpu.dma_semaphore, #tpu.memory_space<semaphore_mem>>)
      %shift_right_arithmetic3A_1448 = arith.constant 7 : i32
      %shift_right_arithmetic3A_1449 = arith.shrsi %squeeze3A_26, %shift_right_arithmetic3A_1448 : i32
      %shift_left3A_1450 = arith.constant 7 : i32
      %shift_left3A_1451 = arith.shli %shift_right_arithmetic3A_1449, %shift_left3A_1450 : i32
      %multiple_of3A_1452 = tpu.assume_multiple %shift_left3A_1451, 128 : i32
      %dma_start3A_1453 = arith.constant 1 : i32
      %dma_start3A_1454 = arith.constant 0 : i32
      %dma_start3A_1455 = arith.constant 0 : i32
      %dma_start3A_1456 = tpu.memref_slice %arg8[%dma_start3A_1453, %dma_start3A_1454, %dma_start3A_1455] : memref<4x64x128xf32, #tpu.memory_space<vmem>> -> memref<1x64x128xf32, #tpu.memory_space<vmem>>
      %dma_start3A_1457 = tpu.memref_squeeze %dma_start3A_1456 : memref<1x64x128xf32, #tpu.memory_space<vmem>> -> memref<64x128xf32, #tpu.memory_space<vmem>>
      %dma_start3A_1458 = arith.constant 0 : i32
      %dma_start3A_1459 = arith.constant 0 : i32
      %dma_start3A_1460 = tpu.memref_slice %dma_start3A_1457[%dma_start3A_1458, %dma_start3A_1459] : memref<64x128xf32, #tpu.memory_space<vmem>> -> memref<8x128xf32, #tpu.memory_space<vmem>>
      %dma_start3A_1461 = arith.constant 0 : i32
      %dma_start3A_1462 = tpu.memref_slice %arg2[%dma_start3A_1461, %multiple_of3A_1452] : memref<64x1000000xf32, #tpu.memory_space<hbm>> -> memref<8x128xf32, #tpu.memory_space<hbm>>
      %dma_start3A_1463 = arith.constant 0 : i32
      %dma_start3A_1464 = arith.constant 0 : i32
      %dma_start3A_1465 = tpu.memref_slice %arg8[%dma_start3A_1453, %dma_start3A_1463, %dma_start3A_1464] : memref<4x64x128xf32, #tpu.memory_space<vmem>> -> memref<1x64x128xf32, #tpu.memory_space<vmem>>
      %dma_start3A_1466 = tpu.memref_squeeze %dma_start3A_1465 : memref<1x64x128xf32, #tpu.memory_space<vmem>> -> memref<64x128xf32, #tpu.memory_space<vmem>>
      %dma_start3A_1467 = arith.constant 0 : i32
      %dma_start3A_1468 = arith.constant 0 : i32
      %dma_start3A_1469 = tpu.memref_slice %dma_start3A_1466[%dma_start3A_1467, %dma_start3A_1468] : memref<64x128xf32, #tpu.memory_space<vmem>> -> memref<8x128xf32, #tpu.memory_space<vmem>>
      %dma_start3A_1470 = arith.constant 0 : i32
      %dma_start3A_1471 = tpu.memref_slice %arg2[%dma_start3A_1470, %multiple_of3A_1452] : memref<64x1000000xf32, #tpu.memory_space<hbm>> -> memref<8x128xf32, #tpu.memory_space<hbm>>
      tpu.enqueue_dma source(%dma_start3A_1471 : memref<8x128xf32, #tpu.memory_space<hbm>>) target(%dma_start3A_1469 : memref<8x128xf32, #tpu.memory_space<vmem>>) target_semaphore(%arg12 : memref<!tpu.dma_semaphore, #tpu.memory_space<semaphore_mem>>)
      %dma_start3A_1472 = arith.constant 1 : i32
      %dma_start3A_1473 = arith.constant 0 : i32
      %dma_start3A_1474 = arith.constant 0 : i32
      %dma_start3A_1475 = tpu.memref_slice %arg8[%dma_start3A_1472, %dma_start3A_1473, %dma_start3A_1474] : memref<4x64x128xf32, #tpu.memory_space<vmem>> -> memref<1x64x128xf32, #tpu.memory_space<vmem>>
      %dma_start3A_1476 = tpu.memref_squeeze %dma_start3A_1475 : memref<1x64x128xf32, #tpu.memory_space<vmem>> -> memref<64x128xf32, #tpu.memory_space<vmem>>
      %dma_start3A_1477 = arith.constant 8 : i32
      %dma_start3A_1478 = arith.constant 0 : i32
      %dma_start3A_1479 = tpu.memref_slice %dma_start3A_1476[%dma_start3A_1477, %dma_start3A_1478] : memref<64x128xf32, #tpu.memory_space<vmem>> -> memref<8x128xf32, #tpu.memory_space<vmem>>
      %dma_start3A_1480 = arith.constant 8 : i32
      %dma_start3A_1481 = tpu.memref_slice %arg2[%dma_start3A_1480, %multiple_of3A_1452] : memref<64x1000000xf32, #tpu.memory_space<hbm>> -> memref<8x128xf32, #tpu.memory_space<hbm>>
      %dma_start3A_1482 = arith.constant 0 : i32
      %dma_start3A_1483 = arith.constant 0 : i32
      %dma_start3A_1484 = tpu.memref_slice %arg8[%dma_start3A_1472, %dma_start3A_1482, %dma_start3A_1483] : memref<4x64x128xf32, #tpu.memory_space<vmem>> -> memref<1x64x128xf32, #tpu.memory_space<vmem>>
      %dma_start3A_1485 = tpu.memref_squeeze %dma_start3A_1484 : memref<1x64x128xf32, #tpu.memory_space<vmem>> -> memref<64x128xf32, #tpu.memory_space<vmem>>
      %dma_start3A_1486 = arith.constant 8 : i32
      %dma_start3A_1487 = arith.constant 0 : i32
      %dma_start3A_1488 = tpu.memref_slice %dma_start3A_1485[%dma_start3A_1486, %dma_start3A_1487] : memref<64x128xf32, #tpu.memory_space<vmem>> -> memref<8x128xf32, #tpu.memory_space<vmem>>
      %dma_start3A_1489 = arith.constant 8 : i32
      %dma_start3A_1490 = tpu.memref_slice %arg2[%dma_start3A_1489, %multiple_of3A_1452] : memref<64x1000000xf32, #tpu.memory_space<hbm>> -> memref<8x128xf32, #tpu.memory_space<hbm>>
      tpu.enqueue_dma source(%dma_start3A_1490 : memref<8x128xf32, #tpu.memory_space<hbm>>) target(%dma_start3A_1488 : memref<8x128xf32, #tpu.memory_space<vmem>>) target_semaphore(%arg12 : memref<!tpu.dma_semaphore, #tpu.memory_space<semaphore_mem>>)
      %dma_start3A_1491 = arith.constant 1 : i32
      %dma_start3A_1492 = arith.constant 0 : i32
      %dma_start3A_1493 = arith.constant 0 : i32
      %dma_start3A_1494 = tpu.memref_slice %arg8[%dma_start3A_1491, %dma_start3A_1492, %dma_start3A_1493] : memref<4x64x128xf32, #tpu.memory_space<vmem>> -> memref<1x64x128xf32, #tpu.memory_space<vmem>>
      %dma_start3A_1495 = tpu.memref_squeeze %dma_start3A_1494 : memref<1x64x128xf32, #tpu.memory_space<vmem>> -> memref<64x128xf32, #tpu.memory_space<vmem>>
      %dma_start3A_1496 = arith.constant 16 : i32
      %dma_start3A_1497 = arith.constant 0 : i32
      %dma_start3A_1498 = tpu.memref_slice %dma_start3A_1495[%dma_start3A_1496, %dma_start3A_1497] : memref<64x128xf32, #tpu.memory_space<vmem>> -> memref<8x128xf32, #tpu.memory_space<vmem>>
      %dma_start3A_1499 = arith.constant 16 : i32
      %dma_start3A_1500 = tpu.memref_slice %arg2[%dma_start3A_1499, %multiple_of3A_1452] : memref<64x1000000xf32, #tpu.memory_space<hbm>> -> memref<8x128xf32, #tpu.memory_space<hbm>>
      %dma_start3A_1501 = arith.constant 0 : i32
      %dma_start3A_1502 = arith.constant 0 : i32
      %dma_start3A_1503 = tpu.memref_slice %arg8[%dma_start3A_1491, %dma_start3A_1501, %dma_start3A_1502] : memref<4x64x128xf32, #tpu.memory_space<vmem>> -> memref<1x64x128xf32, #tpu.memory_space<vmem>>
      %dma_start3A_1504 = tpu.memref_squeeze %dma_start3A_1503 : memref<1x64x128xf32, #tpu.memory_space<vmem>> -> memref<64x128xf32, #tpu.memory_space<vmem>>
      %dma_start3A_1505 = arith.constant 16 : i32
      %dma_start3A_1506 = arith.constant 0 : i32
      %dma_start3A_1507 = tpu.memref_slice %dma_start3A_1504[%dma_start3A_1505, %dma_start3A_1506] : memref<64x128xf32, #tpu.memory_space<vmem>> -> memref<8x128xf32, #tpu.memory_space<vmem>>
      %dma_start3A_1508 = arith.constant 16 : i32
      %dma_start3A_1509 = tpu.memref_slice %arg2[%dma_start3A_1508, %multiple_of3A_1452] : memref<64x1000000xf32, #tpu.memory_space<hbm>> -> memref<8x128xf32, #tpu.memory_space<hbm>>
      tpu.enqueue_dma source(%dma_start3A_1509 : memref<8x128xf32, #tpu.memory_space<hbm>>) target(%dma_start3A_1507 : memref<8x128xf32, #tpu.memory_space<vmem>>) target_semaphore(%arg12 : memref<!tpu.dma_semaphore, #tpu.memory_space<semaphore_mem>>)
      %dma_start3A_1510 = arith.constant 1 : i32
      %dma_start3A_1511 = arith.constant 0 : i32
      %dma_start3A_1512 = arith.constant 0 : i32
      %dma_start3A_1513 = tpu.memref_slice %arg8[%dma_start3A_1510, %dma_start3A_1511, %dma_start3A_1512] : memref<4x64x128xf32, #tpu.memory_space<vmem>> -> memref<1x64x128xf32, #tpu.memory_space<vmem>>
      %dma_start3A_1514 = tpu.memref_squeeze %dma_start3A_1513 : memref<1x64x128xf32, #tpu.memory_space<vmem>> -> memref<64x128xf32, #tpu.memory_space<vmem>>
      %dma_start3A_1515 = arith.constant 24 : i32
      %dma_start3A_1516 = arith.constant 0 : i32
      %dma_start3A_1517 = tpu.memref_slice %dma_start3A_1514[%dma_start3A_1515, %dma_start3A_1516] : memref<64x128xf32, #tpu.memory_space<vmem>> -> memref<8x128xf32, #tpu.memory_space<vmem>>
      %dma_start3A_1518 = arith.constant 24 : i32
      %dma_start3A_1519 = tpu.memref_slice %arg2[%dma_start3A_1518, %multiple_of3A_1452] : memref<64x1000000xf32, #tpu.memory_space<hbm>> -> memref<8x128xf32, #tpu.memory_space<hbm>>
      %dma_start3A_1520 = arith.constant 0 : i32
      %dma_start3A_1521 = arith.constant 0 : i32
      %dma_start3A_1522 = tpu.memref_slice %arg8[%dma_start3A_1510, %dma_start3A_1520, %dma_start3A_1521] : memref<4x64x128xf32, #tpu.memory_space<vmem>> -> memref<1x64x128xf32, #tpu.memory_space<vmem>>
      %dma_start3A_1523 = tpu.memref_squeeze %dma_start3A_1522 : memref<1x64x128xf32, #tpu.memory_space<vmem>> -> memref<64x128xf32, #tpu.memory_space<vmem>>
      %dma_start3A_1524 = arith.constant 24 : i32
      %dma_start3A_1525 = arith.constant 0 : i32
      %dma_start3A_1526 = tpu.memref_slice %dma_start3A_1523[%dma_start3A_1524, %dma_start3A_1525] : memref<64x128xf32, #tpu.memory_space<vmem>> -> memref<8x128xf32, #tpu.memory_space<vmem>>
      %dma_start3A_1527 = arith.constant 24 : i32
      %dma_start3A_1528 = tpu.memref_slice %arg2[%dma_start3A_1527, %multiple_of3A_1452] : memref<64x1000000xf32, #tpu.memory_space<hbm>> -> memref<8x128xf32, #tpu.memory_space<hbm>>
      tpu.enqueue_dma source(%dma_start3A_1528 : memref<8x128xf32, #tpu.memory_space<hbm>>) target(%dma_start3A_1526 : memref<8x128xf32, #tpu.memory_space<vmem>>) target_semaphore(%arg12 : memref<!tpu.dma_semaphore, #tpu.memory_space<semaphore_mem>>)
      %dma_start3A_1529 = arith.constant 1 : i32
      %dma_start3A_1530 = arith.constant 0 : i32
      %dma_start3A_1531 = arith.constant 0 : i32
      %dma_start3A_1532 = tpu.memref_slice %arg8[%dma_start3A_1529, %dma_start3A_1530, %dma_start3A_1531] : memref<4x64x128xf32, #tpu.memory_space<vmem>> -> memref<1x64x128xf32, #tpu.memory_space<vmem>>
      %dma_start3A_1533 = tpu.memref_squeeze %dma_start3A_1532 : memref<1x64x128xf32, #tpu.memory_space<vmem>> -> memref<64x128xf32, #tpu.memory_space<vmem>>
      %dma_start3A_1534 = arith.constant 32 : i32
      %dma_start3A_1535 = arith.constant 0 : i32
      %dma_start3A_1536 = tpu.memref_slice %dma_start3A_1533[%dma_start3A_1534, %dma_start3A_1535] : memref<64x128xf32, #tpu.memory_space<vmem>> -> memref<8x128xf32, #tpu.memory_space<vmem>>
      %dma_start3A_1537 = arith.constant 32 : i32
      %dma_start3A_1538 = tpu.memref_slice %arg2[%dma_start3A_1537, %multiple_of3A_1452] : memref<64x1000000xf32, #tpu.memory_space<hbm>> -> memref<8x128xf32, #tpu.memory_space<hbm>>
      %dma_start3A_1539 = arith.constant 0 : i32
      %dma_start3A_1540 = arith.constant 0 : i32
      %dma_start3A_1541 = tpu.memref_slice %arg8[%dma_start3A_1529, %dma_start3A_1539, %dma_start3A_1540] : memref<4x64x128xf32, #tpu.memory_space<vmem>> -> memref<1x64x128xf32, #tpu.memory_space<vmem>>
      %dma_start3A_1542 = tpu.memref_squeeze %dma_start3A_1541 : memref<1x64x128xf32, #tpu.memory_space<vmem>> -> memref<64x128xf32, #tpu.memory_space<vmem>>
      %dma_start3A_1543 = arith.constant 32 : i32
      %dma_start3A_1544 = arith.constant 0 : i32
      %dma_start3A_1545 = tpu.memref_slice %dma_start3A_1542[%dma_start3A_1543, %dma_start3A_1544] : memref<64x128xf32, #tpu.memory_space<vmem>> -> memref<8x128xf32, #tpu.memory_space<vmem>>
      %dma_start3A_1546 = arith.constant 32 : i32
      %dma_start3A_1547 = tpu.memref_slice %arg2[%dma_start3A_1546, %multiple_of3A_1452] : memref<64x1000000xf32, #tpu.memory_space<hbm>> -> memref<8x128xf32, #tpu.memory_space<hbm>>
      tpu.enqueue_dma source(%dma_start3A_1547 : memref<8x128xf32, #tpu.memory_space<hbm>>) target(%dma_start3A_1545 : memref<8x128xf32, #tpu.memory_space<vmem>>) target_semaphore(%arg12 : memref<!tpu.dma_semaphore, #tpu.memory_space<semaphore_mem>>)
      %dma_start3A_1548 = arith.constant 1 : i32
      %dma_start3A_1549 = arith.constant 0 : i32
      %dma_start3A_1550 = arith.constant 0 : i32
      %dma_start3A_1551 = tpu.memref_slice %arg8[%dma_start3A_1548, %dma_start3A_1549, %dma_start3A_1550] : memref<4x64x128xf32, #tpu.memory_space<vmem>> -> memref<1x64x128xf32, #tpu.memory_space<vmem>>
      %dma_start3A_1552 = tpu.memref_squeeze %dma_start3A_1551 : memref<1x64x128xf32, #tpu.memory_space<vmem>> -> memref<64x128xf32, #tpu.memory_space<vmem>>
      %dma_start3A_1553 = arith.constant 40 : i32
      %dma_start3A_1554 = arith.constant 0 : i32
      %dma_start3A_1555 = tpu.memref_slice %dma_start3A_1552[%dma_start3A_1553, %dma_start3A_1554] : memref<64x128xf32, #tpu.memory_space<vmem>> -> memref<8x128xf32, #tpu.memory_space<vmem>>
      %dma_start3A_1556 = arith.constant 40 : i32
      %dma_start3A_1557 = tpu.memref_slice %arg2[%dma_start3A_1556, %multiple_of3A_1452] : memref<64x1000000xf32, #tpu.memory_space<hbm>> -> memref<8x128xf32, #tpu.memory_space<hbm>>
      %dma_start3A_1558 = arith.constant 0 : i32
      %dma_start3A_1559 = arith.constant 0 : i32
      %dma_start3A_1560 = tpu.memref_slice %arg8[%dma_start3A_1548, %dma_start3A_1558, %dma_start3A_1559] : memref<4x64x128xf32, #tpu.memory_space<vmem>> -> memref<1x64x128xf32, #tpu.memory_space<vmem>>
      %dma_start3A_1561 = tpu.memref_squeeze %dma_start3A_1560 : memref<1x64x128xf32, #tpu.memory_space<vmem>> -> memref<64x128xf32, #tpu.memory_space<vmem>>
      %dma_start3A_1562 = arith.constant 40 : i32
      %dma_start3A_1563 = arith.constant 0 : i32
      %dma_start3A_1564 = tpu.memref_slice %dma_start3A_1561[%dma_start3A_1562, %dma_start3A_1563] : memref<64x128xf32, #tpu.memory_space<vmem>> -> memref<8x128xf32, #tpu.memory_space<vmem>>
      %dma_start3A_1565 = arith.constant 40 : i32
      %dma_start3A_1566 = tpu.memref_slice %arg2[%dma_start3A_1565, %multiple_of3A_1452] : memref<64x1000000xf32, #tpu.memory_space<hbm>> -> memref<8x128xf32, #tpu.memory_space<hbm>>
      tpu.enqueue_dma source(%dma_start3A_1566 : memref<8x128xf32, #tpu.memory_space<hbm>>) target(%dma_start3A_1564 : memref<8x128xf32, #tpu.memory_space<vmem>>) target_semaphore(%arg12 : memref<!tpu.dma_semaphore, #tpu.memory_space<semaphore_mem>>)
      %dma_start3A_1567 = arith.constant 1 : i32
      %dma_start3A_1568 = arith.constant 0 : i32
      %dma_start3A_1569 = arith.constant 0 : i32
      %dma_start3A_1570 = tpu.memref_slice %arg8[%dma_start3A_1567, %dma_start3A_1568, %dma_start3A_1569] : memref<4x64x128xf32, #tpu.memory_space<vmem>> -> memref<1x64x128xf32, #tpu.memory_space<vmem>>
      %dma_start3A_1571 = tpu.memref_squeeze %dma_start3A_1570 : memref<1x64x128xf32, #tpu.memory_space<vmem>> -> memref<64x128xf32, #tpu.memory_space<vmem>>
      %dma_start3A_1572 = arith.constant 48 : i32
      %dma_start3A_1573 = arith.constant 0 : i32
      %dma_start3A_1574 = tpu.memref_slice %dma_start3A_1571[%dma_start3A_1572, %dma_start3A_1573] : memref<64x128xf32, #tpu.memory_space<vmem>> -> memref<8x128xf32, #tpu.memory_space<vmem>>
      %dma_start3A_1575 = arith.constant 48 : i32
      %dma_start3A_1576 = tpu.memref_slice %arg2[%dma_start3A_1575, %multiple_of3A_1452] : memref<64x1000000xf32, #tpu.memory_space<hbm>> -> memref<8x128xf32, #tpu.memory_space<hbm>>
      %dma_start3A_1577 = arith.constant 0 : i32
      %dma_start3A_1578 = arith.constant 0 : i32
      %dma_start3A_1579 = tpu.memref_slice %arg8[%dma_start3A_1567, %dma_start3A_1577, %dma_start3A_1578] : memref<4x64x128xf32, #tpu.memory_space<vmem>> -> memref<1x64x128xf32, #tpu.memory_space<vmem>>
      %dma_start3A_1580 = tpu.memref_squeeze %dma_start3A_1579 : memref<1x64x128xf32, #tpu.memory_space<vmem>> -> memref<64x128xf32, #tpu.memory_space<vmem>>
      %dma_start3A_1581 = arith.constant 48 : i32
      %dma_start3A_1582 = arith.constant 0 : i32
      %dma_start3A_1583 = tpu.memref_slice %dma_start3A_1580[%dma_start3A_1581, %dma_start3A_1582] : memref<64x128xf32, #tpu.memory_space<vmem>> -> memref<8x128xf32, #tpu.memory_space<vmem>>
      %dma_start3A_1584 = arith.constant 48 : i32
      %dma_start3A_1585 = tpu.memref_slice %arg2[%dma_start3A_1584, %multiple_of3A_1452] : memref<64x1000000xf32, #tpu.memory_space<hbm>> -> memref<8x128xf32, #tpu.memory_space<hbm>>
      tpu.enqueue_dma source(%dma_start3A_1585 : memref<8x128xf32, #tpu.memory_space<hbm>>) target(%dma_start3A_1583 : memref<8x128xf32, #tpu.memory_space<vmem>>) target_semaphore(%arg12 : memref<!tpu.dma_semaphore, #tpu.memory_space<semaphore_mem>>)
      %dma_start3A_1586 = arith.constant 1 : i32
      %dma_start3A_1587 = arith.constant 0 : i32
      %dma_start3A_1588 = arith.constant 0 : i32
      %dma_start3A_1589 = tpu.memref_slice %arg8[%dma_start3A_1586, %dma_start3A_1587, %dma_start3A_1588] : memref<4x64x128xf32, #tpu.memory_space<vmem>> -> memref<1x64x128xf32, #tpu.memory_space<vmem>>
      %dma_start3A_1590 = tpu.memref_squeeze %dma_start3A_1589 : memref<1x64x128xf32, #tpu.memory_space<vmem>> -> memref<64x128xf32, #tpu.memory_space<vmem>>
      %dma_start3A_1591 = arith.constant 56 : i32
      %dma_start3A_1592 = arith.constant 0 : i32
      %dma_start3A_1593 = tpu.memref_slice %dma_start3A_1590[%dma_start3A_1591, %dma_start3A_1592] : memref<64x128xf32, #tpu.memory_space<vmem>> -> memref<8x128xf32, #tpu.memory_space<vmem>>
      %dma_start3A_1594 = arith.constant 56 : i32
      %dma_start3A_1595 = tpu.memref_slice %arg2[%dma_start3A_1594, %multiple_of3A_1452] : memref<64x1000000xf32, #tpu.memory_space<hbm>> -> memref<8x128xf32, #tpu.memory_space<hbm>>
      %dma_start3A_1596 = arith.constant 0 : i32
      %dma_start3A_1597 = arith.constant 0 : i32
      %dma_start3A_1598 = tpu.memref_slice %arg8[%dma_start3A_1586, %dma_start3A_1596, %dma_start3A_1597] : memref<4x64x128xf32, #tpu.memory_space<vmem>> -> memref<1x64x128xf32, #tpu.memory_space<vmem>>
      %dma_start3A_1599 = tpu.memref_squeeze %dma_start3A_1598 : memref<1x64x128xf32, #tpu.memory_space<vmem>> -> memref<64x128xf32, #tpu.memory_space<vmem>>
      %dma_start3A_1600 = arith.constant 56 : i32
      %dma_start3A_1601 = arith.constant 0 : i32
      %dma_start3A_1602 = tpu.memref_slice %dma_start3A_1599[%dma_start3A_1600, %dma_start3A_1601] : memref<64x128xf32, #tpu.memory_space<vmem>> -> memref<8x128xf32, #tpu.memory_space<vmem>>
      %dma_start3A_1603 = arith.constant 56 : i32
      %dma_start3A_1604 = tpu.memref_slice %arg2[%dma_start3A_1603, %multiple_of3A_1452] : memref<64x1000000xf32, #tpu.memory_space<hbm>> -> memref<8x128xf32, #tpu.memory_space<hbm>>
      tpu.enqueue_dma source(%dma_start3A_1604 : memref<8x128xf32, #tpu.memory_space<hbm>>) target(%dma_start3A_1602 : memref<8x128xf32, #tpu.memory_space<vmem>>) target_semaphore(%arg12 : memref<!tpu.dma_semaphore, #tpu.memory_space<semaphore_mem>>)
      %shift_right_arithmetic3A_1605 = arith.constant 7 : i32
      %shift_right_arithmetic3A_1606 = arith.shrsi %squeeze3A_28, %shift_right_arithmetic3A_1605 : i32
      %shift_left3A_1607 = arith.constant 7 : i32
      %shift_left3A_1608 = arith.shli %shift_right_arithmetic3A_1606, %shift_left3A_1607 : i32
      %multiple_of3A_1609 = tpu.assume_multiple %shift_left3A_1608, 128 : i32
      %dma_start3A_1610 = arith.constant 2 : i32
      %dma_start3A_1611 = arith.constant 0 : i32
      %dma_start3A_1612 = arith.constant 0 : i32
      %dma_start3A_1613 = tpu.memref_slice %arg8[%dma_start3A_1610, %dma_start3A_1611, %dma_start3A_1612] : memref<4x64x128xf32, #tpu.memory_space<vmem>> -> memref<1x64x128xf32, #tpu.memory_space<vmem>>
      %dma_start3A_1614 = tpu.memref_squeeze %dma_start3A_1613 : memref<1x64x128xf32, #tpu.memory_space<vmem>> -> memref<64x128xf32, #tpu.memory_space<vmem>>
      %dma_start3A_1615 = arith.constant 0 : i32
      %dma_start3A_1616 = arith.constant 0 : i32
      %dma_start3A_1617 = tpu.memref_slice %dma_start3A_1614[%dma_start3A_1615, %dma_start3A_1616] : memref<64x128xf32, #tpu.memory_space<vmem>> -> memref<8x128xf32, #tpu.memory_space<vmem>>
      %dma_start3A_1618 = arith.constant 0 : i32
      %dma_start3A_1619 = tpu.memref_slice %arg2[%dma_start3A_1618, %multiple_of3A_1609] : memref<64x1000000xf32, #tpu.memory_space<hbm>> -> memref<8x128xf32, #tpu.memory_space<hbm>>
      %dma_start3A_1620 = arith.constant 0 : i32
      %dma_start3A_1621 = arith.constant 0 : i32
      %dma_start3A_1622 = tpu.memref_slice %arg8[%dma_start3A_1610, %dma_start3A_1620, %dma_start3A_1621] : memref<4x64x128xf32, #tpu.memory_space<vmem>> -> memref<1x64x128xf32, #tpu.memory_space<vmem>>
      %dma_start3A_1623 = tpu.memref_squeeze %dma_start3A_1622 : memref<1x64x128xf32, #tpu.memory_space<vmem>> -> memref<64x128xf32, #tpu.memory_space<vmem>>
      %dma_start3A_1624 = arith.constant 0 : i32
      %dma_start3A_1625 = arith.constant 0 : i32
      %dma_start3A_1626 = tpu.memref_slice %dma_start3A_1623[%dma_start3A_1624, %dma_start3A_1625] : memref<64x128xf32, #tpu.memory_space<vmem>> -> memref<8x128xf32, #tpu.memory_space<vmem>>
      %dma_start3A_1627 = arith.constant 0 : i32
      %dma_start3A_1628 = tpu.memref_slice %arg2[%dma_start3A_1627, %multiple_of3A_1609] : memref<64x1000000xf32, #tpu.memory_space<hbm>> -> memref<8x128xf32, #tpu.memory_space<hbm>>
      tpu.enqueue_dma source(%dma_start3A_1628 : memref<8x128xf32, #tpu.memory_space<hbm>>) target(%dma_start3A_1626 : memref<8x128xf32, #tpu.memory_space<vmem>>) target_semaphore(%arg12 : memref<!tpu.dma_semaphore, #tpu.memory_space<semaphore_mem>>)
      %dma_start3A_1629 = arith.constant 2 : i32
      %dma_start3A_1630 = arith.constant 0 : i32
      %dma_start3A_1631 = arith.constant 0 : i32
      %dma_start3A_1632 = tpu.memref_slice %arg8[%dma_start3A_1629, %dma_start3A_1630, %dma_start3A_1631] : memref<4x64x128xf32, #tpu.memory_space<vmem>> -> memref<1x64x128xf32, #tpu.memory_space<vmem>>
      %dma_start3A_1633 = tpu.memref_squeeze %dma_start3A_1632 : memref<1x64x128xf32, #tpu.memory_space<vmem>> -> memref<64x128xf32, #tpu.memory_space<vmem>>
      %dma_start3A_1634 = arith.constant 8 : i32
      %dma_start3A_1635 = arith.constant 0 : i32
      %dma_start3A_1636 = tpu.memref_slice %dma_start3A_1633[%dma_start3A_1634, %dma_start3A_1635] : memref<64x128xf32, #tpu.memory_space<vmem>> -> memref<8x128xf32, #tpu.memory_space<vmem>>
      %dma_start3A_1637 = arith.constant 8 : i32
      %dma_start3A_1638 = tpu.memref_slice %arg2[%dma_start3A_1637, %multiple_of3A_1609] : memref<64x1000000xf32, #tpu.memory_space<hbm>> -> memref<8x128xf32, #tpu.memory_space<hbm>>
      %dma_start3A_1639 = arith.constant 0 : i32
      %dma_start3A_1640 = arith.constant 0 : i32
      %dma_start3A_1641 = tpu.memref_slice %arg8[%dma_start3A_1629, %dma_start3A_1639, %dma_start3A_1640] : memref<4x64x128xf32, #tpu.memory_space<vmem>> -> memref<1x64x128xf32, #tpu.memory_space<vmem>>
      %dma_start3A_1642 = tpu.memref_squeeze %dma_start3A_1641 : memref<1x64x128xf32, #tpu.memory_space<vmem>> -> memref<64x128xf32, #tpu.memory_space<vmem>>
      %dma_start3A_1643 = arith.constant 8 : i32
      %dma_start3A_1644 = arith.constant 0 : i32
      %dma_start3A_1645 = tpu.memref_slice %dma_start3A_1642[%dma_start3A_1643, %dma_start3A_1644] : memref<64x128xf32, #tpu.memory_space<vmem>> -> memref<8x128xf32, #tpu.memory_space<vmem>>
      %dma_start3A_1646 = arith.constant 8 : i32
      %dma_start3A_1647 = tpu.memref_slice %arg2[%dma_start3A_1646, %multiple_of3A_1609] : memref<64x1000000xf32, #tpu.memory_space<hbm>> -> memref<8x128xf32, #tpu.memory_space<hbm>>
      tpu.enqueue_dma source(%dma_start3A_1647 : memref<8x128xf32, #tpu.memory_space<hbm>>) target(%dma_start3A_1645 : memref<8x128xf32, #tpu.memory_space<vmem>>) target_semaphore(%arg12 : memref<!tpu.dma_semaphore, #tpu.memory_space<semaphore_mem>>)
      %dma_start3A_1648 = arith.constant 2 : i32
      %dma_start3A_1649 = arith.constant 0 : i32
      %dma_start3A_1650 = arith.constant 0 : i32
      %dma_start3A_1651 = tpu.memref_slice %arg8[%dma_start3A_1648, %dma_start3A_1649, %dma_start3A_1650] : memref<4x64x128xf32, #tpu.memory_space<vmem>> -> memref<1x64x128xf32, #tpu.memory_space<vmem>>
      %dma_start3A_1652 = tpu.memref_squeeze %dma_start3A_1651 : memref<1x64x128xf32, #tpu.memory_space<vmem>> -> memref<64x128xf32, #tpu.memory_space<vmem>>
      %dma_start3A_1653 = arith.constant 16 : i32
      %dma_start3A_1654 = arith.constant 0 : i32
      %dma_start3A_1655 = tpu.memref_slice %dma_start3A_1652[%dma_start3A_1653, %dma_start3A_1654] : memref<64x128xf32, #tpu.memory_space<vmem>> -> memref<8x128xf32, #tpu.memory_space<vmem>>
      %dma_start3A_1656 = arith.constant 16 : i32
      %dma_start3A_1657 = tpu.memref_slice %arg2[%dma_start3A_1656, %multiple_of3A_1609] : memref<64x1000000xf32, #tpu.memory_space<hbm>> -> memref<8x128xf32, #tpu.memory_space<hbm>>
      %dma_start3A_1658 = arith.constant 0 : i32
      %dma_start3A_1659 = arith.constant 0 : i32
      %dma_start3A_1660 = tpu.memref_slice %arg8[%dma_start3A_1648, %dma_start3A_1658, %dma_start3A_1659] : memref<4x64x128xf32, #tpu.memory_space<vmem>> -> memref<1x64x128xf32, #tpu.memory_space<vmem>>
      %dma_start3A_1661 = tpu.memref_squeeze %dma_start3A_1660 : memref<1x64x128xf32, #tpu.memory_space<vmem>> -> memref<64x128xf32, #tpu.memory_space<vmem>>
      %dma_start3A_1662 = arith.constant 16 : i32
      %dma_start3A_1663 = arith.constant 0 : i32
      %dma_start3A_1664 = tpu.memref_slice %dma_start3A_1661[%dma_start3A_1662, %dma_start3A_1663] : memref<64x128xf32, #tpu.memory_space<vmem>> -> memref<8x128xf32, #tpu.memory_space<vmem>>
      %dma_start3A_1665 = arith.constant 16 : i32
      %dma_start3A_1666 = tpu.memref_slice %arg2[%dma_start3A_1665, %multiple_of3A_1609] : memref<64x1000000xf32, #tpu.memory_space<hbm>> -> memref<8x128xf32, #tpu.memory_space<hbm>>
      tpu.enqueue_dma source(%dma_start3A_1666 : memref<8x128xf32, #tpu.memory_space<hbm>>) target(%dma_start3A_1664 : memref<8x128xf32, #tpu.memory_space<vmem>>) target_semaphore(%arg12 : memref<!tpu.dma_semaphore, #tpu.memory_space<semaphore_mem>>)
      %dma_start3A_1667 = arith.constant 2 : i32
      %dma_start3A_1668 = arith.constant 0 : i32
      %dma_start3A_1669 = arith.constant 0 : i32
      %dma_start3A_1670 = tpu.memref_slice %arg8[%dma_start3A_1667, %dma_start3A_1668, %dma_start3A_1669] : memref<4x64x128xf32, #tpu.memory_space<vmem>> -> memref<1x64x128xf32, #tpu.memory_space<vmem>>
      %dma_start3A_1671 = tpu.memref_squeeze %dma_start3A_1670 : memref<1x64x128xf32, #tpu.memory_space<vmem>> -> memref<64x128xf32, #tpu.memory_space<vmem>>
      %dma_start3A_1672 = arith.constant 24 : i32
      %dma_start3A_1673 = arith.constant 0 : i32
      %dma_start3A_1674 = tpu.memref_slice %dma_start3A_1671[%dma_start3A_1672, %dma_start3A_1673] : memref<64x128xf32, #tpu.memory_space<vmem>> -> memref<8x128xf32, #tpu.memory_space<vmem>>
      %dma_start3A_1675 = arith.constant 24 : i32
      %dma_start3A_1676 = tpu.memref_slice %arg2[%dma_start3A_1675, %multiple_of3A_1609] : memref<64x1000000xf32, #tpu.memory_space<hbm>> -> memref<8x128xf32, #tpu.memory_space<hbm>>
      %dma_start3A_1677 = arith.constant 0 : i32
      %dma_start3A_1678 = arith.constant 0 : i32
      %dma_start3A_1679 = tpu.memref_slice %arg8[%dma_start3A_1667, %dma_start3A_1677, %dma_start3A_1678] : memref<4x64x128xf32, #tpu.memory_space<vmem>> -> memref<1x64x128xf32, #tpu.memory_space<vmem>>
      %dma_start3A_1680 = tpu.memref_squeeze %dma_start3A_1679 : memref<1x64x128xf32, #tpu.memory_space<vmem>> -> memref<64x128xf32, #tpu.memory_space<vmem>>
      %dma_start3A_1681 = arith.constant 24 : i32
      %dma_start3A_1682 = arith.constant 0 : i32
      %dma_start3A_1683 = tpu.memref_slice %dma_start3A_1680[%dma_start3A_1681, %dma_start3A_1682] : memref<64x128xf32, #tpu.memory_space<vmem>> -> memref<8x128xf32, #tpu.memory_space<vmem>>
      %dma_start3A_1684 = arith.constant 24 : i32
      %dma_start3A_1685 = tpu.memref_slice %arg2[%dma_start3A_1684, %multiple_of3A_1609] : memref<64x1000000xf32, #tpu.memory_space<hbm>> -> memref<8x128xf32, #tpu.memory_space<hbm>>
      tpu.enqueue_dma source(%dma_start3A_1685 : memref<8x128xf32, #tpu.memory_space<hbm>>) target(%dma_start3A_1683 : memref<8x128xf32, #tpu.memory_space<vmem>>) target_semaphore(%arg12 : memref<!tpu.dma_semaphore, #tpu.memory_space<semaphore_mem>>)
      %dma_start3A_1686 = arith.constant 2 : i32
      %dma_start3A_1687 = arith.constant 0 : i32
      %dma_start3A_1688 = arith.constant 0 : i32
      %dma_start3A_1689 = tpu.memref_slice %arg8[%dma_start3A_1686, %dma_start3A_1687, %dma_start3A_1688] : memref<4x64x128xf32, #tpu.memory_space<vmem>> -> memref<1x64x128xf32, #tpu.memory_space<vmem>>
      %dma_start3A_1690 = tpu.memref_squeeze %dma_start3A_1689 : memref<1x64x128xf32, #tpu.memory_space<vmem>> -> memref<64x128xf32, #tpu.memory_space<vmem>>
      %dma_start3A_1691 = arith.constant 32 : i32
      %dma_start3A_1692 = arith.constant 0 : i32
      %dma_start3A_1693 = tpu.memref_slice %dma_start3A_1690[%dma_start3A_1691, %dma_start3A_1692] : memref<64x128xf32, #tpu.memory_space<vmem>> -> memref<8x128xf32, #tpu.memory_space<vmem>>
      %dma_start3A_1694 = arith.constant 32 : i32
      %dma_start3A_1695 = tpu.memref_slice %arg2[%dma_start3A_1694, %multiple_of3A_1609] : memref<64x1000000xf32, #tpu.memory_space<hbm>> -> memref<8x128xf32, #tpu.memory_space<hbm>>
      %dma_start3A_1696 = arith.constant 0 : i32
      %dma_start3A_1697 = arith.constant 0 : i32
      %dma_start3A_1698 = tpu.memref_slice %arg8[%dma_start3A_1686, %dma_start3A_1696, %dma_start3A_1697] : memref<4x64x128xf32, #tpu.memory_space<vmem>> -> memref<1x64x128xf32, #tpu.memory_space<vmem>>
      %dma_start3A_1699 = tpu.memref_squeeze %dma_start3A_1698 : memref<1x64x128xf32, #tpu.memory_space<vmem>> -> memref<64x128xf32, #tpu.memory_space<vmem>>
      %dma_start3A_1700 = arith.constant 32 : i32
      %dma_start3A_1701 = arith.constant 0 : i32
      %dma_start3A_1702 = tpu.memref_slice %dma_start3A_1699[%dma_start3A_1700, %dma_start3A_1701] : memref<64x128xf32, #tpu.memory_space<vmem>> -> memref<8x128xf32, #tpu.memory_space<vmem>>
      %dma_start3A_1703 = arith.constant 32 : i32
      %dma_start3A_1704 = tpu.memref_slice %arg2[%dma_start3A_1703, %multiple_of3A_1609] : memref<64x1000000xf32, #tpu.memory_space<hbm>> -> memref<8x128xf32, #tpu.memory_space<hbm>>
      tpu.enqueue_dma source(%dma_start3A_1704 : memref<8x128xf32, #tpu.memory_space<hbm>>) target(%dma_start3A_1702 : memref<8x128xf32, #tpu.memory_space<vmem>>) target_semaphore(%arg12 : memref<!tpu.dma_semaphore, #tpu.memory_space<semaphore_mem>>)
      %dma_start3A_1705 = arith.constant 2 : i32
      %dma_start3A_1706 = arith.constant 0 : i32
      %dma_start3A_1707 = arith.constant 0 : i32
      %dma_start3A_1708 = tpu.memref_slice %arg8[%dma_start3A_1705, %dma_start3A_1706, %dma_start3A_1707] : memref<4x64x128xf32, #tpu.memory_space<vmem>> -> memref<1x64x128xf32, #tpu.memory_space<vmem>>
      %dma_start3A_1709 = tpu.memref_squeeze %dma_start3A_1708 : memref<1x64x128xf32, #tpu.memory_space<vmem>> -> memref<64x128xf32, #tpu.memory_space<vmem>>
      %dma_start3A_1710 = arith.constant 40 : i32
      %dma_start3A_1711 = arith.constant 0 : i32
      %dma_start3A_1712 = tpu.memref_slice %dma_start3A_1709[%dma_start3A_1710, %dma_start3A_1711] : memref<64x128xf32, #tpu.memory_space<vmem>> -> memref<8x128xf32, #tpu.memory_space<vmem>>
      %dma_start3A_1713 = arith.constant 40 : i32
      %dma_start3A_1714 = tpu.memref_slice %arg2[%dma_start3A_1713, %multiple_of3A_1609] : memref<64x1000000xf32, #tpu.memory_space<hbm>> -> memref<8x128xf32, #tpu.memory_space<hbm>>
      %dma_start3A_1715 = arith.constant 0 : i32
      %dma_start3A_1716 = arith.constant 0 : i32
      %dma_start3A_1717 = tpu.memref_slice %arg8[%dma_start3A_1705, %dma_start3A_1715, %dma_start3A_1716] : memref<4x64x128xf32, #tpu.memory_space<vmem>> -> memref<1x64x128xf32, #tpu.memory_space<vmem>>
      %dma_start3A_1718 = tpu.memref_squeeze %dma_start3A_1717 : memref<1x64x128xf32, #tpu.memory_space<vmem>> -> memref<64x128xf32, #tpu.memory_space<vmem>>
      %dma_start3A_1719 = arith.constant 40 : i32
      %dma_start3A_1720 = arith.constant 0 : i32
      %dma_start3A_1721 = tpu.memref_slice %dma_start3A_1718[%dma_start3A_1719, %dma_start3A_1720] : memref<64x128xf32, #tpu.memory_space<vmem>> -> memref<8x128xf32, #tpu.memory_space<vmem>>
      %dma_start3A_1722 = arith.constant 40 : i32
      %dma_start3A_1723 = tpu.memref_slice %arg2[%dma_start3A_1722, %multiple_of3A_1609] : memref<64x1000000xf32, #tpu.memory_space<hbm>> -> memref<8x128xf32, #tpu.memory_space<hbm>>
      tpu.enqueue_dma source(%dma_start3A_1723 : memref<8x128xf32, #tpu.memory_space<hbm>>) target(%dma_start3A_1721 : memref<8x128xf32, #tpu.memory_space<vmem>>) target_semaphore(%arg12 : memref<!tpu.dma_semaphore, #tpu.memory_space<semaphore_mem>>)
      %dma_start3A_1724 = arith.constant 2 : i32
      %dma_start3A_1725 = arith.constant 0 : i32
      %dma_start3A_1726 = arith.constant 0 : i32
      %dma_start3A_1727 = tpu.memref_slice %arg8[%dma_start3A_1724, %dma_start3A_1725, %dma_start3A_1726] : memref<4x64x128xf32, #tpu.memory_space<vmem>> -> memref<1x64x128xf32, #tpu.memory_space<vmem>>
      %dma_start3A_1728 = tpu.memref_squeeze %dma_start3A_1727 : memref<1x64x128xf32, #tpu.memory_space<vmem>> -> memref<64x128xf32, #tpu.memory_space<vmem>>
      %dma_start3A_1729 = arith.constant 48 : i32
      %dma_start3A_1730 = arith.constant 0 : i32
      %dma_start3A_1731 = tpu.memref_slice %dma_start3A_1728[%dma_start3A_1729, %dma_start3A_1730] : memref<64x128xf32, #tpu.memory_space<vmem>> -> memref<8x128xf32, #tpu.memory_space<vmem>>
      %dma_start3A_1732 = arith.constant 48 : i32
      %dma_start3A_1733 = tpu.memref_slice %arg2[%dma_start3A_1732, %multiple_of3A_1609] : memref<64x1000000xf32, #tpu.memory_space<hbm>> -> memref<8x128xf32, #tpu.memory_space<hbm>>
      %dma_start3A_1734 = arith.constant 0 : i32
      %dma_start3A_1735 = arith.constant 0 : i32
      %dma_start3A_1736 = tpu.memref_slice %arg8[%dma_start3A_1724, %dma_start3A_1734, %dma_start3A_1735] : memref<4x64x128xf32, #tpu.memory_space<vmem>> -> memref<1x64x128xf32, #tpu.memory_space<vmem>>
      %dma_start3A_1737 = tpu.memref_squeeze %dma_start3A_1736 : memref<1x64x128xf32, #tpu.memory_space<vmem>> -> memref<64x128xf32, #tpu.memory_space<vmem>>
      %dma_start3A_1738 = arith.constant 48 : i32
      %dma_start3A_1739 = arith.constant 0 : i32
      %dma_start3A_1740 = tpu.memref_slice %dma_start3A_1737[%dma_start3A_1738, %dma_start3A_1739] : memref<64x128xf32, #tpu.memory_space<vmem>> -> memref<8x128xf32, #tpu.memory_space<vmem>>
      %dma_start3A_1741 = arith.constant 48 : i32
      %dma_start3A_1742 = tpu.memref_slice %arg2[%dma_start3A_1741, %multiple_of3A_1609] : memref<64x1000000xf32, #tpu.memory_space<hbm>> -> memref<8x128xf32, #tpu.memory_space<hbm>>
      tpu.enqueue_dma source(%dma_start3A_1742 : memref<8x128xf32, #tpu.memory_space<hbm>>) target(%dma_start3A_1740 : memref<8x128xf32, #tpu.memory_space<vmem>>) target_semaphore(%arg12 : memref<!tpu.dma_semaphore, #tpu.memory_space<semaphore_mem>>)
      %dma_start3A_1743 = arith.constant 2 : i32
      %dma_start3A_1744 = arith.constant 0 : i32
      %dma_start3A_1745 = arith.constant 0 : i32
      %dma_start3A_1746 = tpu.memref_slice %arg8[%dma_start3A_1743, %dma_start3A_1744, %dma_start3A_1745] : memref<4x64x128xf32, #tpu.memory_space<vmem>> -> memref<1x64x128xf32, #tpu.memory_space<vmem>>
      %dma_start3A_1747 = tpu.memref_squeeze %dma_start3A_1746 : memref<1x64x128xf32, #tpu.memory_space<vmem>> -> memref<64x128xf32, #tpu.memory_space<vmem>>
      %dma_start3A_1748 = arith.constant 56 : i32
      %dma_start3A_1749 = arith.constant 0 : i32
      %dma_start3A_1750 = tpu.memref_slice %dma_start3A_1747[%dma_start3A_1748, %dma_start3A_1749] : memref<64x128xf32, #tpu.memory_space<vmem>> -> memref<8x128xf32, #tpu.memory_space<vmem>>
      %dma_start3A_1751 = arith.constant 56 : i32
      %dma_start3A_1752 = tpu.memref_slice %arg2[%dma_start3A_1751, %multiple_of3A_1609] : memref<64x1000000xf32, #tpu.memory_space<hbm>> -> memref<8x128xf32, #tpu.memory_space<hbm>>
      %dma_start3A_1753 = arith.constant 0 : i32
      %dma_start3A_1754 = arith.constant 0 : i32
      %dma_start3A_1755 = tpu.memref_slice %arg8[%dma_start3A_1743, %dma_start3A_1753, %dma_start3A_1754] : memref<4x64x128xf32, #tpu.memory_space<vmem>> -> memref<1x64x128xf32, #tpu.memory_space<vmem>>
      %dma_start3A_1756 = tpu.memref_squeeze %dma_start3A_1755 : memref<1x64x128xf32, #tpu.memory_space<vmem>> -> memref<64x128xf32, #tpu.memory_space<vmem>>
      %dma_start3A_1757 = arith.constant 56 : i32
      %dma_start3A_1758 = arith.constant 0 : i32
      %dma_start3A_1759 = tpu.memref_slice %dma_start3A_1756[%dma_start3A_1757, %dma_start3A_1758] : memref<64x128xf32, #tpu.memory_space<vmem>> -> memref<8x128xf32, #tpu.memory_space<vmem>>
      %dma_start3A_1760 = arith.constant 56 : i32
      %dma_start3A_1761 = tpu.memref_slice %arg2[%dma_start3A_1760, %multiple_of3A_1609] : memref<64x1000000xf32, #tpu.memory_space<hbm>> -> memref<8x128xf32, #tpu.memory_space<hbm>>
      tpu.enqueue_dma source(%dma_start3A_1761 : memref<8x128xf32, #tpu.memory_space<hbm>>) target(%dma_start3A_1759 : memref<8x128xf32, #tpu.memory_space<vmem>>) target_semaphore(%arg12 : memref<!tpu.dma_semaphore, #tpu.memory_space<semaphore_mem>>)
      %shift_right_arithmetic3A_1762 = arith.constant 7 : i32
      %shift_right_arithmetic3A_1763 = arith.shrsi %squeeze3A_30, %shift_right_arithmetic3A_1762 : i32
      %shift_left3A_1764 = arith.constant 7 : i32
      %shift_left3A_1765 = arith.shli %shift_right_arithmetic3A_1763, %shift_left3A_1764 : i32
      %multiple_of3A_1766 = tpu.assume_multiple %shift_left3A_1765, 128 : i32
      %dma_start3A_1767 = arith.constant 3 : i32
      %dma_start3A_1768 = arith.constant 0 : i32
      %dma_start3A_1769 = arith.constant 0 : i32
      %dma_start3A_1770 = tpu.memref_slice %arg8[%dma_start3A_1767, %dma_start3A_1768, %dma_start3A_1769] : memref<4x64x128xf32, #tpu.memory_space<vmem>> -> memref<1x64x128xf32, #tpu.memory_space<vmem>>
      %dma_start3A_1771 = tpu.memref_squeeze %dma_start3A_1770 : memref<1x64x128xf32, #tpu.memory_space<vmem>> -> memref<64x128xf32, #tpu.memory_space<vmem>>
      %dma_start3A_1772 = arith.constant 0 : i32
      %dma_start3A_1773 = arith.constant 0 : i32
      %dma_start3A_1774 = tpu.memref_slice %dma_start3A_1771[%dma_start3A_1772, %dma_start3A_1773] : memref<64x128xf32, #tpu.memory_space<vmem>> -> memref<8x128xf32, #tpu.memory_space<vmem>>
      %dma_start3A_1775 = arith.constant 0 : i32
      %dma_start3A_1776 = tpu.memref_slice %arg2[%dma_start3A_1775, %multiple_of3A_1766] : memref<64x1000000xf32, #tpu.memory_space<hbm>> -> memref<8x128xf32, #tpu.memory_space<hbm>>
      %dma_start3A_1777 = arith.constant 0 : i32
      %dma_start3A_1778 = arith.constant 0 : i32
      %dma_start3A_1779 = tpu.memref_slice %arg8[%dma_start3A_1767, %dma_start3A_1777, %dma_start3A_1778] : memref<4x64x128xf32, #tpu.memory_space<vmem>> -> memref<1x64x128xf32, #tpu.memory_space<vmem>>
      %dma_start3A_1780 = tpu.memref_squeeze %dma_start3A_1779 : memref<1x64x128xf32, #tpu.memory_space<vmem>> -> memref<64x128xf32, #tpu.memory_space<vmem>>
      %dma_start3A_1781 = arith.constant 0 : i32
      %dma_start3A_1782 = arith.constant 0 : i32
      %dma_start3A_1783 = tpu.memref_slice %dma_start3A_1780[%dma_start3A_1781, %dma_start3A_1782] : memref<64x128xf32, #tpu.memory_space<vmem>> -> memref<8x128xf32, #tpu.memory_space<vmem>>
      %dma_start3A_1784 = arith.constant 0 : i32
      %dma_start3A_1785 = tpu.memref_slice %arg2[%dma_start3A_1784, %multiple_of3A_1766] : memref<64x1000000xf32, #tpu.memory_space<hbm>> -> memref<8x128xf32, #tpu.memory_space<hbm>>
      tpu.enqueue_dma source(%dma_start3A_1785 : memref<8x128xf32, #tpu.memory_space<hbm>>) target(%dma_start3A_1783 : memref<8x128xf32, #tpu.memory_space<vmem>>) target_semaphore(%arg12 : memref<!tpu.dma_semaphore, #tpu.memory_space<semaphore_mem>>)
      %dma_start3A_1786 = arith.constant 3 : i32
      %dma_start3A_1787 = arith.constant 0 : i32
      %dma_start3A_1788 = arith.constant 0 : i32
      %dma_start3A_1789 = tpu.memref_slice %arg8[%dma_start3A_1786, %dma_start3A_1787, %dma_start3A_1788] : memref<4x64x128xf32, #tpu.memory_space<vmem>> -> memref<1x64x128xf32, #tpu.memory_space<vmem>>
      %dma_start3A_1790 = tpu.memref_squeeze %dma_start3A_1789 : memref<1x64x128xf32, #tpu.memory_space<vmem>> -> memref<64x128xf32, #tpu.memory_space<vmem>>
      %dma_start3A_1791 = arith.constant 8 : i32
      %dma_start3A_1792 = arith.constant 0 : i32
      %dma_start3A_1793 = tpu.memref_slice %dma_start3A_1790[%dma_start3A_1791, %dma_start3A_1792] : memref<64x128xf32, #tpu.memory_space<vmem>> -> memref<8x128xf32, #tpu.memory_space<vmem>>
      %dma_start3A_1794 = arith.constant 8 : i32
      %dma_start3A_1795 = tpu.memref_slice %arg2[%dma_start3A_1794, %multiple_of3A_1766] : memref<64x1000000xf32, #tpu.memory_space<hbm>> -> memref<8x128xf32, #tpu.memory_space<hbm>>
      %dma_start3A_1796 = arith.constant 0 : i32
      %dma_start3A_1797 = arith.constant 0 : i32
      %dma_start3A_1798 = tpu.memref_slice %arg8[%dma_start3A_1786, %dma_start3A_1796, %dma_start3A_1797] : memref<4x64x128xf32, #tpu.memory_space<vmem>> -> memref<1x64x128xf32, #tpu.memory_space<vmem>>
      %dma_start3A_1799 = tpu.memref_squeeze %dma_start3A_1798 : memref<1x64x128xf32, #tpu.memory_space<vmem>> -> memref<64x128xf32, #tpu.memory_space<vmem>>
      %dma_start3A_1800 = arith.constant 8 : i32
      %dma_start3A_1801 = arith.constant 0 : i32
      %dma_start3A_1802 = tpu.memref_slice %dma_start3A_1799[%dma_start3A_1800, %dma_start3A_1801] : memref<64x128xf32, #tpu.memory_space<vmem>> -> memref<8x128xf32, #tpu.memory_space<vmem>>
      %dma_start3A_1803 = arith.constant 8 : i32
      %dma_start3A_1804 = tpu.memref_slice %arg2[%dma_start3A_1803, %multiple_of3A_1766] : memref<64x1000000xf32, #tpu.memory_space<hbm>> -> memref<8x128xf32, #tpu.memory_space<hbm>>
      tpu.enqueue_dma source(%dma_start3A_1804 : memref<8x128xf32, #tpu.memory_space<hbm>>) target(%dma_start3A_1802 : memref<8x128xf32, #tpu.memory_space<vmem>>) target_semaphore(%arg12 : memref<!tpu.dma_semaphore, #tpu.memory_space<semaphore_mem>>)
      %dma_start3A_1805 = arith.constant 3 : i32
      %dma_start3A_1806 = arith.constant 0 : i32
      %dma_start3A_1807 = arith.constant 0 : i32
      %dma_start3A_1808 = tpu.memref_slice %arg8[%dma_start3A_1805, %dma_start3A_1806, %dma_start3A_1807] : memref<4x64x128xf32, #tpu.memory_space<vmem>> -> memref<1x64x128xf32, #tpu.memory_space<vmem>>
      %dma_start3A_1809 = tpu.memref_squeeze %dma_start3A_1808 : memref<1x64x128xf32, #tpu.memory_space<vmem>> -> memref<64x128xf32, #tpu.memory_space<vmem>>
      %dma_start3A_1810 = arith.constant 16 : i32
      %dma_start3A_1811 = arith.constant 0 : i32
      %dma_start3A_1812 = tpu.memref_slice %dma_start3A_1809[%dma_start3A_1810, %dma_start3A_1811] : memref<64x128xf32, #tpu.memory_space<vmem>> -> memref<8x128xf32, #tpu.memory_space<vmem>>
      %dma_start3A_1813 = arith.constant 16 : i32
      %dma_start3A_1814 = tpu.memref_slice %arg2[%dma_start3A_1813, %multiple_of3A_1766] : memref<64x1000000xf32, #tpu.memory_space<hbm>> -> memref<8x128xf32, #tpu.memory_space<hbm>>
      %dma_start3A_1815 = arith.constant 0 : i32
      %dma_start3A_1816 = arith.constant 0 : i32
      %dma_start3A_1817 = tpu.memref_slice %arg8[%dma_start3A_1805, %dma_start3A_1815, %dma_start3A_1816] : memref<4x64x128xf32, #tpu.memory_space<vmem>> -> memref<1x64x128xf32, #tpu.memory_space<vmem>>
      %dma_start3A_1818 = tpu.memref_squeeze %dma_start3A_1817 : memref<1x64x128xf32, #tpu.memory_space<vmem>> -> memref<64x128xf32, #tpu.memory_space<vmem>>
      %dma_start3A_1819 = arith.constant 16 : i32
      %dma_start3A_1820 = arith.constant 0 : i32
      %dma_start3A_1821 = tpu.memref_slice %dma_start3A_1818[%dma_start3A_1819, %dma_start3A_1820] : memref<64x128xf32, #tpu.memory_space<vmem>> -> memref<8x128xf32, #tpu.memory_space<vmem>>
      %dma_start3A_1822 = arith.constant 16 : i32
      %dma_start3A_1823 = tpu.memref_slice %arg2[%dma_start3A_1822, %multiple_of3A_1766] : memref<64x1000000xf32, #tpu.memory_space<hbm>> -> memref<8x128xf32, #tpu.memory_space<hbm>>
      tpu.enqueue_dma source(%dma_start3A_1823 : memref<8x128xf32, #tpu.memory_space<hbm>>) target(%dma_start3A_1821 : memref<8x128xf32, #tpu.memory_space<vmem>>) target_semaphore(%arg12 : memref<!tpu.dma_semaphore, #tpu.memory_space<semaphore_mem>>)
      %dma_start3A_1824 = arith.constant 3 : i32
      %dma_start3A_1825 = arith.constant 0 : i32
      %dma_start3A_1826 = arith.constant 0 : i32
      %dma_start3A_1827 = tpu.memref_slice %arg8[%dma_start3A_1824, %dma_start3A_1825, %dma_start3A_1826] : memref<4x64x128xf32, #tpu.memory_space<vmem>> -> memref<1x64x128xf32, #tpu.memory_space<vmem>>
      %dma_start3A_1828 = tpu.memref_squeeze %dma_start3A_1827 : memref<1x64x128xf32, #tpu.memory_space<vmem>> -> memref<64x128xf32, #tpu.memory_space<vmem>>
      %dma_start3A_1829 = arith.constant 24 : i32
      %dma_start3A_1830 = arith.constant 0 : i32
      %dma_start3A_1831 = tpu.memref_slice %dma_start3A_1828[%dma_start3A_1829, %dma_start3A_1830] : memref<64x128xf32, #tpu.memory_space<vmem>> -> memref<8x128xf32, #tpu.memory_space<vmem>>
      %dma_start3A_1832 = arith.constant 24 : i32
      %dma_start3A_1833 = tpu.memref_slice %arg2[%dma_start3A_1832, %multiple_of3A_1766] : memref<64x1000000xf32, #tpu.memory_space<hbm>> -> memref<8x128xf32, #tpu.memory_space<hbm>>
      %dma_start3A_1834 = arith.constant 0 : i32
      %dma_start3A_1835 = arith.constant 0 : i32
      %dma_start3A_1836 = tpu.memref_slice %arg8[%dma_start3A_1824, %dma_start3A_1834, %dma_start3A_1835] : memref<4x64x128xf32, #tpu.memory_space<vmem>> -> memref<1x64x128xf32, #tpu.memory_space<vmem>>
      %dma_start3A_1837 = tpu.memref_squeeze %dma_start3A_1836 : memref<1x64x128xf32, #tpu.memory_space<vmem>> -> memref<64x128xf32, #tpu.memory_space<vmem>>
      %dma_start3A_1838 = arith.constant 24 : i32
      %dma_start3A_1839 = arith.constant 0 : i32
      %dma_start3A_1840 = tpu.memref_slice %dma_start3A_1837[%dma_start3A_1838, %dma_start3A_1839] : memref<64x128xf32, #tpu.memory_space<vmem>> -> memref<8x128xf32, #tpu.memory_space<vmem>>
      %dma_start3A_1841 = arith.constant 24 : i32
      %dma_start3A_1842 = tpu.memref_slice %arg2[%dma_start3A_1841, %multiple_of3A_1766] : memref<64x1000000xf32, #tpu.memory_space<hbm>> -> memref<8x128xf32, #tpu.memory_space<hbm>>
      tpu.enqueue_dma source(%dma_start3A_1842 : memref<8x128xf32, #tpu.memory_space<hbm>>) target(%dma_start3A_1840 : memref<8x128xf32, #tpu.memory_space<vmem>>) target_semaphore(%arg12 : memref<!tpu.dma_semaphore, #tpu.memory_space<semaphore_mem>>)
      %dma_start3A_1843 = arith.constant 3 : i32
      %dma_start3A_1844 = arith.constant 0 : i32
      %dma_start3A_1845 = arith.constant 0 : i32
      %dma_start3A_1846 = tpu.memref_slice %arg8[%dma_start3A_1843, %dma_start3A_1844, %dma_start3A_1845] : memref<4x64x128xf32, #tpu.memory_space<vmem>> -> memref<1x64x128xf32, #tpu.memory_space<vmem>>
      %dma_start3A_1847 = tpu.memref_squeeze %dma_start3A_1846 : memref<1x64x128xf32, #tpu.memory_space<vmem>> -> memref<64x128xf32, #tpu.memory_space<vmem>>
      %dma_start3A_1848 = arith.constant 32 : i32
      %dma_start3A_1849 = arith.constant 0 : i32
      %dma_start3A_1850 = tpu.memref_slice %dma_start3A_1847[%dma_start3A_1848, %dma_start3A_1849] : memref<64x128xf32, #tpu.memory_space<vmem>> -> memref<8x128xf32, #tpu.memory_space<vmem>>
      %dma_start3A_1851 = arith.constant 32 : i32
      %dma_start3A_1852 = tpu.memref_slice %arg2[%dma_start3A_1851, %multiple_of3A_1766] : memref<64x1000000xf32, #tpu.memory_space<hbm>> -> memref<8x128xf32, #tpu.memory_space<hbm>>
      %dma_start3A_1853 = arith.constant 0 : i32
      %dma_start3A_1854 = arith.constant 0 : i32
      %dma_start3A_1855 = tpu.memref_slice %arg8[%dma_start3A_1843, %dma_start3A_1853, %dma_start3A_1854] : memref<4x64x128xf32, #tpu.memory_space<vmem>> -> memref<1x64x128xf32, #tpu.memory_space<vmem>>
      %dma_start3A_1856 = tpu.memref_squeeze %dma_start3A_1855 : memref<1x64x128xf32, #tpu.memory_space<vmem>> -> memref<64x128xf32, #tpu.memory_space<vmem>>
      %dma_start3A_1857 = arith.constant 32 : i32
      %dma_start3A_1858 = arith.constant 0 : i32
      %dma_start3A_1859 = tpu.memref_slice %dma_start3A_1856[%dma_start3A_1857, %dma_start3A_1858] : memref<64x128xf32, #tpu.memory_space<vmem>> -> memref<8x128xf32, #tpu.memory_space<vmem>>
      %dma_start3A_1860 = arith.constant 32 : i32
      %dma_start3A_1861 = tpu.memref_slice %arg2[%dma_start3A_1860, %multiple_of3A_1766] : memref<64x1000000xf32, #tpu.memory_space<hbm>> -> memref<8x128xf32, #tpu.memory_space<hbm>>
      tpu.enqueue_dma source(%dma_start3A_1861 : memref<8x128xf32, #tpu.memory_space<hbm>>) target(%dma_start3A_1859 : memref<8x128xf32, #tpu.memory_space<vmem>>) target_semaphore(%arg12 : memref<!tpu.dma_semaphore, #tpu.memory_space<semaphore_mem>>)
      %dma_start3A_1862 = arith.constant 3 : i32
      %dma_start3A_1863 = arith.constant 0 : i32
      %dma_start3A_1864 = arith.constant 0 : i32
      %dma_start3A_1865 = tpu.memref_slice %arg8[%dma_start3A_1862, %dma_start3A_1863, %dma_start3A_1864] : memref<4x64x128xf32, #tpu.memory_space<vmem>> -> memref<1x64x128xf32, #tpu.memory_space<vmem>>
      %dma_start3A_1866 = tpu.memref_squeeze %dma_start3A_1865 : memref<1x64x128xf32, #tpu.memory_space<vmem>> -> memref<64x128xf32, #tpu.memory_space<vmem>>
      %dma_start3A_1867 = arith.constant 40 : i32
      %dma_start3A_1868 = arith.constant 0 : i32
      %dma_start3A_1869 = tpu.memref_slice %dma_start3A_1866[%dma_start3A_1867, %dma_start3A_1868] : memref<64x128xf32, #tpu.memory_space<vmem>> -> memref<8x128xf32, #tpu.memory_space<vmem>>
      %dma_start3A_1870 = arith.constant 40 : i32
      %dma_start3A_1871 = tpu.memref_slice %arg2[%dma_start3A_1870, %multiple_of3A_1766] : memref<64x1000000xf32, #tpu.memory_space<hbm>> -> memref<8x128xf32, #tpu.memory_space<hbm>>
      %dma_start3A_1872 = arith.constant 0 : i32
      %dma_start3A_1873 = arith.constant 0 : i32
      %dma_start3A_1874 = tpu.memref_slice %arg8[%dma_start3A_1862, %dma_start3A_1872, %dma_start3A_1873] : memref<4x64x128xf32, #tpu.memory_space<vmem>> -> memref<1x64x128xf32, #tpu.memory_space<vmem>>
      %dma_start3A_1875 = tpu.memref_squeeze %dma_start3A_1874 : memref<1x64x128xf32, #tpu.memory_space<vmem>> -> memref<64x128xf32, #tpu.memory_space<vmem>>
      %dma_start3A_1876 = arith.constant 40 : i32
      %dma_start3A_1877 = arith.constant 0 : i32
      %dma_start3A_1878 = tpu.memref_slice %dma_start3A_1875[%dma_start3A_1876, %dma_start3A_1877] : memref<64x128xf32, #tpu.memory_space<vmem>> -> memref<8x128xf32, #tpu.memory_space<vmem>>
      %dma_start3A_1879 = arith.constant 40 : i32
      %dma_start3A_1880 = tpu.memref_slice %arg2[%dma_start3A_1879, %multiple_of3A_1766] : memref<64x1000000xf32, #tpu.memory_space<hbm>> -> memref<8x128xf32, #tpu.memory_space<hbm>>
      tpu.enqueue_dma source(%dma_start3A_1880 : memref<8x128xf32, #tpu.memory_space<hbm>>) target(%dma_start3A_1878 : memref<8x128xf32, #tpu.memory_space<vmem>>) target_semaphore(%arg12 : memref<!tpu.dma_semaphore, #tpu.memory_space<semaphore_mem>>)
      %dma_start3A_1881 = arith.constant 3 : i32
      %dma_start3A_1882 = arith.constant 0 : i32
      %dma_start3A_1883 = arith.constant 0 : i32
      %dma_start3A_1884 = tpu.memref_slice %arg8[%dma_start3A_1881, %dma_start3A_1882, %dma_start3A_1883] : memref<4x64x128xf32, #tpu.memory_space<vmem>> -> memref<1x64x128xf32, #tpu.memory_space<vmem>>
      %dma_start3A_1885 = tpu.memref_squeeze %dma_start3A_1884 : memref<1x64x128xf32, #tpu.memory_space<vmem>> -> memref<64x128xf32, #tpu.memory_space<vmem>>
      %dma_start3A_1886 = arith.constant 48 : i32
      %dma_start3A_1887 = arith.constant 0 : i32
      %dma_start3A_1888 = tpu.memref_slice %dma_start3A_1885[%dma_start3A_1886, %dma_start3A_1887] : memref<64x128xf32, #tpu.memory_space<vmem>> -> memref<8x128xf32, #tpu.memory_space<vmem>>
      %dma_start3A_1889 = arith.constant 48 : i32
      %dma_start3A_1890 = tpu.memref_slice %arg2[%dma_start3A_1889, %multiple_of3A_1766] : memref<64x1000000xf32, #tpu.memory_space<hbm>> -> memref<8x128xf32, #tpu.memory_space<hbm>>
      %dma_start3A_1891 = arith.constant 0 : i32
      %dma_start3A_1892 = arith.constant 0 : i32
      %dma_start3A_1893 = tpu.memref_slice %arg8[%dma_start3A_1881, %dma_start3A_1891, %dma_start3A_1892] : memref<4x64x128xf32, #tpu.memory_space<vmem>> -> memref<1x64x128xf32, #tpu.memory_space<vmem>>
      %dma_start3A_1894 = tpu.memref_squeeze %dma_start3A_1893 : memref<1x64x128xf32, #tpu.memory_space<vmem>> -> memref<64x128xf32, #tpu.memory_space<vmem>>
      %dma_start3A_1895 = arith.constant 48 : i32
      %dma_start3A_1896 = arith.constant 0 : i32
      %dma_start3A_1897 = tpu.memref_slice %dma_start3A_1894[%dma_start3A_1895, %dma_start3A_1896] : memref<64x128xf32, #tpu.memory_space<vmem>> -> memref<8x128xf32, #tpu.memory_space<vmem>>
      %dma_start3A_1898 = arith.constant 48 : i32
      %dma_start3A_1899 = tpu.memref_slice %arg2[%dma_start3A_1898, %multiple_of3A_1766] : memref<64x1000000xf32, #tpu.memory_space<hbm>> -> memref<8x128xf32, #tpu.memory_space<hbm>>
      tpu.enqueue_dma source(%dma_start3A_1899 : memref<8x128xf32, #tpu.memory_space<hbm>>) target(%dma_start3A_1897 : memref<8x128xf32, #tpu.memory_space<vmem>>) target_semaphore(%arg12 : memref<!tpu.dma_semaphore, #tpu.memory_space<semaphore_mem>>)
      %dma_start3A_1900 = arith.constant 3 : i32
      %dma_start3A_1901 = arith.constant 0 : i32
      %dma_start3A_1902 = arith.constant 0 : i32
      %dma_start3A_1903 = tpu.memref_slice %arg8[%dma_start3A_1900, %dma_start3A_1901, %dma_start3A_1902] : memref<4x64x128xf32, #tpu.memory_space<vmem>> -> memref<1x64x128xf32, #tpu.memory_space<vmem>>
      %dma_start3A_1904 = tpu.memref_squeeze %dma_start3A_1903 : memref<1x64x128xf32, #tpu.memory_space<vmem>> -> memref<64x128xf32, #tpu.memory_space<vmem>>
      %dma_start3A_1905 = arith.constant 56 : i32
      %dma_start3A_1906 = arith.constant 0 : i32
      %dma_start3A_1907 = tpu.memref_slice %dma_start3A_1904[%dma_start3A_1905, %dma_start3A_1906] : memref<64x128xf32, #tpu.memory_space<vmem>> -> memref<8x128xf32, #tpu.memory_space<vmem>>
      %dma_start3A_1908 = arith.constant 56 : i32
      %dma_start3A_1909 = tpu.memref_slice %arg2[%dma_start3A_1908, %multiple_of3A_1766] : memref<64x1000000xf32, #tpu.memory_space<hbm>> -> memref<8x128xf32, #tpu.memory_space<hbm>>
      %dma_start3A_1910 = arith.constant 0 : i32
      %dma_start3A_1911 = arith.constant 0 : i32
      %dma_start3A_1912 = tpu.memref_slice %arg8[%dma_start3A_1900, %dma_start3A_1910, %dma_start3A_1911] : memref<4x64x128xf32, #tpu.memory_space<vmem>> -> memref<1x64x128xf32, #tpu.memory_space<vmem>>
      %dma_start3A_1913 = tpu.memref_squeeze %dma_start3A_1912 : memref<1x64x128xf32, #tpu.memory_space<vmem>> -> memref<64x128xf32, #tpu.memory_space<vmem>>
      %dma_start3A_1914 = arith.constant 56 : i32
      %dma_start3A_1915 = arith.constant 0 : i32
      %dma_start3A_1916 = tpu.memref_slice %dma_start3A_1913[%dma_start3A_1914, %dma_start3A_1915] : memref<64x128xf32, #tpu.memory_space<vmem>> -> memref<8x128xf32, #tpu.memory_space<vmem>>
      %dma_start3A_1917 = arith.constant 56 : i32
      %dma_start3A_1918 = tpu.memref_slice %arg2[%dma_start3A_1917, %multiple_of3A_1766] : memref<64x1000000xf32, #tpu.memory_space<hbm>> -> memref<8x128xf32, #tpu.memory_space<hbm>>
      tpu.enqueue_dma source(%dma_start3A_1918 : memref<8x128xf32, #tpu.memory_space<hbm>>) target(%dma_start3A_1916 : memref<8x128xf32, #tpu.memory_space<vmem>>) target_semaphore(%arg12 : memref<!tpu.dma_semaphore, #tpu.memory_space<semaphore_mem>>)
      %dma_wait3A = arith.constant 0 : i32
      %dma_wait3A_1919 = arith.constant 0 : i32
      %dma_wait3A_1920 = arith.constant 0 : i32
      %dma_wait3A_1921 = tpu.memref_slice %arg6[%dma_wait3A, %dma_wait3A_1919, %dma_wait3A_1920] : memref<4x64x128xf32, #tpu.memory_space<vmem>> -> memref<1x64x128xf32, #tpu.memory_space<vmem>>
      %dma_wait3A_1922 = tpu.memref_squeeze %dma_wait3A_1921 : memref<1x64x128xf32, #tpu.memory_space<vmem>> -> memref<64x128xf32, #tpu.memory_space<vmem>>
      %dma_wait3A_1923 = arith.constant 0 : i32
      %dma_wait3A_1924 = arith.constant 0 : i32
      %dma_wait3A_1925 = tpu.memref_slice %arg2[%dma_wait3A_1923, %dma_wait3A_1924] : memref<64x1000000xf32, #tpu.memory_space<hbm>> -> memref<64x128xf32, #tpu.memory_space<hbm>>
      %dma_wait3A_1926 = arith.constant 0 : i32
      %dma_wait3A_1927 = arith.constant 0 : i32
      %dma_wait3A_1928 = tpu.memref_slice %arg6[%dma_wait3A, %dma_wait3A_1926, %dma_wait3A_1927] : memref<4x64x128xf32, #tpu.memory_space<vmem>> -> memref<1x64x128xf32, #tpu.memory_space<vmem>>
      %dma_wait3A_1929 = tpu.memref_squeeze %dma_wait3A_1928 : memref<1x64x128xf32, #tpu.memory_space<vmem>> -> memref<64x128xf32, #tpu.memory_space<vmem>>
      %dma_wait3A_1930 = arith.constant 0 : i32
      %dma_wait3A_1931 = arith.constant 0 : i32
      %dma_wait3A_1932 = tpu.memref_slice %arg2[%dma_wait3A_1930, %dma_wait3A_1931] : memref<64x1000000xf32, #tpu.memory_space<hbm>> -> memref<64x128xf32, #tpu.memory_space<hbm>>
      tpu.wait_dma2 semaphore(%arg10 : memref<!tpu.dma_semaphore, #tpu.memory_space<semaphore_mem>>) src(%dma_wait3A_1932 : memref<64x128xf32, #tpu.memory_space<hbm>>) dst(%dma_wait3A_1929 : memref<64x128xf32, #tpu.memory_space<vmem>>)
      %dma_wait3A_1933 = arith.constant 1 : i32
      %dma_wait3A_1934 = arith.constant 0 : i32
      %dma_wait3A_1935 = arith.constant 0 : i32
      %dma_wait3A_1936 = tpu.memref_slice %arg6[%dma_wait3A_1933, %dma_wait3A_1934, %dma_wait3A_1935] : memref<4x64x128xf32, #tpu.memory_space<vmem>> -> memref<1x64x128xf32, #tpu.memory_space<vmem>>
      %dma_wait3A_1937 = tpu.memref_squeeze %dma_wait3A_1936 : memref<1x64x128xf32, #tpu.memory_space<vmem>> -> memref<64x128xf32, #tpu.memory_space<vmem>>
      %dma_wait3A_1938 = arith.constant 0 : i32
      %dma_wait3A_1939 = arith.constant 0 : i32
      %dma_wait3A_1940 = tpu.memref_slice %arg2[%dma_wait3A_1938, %dma_wait3A_1939] : memref<64x1000000xf32, #tpu.memory_space<hbm>> -> memref<64x128xf32, #tpu.memory_space<hbm>>
      %dma_wait3A_1941 = arith.constant 0 : i32
      %dma_wait3A_1942 = arith.constant 0 : i32
      %dma_wait3A_1943 = tpu.memref_slice %arg6[%dma_wait3A_1933, %dma_wait3A_1941, %dma_wait3A_1942] : memref<4x64x128xf32, #tpu.memory_space<vmem>> -> memref<1x64x128xf32, #tpu.memory_space<vmem>>
      %dma_wait3A_1944 = tpu.memref_squeeze %dma_wait3A_1943 : memref<1x64x128xf32, #tpu.memory_space<vmem>> -> memref<64x128xf32, #tpu.memory_space<vmem>>
      %dma_wait3A_1945 = arith.constant 0 : i32
      %dma_wait3A_1946 = arith.constant 0 : i32
      %dma_wait3A_1947 = tpu.memref_slice %arg2[%dma_wait3A_1945, %dma_wait3A_1946] : memref<64x1000000xf32, #tpu.memory_space<hbm>> -> memref<64x128xf32, #tpu.memory_space<hbm>>
      tpu.wait_dma2 semaphore(%arg10 : memref<!tpu.dma_semaphore, #tpu.memory_space<semaphore_mem>>) src(%dma_wait3A_1947 : memref<64x128xf32, #tpu.memory_space<hbm>>) dst(%dma_wait3A_1944 : memref<64x128xf32, #tpu.memory_space<vmem>>)
      %dma_wait3A_1948 = arith.constant 2 : i32
      %dma_wait3A_1949 = arith.constant 0 : i32
      %dma_wait3A_1950 = arith.constant 0 : i32
      %dma_wait3A_1951 = tpu.memref_slice %arg6[%dma_wait3A_1948, %dma_wait3A_1949, %dma_wait3A_1950] : memref<4x64x128xf32, #tpu.memory_space<vmem>> -> memref<1x64x128xf32, #tpu.memory_space<vmem>>
      %dma_wait3A_1952 = tpu.memref_squeeze %dma_wait3A_1951 : memref<1x64x128xf32, #tpu.memory_space<vmem>> -> memref<64x128xf32, #tpu.memory_space<vmem>>
      %dma_wait3A_1953 = arith.constant 0 : i32
      %dma_wait3A_1954 = arith.constant 0 : i32
      %dma_wait3A_1955 = tpu.memref_slice %arg2[%dma_wait3A_1953, %dma_wait3A_1954] : memref<64x1000000xf32, #tpu.memory_space<hbm>> -> memref<64x128xf32, #tpu.memory_space<hbm>>
      %dma_wait3A_1956 = arith.constant 0 : i32
      %dma_wait3A_1957 = arith.constant 0 : i32
      %dma_wait3A_1958 = tpu.memref_slice %arg6[%dma_wait3A_1948, %dma_wait3A_1956, %dma_wait3A_1957] : memref<4x64x128xf32, #tpu.memory_space<vmem>> -> memref<1x64x128xf32, #tpu.memory_space<vmem>>
      %dma_wait3A_1959 = tpu.memref_squeeze %dma_wait3A_1958 : memref<1x64x128xf32, #tpu.memory_space<vmem>> -> memref<64x128xf32, #tpu.memory_space<vmem>>
      %dma_wait3A_1960 = arith.constant 0 : i32
      %dma_wait3A_1961 = arith.constant 0 : i32
      %dma_wait3A_1962 = tpu.memref_slice %arg2[%dma_wait3A_1960, %dma_wait3A_1961] : memref<64x1000000xf32, #tpu.memory_space<hbm>> -> memref<64x128xf32, #tpu.memory_space<hbm>>
      tpu.wait_dma2 semaphore(%arg10 : memref<!tpu.dma_semaphore, #tpu.memory_space<semaphore_mem>>) src(%dma_wait3A_1962 : memref<64x128xf32, #tpu.memory_space<hbm>>) dst(%dma_wait3A_1959 : memref<64x128xf32, #tpu.memory_space<vmem>>)
      %dma_wait3A_1963 = arith.constant 3 : i32
      %dma_wait3A_1964 = arith.constant 0 : i32
      %dma_wait3A_1965 = arith.constant 0 : i32
      %dma_wait3A_1966 = tpu.memref_slice %arg6[%dma_wait3A_1963, %dma_wait3A_1964, %dma_wait3A_1965] : memref<4x64x128xf32, #tpu.memory_space<vmem>> -> memref<1x64x128xf32, #tpu.memory_space<vmem>>
      %dma_wait3A_1967 = tpu.memref_squeeze %dma_wait3A_1966 : memref<1x64x128xf32, #tpu.memory_space<vmem>> -> memref<64x128xf32, #tpu.memory_space<vmem>>
      %dma_wait3A_1968 = arith.constant 0 : i32
      %dma_wait3A_1969 = arith.constant 0 : i32
      %dma_wait3A_1970 = tpu.memref_slice %arg2[%dma_wait3A_1968, %dma_wait3A_1969] : memref<64x1000000xf32, #tpu.memory_space<hbm>> -> memref<64x128xf32, #tpu.memory_space<hbm>>
      %dma_wait3A_1971 = arith.constant 0 : i32
      %dma_wait3A_1972 = arith.constant 0 : i32
      %dma_wait3A_1973 = tpu.memref_slice %arg6[%dma_wait3A_1963, %dma_wait3A_1971, %dma_wait3A_1972] : memref<4x64x128xf32, #tpu.memory_space<vmem>> -> memref<1x64x128xf32, #tpu.memory_space<vmem>>
      %dma_wait3A_1974 = tpu.memref_squeeze %dma_wait3A_1973 : memref<1x64x128xf32, #tpu.memory_space<vmem>> -> memref<64x128xf32, #tpu.memory_space<vmem>>
      %dma_wait3A_1975 = arith.constant 0 : i32
      %dma_wait3A_1976 = arith.constant 0 : i32
      %dma_wait3A_1977 = tpu.memref_slice %arg2[%dma_wait3A_1975, %dma_wait3A_1976] : memref<64x1000000xf32, #tpu.memory_space<hbm>> -> memref<64x128xf32, #tpu.memory_space<hbm>>
      tpu.wait_dma2 semaphore(%arg10 : memref<!tpu.dma_semaphore, #tpu.memory_space<semaphore_mem>>) src(%dma_wait3A_1977 : memref<64x128xf32, #tpu.memory_space<hbm>>) dst(%dma_wait3A_1974 : memref<64x128xf32, #tpu.memory_space<vmem>>)
      %and3A = arith.constant 127 : i32
      %and3A_1978 = arith.andi %squeeze3A, %and3A : i32
      %broadcast_in_dim3A = vector.broadcast %and3A_1978 : i32 to vector<16xi32>
      %broadcast_in_dim3A_1979 = arith.constant 0 : i32
      %broadcast_in_dim3A_1980 = vector.broadcast %broadcast_in_dim3A_1979 : i32 to vector<16xi32>
      %broadcast_in_dim3A_1981 = arith.constant 0 : i32
      %broadcast_in_dim3A_1982 = vector.broadcast %broadcast_in_dim3A_1981 : i32 to vector<16xi32>
      %add3A_1983 = arith.constant 0 : i32
      %add3A_1984 = vector.broadcast %add3A_1983 : i32 to vector<16xi32>
      %add3A_1985 = arith.addi %iota3A, %add3A_1984 : vector<16xi32>
      %gather3A = tpu.vector_load_idx %arg6[%broadcast_in_dim3A_1982, %add3A_1985, %broadcast_in_dim3A] : memref<4x64x128xf32, #tpu.memory_space<vmem>>[vector<16xi32>, vector<16xi32>, vector<16xi32>], vector<16xf32>,
      tpu.vector_store_idx %arg9[%broadcast_in_dim3A_1980, %add3A_1985], %gather3A : memref<16x64xf32, #tpu.memory_space<vmem>>[vector<16xi32>, vector<16xi32>], vector<16xf32>,
      %add3A_1986 = arith.constant 16 : i32
      %add3A_1987 = vector.broadcast %add3A_1986 : i32 to vector<16xi32>
      %add3A_1988 = arith.addi %iota3A, %add3A_1987 : vector<16xi32>
      %gather3A_1989 = tpu.vector_load_idx %arg6[%broadcast_in_dim3A_1982, %add3A_1988, %broadcast_in_dim3A] : memref<4x64x128xf32, #tpu.memory_space<vmem>>[vector<16xi32>, vector<16xi32>, vector<16xi32>], vector<16xf32>,
      tpu.vector_store_idx %arg9[%broadcast_in_dim3A_1980, %add3A_1988], %gather3A_1989 : memref<16x64xf32, #tpu.memory_space<vmem>>[vector<16xi32>, vector<16xi32>], vector<16xf32>,
      %add3A_1990 = arith.constant 32 : i32
      %add3A_1991 = vector.broadcast %add3A_1990 : i32 to vector<16xi32>
      %add3A_1992 = arith.addi %iota3A, %add3A_1991 : vector<16xi32>
      %gather3A_1993 = tpu.vector_load_idx %arg6[%broadcast_in_dim3A_1982, %add3A_1992, %broadcast_in_dim3A] : memref<4x64x128xf32, #tpu.memory_space<vmem>>[vector<16xi32>, vector<16xi32>, vector<16xi32>], vector<16xf32>,
      tpu.vector_store_idx %arg9[%broadcast_in_dim3A_1980, %add3A_1992], %gather3A_1993 : memref<16x64xf32, #tpu.memory_space<vmem>>[vector<16xi32>, vector<16xi32>], vector<16xf32>,
      %add3A_1994 = arith.constant 48 : i32
      %add3A_1995 = vector.broadcast %add3A_1994 : i32 to vector<16xi32>
      %add3A_1996 = arith.addi %iota3A, %add3A_1995 : vector<16xi32>
      %gather3A_1997 = tpu.vector_load_idx %arg6[%broadcast_in_dim3A_1982, %add3A_1996, %broadcast_in_dim3A] : memref<4x64x128xf32, #tpu.memory_space<vmem>>[vector<16xi32>, vector<16xi32>, vector<16xi32>], vector<16xf32>,
      tpu.vector_store_idx %arg9[%broadcast_in_dim3A_1980, %add3A_1996], %gather3A_1997 : memref<16x64xf32, #tpu.memory_space<vmem>>[vector<16xi32>, vector<16xi32>], vector<16xf32>,
      %and3A_1998 = arith.constant 127 : i32
      %and3A_1999 = arith.andi %squeeze3A_10, %and3A_1998 : i32
      %broadcast_in_dim3A_2000 = vector.broadcast %and3A_1999 : i32 to vector<16xi32>
      %broadcast_in_dim3A_2001 = arith.constant 1 : i32
      %broadcast_in_dim3A_2002 = vector.broadcast %broadcast_in_dim3A_2001 : i32 to vector<16xi32>
      %broadcast_in_dim3A_2003 = arith.constant 1 : i32
      %broadcast_in_dim3A_2004 = vector.broadcast %broadcast_in_dim3A_2003 : i32 to vector<16xi32>
      %add3A_2005 = arith.constant 0 : i32
      %add3A_2006 = vector.broadcast %add3A_2005 : i32 to vector<16xi32>
      %add3A_2007 = arith.addi %iota3A, %add3A_2006 : vector<16xi32>
      %gather3A_2008 = tpu.vector_load_idx %arg6[%broadcast_in_dim3A_2004, %add3A_2007, %broadcast_in_dim3A_2000] : memref<4x64x128xf32, #tpu.memory_space<vmem>>[vector<16xi32>, vector<16xi32>, vector<16xi32>], vector<16xf32>,
      tpu.vector_store_idx %arg9[%broadcast_in_dim3A_2002, %add3A_2007], %gather3A_2008 : memref<16x64xf32, #tpu.memory_space<vmem>>[vector<16xi32>, vector<16xi32>], vector<16xf32>,
      %add3A_2009 = arith.constant 16 : i32
      %add3A_2010 = vector.broadcast %add3A_2009 : i32 to vector<16xi32>
      %add3A_2011 = arith.addi %iota3A, %add3A_2010 : vector<16xi32>
      %gather3A_2012 = tpu.vector_load_idx %arg6[%broadcast_in_dim3A_2004, %add3A_2011, %broadcast_in_dim3A_2000] : memref<4x64x128xf32, #tpu.memory_space<vmem>>[vector<16xi32>, vector<16xi32>, vector<16xi32>], vector<16xf32>,
      tpu.vector_store_idx %arg9[%broadcast_in_dim3A_2002, %add3A_2011], %gather3A_2012 : memref<16x64xf32, #tpu.memory_space<vmem>>[vector<16xi32>, vector<16xi32>], vector<16xf32>,
      %add3A_2013 = arith.constant 32 : i32
      %add3A_2014 = vector.broadcast %add3A_2013 : i32 to vector<16xi32>
      %add3A_2015 = arith.addi %iota3A, %add3A_2014 : vector<16xi32>
      %gather3A_2016 = tpu.vector_load_idx %arg6[%broadcast_in_dim3A_2004, %add3A_2015, %broadcast_in_dim3A_2000] : memref<4x64x128xf32, #tpu.memory_space<vmem>>[vector<16xi32>, vector<16xi32>, vector<16xi32>], vector<16xf32>,
      tpu.vector_store_idx %arg9[%broadcast_in_dim3A_2002, %add3A_2015], %gather3A_2016 : memref<16x64xf32, #tpu.memory_space<vmem>>[vector<16xi32>, vector<16xi32>], vector<16xf32>,
      %add3A_2017 = arith.constant 48 : i32
      %add3A_2018 = vector.broadcast %add3A_2017 : i32 to vector<16xi32>
      %add3A_2019 = arith.addi %iota3A, %add3A_2018 : vector<16xi32>
      %gather3A_2020 = tpu.vector_load_idx %arg6[%broadcast_in_dim3A_2004, %add3A_2019, %broadcast_in_dim3A_2000] : memref<4x64x128xf32, #tpu.memory_space<vmem>>[vector<16xi32>, vector<16xi32>, vector<16xi32>], vector<16xf32>,
      tpu.vector_store_idx %arg9[%broadcast_in_dim3A_2002, %add3A_2019], %gather3A_2020 : memref<16x64xf32, #tpu.memory_space<vmem>>[vector<16xi32>, vector<16xi32>], vector<16xf32>,
      %and3A_2021 = arith.constant 127 : i32
      %and3A_2022 = arith.andi %squeeze3A_12, %and3A_2021 : i32
      %broadcast_in_dim3A_2023 = vector.broadcast %and3A_2022 : i32 to vector<16xi32>
      %broadcast_in_dim3A_2024 = arith.constant 2 : i32
      %broadcast_in_dim3A_2025 = vector.broadcast %broadcast_in_dim3A_2024 : i32 to vector<16xi32>
      %broadcast_in_dim3A_2026 = arith.constant 2 : i32
      %broadcast_in_dim3A_2027 = vector.broadcast %broadcast_in_dim3A_2026 : i32 to vector<16xi32>
      %add3A_2028 = arith.constant 0 : i32
      %add3A_2029 = vector.broadcast %add3A_2028 : i32 to vector<16xi32>
      %add3A_2030 = arith.addi %iota3A, %add3A_2029 : vector<16xi32>
      %gather3A_2031 = tpu.vector_load_idx %arg6[%broadcast_in_dim3A_2027, %add3A_2030, %broadcast_in_dim3A_2023] : memref<4x64x128xf32, #tpu.memory_space<vmem>>[vector<16xi32>, vector<16xi32>, vector<16xi32>], vector<16xf32>,
      tpu.vector_store_idx %arg9[%broadcast_in_dim3A_2025, %add3A_2030], %gather3A_2031 : memref<16x64xf32, #tpu.memory_space<vmem>>[vector<16xi32>, vector<16xi32>], vector<16xf32>,
      %add3A_2032 = arith.constant 16 : i32
      %add3A_2033 = vector.broadcast %add3A_2032 : i32 to vector<16xi32>
      %add3A_2034 = arith.addi %iota3A, %add3A_2033 : vector<16xi32>
      %gather3A_2035 = tpu.vector_load_idx %arg6[%broadcast_in_dim3A_2027, %add3A_2034, %broadcast_in_dim3A_2023] : memref<4x64x128xf32, #tpu.memory_space<vmem>>[vector<16xi32>, vector<16xi32>, vector<16xi32>], vector<16xf32>,
      tpu.vector_store_idx %arg9[%broadcast_in_dim3A_2025, %add3A_2034], %gather3A_2035 : memref<16x64xf32, #tpu.memory_space<vmem>>[vector<16xi32>, vector<16xi32>], vector<16xf32>,
      %add3A_2036 = arith.constant 32 : i32
      %add3A_2037 = vector.broadcast %add3A_2036 : i32 to vector<16xi32>
      %add3A_2038 = arith.addi %iota3A, %add3A_2037 : vector<16xi32>
      %gather3A_2039 = tpu.vector_load_idx %arg6[%broadcast_in_dim3A_2027, %add3A_2038, %broadcast_in_dim3A_2023] : memref<4x64x128xf32, #tpu.memory_space<vmem>>[vector<16xi32>, vector<16xi32>, vector<16xi32>], vector<16xf32>,
      tpu.vector_store_idx %arg9[%broadcast_in_dim3A_2025, %add3A_2038], %gather3A_2039 : memref<16x64xf32, #tpu.memory_space<vmem>>[vector<16xi32>, vector<16xi32>], vector<16xf32>,
      %add3A_2040 = arith.constant 48 : i32
      %add3A_2041 = vector.broadcast %add3A_2040 : i32 to vector<16xi32>
      %add3A_2042 = arith.addi %iota3A, %add3A_2041 : vector<16xi32>
      %gather3A_2043 = tpu.vector_load_idx %arg6[%broadcast_in_dim3A_2027, %add3A_2042, %broadcast_in_dim3A_2023] : memref<4x64x128xf32, #tpu.memory_space<vmem>>[vector<16xi32>, vector<16xi32>, vector<16xi32>], vector<16xf32>,
      tpu.vector_store_idx %arg9[%broadcast_in_dim3A_2025, %add3A_2042], %gather3A_2043 : memref<16x64xf32, #tpu.memory_space<vmem>>[vector<16xi32>, vector<16xi32>], vector<16xf32>,
      %and3A_2044 = arith.constant 127 : i32
      %and3A_2045 = arith.andi %squeeze3A_14, %and3A_2044 : i32
      %broadcast_in_dim3A_2046 = vector.broadcast %and3A_2045 : i32 to vector<16xi32>
      %broadcast_in_dim3A_2047 = arith.constant 3 : i32
      %broadcast_in_dim3A_2048 = vector.broadcast %broadcast_in_dim3A_2047 : i32 to vector<16xi32>
      %broadcast_in_dim3A_2049 = arith.constant 3 : i32
      %broadcast_in_dim3A_2050 = vector.broadcast %broadcast_in_dim3A_2049 : i32 to vector<16xi32>
      %add3A_2051 = arith.constant 0 : i32
      %add3A_2052 = vector.broadcast %add3A_2051 : i32 to vector<16xi32>
      %add3A_2053 = arith.addi %iota3A, %add3A_2052 : vector<16xi32>
      %gather3A_2054 = tpu.vector_load_idx %arg6[%broadcast_in_dim3A_2050, %add3A_2053, %broadcast_in_dim3A_2046] : memref<4x64x128xf32, #tpu.memory_space<vmem>>[vector<16xi32>, vector<16xi32>, vector<16xi32>], vector<16xf32>,
      tpu.vector_store_idx %arg9[%broadcast_in_dim3A_2048, %add3A_2053], %gather3A_2054 : memref<16x64xf32, #tpu.memory_space<vmem>>[vector<16xi32>, vector<16xi32>], vector<16xf32>,
      %add3A_2055 = arith.constant 16 : i32
      %add3A_2056 = vector.broadcast %add3A_2055 : i32 to vector<16xi32>
      %add3A_2057 = arith.addi %iota3A, %add3A_2056 : vector<16xi32>
      %gather3A_2058 = tpu.vector_load_idx %arg6[%broadcast_in_dim3A_2050, %add3A_2057, %broadcast_in_dim3A_2046] : memref<4x64x128xf32, #tpu.memory_space<vmem>>[vector<16xi32>, vector<16xi32>, vector<16xi32>], vector<16xf32>,
      tpu.vector_store_idx %arg9[%broadcast_in_dim3A_2048, %add3A_2057], %gather3A_2058 : memref<16x64xf32, #tpu.memory_space<vmem>>[vector<16xi32>, vector<16xi32>], vector<16xf32>,
      %add3A_2059 = arith.constant 32 : i32
      %add3A_2060 = vector.broadcast %add3A_2059 : i32 to vector<16xi32>
      %add3A_2061 = arith.addi %iota3A, %add3A_2060 : vector<16xi32>
      %gather3A_2062 = tpu.vector_load_idx %arg6[%broadcast_in_dim3A_2050, %add3A_2061, %broadcast_in_dim3A_2046] : memref<4x64x128xf32, #tpu.memory_space<vmem>>[vector<16xi32>, vector<16xi32>, vector<16xi32>], vector<16xf32>,
      tpu.vector_store_idx %arg9[%broadcast_in_dim3A_2048, %add3A_2061], %gather3A_2062 : memref<16x64xf32, #tpu.memory_space<vmem>>[vector<16xi32>, vector<16xi32>], vector<16xf32>,
      %add3A_2063 = arith.constant 48 : i32
      %add3A_2064 = vector.broadcast %add3A_2063 : i32 to vector<16xi32>
      %add3A_2065 = arith.addi %iota3A, %add3A_2064 : vector<16xi32>
      %gather3A_2066 = tpu.vector_load_idx %arg6[%broadcast_in_dim3A_2050, %add3A_2065, %broadcast_in_dim3A_2046] : memref<4x64x128xf32, #tpu.memory_space<vmem>>[vector<16xi32>, vector<16xi32>, vector<16xi32>], vector<16xf32>,
      tpu.vector_store_idx %arg9[%broadcast_in_dim3A_2048, %add3A_2065], %gather3A_2066 : memref<16x64xf32, #tpu.memory_space<vmem>>[vector<16xi32>, vector<16xi32>], vector<16xf32>,
      %shift_right_arithmetic3A_2067 = arith.constant 7 : i32
      %shift_right_arithmetic3A_2068 = arith.shrsi %squeeze3A_32, %shift_right_arithmetic3A_2067 : i32
      %shift_left3A_2069 = arith.constant 7 : i32
      %shift_left3A_2070 = arith.shli %shift_right_arithmetic3A_2068, %shift_left3A_2069 : i32
      %multiple_of3A_2071 = tpu.assume_multiple %shift_left3A_2070, 128 : i32
      %dma_start3A_2072 = arith.constant 0 : i32
      %dma_start3A_2073 = arith.constant 0 : i32
      %dma_start3A_2074 = arith.constant 0 : i32
      %dma_start3A_2075 = tpu.memref_slice %arg6[%dma_start3A_2072, %dma_start3A_2073, %dma_start3A_2074] : memref<4x64x128xf32, #tpu.memory_space<vmem>> -> memref<1x64x128xf32, #tpu.memory_space<vmem>>
      %dma_start3A_2076 = tpu.memref_squeeze %dma_start3A_2075 : memref<1x64x128xf32, #tpu.memory_space<vmem>> -> memref<64x128xf32, #tpu.memory_space<vmem>>
      %dma_start3A_2077 = arith.constant 0 : i32
      %dma_start3A_2078 = arith.constant 0 : i32
      %dma_start3A_2079 = tpu.memref_slice %dma_start3A_2076[%dma_start3A_2077, %dma_start3A_2078] : memref<64x128xf32, #tpu.memory_space<vmem>> -> memref<8x128xf32, #tpu.memory_space<vmem>>
      %dma_start3A_2080 = arith.constant 0 : i32
      %dma_start3A_2081 = tpu.memref_slice %arg2[%dma_start3A_2080, %multiple_of3A_2071] : memref<64x1000000xf32, #tpu.memory_space<hbm>> -> memref<8x128xf32, #tpu.memory_space<hbm>>
      %dma_start3A_2082 = arith.constant 0 : i32
      %dma_start3A_2083 = arith.constant 0 : i32
      %dma_start3A_2084 = tpu.memref_slice %arg6[%dma_start3A_2072, %dma_start3A_2082, %dma_start3A_2083] : memref<4x64x128xf32, #tpu.memory_space<vmem>> -> memref<1x64x128xf32, #tpu.memory_space<vmem>>
      %dma_start3A_2085 = tpu.memref_squeeze %dma_start3A_2084 : memref<1x64x128xf32, #tpu.memory_space<vmem>> -> memref<64x128xf32, #tpu.memory_space<vmem>>
      %dma_start3A_2086 = arith.constant 0 : i32
      %dma_start3A_2087 = arith.constant 0 : i32
      %dma_start3A_2088 = tpu.memref_slice %dma_start3A_2085[%dma_start3A_2086, %dma_start3A_2087] : memref<64x128xf32, #tpu.memory_space<vmem>> -> memref<8x128xf32, #tpu.memory_space<vmem>>
      %dma_start3A_2089 = arith.constant 0 : i32
      %dma_start3A_2090 = tpu.memref_slice %arg2[%dma_start3A_2089, %multiple_of3A_2071] : memref<64x1000000xf32, #tpu.memory_space<hbm>> -> memref<8x128xf32, #tpu.memory_space<hbm>>
      tpu.enqueue_dma source(%dma_start3A_2090 : memref<8x128xf32, #tpu.memory_space<hbm>>) target(%dma_start3A_2088 : memref<8x128xf32, #tpu.memory_space<vmem>>) target_semaphore(%arg10 : memref<!tpu.dma_semaphore, #tpu.memory_space<semaphore_mem>>)
      %dma_start3A_2091 = arith.constant 0 : i32
      %dma_start3A_2092 = arith.constant 0 : i32
      %dma_start3A_2093 = arith.constant 0 : i32
      %dma_start3A_2094 = tpu.memref_slice %arg6[%dma_start3A_2091, %dma_start3A_2092, %dma_start3A_2093] : memref<4x64x128xf32, #tpu.memory_space<vmem>> -> memref<1x64x128xf32, #tpu.memory_space<vmem>>
      %dma_start3A_2095 = tpu.memref_squeeze %dma_start3A_2094 : memref<1x64x128xf32, #tpu.memory_space<vmem>> -> memref<64x128xf32, #tpu.memory_space<vmem>>
      %dma_start3A_2096 = arith.constant 8 : i32
      %dma_start3A_2097 = arith.constant 0 : i32
      %dma_start3A_2098 = tpu.memref_slice %dma_start3A_2095[%dma_start3A_2096, %dma_start3A_2097] : memref<64x128xf32, #tpu.memory_space<vmem>> -> memref<8x128xf32, #tpu.memory_space<vmem>>
      %dma_start3A_2099 = arith.constant 8 : i32
      %dma_start3A_2100 = tpu.memref_slice %arg2[%dma_start3A_2099, %multiple_of3A_2071] : memref<64x1000000xf32, #tpu.memory_space<hbm>> -> memref<8x128xf32, #tpu.memory_space<hbm>>
      %dma_start3A_2101 = arith.constant 0 : i32
      %dma_start3A_2102 = arith.constant 0 : i32
      %dma_start3A_2103 = tpu.memref_slice %arg6[%dma_start3A_2091, %dma_start3A_2101, %dma_start3A_2102] : memref<4x64x128xf32, #tpu.memory_space<vmem>> -> memref<1x64x128xf32, #tpu.memory_space<vmem>>
      %dma_start3A_2104 = tpu.memref_squeeze %dma_start3A_2103 : memref<1x64x128xf32, #tpu.memory_space<vmem>> -> memref<64x128xf32, #tpu.memory_space<vmem>>
      %dma_start3A_2105 = arith.constant 8 : i32
      %dma_start3A_2106 = arith.constant 0 : i32
      %dma_start3A_2107 = tpu.memref_slice %dma_start3A_2104[%dma_start3A_2105, %dma_start3A_2106] : memref<64x128xf32, #tpu.memory_space<vmem>> -> memref<8x128xf32, #tpu.memory_space<vmem>>
      %dma_start3A_2108 = arith.constant 8 : i32
      %dma_start3A_2109 = tpu.memref_slice %arg2[%dma_start3A_2108, %multiple_of3A_2071] : memref<64x1000000xf32, #tpu.memory_space<hbm>> -> memref<8x128xf32, #tpu.memory_space<hbm>>
      tpu.enqueue_dma source(%dma_start3A_2109 : memref<8x128xf32, #tpu.memory_space<hbm>>) target(%dma_start3A_2107 : memref<8x128xf32, #tpu.memory_space<vmem>>) target_semaphore(%arg10 : memref<!tpu.dma_semaphore, #tpu.memory_space<semaphore_mem>>)
      %dma_start3A_2110 = arith.constant 0 : i32
      %dma_start3A_2111 = arith.constant 0 : i32
      %dma_start3A_2112 = arith.constant 0 : i32
      %dma_start3A_2113 = tpu.memref_slice %arg6[%dma_start3A_2110, %dma_start3A_2111, %dma_start3A_2112] : memref<4x64x128xf32, #tpu.memory_space<vmem>> -> memref<1x64x128xf32, #tpu.memory_space<vmem>>
      %dma_start3A_2114 = tpu.memref_squeeze %dma_start3A_2113 : memref<1x64x128xf32, #tpu.memory_space<vmem>> -> memref<64x128xf32, #tpu.memory_space<vmem>>
      %dma_start3A_2115 = arith.constant 16 : i32
      %dma_start3A_2116 = arith.constant 0 : i32
      %dma_start3A_2117 = tpu.memref_slice %dma_start3A_2114[%dma_start3A_2115, %dma_start3A_2116] : memref<64x128xf32, #tpu.memory_space<vmem>> -> memref<8x128xf32, #tpu.memory_space<vmem>>
      %dma_start3A_2118 = arith.constant 16 : i32
      %dma_start3A_2119 = tpu.memref_slice %arg2[%dma_start3A_2118, %multiple_of3A_2071] : memref<64x1000000xf32, #tpu.memory_space<hbm>> -> memref<8x128xf32, #tpu.memory_space<hbm>>
      %dma_start3A_2120 = arith.constant 0 : i32
      %dma_start3A_2121 = arith.constant 0 : i32
      %dma_start3A_2122 = tpu.memref_slice %arg6[%dma_start3A_2110, %dma_start3A_2120, %dma_start3A_2121] : memref<4x64x128xf32, #tpu.memory_space<vmem>> -> memref<1x64x128xf32, #tpu.memory_space<vmem>>
      %dma_start3A_2123 = tpu.memref_squeeze %dma_start3A_2122 : memref<1x64x128xf32, #tpu.memory_space<vmem>> -> memref<64x128xf32, #tpu.memory_space<vmem>>
      %dma_start3A_2124 = arith.constant 16 : i32
      %dma_start3A_2125 = arith.constant 0 : i32
      %dma_start3A_2126 = tpu.memref_slice %dma_start3A_2123[%dma_start3A_2124, %dma_start3A_2125] : memref<64x128xf32, #tpu.memory_space<vmem>> -> memref<8x128xf32, #tpu.memory_space<vmem>>
      %dma_start3A_2127 = arith.constant 16 : i32
      %dma_start3A_2128 = tpu.memref_slice %arg2[%dma_start3A_2127, %multiple_of3A_2071] : memref<64x1000000xf32, #tpu.memory_space<hbm>> -> memref<8x128xf32, #tpu.memory_space<hbm>>
      tpu.enqueue_dma source(%dma_start3A_2128 : memref<8x128xf32, #tpu.memory_space<hbm>>) target(%dma_start3A_2126 : memref<8x128xf32, #tpu.memory_space<vmem>>) target_semaphore(%arg10 : memref<!tpu.dma_semaphore, #tpu.memory_space<semaphore_mem>>)
      %dma_start3A_2129 = arith.constant 0 : i32
      %dma_start3A_2130 = arith.constant 0 : i32
      %dma_start3A_2131 = arith.constant 0 : i32
      %dma_start3A_2132 = tpu.memref_slice %arg6[%dma_start3A_2129, %dma_start3A_2130, %dma_start3A_2131] : memref<4x64x128xf32, #tpu.memory_space<vmem>> -> memref<1x64x128xf32, #tpu.memory_space<vmem>>
      %dma_start3A_2133 = tpu.memref_squeeze %dma_start3A_2132 : memref<1x64x128xf32, #tpu.memory_space<vmem>> -> memref<64x128xf32, #tpu.memory_space<vmem>>
      %dma_start3A_2134 = arith.constant 24 : i32
      %dma_start3A_2135 = arith.constant 0 : i32
      %dma_start3A_2136 = tpu.memref_slice %dma_start3A_2133[%dma_start3A_2134, %dma_start3A_2135] : memref<64x128xf32, #tpu.memory_space<vmem>> -> memref<8x128xf32, #tpu.memory_space<vmem>>
      %dma_start3A_2137 = arith.constant 24 : i32
      %dma_start3A_2138 = tpu.memref_slice %arg2[%dma_start3A_2137, %multiple_of3A_2071] : memref<64x1000000xf32, #tpu.memory_space<hbm>> -> memref<8x128xf32, #tpu.memory_space<hbm>>
      %dma_start3A_2139 = arith.constant 0 : i32
      %dma_start3A_2140 = arith.constant 0 : i32
      %dma_start3A_2141 = tpu.memref_slice %arg6[%dma_start3A_2129, %dma_start3A_2139, %dma_start3A_2140] : memref<4x64x128xf32, #tpu.memory_space<vmem>> -> memref<1x64x128xf32, #tpu.memory_space<vmem>>
      %dma_start3A_2142 = tpu.memref_squeeze %dma_start3A_2141 : memref<1x64x128xf32, #tpu.memory_space<vmem>> -> memref<64x128xf32, #tpu.memory_space<vmem>>
      %dma_start3A_2143 = arith.constant 24 : i32
      %dma_start3A_2144 = arith.constant 0 : i32
      %dma_start3A_2145 = tpu.memref_slice %dma_start3A_2142[%dma_start3A_2143, %dma_start3A_2144] : memref<64x128xf32, #tpu.memory_space<vmem>> -> memref<8x128xf32, #tpu.memory_space<vmem>>
      %dma_start3A_2146 = arith.constant 24 : i32
      %dma_start3A_2147 = tpu.memref_slice %arg2[%dma_start3A_2146, %multiple_of3A_2071] : memref<64x1000000xf32, #tpu.memory_space<hbm>> -> memref<8x128xf32, #tpu.memory_space<hbm>>
      tpu.enqueue_dma source(%dma_start3A_2147 : memref<8x128xf32, #tpu.memory_space<hbm>>) target(%dma_start3A_2145 : memref<8x128xf32, #tpu.memory_space<vmem>>) target_semaphore(%arg10 : memref<!tpu.dma_semaphore, #tpu.memory_space<semaphore_mem>>)
      %dma_start3A_2148 = arith.constant 0 : i32
      %dma_start3A_2149 = arith.constant 0 : i32
      %dma_start3A_2150 = arith.constant 0 : i32
      %dma_start3A_2151 = tpu.memref_slice %arg6[%dma_start3A_2148, %dma_start3A_2149, %dma_start3A_2150] : memref<4x64x128xf32, #tpu.memory_space<vmem>> -> memref<1x64x128xf32, #tpu.memory_space<vmem>>
      %dma_start3A_2152 = tpu.memref_squeeze %dma_start3A_2151 : memref<1x64x128xf32, #tpu.memory_space<vmem>> -> memref<64x128xf32, #tpu.memory_space<vmem>>
      %dma_start3A_2153 = arith.constant 32 : i32
      %dma_start3A_2154 = arith.constant 0 : i32
      %dma_start3A_2155 = tpu.memref_slice %dma_start3A_2152[%dma_start3A_2153, %dma_start3A_2154] : memref<64x128xf32, #tpu.memory_space<vmem>> -> memref<8x128xf32, #tpu.memory_space<vmem>>
      %dma_start3A_2156 = arith.constant 32 : i32
      %dma_start3A_2157 = tpu.memref_slice %arg2[%dma_start3A_2156, %multiple_of3A_2071] : memref<64x1000000xf32, #tpu.memory_space<hbm>> -> memref<8x128xf32, #tpu.memory_space<hbm>>
      %dma_start3A_2158 = arith.constant 0 : i32
      %dma_start3A_2159 = arith.constant 0 : i32
      %dma_start3A_2160 = tpu.memref_slice %arg6[%dma_start3A_2148, %dma_start3A_2158, %dma_start3A_2159] : memref<4x64x128xf32, #tpu.memory_space<vmem>> -> memref<1x64x128xf32, #tpu.memory_space<vmem>>
      %dma_start3A_2161 = tpu.memref_squeeze %dma_start3A_2160 : memref<1x64x128xf32, #tpu.memory_space<vmem>> -> memref<64x128xf32, #tpu.memory_space<vmem>>
      %dma_start3A_2162 = arith.constant 32 : i32
      %dma_start3A_2163 = arith.constant 0 : i32
      %dma_start3A_2164 = tpu.memref_slice %dma_start3A_2161[%dma_start3A_2162, %dma_start3A_2163] : memref<64x128xf32, #tpu.memory_space<vmem>> -> memref<8x128xf32, #tpu.memory_space<vmem>>
      %dma_start3A_2165 = arith.constant 32 : i32
      %dma_start3A_2166 = tpu.memref_slice %arg2[%dma_start3A_2165, %multiple_of3A_2071] : memref<64x1000000xf32, #tpu.memory_space<hbm>> -> memref<8x128xf32, #tpu.memory_space<hbm>>
      tpu.enqueue_dma source(%dma_start3A_2166 : memref<8x128xf32, #tpu.memory_space<hbm>>) target(%dma_start3A_2164 : memref<8x128xf32, #tpu.memory_space<vmem>>) target_semaphore(%arg10 : memref<!tpu.dma_semaphore, #tpu.memory_space<semaphore_mem>>)
      %dma_start3A_2167 = arith.constant 0 : i32
      %dma_start3A_2168 = arith.constant 0 : i32
      %dma_start3A_2169 = arith.constant 0 : i32
      %dma_start3A_2170 = tpu.memref_slice %arg6[%dma_start3A_2167, %dma_start3A_2168, %dma_start3A_2169] : memref<4x64x128xf32, #tpu.memory_space<vmem>> -> memref<1x64x128xf32, #tpu.memory_space<vmem>>
      %dma_start3A_2171 = tpu.memref_squeeze %dma_start3A_2170 : memref<1x64x128xf32, #tpu.memory_space<vmem>> -> memref<64x128xf32, #tpu.memory_space<vmem>>
      %dma_start3A_2172 = arith.constant 40 : i32
      %dma_start3A_2173 = arith.constant 0 : i32
      %dma_start3A_2174 = tpu.memref_slice %dma_start3A_2171[%dma_start3A_2172, %dma_start3A_2173] : memref<64x128xf32, #tpu.memory_space<vmem>> -> memref<8x128xf32, #tpu.memory_space<vmem>>
      %dma_start3A_2175 = arith.constant 40 : i32
      %dma_start3A_2176 = tpu.memref_slice %arg2[%dma_start3A_2175, %multiple_of3A_2071] : memref<64x1000000xf32, #tpu.memory_space<hbm>> -> memref<8x128xf32, #tpu.memory_space<hbm>>
      %dma_start3A_2177 = arith.constant 0 : i32
      %dma_start3A_2178 = arith.constant 0 : i32
      %dma_start3A_2179 = tpu.memref_slice %arg6[%dma_start3A_2167, %dma_start3A_2177, %dma_start3A_2178] : memref<4x64x128xf32, #tpu.memory_space<vmem>> -> memref<1x64x128xf32, #tpu.memory_space<vmem>>
      %dma_start3A_2180 = tpu.memref_squeeze %dma_start3A_2179 : memref<1x64x128xf32, #tpu.memory_space<vmem>> -> memref<64x128xf32, #tpu.memory_space<vmem>>
      %dma_start3A_2181 = arith.constant 40 : i32
      %dma_start3A_2182 = arith.constant 0 : i32
      %dma_start3A_2183 = tpu.memref_slice %dma_start3A_2180[%dma_start3A_2181, %dma_start3A_2182] : memref<64x128xf32, #tpu.memory_space<vmem>> -> memref<8x128xf32, #tpu.memory_space<vmem>>
      %dma_start3A_2184 = arith.constant 40 : i32
      %dma_start3A_2185 = tpu.memref_slice %arg2[%dma_start3A_2184, %multiple_of3A_2071] : memref<64x1000000xf32, #tpu.memory_space<hbm>> -> memref<8x128xf32, #tpu.memory_space<hbm>>
      tpu.enqueue_dma source(%dma_start3A_2185 : memref<8x128xf32, #tpu.memory_space<hbm>>) target(%dma_start3A_2183 : memref<8x128xf32, #tpu.memory_space<vmem>>) target_semaphore(%arg10 : memref<!tpu.dma_semaphore, #tpu.memory_space<semaphore_mem>>)
      %dma_start3A_2186 = arith.constant 0 : i32
      %dma_start3A_2187 = arith.constant 0 : i32
      %dma_start3A_2188 = arith.constant 0 : i32
      %dma_start3A_2189 = tpu.memref_slice %arg6[%dma_start3A_2186, %dma_start3A_2187, %dma_start3A_2188] : memref<4x64x128xf32, #tpu.memory_space<vmem>> -> memref<1x64x128xf32, #tpu.memory_space<vmem>>
      %dma_start3A_2190 = tpu.memref_squeeze %dma_start3A_2189 : memref<1x64x128xf32, #tpu.memory_space<vmem>> -> memref<64x128xf32, #tpu.memory_space<vmem>>
      %dma_start3A_2191 = arith.constant 48 : i32
      %dma_start3A_2192 = arith.constant 0 : i32
      %dma_start3A_2193 = tpu.memref_slice %dma_start3A_2190[%dma_start3A_2191, %dma_start3A_2192] : memref<64x128xf32, #tpu.memory_space<vmem>> -> memref<8x128xf32, #tpu.memory_space<vmem>>
      %dma_start3A_2194 = arith.constant 48 : i32
      %dma_start3A_2195 = tpu.memref_slice %arg2[%dma_start3A_2194, %multiple_of3A_2071] : memref<64x1000000xf32, #tpu.memory_space<hbm>> -> memref<8x128xf32, #tpu.memory_space<hbm>>
      %dma_start3A_2196 = arith.constant 0 : i32
      %dma_start3A_2197 = arith.constant 0 : i32
      %dma_start3A_2198 = tpu.memref_slice %arg6[%dma_start3A_2186, %dma_start3A_2196, %dma_start3A_2197] : memref<4x64x128xf32, #tpu.memory_space<vmem>> -> memref<1x64x128xf32, #tpu.memory_space<vmem>>
      %dma_start3A_2199 = tpu.memref_squeeze %dma_start3A_2198 : memref<1x64x128xf32, #tpu.memory_space<vmem>> -> memref<64x128xf32, #tpu.memory_space<vmem>>
      %dma_start3A_2200 = arith.constant 48 : i32
      %dma_start3A_2201 = arith.constant 0 : i32
      %dma_start3A_2202 = tpu.memref_slice %dma_start3A_2199[%dma_start3A_2200, %dma_start3A_2201] : memref<64x128xf32, #tpu.memory_space<vmem>> -> memref<8x128xf32, #tpu.memory_space<vmem>>
      %dma_start3A_2203 = arith.constant 48 : i32
      %dma_start3A_2204 = tpu.memref_slice %arg2[%dma_start3A_2203, %multiple_of3A_2071] : memref<64x1000000xf32, #tpu.memory_space<hbm>> -> memref<8x128xf32, #tpu.memory_space<hbm>>
      tpu.enqueue_dma source(%dma_start3A_2204 : memref<8x128xf32, #tpu.memory_space<hbm>>) target(%dma_start3A_2202 : memref<8x128xf32, #tpu.memory_space<vmem>>) target_semaphore(%arg10 : memref<!tpu.dma_semaphore, #tpu.memory_space<semaphore_mem>>)
      %dma_start3A_2205 = arith.constant 0 : i32
      %dma_start3A_2206 = arith.constant 0 : i32
      %dma_start3A_2207 = arith.constant 0 : i32
      %dma_start3A_2208 = tpu.memref_slice %arg6[%dma_start3A_2205, %dma_start3A_2206, %dma_start3A_2207] : memref<4x64x128xf32, #tpu.memory_space<vmem>> -> memref<1x64x128xf32, #tpu.memory_space<vmem>>
      %dma_start3A_2209 = tpu.memref_squeeze %dma_start3A_2208 : memref<1x64x128xf32, #tpu.memory_space<vmem>> -> memref<64x128xf32, #tpu.memory_space<vmem>>
      %dma_start3A_2210 = arith.constant 56 : i32
      %dma_start3A_2211 = arith.constant 0 : i32
      %dma_start3A_2212 = tpu.memref_slice %dma_start3A_2209[%dma_start3A_2210, %dma_start3A_2211] : memref<64x128xf32, #tpu.memory_space<vmem>> -> memref<8x128xf32, #tpu.memory_space<vmem>>
      %dma_start3A_2213 = arith.constant 56 : i32
      %dma_start3A_2214 = tpu.memref_slice %arg2[%dma_start3A_2213, %multiple_of3A_2071] : memref<64x1000000xf32, #tpu.memory_space<hbm>> -> memref<8x128xf32, #tpu.memory_space<hbm>>
      %dma_start3A_2215 = arith.constant 0 : i32
      %dma_start3A_2216 = arith.constant 0 : i32
      %dma_start3A_2217 = tpu.memref_slice %arg6[%dma_start3A_2205, %dma_start3A_2215, %dma_start3A_2216] : memref<4x64x128xf32, #tpu.memory_space<vmem>> -> memref<1x64x128xf32, #tpu.memory_space<vmem>>
      %dma_start3A_2218 = tpu.memref_squeeze %dma_start3A_2217 : memref<1x64x128xf32, #tpu.memory_space<vmem>> -> memref<64x128xf32, #tpu.memory_space<vmem>>
      %dma_start3A_2219 = arith.constant 56 : i32
      %dma_start3A_2220 = arith.constant 0 : i32
      %dma_start3A_2221 = tpu.memref_slice %dma_start3A_2218[%dma_start3A_2219, %dma_start3A_2220] : memref<64x128xf32, #tpu.memory_space<vmem>> -> memref<8x128xf32, #tpu.memory_space<vmem>>
      %dma_start3A_2222 = arith.constant 56 : i32
      %dma_start3A_2223 = tpu.memref_slice %arg2[%dma_start3A_2222, %multiple_of3A_2071] : memref<64x1000000xf32, #tpu.memory_space<hbm>> -> memref<8x128xf32, #tpu.memory_space<hbm>>
      tpu.enqueue_dma source(%dma_start3A_2223 : memref<8x128xf32, #tpu.memory_space<hbm>>) target(%dma_start3A_2221 : memref<8x128xf32, #tpu.memory_space<vmem>>) target_semaphore(%arg10 : memref<!tpu.dma_semaphore, #tpu.memory_space<semaphore_mem>>)
      %shift_right_arithmetic3A_2224 = arith.constant 7 : i32
      %shift_right_arithmetic3A_2225 = arith.shrsi %squeeze3A_34, %shift_right_arithmetic3A_2224 : i32
      %shift_left3A_2226 = arith.constant 7 : i32
      %shift_left3A_2227 = arith.shli %shift_right_arithmetic3A_2225, %shift_left3A_2226 : i32
      %multiple_of3A_2228 = tpu.assume_multiple %shift_left3A_2227, 128 : i32
      %dma_start3A_2229 = arith.constant 1 : i32
      %dma_start3A_2230 = arith.constant 0 : i32
      %dma_start3A_2231 = arith.constant 0 : i32
      %dma_start3A_2232 = tpu.memref_slice %arg6[%dma_start3A_2229, %dma_start3A_2230, %dma_start3A_2231] : memref<4x64x128xf32, #tpu.memory_space<vmem>> -> memref<1x64x128xf32, #tpu.memory_space<vmem>>
      %dma_start3A_2233 = tpu.memref_squeeze %dma_start3A_2232 : memref<1x64x128xf32, #tpu.memory_space<vmem>> -> memref<64x128xf32, #tpu.memory_space<vmem>>
      %dma_start3A_2234 = arith.constant 0 : i32
      %dma_start3A_2235 = arith.constant 0 : i32
      %dma_start3A_2236 = tpu.memref_slice %dma_start3A_2233[%dma_start3A_2234, %dma_start3A_2235] : memref<64x128xf32, #tpu.memory_space<vmem>> -> memref<8x128xf32, #tpu.memory_space<vmem>>
      %dma_start3A_2237 = arith.constant 0 : i32
      %dma_start3A_2238 = tpu.memref_slice %arg2[%dma_start3A_2237, %multiple_of3A_2228] : memref<64x1000000xf32, #tpu.memory_space<hbm>> -> memref<8x128xf32, #tpu.memory_space<hbm>>
      %dma_start3A_2239 = arith.constant 0 : i32
      %dma_start3A_2240 = arith.constant 0 : i32
      %dma_start3A_2241 = tpu.memref_slice %arg6[%dma_start3A_2229, %dma_start3A_2239, %dma_start3A_2240] : memref<4x64x128xf32, #tpu.memory_space<vmem>> -> memref<1x64x128xf32, #tpu.memory_space<vmem>>
      %dma_start3A_2242 = tpu.memref_squeeze %dma_start3A_2241 : memref<1x64x128xf32, #tpu.memory_space<vmem>> -> memref<64x128xf32, #tpu.memory_space<vmem>>
      %dma_start3A_2243 = arith.constant 0 : i32
      %dma_start3A_2244 = arith.constant 0 : i32
      %dma_start3A_2245 = tpu.memref_slice %dma_start3A_2242[%dma_start3A_2243, %dma_start3A_2244] : memref<64x128xf32, #tpu.memory_space<vmem>> -> memref<8x128xf32, #tpu.memory_space<vmem>>
      %dma_start3A_2246 = arith.constant 0 : i32
      %dma_start3A_2247 = tpu.memref_slice %arg2[%dma_start3A_2246, %multiple_of3A_2228] : memref<64x1000000xf32, #tpu.memory_space<hbm>> -> memref<8x128xf32, #tpu.memory_space<hbm>>
      tpu.enqueue_dma source(%dma_start3A_2247 : memref<8x128xf32, #tpu.memory_space<hbm>>) target(%dma_start3A_2245 : memref<8x128xf32, #tpu.memory_space<vmem>>) target_semaphore(%arg10 : memref<!tpu.dma_semaphore, #tpu.memory_space<semaphore_mem>>)
      %dma_start3A_2248 = arith.constant 1 : i32
      %dma_start3A_2249 = arith.constant 0 : i32
      %dma_start3A_2250 = arith.constant 0 : i32
      %dma_start3A_2251 = tpu.memref_slice %arg6[%dma_start3A_2248, %dma_start3A_2249, %dma_start3A_2250] : memref<4x64x128xf32, #tpu.memory_space<vmem>> -> memref<1x64x128xf32, #tpu.memory_space<vmem>>
      %dma_start3A_2252 = tpu.memref_squeeze %dma_start3A_2251 : memref<1x64x128xf32, #tpu.memory_space<vmem>> -> memref<64x128xf32, #tpu.memory_space<vmem>>
      %dma_start3A_2253 = arith.constant 8 : i32
      %dma_start3A_2254 = arith.constant 0 : i32
      %dma_start3A_2255 = tpu.memref_slice %dma_start3A_2252[%dma_start3A_2253, %dma_start3A_2254] : memref<64x128xf32, #tpu.memory_space<vmem>> -> memref<8x128xf32, #tpu.memory_space<vmem>>
      %dma_start3A_2256 = arith.constant 8 : i32
      %dma_start3A_2257 = tpu.memref_slice %arg2[%dma_start3A_2256, %multiple_of3A_2228] : memref<64x1000000xf32, #tpu.memory_space<hbm>> -> memref<8x128xf32, #tpu.memory_space<hbm>>
      %dma_start3A_2258 = arith.constant 0 : i32
      %dma_start3A_2259 = arith.constant 0 : i32
      %dma_start3A_2260 = tpu.memref_slice %arg6[%dma_start3A_2248, %dma_start3A_2258, %dma_start3A_2259] : memref<4x64x128xf32, #tpu.memory_space<vmem>> -> memref<1x64x128xf32, #tpu.memory_space<vmem>>
      %dma_start3A_2261 = tpu.memref_squeeze %dma_start3A_2260 : memref<1x64x128xf32, #tpu.memory_space<vmem>> -> memref<64x128xf32, #tpu.memory_space<vmem>>
      %dma_start3A_2262 = arith.constant 8 : i32
      %dma_start3A_2263 = arith.constant 0 : i32
      %dma_start3A_2264 = tpu.memref_slice %dma_start3A_2261[%dma_start3A_2262, %dma_start3A_2263] : memref<64x128xf32, #tpu.memory_space<vmem>> -> memref<8x128xf32, #tpu.memory_space<vmem>>
      %dma_start3A_2265 = arith.constant 8 : i32
      %dma_start3A_2266 = tpu.memref_slice %arg2[%dma_start3A_2265, %multiple_of3A_2228] : memref<64x1000000xf32, #tpu.memory_space<hbm>> -> memref<8x128xf32, #tpu.memory_space<hbm>>
      tpu.enqueue_dma source(%dma_start3A_2266 : memref<8x128xf32, #tpu.memory_space<hbm>>) target(%dma_start3A_2264 : memref<8x128xf32, #tpu.memory_space<vmem>>) target_semaphore(%arg10 : memref<!tpu.dma_semaphore, #tpu.memory_space<semaphore_mem>>)
      %dma_start3A_2267 = arith.constant 1 : i32
      %dma_start3A_2268 = arith.constant 0 : i32
      %dma_start3A_2269 = arith.constant 0 : i32
      %dma_start3A_2270 = tpu.memref_slice %arg6[%dma_start3A_2267, %dma_start3A_2268, %dma_start3A_2269] : memref<4x64x128xf32, #tpu.memory_space<vmem>> -> memref<1x64x128xf32, #tpu.memory_space<vmem>>
      %dma_start3A_2271 = tpu.memref_squeeze %dma_start3A_2270 : memref<1x64x128xf32, #tpu.memory_space<vmem>> -> memref<64x128xf32, #tpu.memory_space<vmem>>
      %dma_start3A_2272 = arith.constant 16 : i32
      %dma_start3A_2273 = arith.constant 0 : i32
      %dma_start3A_2274 = tpu.memref_slice %dma_start3A_2271[%dma_start3A_2272, %dma_start3A_2273] : memref<64x128xf32, #tpu.memory_space<vmem>> -> memref<8x128xf32, #tpu.memory_space<vmem>>
      %dma_start3A_2275 = arith.constant 16 : i32
      %dma_start3A_2276 = tpu.memref_slice %arg2[%dma_start3A_2275, %multiple_of3A_2228] : memref<64x1000000xf32, #tpu.memory_space<hbm>> -> memref<8x128xf32, #tpu.memory_space<hbm>>
      %dma_start3A_2277 = arith.constant 0 : i32
      %dma_start3A_2278 = arith.constant 0 : i32
      %dma_start3A_2279 = tpu.memref_slice %arg6[%dma_start3A_2267, %dma_start3A_2277, %dma_start3A_2278] : memref<4x64x128xf32, #tpu.memory_space<vmem>> -> memref<1x64x128xf32, #tpu.memory_space<vmem>>
      %dma_start3A_2280 = tpu.memref_squeeze %dma_start3A_2279 : memref<1x64x128xf32, #tpu.memory_space<vmem>> -> memref<64x128xf32, #tpu.memory_space<vmem>>
      %dma_start3A_2281 = arith.constant 16 : i32
      %dma_start3A_2282 = arith.constant 0 : i32
      %dma_start3A_2283 = tpu.memref_slice %dma_start3A_2280[%dma_start3A_2281, %dma_start3A_2282] : memref<64x128xf32, #tpu.memory_space<vmem>> -> memref<8x128xf32, #tpu.memory_space<vmem>>
      %dma_start3A_2284 = arith.constant 16 : i32
      %dma_start3A_2285 = tpu.memref_slice %arg2[%dma_start3A_2284, %multiple_of3A_2228] : memref<64x1000000xf32, #tpu.memory_space<hbm>> -> memref<8x128xf32, #tpu.memory_space<hbm>>
      tpu.enqueue_dma source(%dma_start3A_2285 : memref<8x128xf32, #tpu.memory_space<hbm>>) target(%dma_start3A_2283 : memref<8x128xf32, #tpu.memory_space<vmem>>) target_semaphore(%arg10 : memref<!tpu.dma_semaphore, #tpu.memory_space<semaphore_mem>>)
      %dma_start3A_2286 = arith.constant 1 : i32
      %dma_start3A_2287 = arith.constant 0 : i32
      %dma_start3A_2288 = arith.constant 0 : i32
      %dma_start3A_2289 = tpu.memref_slice %arg6[%dma_start3A_2286, %dma_start3A_2287, %dma_start3A_2288] : memref<4x64x128xf32, #tpu.memory_space<vmem>> -> memref<1x64x128xf32, #tpu.memory_space<vmem>>
      %dma_start3A_2290 = tpu.memref_squeeze %dma_start3A_2289 : memref<1x64x128xf32, #tpu.memory_space<vmem>> -> memref<64x128xf32, #tpu.memory_space<vmem>>
      %dma_start3A_2291 = arith.constant 24 : i32
      %dma_start3A_2292 = arith.constant 0 : i32
      %dma_start3A_2293 = tpu.memref_slice %dma_start3A_2290[%dma_start3A_2291, %dma_start3A_2292] : memref<64x128xf32, #tpu.memory_space<vmem>> -> memref<8x128xf32, #tpu.memory_space<vmem>>
      %dma_start3A_2294 = arith.constant 24 : i32
      %dma_start3A_2295 = tpu.memref_slice %arg2[%dma_start3A_2294, %multiple_of3A_2228] : memref<64x1000000xf32, #tpu.memory_space<hbm>> -> memref<8x128xf32, #tpu.memory_space<hbm>>
      %dma_start3A_2296 = arith.constant 0 : i32
      %dma_start3A_2297 = arith.constant 0 : i32
      %dma_start3A_2298 = tpu.memref_slice %arg6[%dma_start3A_2286, %dma_start3A_2296, %dma_start3A_2297] : memref<4x64x128xf32, #tpu.memory_space<vmem>> -> memref<1x64x128xf32, #tpu.memory_space<vmem>>
      %dma_start3A_2299 = tpu.memref_squeeze %dma_start3A_2298 : memref<1x64x128xf32, #tpu.memory_space<vmem>> -> memref<64x128xf32, #tpu.memory_space<vmem>>
      %dma_start3A_2300 = arith.constant 24 : i32
      %dma_start3A_2301 = arith.constant 0 : i32
      %dma_start3A_2302 = tpu.memref_slice %dma_start3A_2299[%dma_start3A_2300, %dma_start3A_2301] : memref<64x128xf32, #tpu.memory_space<vmem>> -> memref<8x128xf32, #tpu.memory_space<vmem>>
      %dma_start3A_2303 = arith.constant 24 : i32
      %dma_start3A_2304 = tpu.memref_slice %arg2[%dma_start3A_2303, %multiple_of3A_2228] : memref<64x1000000xf32, #tpu.memory_space<hbm>> -> memref<8x128xf32, #tpu.memory_space<hbm>>
      tpu.enqueue_dma source(%dma_start3A_2304 : memref<8x128xf32, #tpu.memory_space<hbm>>) target(%dma_start3A_2302 : memref<8x128xf32, #tpu.memory_space<vmem>>) target_semaphore(%arg10 : memref<!tpu.dma_semaphore, #tpu.memory_space<semaphore_mem>>)
      %dma_start3A_2305 = arith.constant 1 : i32
      %dma_start3A_2306 = arith.constant 0 : i32
      %dma_start3A_2307 = arith.constant 0 : i32
      %dma_start3A_2308 = tpu.memref_slice %arg6[%dma_start3A_2305, %dma_start3A_2306, %dma_start3A_2307] : memref<4x64x128xf32, #tpu.memory_space<vmem>> -> memref<1x64x128xf32, #tpu.memory_space<vmem>>
      %dma_start3A_2309 = tpu.memref_squeeze %dma_start3A_2308 : memref<1x64x128xf32, #tpu.memory_space<vmem>> -> memref<64x128xf32, #tpu.memory_space<vmem>>
      %dma_start3A_2310 = arith.constant 32 : i32
      %dma_start3A_2311 = arith.constant 0 : i32
      %dma_start3A_2312 = tpu.memref_slice %dma_start3A_2309[%dma_start3A_2310, %dma_start3A_2311] : memref<64x128xf32, #tpu.memory_space<vmem>> -> memref<8x128xf32, #tpu.memory_space<vmem>>
      %dma_start3A_2313 = arith.constant 32 : i32
      %dma_start3A_2314 = tpu.memref_slice %arg2[%dma_start3A_2313, %multiple_of3A_2228] : memref<64x1000000xf32, #tpu.memory_space<hbm>> -> memref<8x128xf32, #tpu.memory_space<hbm>>
      %dma_start3A_2315 = arith.constant 0 : i32
      %dma_start3A_2316 = arith.constant 0 : i32
      %dma_start3A_2317 = tpu.memref_slice %arg6[%dma_start3A_2305, %dma_start3A_2315, %dma_start3A_2316] : memref<4x64x128xf32, #tpu.memory_space<vmem>> -> memref<1x64x128xf32, #tpu.memory_space<vmem>>
      %dma_start3A_2318 = tpu.memref_squeeze %dma_start3A_2317 : memref<1x64x128xf32, #tpu.memory_space<vmem>> -> memref<64x128xf32, #tpu.memory_space<vmem>>
      %dma_start3A_2319 = arith.constant 32 : i32
      %dma_start3A_2320 = arith.constant 0 : i32
      %dma_start3A_2321 = tpu.memref_slice %dma_start3A_2318[%dma_start3A_2319, %dma_start3A_2320] : memref<64x128xf32, #tpu.memory_space<vmem>> -> memref<8x128xf32, #tpu.memory_space<vmem>>
      %dma_start3A_2322 = arith.constant 32 : i32
      %dma_start3A_2323 = tpu.memref_slice %arg2[%dma_start3A_2322, %multiple_of3A_2228] : memref<64x1000000xf32, #tpu.memory_space<hbm>> -> memref<8x128xf32, #tpu.memory_space<hbm>>
      tpu.enqueue_dma source(%dma_start3A_2323 : memref<8x128xf32, #tpu.memory_space<hbm>>) target(%dma_start3A_2321 : memref<8x128xf32, #tpu.memory_space<vmem>>) target_semaphore(%arg10 : memref<!tpu.dma_semaphore, #tpu.memory_space<semaphore_mem>>)
      %dma_start3A_2324 = arith.constant 1 : i32
      %dma_start3A_2325 = arith.constant 0 : i32
      %dma_start3A_2326 = arith.constant 0 : i32
      %dma_start3A_2327 = tpu.memref_slice %arg6[%dma_start3A_2324, %dma_start3A_2325, %dma_start3A_2326] : memref<4x64x128xf32, #tpu.memory_space<vmem>> -> memref<1x64x128xf32, #tpu.memory_space<vmem>>
      %dma_start3A_2328 = tpu.memref_squeeze %dma_start3A_2327 : memref<1x64x128xf32, #tpu.memory_space<vmem>> -> memref<64x128xf32, #tpu.memory_space<vmem>>
      %dma_start3A_2329 = arith.constant 40 : i32
      %dma_start3A_2330 = arith.constant 0 : i32
      %dma_start3A_2331 = tpu.memref_slice %dma_start3A_2328[%dma_start3A_2329, %dma_start3A_2330] : memref<64x128xf32, #tpu.memory_space<vmem>> -> memref<8x128xf32, #tpu.memory_space<vmem>>
      %dma_start3A_2332 = arith.constant 40 : i32
      %dma_start3A_2333 = tpu.memref_slice %arg2[%dma_start3A_2332, %multiple_of3A_2228] : memref<64x1000000xf32, #tpu.memory_space<hbm>> -> memref<8x128xf32, #tpu.memory_space<hbm>>
      %dma_start3A_2334 = arith.constant 0 : i32
      %dma_start3A_2335 = arith.constant 0 : i32
      %dma_start3A_2336 = tpu.memref_slice %arg6[%dma_start3A_2324, %dma_start3A_2334, %dma_start3A_2335] : memref<4x64x128xf32, #tpu.memory_space<vmem>> -> memref<1x64x128xf32, #tpu.memory_space<vmem>>
      %dma_start3A_2337 = tpu.memref_squeeze %dma_start3A_2336 : memref<1x64x128xf32, #tpu.memory_space<vmem>> -> memref<64x128xf32, #tpu.memory_space<vmem>>
      %dma_start3A_2338 = arith.constant 40 : i32
      %dma_start3A_2339 = arith.constant 0 : i32
      %dma_start3A_2340 = tpu.memref_slice %dma_start3A_2337[%dma_start3A_2338, %dma_start3A_2339] : memref<64x128xf32, #tpu.memory_space<vmem>> -> memref<8x128xf32, #tpu.memory_space<vmem>>
      %dma_start3A_2341 = arith.constant 40 : i32
      %dma_start3A_2342 = tpu.memref_slice %arg2[%dma_start3A_2341, %multiple_of3A_2228] : memref<64x1000000xf32, #tpu.memory_space<hbm>> -> memref<8x128xf32, #tpu.memory_space<hbm>>
      tpu.enqueue_dma source(%dma_start3A_2342 : memref<8x128xf32, #tpu.memory_space<hbm>>) target(%dma_start3A_2340 : memref<8x128xf32, #tpu.memory_space<vmem>>) target_semaphore(%arg10 : memref<!tpu.dma_semaphore, #tpu.memory_space<semaphore_mem>>)
      %dma_start3A_2343 = arith.constant 1 : i32
      %dma_start3A_2344 = arith.constant 0 : i32
      %dma_start3A_2345 = arith.constant 0 : i32
      %dma_start3A_2346 = tpu.memref_slice %arg6[%dma_start3A_2343, %dma_start3A_2344, %dma_start3A_2345] : memref<4x64x128xf32, #tpu.memory_space<vmem>> -> memref<1x64x128xf32, #tpu.memory_space<vmem>>
      %dma_start3A_2347 = tpu.memref_squeeze %dma_start3A_2346 : memref<1x64x128xf32, #tpu.memory_space<vmem>> -> memref<64x128xf32, #tpu.memory_space<vmem>>
      %dma_start3A_2348 = arith.constant 48 : i32
      %dma_start3A_2349 = arith.constant 0 : i32
      %dma_start3A_2350 = tpu.memref_slice %dma_start3A_2347[%dma_start3A_2348, %dma_start3A_2349] : memref<64x128xf32, #tpu.memory_space<vmem>> -> memref<8x128xf32, #tpu.memory_space<vmem>>
      %dma_start3A_2351 = arith.constant 48 : i32
      %dma_start3A_2352 = tpu.memref_slice %arg2[%dma_start3A_2351, %multiple_of3A_2228] : memref<64x1000000xf32, #tpu.memory_space<hbm>> -> memref<8x128xf32, #tpu.memory_space<hbm>>
      %dma_start3A_2353 = arith.constant 0 : i32
      %dma_start3A_2354 = arith.constant 0 : i32
      %dma_start3A_2355 = tpu.memref_slice %arg6[%dma_start3A_2343, %dma_start3A_2353, %dma_start3A_2354] : memref<4x64x128xf32, #tpu.memory_space<vmem>> -> memref<1x64x128xf32, #tpu.memory_space<vmem>>
      %dma_start3A_2356 = tpu.memref_squeeze %dma_start3A_2355 : memref<1x64x128xf32, #tpu.memory_space<vmem>> -> memref<64x128xf32, #tpu.memory_space<vmem>>
      %dma_start3A_2357 = arith.constant 48 : i32
      %dma_start3A_2358 = arith.constant 0 : i32
      %dma_start3A_2359 = tpu.memref_slice %dma_start3A_2356[%dma_start3A_2357, %dma_start3A_2358] : memref<64x128xf32, #tpu.memory_space<vmem>> -> memref<8x128xf32, #tpu.memory_space<vmem>>
      %dma_start3A_2360 = arith.constant 48 : i32
      %dma_start3A_2361 = tpu.memref_slice %arg2[%dma_start3A_2360, %multiple_of3A_2228] : memref<64x1000000xf32, #tpu.memory_space<hbm>> -> memref<8x128xf32, #tpu.memory_space<hbm>>
      tpu.enqueue_dma source(%dma_start3A_2361 : memref<8x128xf32, #tpu.memory_space<hbm>>) target(%dma_start3A_2359 : memref<8x128xf32, #tpu.memory_space<vmem>>) target_semaphore(%arg10 : memref<!tpu.dma_semaphore, #tpu.memory_space<semaphore_mem>>)
      %dma_start3A_2362 = arith.constant 1 : i32
      %dma_start3A_2363 = arith.constant 0 : i32
      %dma_start3A_2364 = arith.constant 0 : i32
      %dma_start3A_2365 = tpu.memref_slice %arg6[%dma_start3A_2362, %dma_start3A_2363, %dma_start3A_2364] : memref<4x64x128xf32, #tpu.memory_space<vmem>> -> memref<1x64x128xf32, #tpu.memory_space<vmem>>
      %dma_start3A_2366 = tpu.memref_squeeze %dma_start3A_2365 : memref<1x64x128xf32, #tpu.memory_space<vmem>> -> memref<64x128xf32, #tpu.memory_space<vmem>>
      %dma_start3A_2367 = arith.constant 56 : i32
      %dma_start3A_2368 = arith.constant 0 : i32
      %dma_start3A_2369 = tpu.memref_slice %dma_start3A_2366[%dma_start3A_2367, %dma_start3A_2368] : memref<64x128xf32, #tpu.memory_space<vmem>> -> memref<8x128xf32, #tpu.memory_space<vmem>>
      %dma_start3A_2370 = arith.constant 56 : i32
      %dma_start3A_2371 = tpu.memref_slice %arg2[%dma_start3A_2370, %multiple_of3A_2228] : memref<64x1000000xf32, #tpu.memory_space<hbm>> -> memref<8x128xf32, #tpu.memory_space<hbm>>
      %dma_start3A_2372 = arith.constant 0 : i32
      %dma_start3A_2373 = arith.constant 0 : i32
      %dma_start3A_2374 = tpu.memref_slice %arg6[%dma_start3A_2362, %dma_start3A_2372, %dma_start3A_2373] : memref<4x64x128xf32, #tpu.memory_space<vmem>> -> memref<1x64x128xf32, #tpu.memory_space<vmem>>
      %dma_start3A_2375 = tpu.memref_squeeze %dma_start3A_2374 : memref<1x64x128xf32, #tpu.memory_space<vmem>> -> memref<64x128xf32, #tpu.memory_space<vmem>>
      %dma_start3A_2376 = arith.constant 56 : i32
      %dma_start3A_2377 = arith.constant 0 : i32
      %dma_start3A_2378 = tpu.memref_slice %dma_start3A_2375[%dma_start3A_2376, %dma_start3A_2377] : memref<64x128xf32, #tpu.memory_space<vmem>> -> memref<8x128xf32, #tpu.memory_space<vmem>>
      %dma_start3A_2379 = arith.constant 56 : i32
      %dma_start3A_2380 = tpu.memref_slice %arg2[%dma_start3A_2379, %multiple_of3A_2228] : memref<64x1000000xf32, #tpu.memory_space<hbm>> -> memref<8x128xf32, #tpu.memory_space<hbm>>
      tpu.enqueue_dma source(%dma_start3A_2380 : memref<8x128xf32, #tpu.memory_space<hbm>>) target(%dma_start3A_2378 : memref<8x128xf32, #tpu.memory_space<vmem>>) target_semaphore(%arg10 : memref<!tpu.dma_semaphore, #tpu.memory_space<semaphore_mem>>)
      %shift_right_arithmetic3A_2381 = arith.constant 7 : i32
      %shift_right_arithmetic3A_2382 = arith.shrsi %squeeze3A_36, %shift_right_arithmetic3A_2381 : i32
      %shift_left3A_2383 = arith.constant 7 : i32
      %shift_left3A_2384 = arith.shli %shift_right_arithmetic3A_2382, %shift_left3A_2383 : i32
      %multiple_of3A_2385 = tpu.assume_multiple %shift_left3A_2384, 128 : i32
      %dma_start3A_2386 = arith.constant 2 : i32
      %dma_start3A_2387 = arith.constant 0 : i32
      %dma_start3A_2388 = arith.constant 0 : i32
      %dma_start3A_2389 = tpu.memref_slice %arg6[%dma_start3A_2386, %dma_start3A_2387, %dma_start3A_2388] : memref<4x64x128xf32, #tpu.memory_space<vmem>> -> memref<1x64x128xf32, #tpu.memory_space<vmem>>
      %dma_start3A_2390 = tpu.memref_squeeze %dma_start3A_2389 : memref<1x64x128xf32, #tpu.memory_space<vmem>> -> memref<64x128xf32, #tpu.memory_space<vmem>>
      %dma_start3A_2391 = arith.constant 0 : i32
      %dma_start3A_2392 = arith.constant 0 : i32
      %dma_start3A_2393 = tpu.memref_slice %dma_start3A_2390[%dma_start3A_2391, %dma_start3A_2392] : memref<64x128xf32, #tpu.memory_space<vmem>> -> memref<8x128xf32, #tpu.memory_space<vmem>>
      %dma_start3A_2394 = arith.constant 0 : i32
      %dma_start3A_2395 = tpu.memref_slice %arg2[%dma_start3A_2394, %multiple_of3A_2385] : memref<64x1000000xf32, #tpu.memory_space<hbm>> -> memref<8x128xf32, #tpu.memory_space<hbm>>
      %dma_start3A_2396 = arith.constant 0 : i32
      %dma_start3A_2397 = arith.constant 0 : i32
      %dma_start3A_2398 = tpu.memref_slice %arg6[%dma_start3A_2386, %dma_start3A_2396, %dma_start3A_2397] : memref<4x64x128xf32, #tpu.memory_space<vmem>> -> memref<1x64x128xf32, #tpu.memory_space<vmem>>
      %dma_start3A_2399 = tpu.memref_squeeze %dma_start3A_2398 : memref<1x64x128xf32, #tpu.memory_space<vmem>> -> memref<64x128xf32, #tpu.memory_space<vmem>>
      %dma_start3A_2400 = arith.constant 0 : i32
      %dma_start3A_2401 = arith.constant 0 : i32
      %dma_start3A_2402 = tpu.memref_slice %dma_start3A_2399[%dma_start3A_2400, %dma_start3A_2401] : memref<64x128xf32, #tpu.memory_space<vmem>> -> memref<8x128xf32, #tpu.memory_space<vmem>>
      %dma_start3A_2403 = arith.constant 0 : i32
      %dma_start3A_2404 = tpu.memref_slice %arg2[%dma_start3A_2403, %multiple_of3A_2385] : memref<64x1000000xf32, #tpu.memory_space<hbm>> -> memref<8x128xf32, #tpu.memory_space<hbm>>
      tpu.enqueue_dma source(%dma_start3A_2404 : memref<8x128xf32, #tpu.memory_space<hbm>>) target(%dma_start3A_2402 : memref<8x128xf32, #tpu.memory_space<vmem>>) target_semaphore(%arg10 : memref<!tpu.dma_semaphore, #tpu.memory_space<semaphore_mem>>)
      %dma_start3A_2405 = arith.constant 2 : i32
      %dma_start3A_2406 = arith.constant 0 : i32
      %dma_start3A_2407 = arith.constant 0 : i32
      %dma_start3A_2408 = tpu.memref_slice %arg6[%dma_start3A_2405, %dma_start3A_2406, %dma_start3A_2407] : memref<4x64x128xf32, #tpu.memory_space<vmem>> -> memref<1x64x128xf32, #tpu.memory_space<vmem>>
      %dma_start3A_2409 = tpu.memref_squeeze %dma_start3A_2408 : memref<1x64x128xf32, #tpu.memory_space<vmem>> -> memref<64x128xf32, #tpu.memory_space<vmem>>
      %dma_start3A_2410 = arith.constant 8 : i32
      %dma_start3A_2411 = arith.constant 0 : i32
      %dma_start3A_2412 = tpu.memref_slice %dma_start3A_2409[%dma_start3A_2410, %dma_start3A_2411] : memref<64x128xf32, #tpu.memory_space<vmem>> -> memref<8x128xf32, #tpu.memory_space<vmem>>
      %dma_start3A_2413 = arith.constant 8 : i32
      %dma_start3A_2414 = tpu.memref_slice %arg2[%dma_start3A_2413, %multiple_of3A_2385] : memref<64x1000000xf32, #tpu.memory_space<hbm>> -> memref<8x128xf32, #tpu.memory_space<hbm>>
      %dma_start3A_2415 = arith.constant 0 : i32
      %dma_start3A_2416 = arith.constant 0 : i32
      %dma_start3A_2417 = tpu.memref_slice %arg6[%dma_start3A_2405, %dma_start3A_2415, %dma_start3A_2416] : memref<4x64x128xf32, #tpu.memory_space<vmem>> -> memref<1x64x128xf32, #tpu.memory_space<vmem>>
      %dma_start3A_2418 = tpu.memref_squeeze %dma_start3A_2417 : memref<1x64x128xf32, #tpu.memory_space<vmem>> -> memref<64x128xf32, #tpu.memory_space<vmem>>
      %dma_start3A_2419 = arith.constant 8 : i32
      %dma_start3A_2420 = arith.constant 0 : i32
      %dma_start3A_2421 = tpu.memref_slice %dma_start3A_2418[%dma_start3A_2419, %dma_start3A_2420] : memref<64x128xf32, #tpu.memory_space<vmem>> -> memref<8x128xf32, #tpu.memory_space<vmem>>
      %dma_start3A_2422 = arith.constant 8 : i32
      %dma_start3A_2423 = tpu.memref_slice %arg2[%dma_start3A_2422, %multiple_of3A_2385] : memref<64x1000000xf32, #tpu.memory_space<hbm>> -> memref<8x128xf32, #tpu.memory_space<hbm>>
      tpu.enqueue_dma source(%dma_start3A_2423 : memref<8x128xf32, #tpu.memory_space<hbm>>) target(%dma_start3A_2421 : memref<8x128xf32, #tpu.memory_space<vmem>>) target_semaphore(%arg10 : memref<!tpu.dma_semaphore, #tpu.memory_space<semaphore_mem>>)
      %dma_start3A_2424 = arith.constant 2 : i32
      %dma_start3A_2425 = arith.constant 0 : i32
      %dma_start3A_2426 = arith.constant 0 : i32
      %dma_start3A_2427 = tpu.memref_slice %arg6[%dma_start3A_2424, %dma_start3A_2425, %dma_start3A_2426] : memref<4x64x128xf32, #tpu.memory_space<vmem>> -> memref<1x64x128xf32, #tpu.memory_space<vmem>>
      %dma_start3A_2428 = tpu.memref_squeeze %dma_start3A_2427 : memref<1x64x128xf32, #tpu.memory_space<vmem>> -> memref<64x128xf32, #tpu.memory_space<vmem>>
      %dma_start3A_2429 = arith.constant 16 : i32
      %dma_start3A_2430 = arith.constant 0 : i32
      %dma_start3A_2431 = tpu.memref_slice %dma_start3A_2428[%dma_start3A_2429, %dma_start3A_2430] : memref<64x128xf32, #tpu.memory_space<vmem>> -> memref<8x128xf32, #tpu.memory_space<vmem>>
      %dma_start3A_2432 = arith.constant 16 : i32
      %dma_start3A_2433 = tpu.memref_slice %arg2[%dma_start3A_2432, %multiple_of3A_2385] : memref<64x1000000xf32, #tpu.memory_space<hbm>> -> memref<8x128xf32, #tpu.memory_space<hbm>>
      %dma_start3A_2434 = arith.constant 0 : i32
      %dma_start3A_2435 = arith.constant 0 : i32
      %dma_start3A_2436 = tpu.memref_slice %arg6[%dma_start3A_2424, %dma_start3A_2434, %dma_start3A_2435] : memref<4x64x128xf32, #tpu.memory_space<vmem>> -> memref<1x64x128xf32, #tpu.memory_space<vmem>>
      %dma_start3A_2437 = tpu.memref_squeeze %dma_start3A_2436 : memref<1x64x128xf32, #tpu.memory_space<vmem>> -> memref<64x128xf32, #tpu.memory_space<vmem>>
      %dma_start3A_2438 = arith.constant 16 : i32
      %dma_start3A_2439 = arith.constant 0 : i32
      %dma_start3A_2440 = tpu.memref_slice %dma_start3A_2437[%dma_start3A_2438, %dma_start3A_2439] : memref<64x128xf32, #tpu.memory_space<vmem>> -> memref<8x128xf32, #tpu.memory_space<vmem>>
      %dma_start3A_2441 = arith.constant 16 : i32
      %dma_start3A_2442 = tpu.memref_slice %arg2[%dma_start3A_2441, %multiple_of3A_2385] : memref<64x1000000xf32, #tpu.memory_space<hbm>> -> memref<8x128xf32, #tpu.memory_space<hbm>>
      tpu.enqueue_dma source(%dma_start3A_2442 : memref<8x128xf32, #tpu.memory_space<hbm>>) target(%dma_start3A_2440 : memref<8x128xf32, #tpu.memory_space<vmem>>) target_semaphore(%arg10 : memref<!tpu.dma_semaphore, #tpu.memory_space<semaphore_mem>>)
      %dma_start3A_2443 = arith.constant 2 : i32
      %dma_start3A_2444 = arith.constant 0 : i32
      %dma_start3A_2445 = arith.constant 0 : i32
      %dma_start3A_2446 = tpu.memref_slice %arg6[%dma_start3A_2443, %dma_start3A_2444, %dma_start3A_2445] : memref<4x64x128xf32, #tpu.memory_space<vmem>> -> memref<1x64x128xf32, #tpu.memory_space<vmem>>
      %dma_start3A_2447 = tpu.memref_squeeze %dma_start3A_2446 : memref<1x64x128xf32, #tpu.memory_space<vmem>> -> memref<64x128xf32, #tpu.memory_space<vmem>>
      %dma_start3A_2448 = arith.constant 24 : i32
      %dma_start3A_2449 = arith.constant 0 : i32
      %dma_start3A_2450 = tpu.memref_slice %dma_start3A_2447[%dma_start3A_2448, %dma_start3A_2449] : memref<64x128xf32, #tpu.memory_space<vmem>> -> memref<8x128xf32, #tpu.memory_space<vmem>>
      %dma_start3A_2451 = arith.constant 24 : i32
      %dma_start3A_2452 = tpu.memref_slice %arg2[%dma_start3A_2451, %multiple_of3A_2385] : memref<64x1000000xf32, #tpu.memory_space<hbm>> -> memref<8x128xf32, #tpu.memory_space<hbm>>
      %dma_start3A_2453 = arith.constant 0 : i32
      %dma_start3A_2454 = arith.constant 0 : i32
      %dma_start3A_2455 = tpu.memref_slice %arg6[%dma_start3A_2443, %dma_start3A_2453, %dma_start3A_2454] : memref<4x64x128xf32, #tpu.memory_space<vmem>> -> memref<1x64x128xf32, #tpu.memory_space<vmem>>
      %dma_start3A_2456 = tpu.memref_squeeze %dma_start3A_2455 : memref<1x64x128xf32, #tpu.memory_space<vmem>> -> memref<64x128xf32, #tpu.memory_space<vmem>>
      %dma_start3A_2457 = arith.constant 24 : i32
      %dma_start3A_2458 = arith.constant 0 : i32
      %dma_start3A_2459 = tpu.memref_slice %dma_start3A_2456[%dma_start3A_2457, %dma_start3A_2458] : memref<64x128xf32, #tpu.memory_space<vmem>> -> memref<8x128xf32, #tpu.memory_space<vmem>>
      %dma_start3A_2460 = arith.constant 24 : i32
      %dma_start3A_2461 = tpu.memref_slice %arg2[%dma_start3A_2460, %multiple_of3A_2385] : memref<64x1000000xf32, #tpu.memory_space<hbm>> -> memref<8x128xf32, #tpu.memory_space<hbm>>
      tpu.enqueue_dma source(%dma_start3A_2461 : memref<8x128xf32, #tpu.memory_space<hbm>>) target(%dma_start3A_2459 : memref<8x128xf32, #tpu.memory_space<vmem>>) target_semaphore(%arg10 : memref<!tpu.dma_semaphore, #tpu.memory_space<semaphore_mem>>)
      %dma_start3A_2462 = arith.constant 2 : i32
      %dma_start3A_2463 = arith.constant 0 : i32
      %dma_start3A_2464 = arith.constant 0 : i32
      %dma_start3A_2465 = tpu.memref_slice %arg6[%dma_start3A_2462, %dma_start3A_2463, %dma_start3A_2464] : memref<4x64x128xf32, #tpu.memory_space<vmem>> -> memref<1x64x128xf32, #tpu.memory_space<vmem>>
      %dma_start3A_2466 = tpu.memref_squeeze %dma_start3A_2465 : memref<1x64x128xf32, #tpu.memory_space<vmem>> -> memref<64x128xf32, #tpu.memory_space<vmem>>
      %dma_start3A_2467 = arith.constant 32 : i32
      %dma_start3A_2468 = arith.constant 0 : i32
      %dma_start3A_2469 = tpu.memref_slice %dma_start3A_2466[%dma_start3A_2467, %dma_start3A_2468] : memref<64x128xf32, #tpu.memory_space<vmem>> -> memref<8x128xf32, #tpu.memory_space<vmem>>
      %dma_start3A_2470 = arith.constant 32 : i32
      %dma_start3A_2471 = tpu.memref_slice %arg2[%dma_start3A_2470, %multiple_of3A_2385] : memref<64x1000000xf32, #tpu.memory_space<hbm>> -> memref<8x128xf32, #tpu.memory_space<hbm>>
      %dma_start3A_2472 = arith.constant 0 : i32
      %dma_start3A_2473 = arith.constant 0 : i32
      %dma_start3A_2474 = tpu.memref_slice %arg6[%dma_start3A_2462, %dma_start3A_2472, %dma_start3A_2473] : memref<4x64x128xf32, #tpu.memory_space<vmem>> -> memref<1x64x128xf32, #tpu.memory_space<vmem>>
      %dma_start3A_2475 = tpu.memref_squeeze %dma_start3A_2474 : memref<1x64x128xf32, #tpu.memory_space<vmem>> -> memref<64x128xf32, #tpu.memory_space<vmem>>
      %dma_start3A_2476 = arith.constant 32 : i32
      %dma_start3A_2477 = arith.constant 0 : i32
      %dma_start3A_2478 = tpu.memref_slice %dma_start3A_2475[%dma_start3A_2476, %dma_start3A_2477] : memref<64x128xf32, #tpu.memory_space<vmem>> -> memref<8x128xf32, #tpu.memory_space<vmem>>
      %dma_start3A_2479 = arith.constant 32 : i32
      %dma_start3A_2480 = tpu.memref_slice %arg2[%dma_start3A_2479, %multiple_of3A_2385] : memref<64x1000000xf32, #tpu.memory_space<hbm>> -> memref<8x128xf32, #tpu.memory_space<hbm>>
      tpu.enqueue_dma source(%dma_start3A_2480 : memref<8x128xf32, #tpu.memory_space<hbm>>) target(%dma_start3A_2478 : memref<8x128xf32, #tpu.memory_space<vmem>>) target_semaphore(%arg10 : memref<!tpu.dma_semaphore, #tpu.memory_space<semaphore_mem>>)
      %dma_start3A_2481 = arith.constant 2 : i32
      %dma_start3A_2482 = arith.constant 0 : i32
      %dma_start3A_2483 = arith.constant 0 : i32
      %dma_start3A_2484 = tpu.memref_slice %arg6[%dma_start3A_2481, %dma_start3A_2482, %dma_start3A_2483] : memref<4x64x128xf32, #tpu.memory_space<vmem>> -> memref<1x64x128xf32, #tpu.memory_space<vmem>>
      %dma_start3A_2485 = tpu.memref_squeeze %dma_start3A_2484 : memref<1x64x128xf32, #tpu.memory_space<vmem>> -> memref<64x128xf32, #tpu.memory_space<vmem>>
      %dma_start3A_2486 = arith.constant 40 : i32
      %dma_start3A_2487 = arith.constant 0 : i32
      %dma_start3A_2488 = tpu.memref_slice %dma_start3A_2485[%dma_start3A_2486, %dma_start3A_2487] : memref<64x128xf32, #tpu.memory_space<vmem>> -> memref<8x128xf32, #tpu.memory_space<vmem>>
      %dma_start3A_2489 = arith.constant 40 : i32
      %dma_start3A_2490 = tpu.memref_slice %arg2[%dma_start3A_2489, %multiple_of3A_2385] : memref<64x1000000xf32, #tpu.memory_space<hbm>> -> memref<8x128xf32, #tpu.memory_space<hbm>>
      %dma_start3A_2491 = arith.constant 0 : i32
      %dma_start3A_2492 = arith.constant 0 : i32
      %dma_start3A_2493 = tpu.memref_slice %arg6[%dma_start3A_2481, %dma_start3A_2491, %dma_start3A_2492] : memref<4x64x128xf32, #tpu.memory_space<vmem>> -> memref<1x64x128xf32, #tpu.memory_space<vmem>>
      %dma_start3A_2494 = tpu.memref_squeeze %dma_start3A_2493 : memref<1x64x128xf32, #tpu.memory_space<vmem>> -> memref<64x128xf32, #tpu.memory_space<vmem>>
      %dma_start3A_2495 = arith.constant 40 : i32
      %dma_start3A_2496 = arith.constant 0 : i32
      %dma_start3A_2497 = tpu.memref_slice %dma_start3A_2494[%dma_start3A_2495, %dma_start3A_2496] : memref<64x128xf32, #tpu.memory_space<vmem>> -> memref<8x128xf32, #tpu.memory_space<vmem>>
      %dma_start3A_2498 = arith.constant 40 : i32
      %dma_start3A_2499 = tpu.memref_slice %arg2[%dma_start3A_2498, %multiple_of3A_2385] : memref<64x1000000xf32, #tpu.memory_space<hbm>> -> memref<8x128xf32, #tpu.memory_space<hbm>>
      tpu.enqueue_dma source(%dma_start3A_2499 : memref<8x128xf32, #tpu.memory_space<hbm>>) target(%dma_start3A_2497 : memref<8x128xf32, #tpu.memory_space<vmem>>) target_semaphore(%arg10 : memref<!tpu.dma_semaphore, #tpu.memory_space<semaphore_mem>>)
      %dma_start3A_2500 = arith.constant 2 : i32
      %dma_start3A_2501 = arith.constant 0 : i32
      %dma_start3A_2502 = arith.constant 0 : i32
      %dma_start3A_2503 = tpu.memref_slice %arg6[%dma_start3A_2500, %dma_start3A_2501, %dma_start3A_2502] : memref<4x64x128xf32, #tpu.memory_space<vmem>> -> memref<1x64x128xf32, #tpu.memory_space<vmem>>
      %dma_start3A_2504 = tpu.memref_squeeze %dma_start3A_2503 : memref<1x64x128xf32, #tpu.memory_space<vmem>> -> memref<64x128xf32, #tpu.memory_space<vmem>>
      %dma_start3A_2505 = arith.constant 48 : i32
      %dma_start3A_2506 = arith.constant 0 : i32
      %dma_start3A_2507 = tpu.memref_slice %dma_start3A_2504[%dma_start3A_2505, %dma_start3A_2506] : memref<64x128xf32, #tpu.memory_space<vmem>> -> memref<8x128xf32, #tpu.memory_space<vmem>>
      %dma_start3A_2508 = arith.constant 48 : i32
      %dma_start3A_2509 = tpu.memref_slice %arg2[%dma_start3A_2508, %multiple_of3A_2385] : memref<64x1000000xf32, #tpu.memory_space<hbm>> -> memref<8x128xf32, #tpu.memory_space<hbm>>
      %dma_start3A_2510 = arith.constant 0 : i32
      %dma_start3A_2511 = arith.constant 0 : i32
      %dma_start3A_2512 = tpu.memref_slice %arg6[%dma_start3A_2500, %dma_start3A_2510, %dma_start3A_2511] : memref<4x64x128xf32, #tpu.memory_space<vmem>> -> memref<1x64x128xf32, #tpu.memory_space<vmem>>
      %dma_start3A_2513 = tpu.memref_squeeze %dma_start3A_2512 : memref<1x64x128xf32, #tpu.memory_space<vmem>> -> memref<64x128xf32, #tpu.memory_space<vmem>>
      %dma_start3A_2514 = arith.constant 48 : i32
      %dma_start3A_2515 = arith.constant 0 : i32
      %dma_start3A_2516 = tpu.memref_slice %dma_start3A_2513[%dma_start3A_2514, %dma_start3A_2515] : memref<64x128xf32, #tpu.memory_space<vmem>> -> memref<8x128xf32, #tpu.memory_space<vmem>>
      %dma_start3A_2517 = arith.constant 48 : i32
      %dma_start3A_2518 = tpu.memref_slice %arg2[%dma_start3A_2517, %multiple_of3A_2385] : memref<64x1000000xf32, #tpu.memory_space<hbm>> -> memref<8x128xf32, #tpu.memory_space<hbm>>
      tpu.enqueue_dma source(%dma_start3A_2518 : memref<8x128xf32, #tpu.memory_space<hbm>>) target(%dma_start3A_2516 : memref<8x128xf32, #tpu.memory_space<vmem>>) target_semaphore(%arg10 : memref<!tpu.dma_semaphore, #tpu.memory_space<semaphore_mem>>)
      %dma_start3A_2519 = arith.constant 2 : i32
      %dma_start3A_2520 = arith.constant 0 : i32
      %dma_start3A_2521 = arith.constant 0 : i32
      %dma_start3A_2522 = tpu.memref_slice %arg6[%dma_start3A_2519, %dma_start3A_2520, %dma_start3A_2521] : memref<4x64x128xf32, #tpu.memory_space<vmem>> -> memref<1x64x128xf32, #tpu.memory_space<vmem>>
      %dma_start3A_2523 = tpu.memref_squeeze %dma_start3A_2522 : memref<1x64x128xf32, #tpu.memory_space<vmem>> -> memref<64x128xf32, #tpu.memory_space<vmem>>
      %dma_start3A_2524 = arith.constant 56 : i32
      %dma_start3A_2525 = arith.constant 0 : i32
      %dma_start3A_2526 = tpu.memref_slice %dma_start3A_2523[%dma_start3A_2524, %dma_start3A_2525] : memref<64x128xf32, #tpu.memory_space<vmem>> -> memref<8x128xf32, #tpu.memory_space<vmem>>
      %dma_start3A_2527 = arith.constant 56 : i32
      %dma_start3A_2528 = tpu.memref_slice %arg2[%dma_start3A_2527, %multiple_of3A_2385] : memref<64x1000000xf32, #tpu.memory_space<hbm>> -> memref<8x128xf32, #tpu.memory_space<hbm>>
      %dma_start3A_2529 = arith.constant 0 : i32
      %dma_start3A_2530 = arith.constant 0 : i32
      %dma_start3A_2531 = tpu.memref_slice %arg6[%dma_start3A_2519, %dma_start3A_2529, %dma_start3A_2530] : memref<4x64x128xf32, #tpu.memory_space<vmem>> -> memref<1x64x128xf32, #tpu.memory_space<vmem>>
      %dma_start3A_2532 = tpu.memref_squeeze %dma_start3A_2531 : memref<1x64x128xf32, #tpu.memory_space<vmem>> -> memref<64x128xf32, #tpu.memory_space<vmem>>
      %dma_start3A_2533 = arith.constant 56 : i32
      %dma_start3A_2534 = arith.constant 0 : i32
      %dma_start3A_2535 = tpu.memref_slice %dma_start3A_2532[%dma_start3A_2533, %dma_start3A_2534] : memref<64x128xf32, #tpu.memory_space<vmem>> -> memref<8x128xf32, #tpu.memory_space<vmem>>
      %dma_start3A_2536 = arith.constant 56 : i32
      %dma_start3A_2537 = tpu.memref_slice %arg2[%dma_start3A_2536, %multiple_of3A_2385] : memref<64x1000000xf32, #tpu.memory_space<hbm>> -> memref<8x128xf32, #tpu.memory_space<hbm>>
      tpu.enqueue_dma source(%dma_start3A_2537 : memref<8x128xf32, #tpu.memory_space<hbm>>) target(%dma_start3A_2535 : memref<8x128xf32, #tpu.memory_space<vmem>>) target_semaphore(%arg10 : memref<!tpu.dma_semaphore, #tpu.memory_space<semaphore_mem>>)
      %shift_right_arithmetic3A_2538 = arith.constant 7 : i32
      %shift_right_arithmetic3A_2539 = arith.shrsi %squeeze3A_38, %shift_right_arithmetic3A_2538 : i32
      %shift_left3A_2540 = arith.constant 7 : i32
      %shift_left3A_2541 = arith.shli %shift_right_arithmetic3A_2539, %shift_left3A_2540 : i32
      %multiple_of3A_2542 = tpu.assume_multiple %shift_left3A_2541, 128 : i32
      %dma_start3A_2543 = arith.constant 3 : i32
      %dma_start3A_2544 = arith.constant 0 : i32
      %dma_start3A_2545 = arith.constant 0 : i32
      %dma_start3A_2546 = tpu.memref_slice %arg6[%dma_start3A_2543, %dma_start3A_2544, %dma_start3A_2545] : memref<4x64x128xf32, #tpu.memory_space<vmem>> -> memref<1x64x128xf32, #tpu.memory_space<vmem>>
      %dma_start3A_2547 = tpu.memref_squeeze %dma_start3A_2546 : memref<1x64x128xf32, #tpu.memory_space<vmem>> -> memref<64x128xf32, #tpu.memory_space<vmem>>
      %dma_start3A_2548 = arith.constant 0 : i32
      %dma_start3A_2549 = arith.constant 0 : i32
      %dma_start3A_2550 = tpu.memref_slice %dma_start3A_2547[%dma_start3A_2548, %dma_start3A_2549] : memref<64x128xf32, #tpu.memory_space<vmem>> -> memref<8x128xf32, #tpu.memory_space<vmem>>
      %dma_start3A_2551 = arith.constant 0 : i32
      %dma_start3A_2552 = tpu.memref_slice %arg2[%dma_start3A_2551, %multiple_of3A_2542] : memref<64x1000000xf32, #tpu.memory_space<hbm>> -> memref<8x128xf32, #tpu.memory_space<hbm>>
      %dma_start3A_2553 = arith.constant 0 : i32
      %dma_start3A_2554 = arith.constant 0 : i32
      %dma_start3A_2555 = tpu.memref_slice %arg6[%dma_start3A_2543, %dma_start3A_2553, %dma_start3A_2554] : memref<4x64x128xf32, #tpu.memory_space<vmem>> -> memref<1x64x128xf32, #tpu.memory_space<vmem>>
      %dma_start3A_2556 = tpu.memref_squeeze %dma_start3A_2555 : memref<1x64x128xf32, #tpu.memory_space<vmem>> -> memref<64x128xf32, #tpu.memory_space<vmem>>
      %dma_start3A_2557 = arith.constant 0 : i32
      %dma_start3A_2558 = arith.constant 0 : i32
      %dma_start3A_2559 = tpu.memref_slice %dma_start3A_2556[%dma_start3A_2557, %dma_start3A_2558] : memref<64x128xf32, #tpu.memory_space<vmem>> -> memref<8x128xf32, #tpu.memory_space<vmem>>
      %dma_start3A_2560 = arith.constant 0 : i32
      %dma_start3A_2561 = tpu.memref_slice %arg2[%dma_start3A_2560, %multiple_of3A_2542] : memref<64x1000000xf32, #tpu.memory_space<hbm>> -> memref<8x128xf32, #tpu.memory_space<hbm>>
      tpu.enqueue_dma source(%dma_start3A_2561 : memref<8x128xf32, #tpu.memory_space<hbm>>) target(%dma_start3A_2559 : memref<8x128xf32, #tpu.memory_space<vmem>>) target_semaphore(%arg10 : memref<!tpu.dma_semaphore, #tpu.memory_space<semaphore_mem>>)
      %dma_start3A_2562 = arith.constant 3 : i32
      %dma_start3A_2563 = arith.constant 0 : i32
      %dma_start3A_2564 = arith.constant 0 : i32
      %dma_start3A_2565 = tpu.memref_slice %arg6[%dma_start3A_2562, %dma_start3A_2563, %dma_start3A_2564] : memref<4x64x128xf32, #tpu.memory_space<vmem>> -> memref<1x64x128xf32, #tpu.memory_space<vmem>>
      %dma_start3A_2566 = tpu.memref_squeeze %dma_start3A_2565 : memref<1x64x128xf32, #tpu.memory_space<vmem>> -> memref<64x128xf32, #tpu.memory_space<vmem>>
      %dma_start3A_2567 = arith.constant 8 : i32
      %dma_start3A_2568 = arith.constant 0 : i32
      %dma_start3A_2569 = tpu.memref_slice %dma_start3A_2566[%dma_start3A_2567, %dma_start3A_2568] : memref<64x128xf32, #tpu.memory_space<vmem>> -> memref<8x128xf32, #tpu.memory_space<vmem>>
      %dma_start3A_2570 = arith.constant 8 : i32
      %dma_start3A_2571 = tpu.memref_slice %arg2[%dma_start3A_2570, %multiple_of3A_2542] : memref<64x1000000xf32, #tpu.memory_space<hbm>> -> memref<8x128xf32, #tpu.memory_space<hbm>>
      %dma_start3A_2572 = arith.constant 0 : i32
      %dma_start3A_2573 = arith.constant 0 : i32
      %dma_start3A_2574 = tpu.memref_slice %arg6[%dma_start3A_2562, %dma_start3A_2572, %dma_start3A_2573] : memref<4x64x128xf32, #tpu.memory_space<vmem>> -> memref<1x64x128xf32, #tpu.memory_space<vmem>>
      %dma_start3A_2575 = tpu.memref_squeeze %dma_start3A_2574 : memref<1x64x128xf32, #tpu.memory_space<vmem>> -> memref<64x128xf32, #tpu.memory_space<vmem>>
      %dma_start3A_2576 = arith.constant 8 : i32
      %dma_start3A_2577 = arith.constant 0 : i32
      %dma_start3A_2578 = tpu.memref_slice %dma_start3A_2575[%dma_start3A_2576, %dma_start3A_2577] : memref<64x128xf32, #tpu.memory_space<vmem>> -> memref<8x128xf32, #tpu.memory_space<vmem>>
      %dma_start3A_2579 = arith.constant 8 : i32
      %dma_start3A_2580 = tpu.memref_slice %arg2[%dma_start3A_2579, %multiple_of3A_2542] : memref<64x1000000xf32, #tpu.memory_space<hbm>> -> memref<8x128xf32, #tpu.memory_space<hbm>>
      tpu.enqueue_dma source(%dma_start3A_2580 : memref<8x128xf32, #tpu.memory_space<hbm>>) target(%dma_start3A_2578 : memref<8x128xf32, #tpu.memory_space<vmem>>) target_semaphore(%arg10 : memref<!tpu.dma_semaphore, #tpu.memory_space<semaphore_mem>>)
      %dma_start3A_2581 = arith.constant 3 : i32
      %dma_start3A_2582 = arith.constant 0 : i32
      %dma_start3A_2583 = arith.constant 0 : i32
      %dma_start3A_2584 = tpu.memref_slice %arg6[%dma_start3A_2581, %dma_start3A_2582, %dma_start3A_2583] : memref<4x64x128xf32, #tpu.memory_space<vmem>> -> memref<1x64x128xf32, #tpu.memory_space<vmem>>
      %dma_start3A_2585 = tpu.memref_squeeze %dma_start3A_2584 : memref<1x64x128xf32, #tpu.memory_space<vmem>> -> memref<64x128xf32, #tpu.memory_space<vmem>>
      %dma_start3A_2586 = arith.constant 16 : i32
      %dma_start3A_2587 = arith.constant 0 : i32
      %dma_start3A_2588 = tpu.memref_slice %dma_start3A_2585[%dma_start3A_2586, %dma_start3A_2587] : memref<64x128xf32, #tpu.memory_space<vmem>> -> memref<8x128xf32, #tpu.memory_space<vmem>>
      %dma_start3A_2589 = arith.constant 16 : i32
      %dma_start3A_2590 = tpu.memref_slice %arg2[%dma_start3A_2589, %multiple_of3A_2542] : memref<64x1000000xf32, #tpu.memory_space<hbm>> -> memref<8x128xf32, #tpu.memory_space<hbm>>
      %dma_start3A_2591 = arith.constant 0 : i32
      %dma_start3A_2592 = arith.constant 0 : i32
      %dma_start3A_2593 = tpu.memref_slice %arg6[%dma_start3A_2581, %dma_start3A_2591, %dma_start3A_2592] : memref<4x64x128xf32, #tpu.memory_space<vmem>> -> memref<1x64x128xf32, #tpu.memory_space<vmem>>
      %dma_start3A_2594 = tpu.memref_squeeze %dma_start3A_2593 : memref<1x64x128xf32, #tpu.memory_space<vmem>> -> memref<64x128xf32, #tpu.memory_space<vmem>>
      %dma_start3A_2595 = arith.constant 16 : i32
      %dma_start3A_2596 = arith.constant 0 : i32
      %dma_start3A_2597 = tpu.memref_slice %dma_start3A_2594[%dma_start3A_2595, %dma_start3A_2596] : memref<64x128xf32, #tpu.memory_space<vmem>> -> memref<8x128xf32, #tpu.memory_space<vmem>>
      %dma_start3A_2598 = arith.constant 16 : i32
      %dma_start3A_2599 = tpu.memref_slice %arg2[%dma_start3A_2598, %multiple_of3A_2542] : memref<64x1000000xf32, #tpu.memory_space<hbm>> -> memref<8x128xf32, #tpu.memory_space<hbm>>
      tpu.enqueue_dma source(%dma_start3A_2599 : memref<8x128xf32, #tpu.memory_space<hbm>>) target(%dma_start3A_2597 : memref<8x128xf32, #tpu.memory_space<vmem>>) target_semaphore(%arg10 : memref<!tpu.dma_semaphore, #tpu.memory_space<semaphore_mem>>)
      %dma_start3A_2600 = arith.constant 3 : i32
      %dma_start3A_2601 = arith.constant 0 : i32
      %dma_start3A_2602 = arith.constant 0 : i32
      %dma_start3A_2603 = tpu.memref_slice %arg6[%dma_start3A_2600, %dma_start3A_2601, %dma_start3A_2602] : memref<4x64x128xf32, #tpu.memory_space<vmem>> -> memref<1x64x128xf32, #tpu.memory_space<vmem>>
      %dma_start3A_2604 = tpu.memref_squeeze %dma_start3A_2603 : memref<1x64x128xf32, #tpu.memory_space<vmem>> -> memref<64x128xf32, #tpu.memory_space<vmem>>
      %dma_start3A_2605 = arith.constant 24 : i32
      %dma_start3A_2606 = arith.constant 0 : i32
      %dma_start3A_2607 = tpu.memref_slice %dma_start3A_2604[%dma_start3A_2605, %dma_start3A_2606] : memref<64x128xf32, #tpu.memory_space<vmem>> -> memref<8x128xf32, #tpu.memory_space<vmem>>
      %dma_start3A_2608 = arith.constant 24 : i32
      %dma_start3A_2609 = tpu.memref_slice %arg2[%dma_start3A_2608, %multiple_of3A_2542] : memref<64x1000000xf32, #tpu.memory_space<hbm>> -> memref<8x128xf32, #tpu.memory_space<hbm>>
      %dma_start3A_2610 = arith.constant 0 : i32
      %dma_start3A_2611 = arith.constant 0 : i32
      %dma_start3A_2612 = tpu.memref_slice %arg6[%dma_start3A_2600, %dma_start3A_2610, %dma_start3A_2611] : memref<4x64x128xf32, #tpu.memory_space<vmem>> -> memref<1x64x128xf32, #tpu.memory_space<vmem>>
      %dma_start3A_2613 = tpu.memref_squeeze %dma_start3A_2612 : memref<1x64x128xf32, #tpu.memory_space<vmem>> -> memref<64x128xf32, #tpu.memory_space<vmem>>
      %dma_start3A_2614 = arith.constant 24 : i32
      %dma_start3A_2615 = arith.constant 0 : i32
      %dma_start3A_2616 = tpu.memref_slice %dma_start3A_2613[%dma_start3A_2614, %dma_start3A_2615] : memref<64x128xf32, #tpu.memory_space<vmem>> -> memref<8x128xf32, #tpu.memory_space<vmem>>
      %dma_start3A_2617 = arith.constant 24 : i32
      %dma_start3A_2618 = tpu.memref_slice %arg2[%dma_start3A_2617, %multiple_of3A_2542] : memref<64x1000000xf32, #tpu.memory_space<hbm>> -> memref<8x128xf32, #tpu.memory_space<hbm>>
      tpu.enqueue_dma source(%dma_start3A_2618 : memref<8x128xf32, #tpu.memory_space<hbm>>) target(%dma_start3A_2616 : memref<8x128xf32, #tpu.memory_space<vmem>>) target_semaphore(%arg10 : memref<!tpu.dma_semaphore, #tpu.memory_space<semaphore_mem>>)
      %dma_start3A_2619 = arith.constant 3 : i32
      %dma_start3A_2620 = arith.constant 0 : i32
      %dma_start3A_2621 = arith.constant 0 : i32
      %dma_start3A_2622 = tpu.memref_slice %arg6[%dma_start3A_2619, %dma_start3A_2620, %dma_start3A_2621] : memref<4x64x128xf32, #tpu.memory_space<vmem>> -> memref<1x64x128xf32, #tpu.memory_space<vmem>>
      %dma_start3A_2623 = tpu.memref_squeeze %dma_start3A_2622 : memref<1x64x128xf32, #tpu.memory_space<vmem>> -> memref<64x128xf32, #tpu.memory_space<vmem>>
      %dma_start3A_2624 = arith.constant 32 : i32
      %dma_start3A_2625 = arith.constant 0 : i32
      %dma_start3A_2626 = tpu.memref_slice %dma_start3A_2623[%dma_start3A_2624, %dma_start3A_2625] : memref<64x128xf32, #tpu.memory_space<vmem>> -> memref<8x128xf32, #tpu.memory_space<vmem>>
      %dma_start3A_2627 = arith.constant 32 : i32
      %dma_start3A_2628 = tpu.memref_slice %arg2[%dma_start3A_2627, %multiple_of3A_2542] : memref<64x1000000xf32, #tpu.memory_space<hbm>> -> memref<8x128xf32, #tpu.memory_space<hbm>>
      %dma_start3A_2629 = arith.constant 0 : i32
      %dma_start3A_2630 = arith.constant 0 : i32
      %dma_start3A_2631 = tpu.memref_slice %arg6[%dma_start3A_2619, %dma_start3A_2629, %dma_start3A_2630] : memref<4x64x128xf32, #tpu.memory_space<vmem>> -> memref<1x64x128xf32, #tpu.memory_space<vmem>>
      %dma_start3A_2632 = tpu.memref_squeeze %dma_start3A_2631 : memref<1x64x128xf32, #tpu.memory_space<vmem>> -> memref<64x128xf32, #tpu.memory_space<vmem>>
      %dma_start3A_2633 = arith.constant 32 : i32
      %dma_start3A_2634 = arith.constant 0 : i32
      %dma_start3A_2635 = tpu.memref_slice %dma_start3A_2632[%dma_start3A_2633, %dma_start3A_2634] : memref<64x128xf32, #tpu.memory_space<vmem>> -> memref<8x128xf32, #tpu.memory_space<vmem>>
      %dma_start3A_2636 = arith.constant 32 : i32
      %dma_start3A_2637 = tpu.memref_slice %arg2[%dma_start3A_2636, %multiple_of3A_2542] : memref<64x1000000xf32, #tpu.memory_space<hbm>> -> memref<8x128xf32, #tpu.memory_space<hbm>>
      tpu.enqueue_dma source(%dma_start3A_2637 : memref<8x128xf32, #tpu.memory_space<hbm>>) target(%dma_start3A_2635 : memref<8x128xf32, #tpu.memory_space<vmem>>) target_semaphore(%arg10 : memref<!tpu.dma_semaphore, #tpu.memory_space<semaphore_mem>>)
      %dma_start3A_2638 = arith.constant 3 : i32
      %dma_start3A_2639 = arith.constant 0 : i32
      %dma_start3A_2640 = arith.constant 0 : i32
      %dma_start3A_2641 = tpu.memref_slice %arg6[%dma_start3A_2638, %dma_start3A_2639, %dma_start3A_2640] : memref<4x64x128xf32, #tpu.memory_space<vmem>> -> memref<1x64x128xf32, #tpu.memory_space<vmem>>
      %dma_start3A_2642 = tpu.memref_squeeze %dma_start3A_2641 : memref<1x64x128xf32, #tpu.memory_space<vmem>> -> memref<64x128xf32, #tpu.memory_space<vmem>>
      %dma_start3A_2643 = arith.constant 40 : i32
      %dma_start3A_2644 = arith.constant 0 : i32
      %dma_start3A_2645 = tpu.memref_slice %dma_start3A_2642[%dma_start3A_2643, %dma_start3A_2644] : memref<64x128xf32, #tpu.memory_space<vmem>> -> memref<8x128xf32, #tpu.memory_space<vmem>>
      %dma_start3A_2646 = arith.constant 40 : i32
      %dma_start3A_2647 = tpu.memref_slice %arg2[%dma_start3A_2646, %multiple_of3A_2542] : memref<64x1000000xf32, #tpu.memory_space<hbm>> -> memref<8x128xf32, #tpu.memory_space<hbm>>
      %dma_start3A_2648 = arith.constant 0 : i32
      %dma_start3A_2649 = arith.constant 0 : i32
      %dma_start3A_2650 = tpu.memref_slice %arg6[%dma_start3A_2638, %dma_start3A_2648, %dma_start3A_2649] : memref<4x64x128xf32, #tpu.memory_space<vmem>> -> memref<1x64x128xf32, #tpu.memory_space<vmem>>
      %dma_start3A_2651 = tpu.memref_squeeze %dma_start3A_2650 : memref<1x64x128xf32, #tpu.memory_space<vmem>> -> memref<64x128xf32, #tpu.memory_space<vmem>>
      %dma_start3A_2652 = arith.constant 40 : i32
      %dma_start3A_2653 = arith.constant 0 : i32
      %dma_start3A_2654 = tpu.memref_slice %dma_start3A_2651[%dma_start3A_2652, %dma_start3A_2653] : memref<64x128xf32, #tpu.memory_space<vmem>> -> memref<8x128xf32, #tpu.memory_space<vmem>>
      %dma_start3A_2655 = arith.constant 40 : i32
      %dma_start3A_2656 = tpu.memref_slice %arg2[%dma_start3A_2655, %multiple_of3A_2542] : memref<64x1000000xf32, #tpu.memory_space<hbm>> -> memref<8x128xf32, #tpu.memory_space<hbm>>
      tpu.enqueue_dma source(%dma_start3A_2656 : memref<8x128xf32, #tpu.memory_space<hbm>>) target(%dma_start3A_2654 : memref<8x128xf32, #tpu.memory_space<vmem>>) target_semaphore(%arg10 : memref<!tpu.dma_semaphore, #tpu.memory_space<semaphore_mem>>)
      %dma_start3A_2657 = arith.constant 3 : i32
      %dma_start3A_2658 = arith.constant 0 : i32
      %dma_start3A_2659 = arith.constant 0 : i32
      %dma_start3A_2660 = tpu.memref_slice %arg6[%dma_start3A_2657, %dma_start3A_2658, %dma_start3A_2659] : memref<4x64x128xf32, #tpu.memory_space<vmem>> -> memref<1x64x128xf32, #tpu.memory_space<vmem>>
      %dma_start3A_2661 = tpu.memref_squeeze %dma_start3A_2660 : memref<1x64x128xf32, #tpu.memory_space<vmem>> -> memref<64x128xf32, #tpu.memory_space<vmem>>
      %dma_start3A_2662 = arith.constant 48 : i32
      %dma_start3A_2663 = arith.constant 0 : i32
      %dma_start3A_2664 = tpu.memref_slice %dma_start3A_2661[%dma_start3A_2662, %dma_start3A_2663] : memref<64x128xf32, #tpu.memory_space<vmem>> -> memref<8x128xf32, #tpu.memory_space<vmem>>
      %dma_start3A_2665 = arith.constant 48 : i32
      %dma_start3A_2666 = tpu.memref_slice %arg2[%dma_start3A_2665, %multiple_of3A_2542] : memref<64x1000000xf32, #tpu.memory_space<hbm>> -> memref<8x128xf32, #tpu.memory_space<hbm>>
      %dma_start3A_2667 = arith.constant 0 : i32
      %dma_start3A_2668 = arith.constant 0 : i32
      %dma_start3A_2669 = tpu.memref_slice %arg6[%dma_start3A_2657, %dma_start3A_2667, %dma_start3A_2668] : memref<4x64x128xf32, #tpu.memory_space<vmem>> -> memref<1x64x128xf32, #tpu.memory_space<vmem>>
      %dma_start3A_2670 = tpu.memref_squeeze %dma_start3A_2669 : memref<1x64x128xf32, #tpu.memory_space<vmem>> -> memref<64x128xf32, #tpu.memory_space<vmem>>
      %dma_start3A_2671 = arith.constant 48 : i32
      %dma_start3A_2672 = arith.constant 0 : i32
      %dma_start3A_2673 = tpu.memref_slice %dma_start3A_2670[%dma_start3A_2671, %dma_start3A_2672] : memref<64x128xf32, #tpu.memory_space<vmem>> -> memref<8x128xf32, #tpu.memory_space<vmem>>
      %dma_start3A_2674 = arith.constant 48 : i32
      %dma_start3A_2675 = tpu.memref_slice %arg2[%dma_start3A_2674, %multiple_of3A_2542] : memref<64x1000000xf32, #tpu.memory_space<hbm>> -> memref<8x128xf32, #tpu.memory_space<hbm>>
      tpu.enqueue_dma source(%dma_start3A_2675 : memref<8x128xf32, #tpu.memory_space<hbm>>) target(%dma_start3A_2673 : memref<8x128xf32, #tpu.memory_space<vmem>>) target_semaphore(%arg10 : memref<!tpu.dma_semaphore, #tpu.memory_space<semaphore_mem>>)
      %dma_start3A_2676 = arith.constant 3 : i32
      %dma_start3A_2677 = arith.constant 0 : i32
      %dma_start3A_2678 = arith.constant 0 : i32
      %dma_start3A_2679 = tpu.memref_slice %arg6[%dma_start3A_2676, %dma_start3A_2677, %dma_start3A_2678] : memref<4x64x128xf32, #tpu.memory_space<vmem>> -> memref<1x64x128xf32, #tpu.memory_space<vmem>>
      %dma_start3A_2680 = tpu.memref_squeeze %dma_start3A_2679 : memref<1x64x128xf32, #tpu.memory_space<vmem>> -> memref<64x128xf32, #tpu.memory_space<vmem>>
      %dma_start3A_2681 = arith.constant 56 : i32
      %dma_start3A_2682 = arith.constant 0 : i32
      %dma_start3A_2683 = tpu.memref_slice %dma_start3A_2680[%dma_start3A_2681, %dma_start3A_2682] : memref<64x128xf32, #tpu.memory_space<vmem>> -> memref<8x128xf32, #tpu.memory_space<vmem>>
      %dma_start3A_2684 = arith.constant 56 : i32
      %dma_start3A_2685 = tpu.memref_slice %arg2[%dma_start3A_2684, %multiple_of3A_2542] : memref<64x1000000xf32, #tpu.memory_space<hbm>> -> memref<8x128xf32, #tpu.memory_space<hbm>>
      %dma_start3A_2686 = arith.constant 0 : i32
      %dma_start3A_2687 = arith.constant 0 : i32
      %dma_start3A_2688 = tpu.memref_slice %arg6[%dma_start3A_2676, %dma_start3A_2686, %dma_start3A_2687] : memref<4x64x128xf32, #tpu.memory_space<vmem>> -> memref<1x64x128xf32, #tpu.memory_space<vmem>>
      %dma_start3A_2689 = tpu.memref_squeeze %dma_start3A_2688 : memref<1x64x128xf32, #tpu.memory_space<vmem>> -> memref<64x128xf32, #tpu.memory_space<vmem>>
      %dma_start3A_2690 = arith.constant 56 : i32
      %dma_start3A_2691 = arith.constant 0 : i32
      %dma_start3A_2692 = tpu.memref_slice %dma_start3A_2689[%dma_start3A_2690, %dma_start3A_2691] : memref<64x128xf32, #tpu.memory_space<vmem>> -> memref<8x128xf32, #tpu.memory_space<vmem>>
      %dma_start3A_2693 = arith.constant 56 : i32
      %dma_start3A_2694 = tpu.memref_slice %arg2[%dma_start3A_2693, %multiple_of3A_2542] : memref<64x1000000xf32, #tpu.memory_space<hbm>> -> memref<8x128xf32, #tpu.memory_space<hbm>>
      tpu.enqueue_dma source(%dma_start3A_2694 : memref<8x128xf32, #tpu.memory_space<hbm>>) target(%dma_start3A_2692 : memref<8x128xf32, #tpu.memory_space<vmem>>) target_semaphore(%arg10 : memref<!tpu.dma_semaphore, #tpu.memory_space<semaphore_mem>>)
      %dma_wait3A_2695 = arith.constant 0 : i32
      %dma_wait3A_2696 = arith.constant 0 : i32
      %dma_wait3A_2697 = arith.constant 0 : i32
      %dma_wait3A_2698 = tpu.memref_slice %arg7[%dma_wait3A_2695, %dma_wait3A_2696, %dma_wait3A_2697] : memref<4x64x128xf32, #tpu.memory_space<vmem>> -> memref<1x64x128xf32, #tpu.memory_space<vmem>>
      %dma_wait3A_2699 = tpu.memref_squeeze %dma_wait3A_2698 : memref<1x64x128xf32, #tpu.memory_space<vmem>> -> memref<64x128xf32, #tpu.memory_space<vmem>>
      %dma_wait3A_2700 = arith.constant 0 : i32
      %dma_wait3A_2701 = arith.constant 0 : i32
      %dma_wait3A_2702 = tpu.memref_slice %arg2[%dma_wait3A_2700, %dma_wait3A_2701] : memref<64x1000000xf32, #tpu.memory_space<hbm>> -> memref<64x128xf32, #tpu.memory_space<hbm>>
      %dma_wait3A_2703 = arith.constant 0 : i32
      %dma_wait3A_2704 = arith.constant 0 : i32
      %dma_wait3A_2705 = tpu.memref_slice %arg7[%dma_wait3A_2695, %dma_wait3A_2703, %dma_wait3A_2704] : memref<4x64x128xf32, #tpu.memory_space<vmem>> -> memref<1x64x128xf32, #tpu.memory_space<vmem>>
      %dma_wait3A_2706 = tpu.memref_squeeze %dma_wait3A_2705 : memref<1x64x128xf32, #tpu.memory_space<vmem>> -> memref<64x128xf32, #tpu.memory_space<vmem>>
      %dma_wait3A_2707 = arith.constant 0 : i32
      %dma_wait3A_2708 = arith.constant 0 : i32
      %dma_wait3A_2709 = tpu.memref_slice %arg2[%dma_wait3A_2707, %dma_wait3A_2708] : memref<64x1000000xf32, #tpu.memory_space<hbm>> -> memref<64x128xf32, #tpu.memory_space<hbm>>
      tpu.wait_dma2 semaphore(%arg11 : memref<!tpu.dma_semaphore, #tpu.memory_space<semaphore_mem>>) src(%dma_wait3A_2709 : memref<64x128xf32, #tpu.memory_space<hbm>>) dst(%dma_wait3A_2706 : memref<64x128xf32, #tpu.memory_space<vmem>>)
      %dma_wait3A_2710 = arith.constant 1 : i32
      %dma_wait3A_2711 = arith.constant 0 : i32
      %dma_wait3A_2712 = arith.constant 0 : i32
      %dma_wait3A_2713 = tpu.memref_slice %arg7[%dma_wait3A_2710, %dma_wait3A_2711, %dma_wait3A_2712] : memref<4x64x128xf32, #tpu.memory_space<vmem>> -> memref<1x64x128xf32, #tpu.memory_space<vmem>>
      %dma_wait3A_2714 = tpu.memref_squeeze %dma_wait3A_2713 : memref<1x64x128xf32, #tpu.memory_space<vmem>> -> memref<64x128xf32, #tpu.memory_space<vmem>>
      %dma_wait3A_2715 = arith.constant 0 : i32
      %dma_wait3A_2716 = arith.constant 0 : i32
      %dma_wait3A_2717 = tpu.memref_slice %arg2[%dma_wait3A_2715, %dma_wait3A_2716] : memref<64x1000000xf32, #tpu.memory_space<hbm>> -> memref<64x128xf32, #tpu.memory_space<hbm>>
      %dma_wait3A_2718 = arith.constant 0 : i32
      %dma_wait3A_2719 = arith.constant 0 : i32
      %dma_wait3A_2720 = tpu.memref_slice %arg7[%dma_wait3A_2710, %dma_wait3A_2718, %dma_wait3A_2719] : memref<4x64x128xf32, #tpu.memory_space<vmem>> -> memref<1x64x128xf32, #tpu.memory_space<vmem>>
      %dma_wait3A_2721 = tpu.memref_squeeze %dma_wait3A_2720 : memref<1x64x128xf32, #tpu.memory_space<vmem>> -> memref<64x128xf32, #tpu.memory_space<vmem>>
      %dma_wait3A_2722 = arith.constant 0 : i32
      %dma_wait3A_2723 = arith.constant 0 : i32
      %dma_wait3A_2724 = tpu.memref_slice %arg2[%dma_wait3A_2722, %dma_wait3A_2723] : memref<64x1000000xf32, #tpu.memory_space<hbm>> -> memref<64x128xf32, #tpu.memory_space<hbm>>
      tpu.wait_dma2 semaphore(%arg11 : memref<!tpu.dma_semaphore, #tpu.memory_space<semaphore_mem>>) src(%dma_wait3A_2724 : memref<64x128xf32, #tpu.memory_space<hbm>>) dst(%dma_wait3A_2721 : memref<64x128xf32, #tpu.memory_space<vmem>>)
      %dma_wait3A_2725 = arith.constant 2 : i32
      %dma_wait3A_2726 = arith.constant 0 : i32
      %dma_wait3A_2727 = arith.constant 0 : i32
      %dma_wait3A_2728 = tpu.memref_slice %arg7[%dma_wait3A_2725, %dma_wait3A_2726, %dma_wait3A_2727] : memref<4x64x128xf32, #tpu.memory_space<vmem>> -> memref<1x64x128xf32, #tpu.memory_space<vmem>>
      %dma_wait3A_2729 = tpu.memref_squeeze %dma_wait3A_2728 : memref<1x64x128xf32, #tpu.memory_space<vmem>> -> memref<64x128xf32, #tpu.memory_space<vmem>>
      %dma_wait3A_2730 = arith.constant 0 : i32
      %dma_wait3A_2731 = arith.constant 0 : i32
      %dma_wait3A_2732 = tpu.memref_slice %arg2[%dma_wait3A_2730, %dma_wait3A_2731] : memref<64x1000000xf32, #tpu.memory_space<hbm>> -> memref<64x128xf32, #tpu.memory_space<hbm>>
      %dma_wait3A_2733 = arith.constant 0 : i32
      %dma_wait3A_2734 = arith.constant 0 : i32
      %dma_wait3A_2735 = tpu.memref_slice %arg7[%dma_wait3A_2725, %dma_wait3A_2733, %dma_wait3A_2734] : memref<4x64x128xf32, #tpu.memory_space<vmem>> -> memref<1x64x128xf32, #tpu.memory_space<vmem>>
      %dma_wait3A_2736 = tpu.memref_squeeze %dma_wait3A_2735 : memref<1x64x128xf32, #tpu.memory_space<vmem>> -> memref<64x128xf32, #tpu.memory_space<vmem>>
      %dma_wait3A_2737 = arith.constant 0 : i32
      %dma_wait3A_2738 = arith.constant 0 : i32
      %dma_wait3A_2739 = tpu.memref_slice %arg2[%dma_wait3A_2737, %dma_wait3A_2738] : memref<64x1000000xf32, #tpu.memory_space<hbm>> -> memref<64x128xf32, #tpu.memory_space<hbm>>
      tpu.wait_dma2 semaphore(%arg11 : memref<!tpu.dma_semaphore, #tpu.memory_space<semaphore_mem>>) src(%dma_wait3A_2739 : memref<64x128xf32, #tpu.memory_space<hbm>>) dst(%dma_wait3A_2736 : memref<64x128xf32, #tpu.memory_space<vmem>>)
      %dma_wait3A_2740 = arith.constant 3 : i32
      %dma_wait3A_2741 = arith.constant 0 : i32
      %dma_wait3A_2742 = arith.constant 0 : i32
      %dma_wait3A_2743 = tpu.memref_slice %arg7[%dma_wait3A_2740, %dma_wait3A_2741, %dma_wait3A_2742] : memref<4x64x128xf32, #tpu.memory_space<vmem>> -> memref<1x64x128xf32, #tpu.memory_space<vmem>>
      %dma_wait3A_2744 = tpu.memref_squeeze %dma_wait3A_2743 : memref<1x64x128xf32, #tpu.memory_space<vmem>> -> memref<64x128xf32, #tpu.memory_space<vmem>>
      %dma_wait3A_2745 = arith.constant 0 : i32
      %dma_wait3A_2746 = arith.constant 0 : i32
      %dma_wait3A_2747 = tpu.memref_slice %arg2[%dma_wait3A_2745, %dma_wait3A_2746] : memref<64x1000000xf32, #tpu.memory_space<hbm>> -> memref<64x128xf32, #tpu.memory_space<hbm>>
      %dma_wait3A_2748 = arith.constant 0 : i32
      %dma_wait3A_2749 = arith.constant 0 : i32
      %dma_wait3A_2750 = tpu.memref_slice %arg7[%dma_wait3A_2740, %dma_wait3A_2748, %dma_wait3A_2749] : memref<4x64x128xf32, #tpu.memory_space<vmem>> -> memref<1x64x128xf32, #tpu.memory_space<vmem>>
      %dma_wait3A_2751 = tpu.memref_squeeze %dma_wait3A_2750 : memref<1x64x128xf32, #tpu.memory_space<vmem>> -> memref<64x128xf32, #tpu.memory_space<vmem>>
      %dma_wait3A_2752 = arith.constant 0 : i32
      %dma_wait3A_2753 = arith.constant 0 : i32
      %dma_wait3A_2754 = tpu.memref_slice %arg2[%dma_wait3A_2752, %dma_wait3A_2753] : memref<64x1000000xf32, #tpu.memory_space<hbm>> -> memref<64x128xf32, #tpu.memory_space<hbm>>
      tpu.wait_dma2 semaphore(%arg11 : memref<!tpu.dma_semaphore, #tpu.memory_space<semaphore_mem>>) src(%dma_wait3A_2754 : memref<64x128xf32, #tpu.memory_space<hbm>>) dst(%dma_wait3A_2751 : memref<64x128xf32, #tpu.memory_space<vmem>>)
      %and3A_2755 = arith.constant 127 : i32
      %and3A_2756 = arith.andi %squeeze3A_16, %and3A_2755 : i32
      %broadcast_in_dim3A_2757 = vector.broadcast %and3A_2756 : i32 to vector<16xi32>
      %broadcast_in_dim3A_2758 = arith.constant 4 : i32
      %broadcast_in_dim3A_2759 = vector.broadcast %broadcast_in_dim3A_2758 : i32 to vector<16xi32>
      %broadcast_in_dim3A_2760 = arith.constant 0 : i32
      %broadcast_in_dim3A_2761 = vector.broadcast %broadcast_in_dim3A_2760 : i32 to vector<16xi32>
      %add3A_2762 = arith.constant 0 : i32
      %add3A_2763 = vector.broadcast %add3A_2762 : i32 to vector<16xi32>
      %add3A_2764 = arith.addi %iota3A, %add3A_2763 : vector<16xi32>
      %gather3A_2765 = tpu.vector_load_idx %arg7[%broadcast_in_dim3A_2761, %add3A_2764, %broadcast_in_dim3A_2757] : memref<4x64x128xf32, #tpu.memory_space<vmem>>[vector<16xi32>, vector<16xi32>, vector<16xi32>], vector<16xf32>,
      tpu.vector_store_idx %arg9[%broadcast_in_dim3A_2759, %add3A_2764], %gather3A_2765 : memref<16x64xf32, #tpu.memory_space<vmem>>[vector<16xi32>, vector<16xi32>], vector<16xf32>,
      %add3A_2766 = arith.constant 16 : i32
      %add3A_2767 = vector.broadcast %add3A_2766 : i32 to vector<16xi32>
      %add3A_2768 = arith.addi %iota3A, %add3A_2767 : vector<16xi32>
      %gather3A_2769 = tpu.vector_load_idx %arg7[%broadcast_in_dim3A_2761, %add3A_2768, %broadcast_in_dim3A_2757] : memref<4x64x128xf32, #tpu.memory_space<vmem>>[vector<16xi32>, vector<16xi32>, vector<16xi32>], vector<16xf32>,
      tpu.vector_store_idx %arg9[%broadcast_in_dim3A_2759, %add3A_2768], %gather3A_2769 : memref<16x64xf32, #tpu.memory_space<vmem>>[vector<16xi32>, vector<16xi32>], vector<16xf32>,
      %add3A_2770 = arith.constant 32 : i32
      %add3A_2771 = vector.broadcast %add3A_2770 : i32 to vector<16xi32>
      %add3A_2772 = arith.addi %iota3A, %add3A_2771 : vector<16xi32>
      %gather3A_2773 = tpu.vector_load_idx %arg7[%broadcast_in_dim3A_2761, %add3A_2772, %broadcast_in_dim3A_2757] : memref<4x64x128xf32, #tpu.memory_space<vmem>>[vector<16xi32>, vector<16xi32>, vector<16xi32>], vector<16xf32>,
      tpu.vector_store_idx %arg9[%broadcast_in_dim3A_2759, %add3A_2772], %gather3A_2773 : memref<16x64xf32, #tpu.memory_space<vmem>>[vector<16xi32>, vector<16xi32>], vector<16xf32>,
      %add3A_2774 = arith.constant 48 : i32
      %add3A_2775 = vector.broadcast %add3A_2774 : i32 to vector<16xi32>
      %add3A_2776 = arith.addi %iota3A, %add3A_2775 : vector<16xi32>
      %gather3A_2777 = tpu.vector_load_idx %arg7[%broadcast_in_dim3A_2761, %add3A_2776, %broadcast_in_dim3A_2757] : memref<4x64x128xf32, #tpu.memory_space<vmem>>[vector<16xi32>, vector<16xi32>, vector<16xi32>], vector<16xf32>,
      tpu.vector_store_idx %arg9[%broadcast_in_dim3A_2759, %add3A_2776], %gather3A_2777 : memref<16x64xf32, #tpu.memory_space<vmem>>[vector<16xi32>, vector<16xi32>], vector<16xf32>,
      %and3A_2778 = arith.constant 127 : i32
      %and3A_2779 = arith.andi %squeeze3A_18, %and3A_2778 : i32
      %broadcast_in_dim3A_2780 = vector.broadcast %and3A_2779 : i32 to vector<16xi32>
      %broadcast_in_dim3A_2781 = arith.constant 5 : i32
      %broadcast_in_dim3A_2782 = vector.broadcast %broadcast_in_dim3A_2781 : i32 to vector<16xi32>
      %broadcast_in_dim3A_2783 = arith.constant 1 : i32
      %broadcast_in_dim3A_2784 = vector.broadcast %broadcast_in_dim3A_2783 : i32 to vector<16xi32>
      %add3A_2785 = arith.constant 0 : i32
      %add3A_2786 = vector.broadcast %add3A_2785 : i32 to vector<16xi32>
      %add3A_2787 = arith.addi %iota3A, %add3A_2786 : vector<16xi32>
      %gather3A_2788 = tpu.vector_load_idx %arg7[%broadcast_in_dim3A_2784, %add3A_2787, %broadcast_in_dim3A_2780] : memref<4x64x128xf32, #tpu.memory_space<vmem>>[vector<16xi32>, vector<16xi32>, vector<16xi32>], vector<16xf32>,
      tpu.vector_store_idx %arg9[%broadcast_in_dim3A_2782, %add3A_2787], %gather3A_2788 : memref<16x64xf32, #tpu.memory_space<vmem>>[vector<16xi32>, vector<16xi32>], vector<16xf32>,
      %add3A_2789 = arith.constant 16 : i32
      %add3A_2790 = vector.broadcast %add3A_2789 : i32 to vector<16xi32>
      %add3A_2791 = arith.addi %iota3A, %add3A_2790 : vector<16xi32>
      %gather3A_2792 = tpu.vector_load_idx %arg7[%broadcast_in_dim3A_2784, %add3A_2791, %broadcast_in_dim3A_2780] : memref<4x64x128xf32, #tpu.memory_space<vmem>>[vector<16xi32>, vector<16xi32>, vector<16xi32>], vector<16xf32>,
      tpu.vector_store_idx %arg9[%broadcast_in_dim3A_2782, %add3A_2791], %gather3A_2792 : memref<16x64xf32, #tpu.memory_space<vmem>>[vector<16xi32>, vector<16xi32>], vector<16xf32>,
      %add3A_2793 = arith.constant 32 : i32
      %add3A_2794 = vector.broadcast %add3A_2793 : i32 to vector<16xi32>
      %add3A_2795 = arith.addi %iota3A, %add3A_2794 : vector<16xi32>
      %gather3A_2796 = tpu.vector_load_idx %arg7[%broadcast_in_dim3A_2784, %add3A_2795, %broadcast_in_dim3A_2780] : memref<4x64x128xf32, #tpu.memory_space<vmem>>[vector<16xi32>, vector<16xi32>, vector<16xi32>], vector<16xf32>,
      tpu.vector_store_idx %arg9[%broadcast_in_dim3A_2782, %add3A_2795], %gather3A_2796 : memref<16x64xf32, #tpu.memory_space<vmem>>[vector<16xi32>, vector<16xi32>], vector<16xf32>,
      %add3A_2797 = arith.constant 48 : i32
      %add3A_2798 = vector.broadcast %add3A_2797 : i32 to vector<16xi32>
      %add3A_2799 = arith.addi %iota3A, %add3A_2798 : vector<16xi32>
      %gather3A_2800 = tpu.vector_load_idx %arg7[%broadcast_in_dim3A_2784, %add3A_2799, %broadcast_in_dim3A_2780] : memref<4x64x128xf32, #tpu.memory_space<vmem>>[vector<16xi32>, vector<16xi32>, vector<16xi32>], vector<16xf32>,
      tpu.vector_store_idx %arg9[%broadcast_in_dim3A_2782, %add3A_2799], %gather3A_2800 : memref<16x64xf32, #tpu.memory_space<vmem>>[vector<16xi32>, vector<16xi32>], vector<16xf32>,
      %and3A_2801 = arith.constant 127 : i32
      %and3A_2802 = arith.andi %squeeze3A_20, %and3A_2801 : i32
      %broadcast_in_dim3A_2803 = vector.broadcast %and3A_2802 : i32 to vector<16xi32>
      %broadcast_in_dim3A_2804 = arith.constant 6 : i32
      %broadcast_in_dim3A_2805 = vector.broadcast %broadcast_in_dim3A_2804 : i32 to vector<16xi32>
      %broadcast_in_dim3A_2806 = arith.constant 2 : i32
      %broadcast_in_dim3A_2807 = vector.broadcast %broadcast_in_dim3A_2806 : i32 to vector<16xi32>
      %add3A_2808 = arith.constant 0 : i32
      %add3A_2809 = vector.broadcast %add3A_2808 : i32 to vector<16xi32>
      %add3A_2810 = arith.addi %iota3A, %add3A_2809 : vector<16xi32>
      %gather3A_2811 = tpu.vector_load_idx %arg7[%broadcast_in_dim3A_2807, %add3A_2810, %broadcast_in_dim3A_2803] : memref<4x64x128xf32, #tpu.memory_space<vmem>>[vector<16xi32>, vector<16xi32>, vector<16xi32>], vector<16xf32>,
      tpu.vector_store_idx %arg9[%broadcast_in_dim3A_2805, %add3A_2810], %gather3A_2811 : memref<16x64xf32, #tpu.memory_space<vmem>>[vector<16xi32>, vector<16xi32>], vector<16xf32>,
      %add3A_2812 = arith.constant 16 : i32
      %add3A_2813 = vector.broadcast %add3A_2812 : i32 to vector<16xi32>
      %add3A_2814 = arith.addi %iota3A, %add3A_2813 : vector<16xi32>
      %gather3A_2815 = tpu.vector_load_idx %arg7[%broadcast_in_dim3A_2807, %add3A_2814, %broadcast_in_dim3A_2803] : memref<4x64x128xf32, #tpu.memory_space<vmem>>[vector<16xi32>, vector<16xi32>, vector<16xi32>], vector<16xf32>,
      tpu.vector_store_idx %arg9[%broadcast_in_dim3A_2805, %add3A_2814], %gather3A_2815 : memref<16x64xf32, #tpu.memory_space<vmem>>[vector<16xi32>, vector<16xi32>], vector<16xf32>,
      %add3A_2816 = arith.constant 32 : i32
      %add3A_2817 = vector.broadcast %add3A_2816 : i32 to vector<16xi32>
      %add3A_2818 = arith.addi %iota3A, %add3A_2817 : vector<16xi32>
      %gather3A_2819 = tpu.vector_load_idx %arg7[%broadcast_in_dim3A_2807, %add3A_2818, %broadcast_in_dim3A_2803] : memref<4x64x128xf32, #tpu.memory_space<vmem>>[vector<16xi32>, vector<16xi32>, vector<16xi32>], vector<16xf32>,
      tpu.vector_store_idx %arg9[%broadcast_in_dim3A_2805, %add3A_2818], %gather3A_2819 : memref<16x64xf32, #tpu.memory_space<vmem>>[vector<16xi32>, vector<16xi32>], vector<16xf32>,
      %add3A_2820 = arith.constant 48 : i32
      %add3A_2821 = vector.broadcast %add3A_2820 : i32 to vector<16xi32>
      %add3A_2822 = arith.addi %iota3A, %add3A_2821 : vector<16xi32>
      %gather3A_2823 = tpu.vector_load_idx %arg7[%broadcast_in_dim3A_2807, %add3A_2822, %broadcast_in_dim3A_2803] : memref<4x64x128xf32, #tpu.memory_space<vmem>>[vector<16xi32>, vector<16xi32>, vector<16xi32>], vector<16xf32>,
      tpu.vector_store_idx %arg9[%broadcast_in_dim3A_2805, %add3A_2822], %gather3A_2823 : memref<16x64xf32, #tpu.memory_space<vmem>>[vector<16xi32>, vector<16xi32>], vector<16xf32>,
      %and3A_2824 = arith.constant 127 : i32
      %and3A_2825 = arith.andi %squeeze3A_22, %and3A_2824 : i32
      %broadcast_in_dim3A_2826 = vector.broadcast %and3A_2825 : i32 to vector<16xi32>
      %broadcast_in_dim3A_2827 = arith.constant 7 : i32
      %broadcast_in_dim3A_2828 = vector.broadcast %broadcast_in_dim3A_2827 : i32 to vector<16xi32>
      %broadcast_in_dim3A_2829 = arith.constant 3 : i32
      %broadcast_in_dim3A_2830 = vector.broadcast %broadcast_in_dim3A_2829 : i32 to vector<16xi32>
      %add3A_2831 = arith.constant 0 : i32
      %add3A_2832 = vector.broadcast %add3A_2831 : i32 to vector<16xi32>
      %add3A_2833 = arith.addi %iota3A, %add3A_2832 : vector<16xi32>
      %gather3A_2834 = tpu.vector_load_idx %arg7[%broadcast_in_dim3A_2830, %add3A_2833, %broadcast_in_dim3A_2826] : memref<4x64x128xf32, #tpu.memory_space<vmem>>[vector<16xi32>, vector<16xi32>, vector<16xi32>], vector<16xf32>,
      tpu.vector_store_idx %arg9[%broadcast_in_dim3A_2828, %add3A_2833], %gather3A_2834 : memref<16x64xf32, #tpu.memory_space<vmem>>[vector<16xi32>, vector<16xi32>], vector<16xf32>,
      %add3A_2835 = arith.constant 16 : i32
      %add3A_2836 = vector.broadcast %add3A_2835 : i32 to vector<16xi32>
      %add3A_2837 = arith.addi %iota3A, %add3A_2836 : vector<16xi32>
      %gather3A_2838 = tpu.vector_load_idx %arg7[%broadcast_in_dim3A_2830, %add3A_2837, %broadcast_in_dim3A_2826] : memref<4x64x128xf32, #tpu.memory_space<vmem>>[vector<16xi32>, vector<16xi32>, vector<16xi32>], vector<16xf32>,
      tpu.vector_store_idx %arg9[%broadcast_in_dim3A_2828, %add3A_2837], %gather3A_2838 : memref<16x64xf32, #tpu.memory_space<vmem>>[vector<16xi32>, vector<16xi32>], vector<16xf32>,
      %add3A_2839 = arith.constant 32 : i32
      %add3A_2840 = vector.broadcast %add3A_2839 : i32 to vector<16xi32>
      %add3A_2841 = arith.addi %iota3A, %add3A_2840 : vector<16xi32>
      %gather3A_2842 = tpu.vector_load_idx %arg7[%broadcast_in_dim3A_2830, %add3A_2841, %broadcast_in_dim3A_2826] : memref<4x64x128xf32, #tpu.memory_space<vmem>>[vector<16xi32>, vector<16xi32>, vector<16xi32>], vector<16xf32>,
      tpu.vector_store_idx %arg9[%broadcast_in_dim3A_2828, %add3A_2841], %gather3A_2842 : memref<16x64xf32, #tpu.memory_space<vmem>>[vector<16xi32>, vector<16xi32>], vector<16xf32>,
      %add3A_2843 = arith.constant 48 : i32
      %add3A_2844 = vector.broadcast %add3A_2843 : i32 to vector<16xi32>
      %add3A_2845 = arith.addi %iota3A, %add3A_2844 : vector<16xi32>
      %gather3A_2846 = tpu.vector_load_idx %arg7[%broadcast_in_dim3A_2830, %add3A_2845, %broadcast_in_dim3A_2826] : memref<4x64x128xf32, #tpu.memory_space<vmem>>[vector<16xi32>, vector<16xi32>, vector<16xi32>], vector<16xf32>,
      tpu.vector_store_idx %arg9[%broadcast_in_dim3A_2828, %add3A_2845], %gather3A_2846 : memref<16x64xf32, #tpu.memory_space<vmem>>[vector<16xi32>, vector<16xi32>], vector<16xf32>,
      %dma_wait3A_2847 = arith.constant 0 : i32
      %dma_wait3A_2848 = arith.constant 0 : i32
      %dma_wait3A_2849 = arith.constant 0 : i32
      %dma_wait3A_2850 = tpu.memref_slice %arg8[%dma_wait3A_2847, %dma_wait3A_2848, %dma_wait3A_2849] : memref<4x64x128xf32, #tpu.memory_space<vmem>> -> memref<1x64x128xf32, #tpu.memory_space<vmem>>
      %dma_wait3A_2851 = tpu.memref_squeeze %dma_wait3A_2850 : memref<1x64x128xf32, #tpu.memory_space<vmem>> -> memref<64x128xf32, #tpu.memory_space<vmem>>
      %dma_wait3A_2852 = arith.constant 0 : i32
      %dma_wait3A_2853 = arith.constant 0 : i32
      %dma_wait3A_2854 = tpu.memref_slice %arg2[%dma_wait3A_2852, %dma_wait3A_2853] : memref<64x1000000xf32, #tpu.memory_space<hbm>> -> memref<64x128xf32, #tpu.memory_space<hbm>>
      %dma_wait3A_2855 = arith.constant 0 : i32
      %dma_wait3A_2856 = arith.constant 0 : i32
      %dma_wait3A_2857 = tpu.memref_slice %arg8[%dma_wait3A_2847, %dma_wait3A_2855, %dma_wait3A_2856] : memref<4x64x128xf32, #tpu.memory_space<vmem>> -> memref<1x64x128xf32, #tpu.memory_space<vmem>>
      %dma_wait3A_2858 = tpu.memref_squeeze %dma_wait3A_2857 : memref<1x64x128xf32, #tpu.memory_space<vmem>> -> memref<64x128xf32, #tpu.memory_space<vmem>>
      %dma_wait3A_2859 = arith.constant 0 : i32
      %dma_wait3A_2860 = arith.constant 0 : i32
      %dma_wait3A_2861 = tpu.memref_slice %arg2[%dma_wait3A_2859, %dma_wait3A_2860] : memref<64x1000000xf32, #tpu.memory_space<hbm>> -> memref<64x128xf32, #tpu.memory_space<hbm>>
      tpu.wait_dma2 semaphore(%arg12 : memref<!tpu.dma_semaphore, #tpu.memory_space<semaphore_mem>>) src(%dma_wait3A_2861 : memref<64x128xf32, #tpu.memory_space<hbm>>) dst(%dma_wait3A_2858 : memref<64x128xf32, #tpu.memory_space<vmem>>)
      %dma_wait3A_2862 = arith.constant 1 : i32
      %dma_wait3A_2863 = arith.constant 0 : i32
      %dma_wait3A_2864 = arith.constant 0 : i32
      %dma_wait3A_2865 = tpu.memref_slice %arg8[%dma_wait3A_2862, %dma_wait3A_2863, %dma_wait3A_2864] : memref<4x64x128xf32, #tpu.memory_space<vmem>> -> memref<1x64x128xf32, #tpu.memory_space<vmem>>
      %dma_wait3A_2866 = tpu.memref_squeeze %dma_wait3A_2865 : memref<1x64x128xf32, #tpu.memory_space<vmem>> -> memref<64x128xf32, #tpu.memory_space<vmem>>
      %dma_wait3A_2867 = arith.constant 0 : i32
      %dma_wait3A_2868 = arith.constant 0 : i32
      %dma_wait3A_2869 = tpu.memref_slice %arg2[%dma_wait3A_2867, %dma_wait3A_2868] : memref<64x1000000xf32, #tpu.memory_space<hbm>> -> memref<64x128xf32, #tpu.memory_space<hbm>>
      %dma_wait3A_2870 = arith.constant 0 : i32
      %dma_wait3A_2871 = arith.constant 0 : i32
      %dma_wait3A_2872 = tpu.memref_slice %arg8[%dma_wait3A_2862, %dma_wait3A_2870, %dma_wait3A_2871] : memref<4x64x128xf32, #tpu.memory_space<vmem>> -> memref<1x64x128xf32, #tpu.memory_space<vmem>>
      %dma_wait3A_2873 = tpu.memref_squeeze %dma_wait3A_2872 : memref<1x64x128xf32, #tpu.memory_space<vmem>> -> memref<64x128xf32, #tpu.memory_space<vmem>>
      %dma_wait3A_2874 = arith.constant 0 : i32
      %dma_wait3A_2875 = arith.constant 0 : i32
      %dma_wait3A_2876 = tpu.memref_slice %arg2[%dma_wait3A_2874, %dma_wait3A_2875] : memref<64x1000000xf32, #tpu.memory_space<hbm>> -> memref<64x128xf32, #tpu.memory_space<hbm>>
      tpu.wait_dma2 semaphore(%arg12 : memref<!tpu.dma_semaphore, #tpu.memory_space<semaphore_mem>>) src(%dma_wait3A_2876 : memref<64x128xf32, #tpu.memory_space<hbm>>) dst(%dma_wait3A_2873 : memref<64x128xf32, #tpu.memory_space<vmem>>)
      %dma_wait3A_2877 = arith.constant 2 : i32
      %dma_wait3A_2878 = arith.constant 0 : i32
      %dma_wait3A_2879 = arith.constant 0 : i32
      %dma_wait3A_2880 = tpu.memref_slice %arg8[%dma_wait3A_2877, %dma_wait3A_2878, %dma_wait3A_2879] : memref<4x64x128xf32, #tpu.memory_space<vmem>> -> memref<1x64x128xf32, #tpu.memory_space<vmem>>
      %dma_wait3A_2881 = tpu.memref_squeeze %dma_wait3A_2880 : memref<1x64x128xf32, #tpu.memory_space<vmem>> -> memref<64x128xf32, #tpu.memory_space<vmem>>
      %dma_wait3A_2882 = arith.constant 0 : i32
      %dma_wait3A_2883 = arith.constant 0 : i32
      %dma_wait3A_2884 = tpu.memref_slice %arg2[%dma_wait3A_2882, %dma_wait3A_2883] : memref<64x1000000xf32, #tpu.memory_space<hbm>> -> memref<64x128xf32, #tpu.memory_space<hbm>>
      %dma_wait3A_2885 = arith.constant 0 : i32
      %dma_wait3A_2886 = arith.constant 0 : i32
      %dma_wait3A_2887 = tpu.memref_slice %arg8[%dma_wait3A_2877, %dma_wait3A_2885, %dma_wait3A_2886] : memref<4x64x128xf32, #tpu.memory_space<vmem>> -> memref<1x64x128xf32, #tpu.memory_space<vmem>>
      %dma_wait3A_2888 = tpu.memref_squeeze %dma_wait3A_2887 : memref<1x64x128xf32, #tpu.memory_space<vmem>> -> memref<64x128xf32, #tpu.memory_space<vmem>>
      %dma_wait3A_2889 = arith.constant 0 : i32
      %dma_wait3A_2890 = arith.constant 0 : i32
      %dma_wait3A_2891 = tpu.memref_slice %arg2[%dma_wait3A_2889, %dma_wait3A_2890] : memref<64x1000000xf32, #tpu.memory_space<hbm>> -> memref<64x128xf32, #tpu.memory_space<hbm>>
      tpu.wait_dma2 semaphore(%arg12 : memref<!tpu.dma_semaphore, #tpu.memory_space<semaphore_mem>>) src(%dma_wait3A_2891 : memref<64x128xf32, #tpu.memory_space<hbm>>) dst(%dma_wait3A_2888 : memref<64x128xf32, #tpu.memory_space<vmem>>)
      %dma_wait3A_2892 = arith.constant 3 : i32
      %dma_wait3A_2893 = arith.constant 0 : i32
      %dma_wait3A_2894 = arith.constant 0 : i32
      %dma_wait3A_2895 = tpu.memref_slice %arg8[%dma_wait3A_2892, %dma_wait3A_2893, %dma_wait3A_2894] : memref<4x64x128xf32, #tpu.memory_space<vmem>> -> memref<1x64x128xf32, #tpu.memory_space<vmem>>
      %dma_wait3A_2896 = tpu.memref_squeeze %dma_wait3A_2895 : memref<1x64x128xf32, #tpu.memory_space<vmem>> -> memref<64x128xf32, #tpu.memory_space<vmem>>
      %dma_wait3A_2897 = arith.constant 0 : i32
      %dma_wait3A_2898 = arith.constant 0 : i32
      %dma_wait3A_2899 = tpu.memref_slice %arg2[%dma_wait3A_2897, %dma_wait3A_2898] : memref<64x1000000xf32, #tpu.memory_space<hbm>> -> memref<64x128xf32, #tpu.memory_space<hbm>>
      %dma_wait3A_2900 = arith.constant 0 : i32
      %dma_wait3A_2901 = arith.constant 0 : i32
      %dma_wait3A_2902 = tpu.memref_slice %arg8[%dma_wait3A_2892, %dma_wait3A_2900, %dma_wait3A_2901] : memref<4x64x128xf32, #tpu.memory_space<vmem>> -> memref<1x64x128xf32, #tpu.memory_space<vmem>>
      %dma_wait3A_2903 = tpu.memref_squeeze %dma_wait3A_2902 : memref<1x64x128xf32, #tpu.memory_space<vmem>> -> memref<64x128xf32, #tpu.memory_space<vmem>>
      %dma_wait3A_2904 = arith.constant 0 : i32
      %dma_wait3A_2905 = arith.constant 0 : i32
      %dma_wait3A_2906 = tpu.memref_slice %arg2[%dma_wait3A_2904, %dma_wait3A_2905] : memref<64x1000000xf32, #tpu.memory_space<hbm>> -> memref<64x128xf32, #tpu.memory_space<hbm>>
      tpu.wait_dma2 semaphore(%arg12 : memref<!tpu.dma_semaphore, #tpu.memory_space<semaphore_mem>>) src(%dma_wait3A_2906 : memref<64x128xf32, #tpu.memory_space<hbm>>) dst(%dma_wait3A_2903 : memref<64x128xf32, #tpu.memory_space<vmem>>)
      %and3A_2907 = arith.constant 127 : i32
      %and3A_2908 = arith.andi %squeeze3A_24, %and3A_2907 : i32
      %broadcast_in_dim3A_2909 = vector.broadcast %and3A_2908 : i32 to vector<16xi32>
      %broadcast_in_dim3A_2910 = arith.constant 8 : i32
      %broadcast_in_dim3A_2911 = vector.broadcast %broadcast_in_dim3A_2910 : i32 to vector<16xi32>
      %broadcast_in_dim3A_2912 = arith.constant 0 : i32
      %broadcast_in_dim3A_2913 = vector.broadcast %broadcast_in_dim3A_2912 : i32 to vector<16xi32>
      %add3A_2914 = arith.constant 0 : i32
      %add3A_2915 = vector.broadcast %add3A_2914 : i32 to vector<16xi32>
      %add3A_2916 = arith.addi %iota3A, %add3A_2915 : vector<16xi32>
      %gather3A_2917 = tpu.vector_load_idx %arg8[%broadcast_in_dim3A_2913, %add3A_2916, %broadcast_in_dim3A_2909] : memref<4x64x128xf32, #tpu.memory_space<vmem>>[vector<16xi32>, vector<16xi32>, vector<16xi32>], vector<16xf32>,
      tpu.vector_store_idx %arg9[%broadcast_in_dim3A_2911, %add3A_2916], %gather3A_2917 : memref<16x64xf32, #tpu.memory_space<vmem>>[vector<16xi32>, vector<16xi32>], vector<16xf32>,
      %add3A_2918 = arith.constant 16 : i32
      %add3A_2919 = vector.broadcast %add3A_2918 : i32 to vector<16xi32>
      %add3A_2920 = arith.addi %iota3A, %add3A_2919 : vector<16xi32>
      %gather3A_2921 = tpu.vector_load_idx %arg8[%broadcast_in_dim3A_2913, %add3A_2920, %broadcast_in_dim3A_2909] : memref<4x64x128xf32, #tpu.memory_space<vmem>>[vector<16xi32>, vector<16xi32>, vector<16xi32>], vector<16xf32>,
      tpu.vector_store_idx %arg9[%broadcast_in_dim3A_2911, %add3A_2920], %gather3A_2921 : memref<16x64xf32, #tpu.memory_space<vmem>>[vector<16xi32>, vector<16xi32>], vector<16xf32>,
      %add3A_2922 = arith.constant 32 : i32
      %add3A_2923 = vector.broadcast %add3A_2922 : i32 to vector<16xi32>
      %add3A_2924 = arith.addi %iota3A, %add3A_2923 : vector<16xi32>
      %gather3A_2925 = tpu.vector_load_idx %arg8[%broadcast_in_dim3A_2913, %add3A_2924, %broadcast_in_dim3A_2909] : memref<4x64x128xf32, #tpu.memory_space<vmem>>[vector<16xi32>, vector<16xi32>, vector<16xi32>], vector<16xf32>,
      tpu.vector_store_idx %arg9[%broadcast_in_dim3A_2911, %add3A_2924], %gather3A_2925 : memref<16x64xf32, #tpu.memory_space<vmem>>[vector<16xi32>, vector<16xi32>], vector<16xf32>,
      %add3A_2926 = arith.constant 48 : i32
      %add3A_2927 = vector.broadcast %add3A_2926 : i32 to vector<16xi32>
      %add3A_2928 = arith.addi %iota3A, %add3A_2927 : vector<16xi32>
      %gather3A_2929 = tpu.vector_load_idx %arg8[%broadcast_in_dim3A_2913, %add3A_2928, %broadcast_in_dim3A_2909] : memref<4x64x128xf32, #tpu.memory_space<vmem>>[vector<16xi32>, vector<16xi32>, vector<16xi32>], vector<16xf32>,
      tpu.vector_store_idx %arg9[%broadcast_in_dim3A_2911, %add3A_2928], %gather3A_2929 : memref<16x64xf32, #tpu.memory_space<vmem>>[vector<16xi32>, vector<16xi32>], vector<16xf32>,
      %and3A_2930 = arith.constant 127 : i32
      %and3A_2931 = arith.andi %squeeze3A_26, %and3A_2930 : i32
      %broadcast_in_dim3A_2932 = vector.broadcast %and3A_2931 : i32 to vector<16xi32>
      %broadcast_in_dim3A_2933 = arith.constant 9 : i32
      %broadcast_in_dim3A_2934 = vector.broadcast %broadcast_in_dim3A_2933 : i32 to vector<16xi32>
      %broadcast_in_dim3A_2935 = arith.constant 1 : i32
      %broadcast_in_dim3A_2936 = vector.broadcast %broadcast_in_dim3A_2935 : i32 to vector<16xi32>
      %add3A_2937 = arith.constant 0 : i32
      %add3A_2938 = vector.broadcast %add3A_2937 : i32 to vector<16xi32>
      %add3A_2939 = arith.addi %iota3A, %add3A_2938 : vector<16xi32>
      %gather3A_2940 = tpu.vector_load_idx %arg8[%broadcast_in_dim3A_2936, %add3A_2939, %broadcast_in_dim3A_2932] : memref<4x64x128xf32, #tpu.memory_space<vmem>>[vector<16xi32>, vector<16xi32>, vector<16xi32>], vector<16xf32>,
      tpu.vector_store_idx %arg9[%broadcast_in_dim3A_2934, %add3A_2939], %gather3A_2940 : memref<16x64xf32, #tpu.memory_space<vmem>>[vector<16xi32>, vector<16xi32>], vector<16xf32>,
      %add3A_2941 = arith.constant 16 : i32
      %add3A_2942 = vector.broadcast %add3A_2941 : i32 to vector<16xi32>
      %add3A_2943 = arith.addi %iota3A, %add3A_2942 : vector<16xi32>
      %gather3A_2944 = tpu.vector_load_idx %arg8[%broadcast_in_dim3A_2936, %add3A_2943, %broadcast_in_dim3A_2932] : memref<4x64x128xf32, #tpu.memory_space<vmem>>[vector<16xi32>, vector<16xi32>, vector<16xi32>], vector<16xf32>,
      tpu.vector_store_idx %arg9[%broadcast_in_dim3A_2934, %add3A_2943], %gather3A_2944 : memref<16x64xf32, #tpu.memory_space<vmem>>[vector<16xi32>, vector<16xi32>], vector<16xf32>,
      %add3A_2945 = arith.constant 32 : i32
      %add3A_2946 = vector.broadcast %add3A_2945 : i32 to vector<16xi32>
      %add3A_2947 = arith.addi %iota3A, %add3A_2946 : vector<16xi32>
      %gather3A_2948 = tpu.vector_load_idx %arg8[%broadcast_in_dim3A_2936, %add3A_2947, %broadcast_in_dim3A_2932] : memref<4x64x128xf32, #tpu.memory_space<vmem>>[vector<16xi32>, vector<16xi32>, vector<16xi32>], vector<16xf32>,
      tpu.vector_store_idx %arg9[%broadcast_in_dim3A_2934, %add3A_2947], %gather3A_2948 : memref<16x64xf32, #tpu.memory_space<vmem>>[vector<16xi32>, vector<16xi32>], vector<16xf32>,
      %add3A_2949 = arith.constant 48 : i32
      %add3A_2950 = vector.broadcast %add3A_2949 : i32 to vector<16xi32>
      %add3A_2951 = arith.addi %iota3A, %add3A_2950 : vector<16xi32>
      %gather3A_2952 = tpu.vector_load_idx %arg8[%broadcast_in_dim3A_2936, %add3A_2951, %broadcast_in_dim3A_2932] : memref<4x64x128xf32, #tpu.memory_space<vmem>>[vector<16xi32>, vector<16xi32>, vector<16xi32>], vector<16xf32>,
      tpu.vector_store_idx %arg9[%broadcast_in_dim3A_2934, %add3A_2951], %gather3A_2952 : memref<16x64xf32, #tpu.memory_space<vmem>>[vector<16xi32>, vector<16xi32>], vector<16xf32>,
      %and3A_2953 = arith.constant 127 : i32
      %and3A_2954 = arith.andi %squeeze3A_28, %and3A_2953 : i32
      %broadcast_in_dim3A_2955 = vector.broadcast %and3A_2954 : i32 to vector<16xi32>
      %broadcast_in_dim3A_2956 = arith.constant 10 : i32
      %broadcast_in_dim3A_2957 = vector.broadcast %broadcast_in_dim3A_2956 : i32 to vector<16xi32>
      %broadcast_in_dim3A_2958 = arith.constant 2 : i32
      %broadcast_in_dim3A_2959 = vector.broadcast %broadcast_in_dim3A_2958 : i32 to vector<16xi32>
      %add3A_2960 = arith.constant 0 : i32
      %add3A_2961 = vector.broadcast %add3A_2960 : i32 to vector<16xi32>
      %add3A_2962 = arith.addi %iota3A, %add3A_2961 : vector<16xi32>
      %gather3A_2963 = tpu.vector_load_idx %arg8[%broadcast_in_dim3A_2959, %add3A_2962, %broadcast_in_dim3A_2955] : memref<4x64x128xf32, #tpu.memory_space<vmem>>[vector<16xi32>, vector<16xi32>, vector<16xi32>], vector<16xf32>,
      tpu.vector_store_idx %arg9[%broadcast_in_dim3A_2957, %add3A_2962], %gather3A_2963 : memref<16x64xf32, #tpu.memory_space<vmem>>[vector<16xi32>, vector<16xi32>], vector<16xf32>,
      %add3A_2964 = arith.constant 16 : i32
      %add3A_2965 = vector.broadcast %add3A_2964 : i32 to vector<16xi32>
      %add3A_2966 = arith.addi %iota3A, %add3A_2965 : vector<16xi32>
      %gather3A_2967 = tpu.vector_load_idx %arg8[%broadcast_in_dim3A_2959, %add3A_2966, %broadcast_in_dim3A_2955] : memref<4x64x128xf32, #tpu.memory_space<vmem>>[vector<16xi32>, vector<16xi32>, vector<16xi32>], vector<16xf32>,
      tpu.vector_store_idx %arg9[%broadcast_in_dim3A_2957, %add3A_2966], %gather3A_2967 : memref<16x64xf32, #tpu.memory_space<vmem>>[vector<16xi32>, vector<16xi32>], vector<16xf32>,
      %add3A_2968 = arith.constant 32 : i32
      %add3A_2969 = vector.broadcast %add3A_2968 : i32 to vector<16xi32>
      %add3A_2970 = arith.addi %iota3A, %add3A_2969 : vector<16xi32>
      %gather3A_2971 = tpu.vector_load_idx %arg8[%broadcast_in_dim3A_2959, %add3A_2970, %broadcast_in_dim3A_2955] : memref<4x64x128xf32, #tpu.memory_space<vmem>>[vector<16xi32>, vector<16xi32>, vector<16xi32>], vector<16xf32>,
      tpu.vector_store_idx %arg9[%broadcast_in_dim3A_2957, %add3A_2970], %gather3A_2971 : memref<16x64xf32, #tpu.memory_space<vmem>>[vector<16xi32>, vector<16xi32>], vector<16xf32>,
      %add3A_2972 = arith.constant 48 : i32
      %add3A_2973 = vector.broadcast %add3A_2972 : i32 to vector<16xi32>
      %add3A_2974 = arith.addi %iota3A, %add3A_2973 : vector<16xi32>
      %gather3A_2975 = tpu.vector_load_idx %arg8[%broadcast_in_dim3A_2959, %add3A_2974, %broadcast_in_dim3A_2955] : memref<4x64x128xf32, #tpu.memory_space<vmem>>[vector<16xi32>, vector<16xi32>, vector<16xi32>], vector<16xf32>,
      tpu.vector_store_idx %arg9[%broadcast_in_dim3A_2957, %add3A_2974], %gather3A_2975 : memref<16x64xf32, #tpu.memory_space<vmem>>[vector<16xi32>, vector<16xi32>], vector<16xf32>,
      %and3A_2976 = arith.constant 127 : i32
      %and3A_2977 = arith.andi %squeeze3A_30, %and3A_2976 : i32
      %broadcast_in_dim3A_2978 = vector.broadcast %and3A_2977 : i32 to vector<16xi32>
      %broadcast_in_dim3A_2979 = arith.constant 11 : i32
      %broadcast_in_dim3A_2980 = vector.broadcast %broadcast_in_dim3A_2979 : i32 to vector<16xi32>
      %broadcast_in_dim3A_2981 = arith.constant 3 : i32
      %broadcast_in_dim3A_2982 = vector.broadcast %broadcast_in_dim3A_2981 : i32 to vector<16xi32>
      %add3A_2983 = arith.constant 0 : i32
      %add3A_2984 = vector.broadcast %add3A_2983 : i32 to vector<16xi32>
      %add3A_2985 = arith.addi %iota3A, %add3A_2984 : vector<16xi32>
      %gather3A_2986 = tpu.vector_load_idx %arg8[%broadcast_in_dim3A_2982, %add3A_2985, %broadcast_in_dim3A_2978] : memref<4x64x128xf32, #tpu.memory_space<vmem>>[vector<16xi32>, vector<16xi32>, vector<16xi32>], vector<16xf32>,
      tpu.vector_store_idx %arg9[%broadcast_in_dim3A_2980, %add3A_2985], %gather3A_2986 : memref<16x64xf32, #tpu.memory_space<vmem>>[vector<16xi32>, vector<16xi32>], vector<16xf32>,
      %add3A_2987 = arith.constant 16 : i32
      %add3A_2988 = vector.broadcast %add3A_2987 : i32 to vector<16xi32>
      %add3A_2989 = arith.addi %iota3A, %add3A_2988 : vector<16xi32>
      %gather3A_2990 = tpu.vector_load_idx %arg8[%broadcast_in_dim3A_2982, %add3A_2989, %broadcast_in_dim3A_2978] : memref<4x64x128xf32, #tpu.memory_space<vmem>>[vector<16xi32>, vector<16xi32>, vector<16xi32>], vector<16xf32>,
      tpu.vector_store_idx %arg9[%broadcast_in_dim3A_2980, %add3A_2989], %gather3A_2990 : memref<16x64xf32, #tpu.memory_space<vmem>>[vector<16xi32>, vector<16xi32>], vector<16xf32>,
      %add3A_2991 = arith.constant 32 : i32
      %add3A_2992 = vector.broadcast %add3A_2991 : i32 to vector<16xi32>
      %add3A_2993 = arith.addi %iota3A, %add3A_2992 : vector<16xi32>
      %gather3A_2994 = tpu.vector_load_idx %arg8[%broadcast_in_dim3A_2982, %add3A_2993, %broadcast_in_dim3A_2978] : memref<4x64x128xf32, #tpu.memory_space<vmem>>[vector<16xi32>, vector<16xi32>, vector<16xi32>], vector<16xf32>,
      tpu.vector_store_idx %arg9[%broadcast_in_dim3A_2980, %add3A_2993], %gather3A_2994 : memref<16x64xf32, #tpu.memory_space<vmem>>[vector<16xi32>, vector<16xi32>], vector<16xf32>,
      %add3A_2995 = arith.constant 48 : i32
      %add3A_2996 = vector.broadcast %add3A_2995 : i32 to vector<16xi32>
      %add3A_2997 = arith.addi %iota3A, %add3A_2996 : vector<16xi32>
      %gather3A_2998 = tpu.vector_load_idx %arg8[%broadcast_in_dim3A_2982, %add3A_2997, %broadcast_in_dim3A_2978] : memref<4x64x128xf32, #tpu.memory_space<vmem>>[vector<16xi32>, vector<16xi32>, vector<16xi32>], vector<16xf32>,
      tpu.vector_store_idx %arg9[%broadcast_in_dim3A_2980, %add3A_2997], %gather3A_2998 : memref<16x64xf32, #tpu.memory_space<vmem>>[vector<16xi32>, vector<16xi32>], vector<16xf32>,
      %dma_wait3A_2999 = arith.constant 0 : i32
      %dma_wait3A_3000 = arith.constant 0 : i32
      %dma_wait3A_3001 = arith.constant 0 : i32
      %dma_wait3A_3002 = tpu.memref_slice %arg6[%dma_wait3A_2999, %dma_wait3A_3000, %dma_wait3A_3001] : memref<4x64x128xf32, #tpu.memory_space<vmem>> -> memref<1x64x128xf32, #tpu.memory_space<vmem>>
      %dma_wait3A_3003 = tpu.memref_squeeze %dma_wait3A_3002 : memref<1x64x128xf32, #tpu.memory_space<vmem>> -> memref<64x128xf32, #tpu.memory_space<vmem>>
      %dma_wait3A_3004 = arith.constant 0 : i32
      %dma_wait3A_3005 = arith.constant 0 : i32
      %dma_wait3A_3006 = tpu.memref_slice %arg2[%dma_wait3A_3004, %dma_wait3A_3005] : memref<64x1000000xf32, #tpu.memory_space<hbm>> -> memref<64x128xf32, #tpu.memory_space<hbm>>
      %dma_wait3A_3007 = arith.constant 0 : i32
      %dma_wait3A_3008 = arith.constant 0 : i32
      %dma_wait3A_3009 = tpu.memref_slice %arg6[%dma_wait3A_2999, %dma_wait3A_3007, %dma_wait3A_3008] : memref<4x64x128xf32, #tpu.memory_space<vmem>> -> memref<1x64x128xf32, #tpu.memory_space<vmem>>
      %dma_wait3A_3010 = tpu.memref_squeeze %dma_wait3A_3009 : memref<1x64x128xf32, #tpu.memory_space<vmem>> -> memref<64x128xf32, #tpu.memory_space<vmem>>
      %dma_wait3A_3011 = arith.constant 0 : i32
      %dma_wait3A_3012 = arith.constant 0 : i32
      %dma_wait3A_3013 = tpu.memref_slice %arg2[%dma_wait3A_3011, %dma_wait3A_3012] : memref<64x1000000xf32, #tpu.memory_space<hbm>> -> memref<64x128xf32, #tpu.memory_space<hbm>>
      tpu.wait_dma2 semaphore(%arg10 : memref<!tpu.dma_semaphore, #tpu.memory_space<semaphore_mem>>) src(%dma_wait3A_3013 : memref<64x128xf32, #tpu.memory_space<hbm>>) dst(%dma_wait3A_3010 : memref<64x128xf32, #tpu.memory_space<vmem>>)
      %dma_wait3A_3014 = arith.constant 1 : i32
      %dma_wait3A_3015 = arith.constant 0 : i32
      %dma_wait3A_3016 = arith.constant 0 : i32
      %dma_wait3A_3017 = tpu.memref_slice %arg6[%dma_wait3A_3014, %dma_wait3A_3015, %dma_wait3A_3016] : memref<4x64x128xf32, #tpu.memory_space<vmem>> -> memref<1x64x128xf32, #tpu.memory_space<vmem>>
      %dma_wait3A_3018 = tpu.memref_squeeze %dma_wait3A_3017 : memref<1x64x128xf32, #tpu.memory_space<vmem>> -> memref<64x128xf32, #tpu.memory_space<vmem>>
      %dma_wait3A_3019 = arith.constant 0 : i32
      %dma_wait3A_3020 = arith.constant 0 : i32
      %dma_wait3A_3021 = tpu.memref_slice %arg2[%dma_wait3A_3019, %dma_wait3A_3020] : memref<64x1000000xf32, #tpu.memory_space<hbm>> -> memref<64x128xf32, #tpu.memory_space<hbm>>
      %dma_wait3A_3022 = arith.constant 0 : i32
      %dma_wait3A_3023 = arith.constant 0 : i32
      %dma_wait3A_3024 = tpu.memref_slice %arg6[%dma_wait3A_3014, %dma_wait3A_3022, %dma_wait3A_3023] : memref<4x64x128xf32, #tpu.memory_space<vmem>> -> memref<1x64x128xf32, #tpu.memory_space<vmem>>
      %dma_wait3A_3025 = tpu.memref_squeeze %dma_wait3A_3024 : memref<1x64x128xf32, #tpu.memory_space<vmem>> -> memref<64x128xf32, #tpu.memory_space<vmem>>
      %dma_wait3A_3026 = arith.constant 0 : i32
      %dma_wait3A_3027 = arith.constant 0 : i32
      %dma_wait3A_3028 = tpu.memref_slice %arg2[%dma_wait3A_3026, %dma_wait3A_3027] : memref<64x1000000xf32, #tpu.memory_space<hbm>> -> memref<64x128xf32, #tpu.memory_space<hbm>>
      tpu.wait_dma2 semaphore(%arg10 : memref<!tpu.dma_semaphore, #tpu.memory_space<semaphore_mem>>) src(%dma_wait3A_3028 : memref<64x128xf32, #tpu.memory_space<hbm>>) dst(%dma_wait3A_3025 : memref<64x128xf32, #tpu.memory_space<vmem>>)
      %dma_wait3A_3029 = arith.constant 2 : i32
      %dma_wait3A_3030 = arith.constant 0 : i32
      %dma_wait3A_3031 = arith.constant 0 : i32
      %dma_wait3A_3032 = tpu.memref_slice %arg6[%dma_wait3A_3029, %dma_wait3A_3030, %dma_wait3A_3031] : memref<4x64x128xf32, #tpu.memory_space<vmem>> -> memref<1x64x128xf32, #tpu.memory_space<vmem>>
      %dma_wait3A_3033 = tpu.memref_squeeze %dma_wait3A_3032 : memref<1x64x128xf32, #tpu.memory_space<vmem>> -> memref<64x128xf32, #tpu.memory_space<vmem>>
      %dma_wait3A_3034 = arith.constant 0 : i32
      %dma_wait3A_3035 = arith.constant 0 : i32
      %dma_wait3A_3036 = tpu.memref_slice %arg2[%dma_wait3A_3034, %dma_wait3A_3035] : memref<64x1000000xf32, #tpu.memory_space<hbm>> -> memref<64x128xf32, #tpu.memory_space<hbm>>
      %dma_wait3A_3037 = arith.constant 0 : i32
      %dma_wait3A_3038 = arith.constant 0 : i32
      %dma_wait3A_3039 = tpu.memref_slice %arg6[%dma_wait3A_3029, %dma_wait3A_3037, %dma_wait3A_3038] : memref<4x64x128xf32, #tpu.memory_space<vmem>> -> memref<1x64x128xf32, #tpu.memory_space<vmem>>
      %dma_wait3A_3040 = tpu.memref_squeeze %dma_wait3A_3039 : memref<1x64x128xf32, #tpu.memory_space<vmem>> -> memref<64x128xf32, #tpu.memory_space<vmem>>
      %dma_wait3A_3041 = arith.constant 0 : i32
      %dma_wait3A_3042 = arith.constant 0 : i32
      %dma_wait3A_3043 = tpu.memref_slice %arg2[%dma_wait3A_3041, %dma_wait3A_3042] : memref<64x1000000xf32, #tpu.memory_space<hbm>> -> memref<64x128xf32, #tpu.memory_space<hbm>>
      tpu.wait_dma2 semaphore(%arg10 : memref<!tpu.dma_semaphore, #tpu.memory_space<semaphore_mem>>) src(%dma_wait3A_3043 : memref<64x128xf32, #tpu.memory_space<hbm>>) dst(%dma_wait3A_3040 : memref<64x128xf32, #tpu.memory_space<vmem>>)
      %dma_wait3A_3044 = arith.constant 3 : i32
      %dma_wait3A_3045 = arith.constant 0 : i32
      %dma_wait3A_3046 = arith.constant 0 : i32
      %dma_wait3A_3047 = tpu.memref_slice %arg6[%dma_wait3A_3044, %dma_wait3A_3045, %dma_wait3A_3046] : memref<4x64x128xf32, #tpu.memory_space<vmem>> -> memref<1x64x128xf32, #tpu.memory_space<vmem>>
      %dma_wait3A_3048 = tpu.memref_squeeze %dma_wait3A_3047 : memref<1x64x128xf32, #tpu.memory_space<vmem>> -> memref<64x128xf32, #tpu.memory_space<vmem>>
      %dma_wait3A_3049 = arith.constant 0 : i32
      %dma_wait3A_3050 = arith.constant 0 : i32
      %dma_wait3A_3051 = tpu.memref_slice %arg2[%dma_wait3A_3049, %dma_wait3A_3050] : memref<64x1000000xf32, #tpu.memory_space<hbm>> -> memref<64x128xf32, #tpu.memory_space<hbm>>
      %dma_wait3A_3052 = arith.constant 0 : i32
      %dma_wait3A_3053 = arith.constant 0 : i32
      %dma_wait3A_3054 = tpu.memref_slice %arg6[%dma_wait3A_3044, %dma_wait3A_3052, %dma_wait3A_3053] : memref<4x64x128xf32, #tpu.memory_space<vmem>> -> memref<1x64x128xf32, #tpu.memory_space<vmem>>
      %dma_wait3A_3055 = tpu.memref_squeeze %dma_wait3A_3054 : memref<1x64x128xf32, #tpu.memory_space<vmem>> -> memref<64x128xf32, #tpu.memory_space<vmem>>
      %dma_wait3A_3056 = arith.constant 0 : i32
      %dma_wait3A_3057 = arith.constant 0 : i32
      %dma_wait3A_3058 = tpu.memref_slice %arg2[%dma_wait3A_3056, %dma_wait3A_3057] : memref<64x1000000xf32, #tpu.memory_space<hbm>> -> memref<64x128xf32, #tpu.memory_space<hbm>>
      tpu.wait_dma2 semaphore(%arg10 : memref<!tpu.dma_semaphore, #tpu.memory_space<semaphore_mem>>) src(%dma_wait3A_3058 : memref<64x128xf32, #tpu.memory_space<hbm>>) dst(%dma_wait3A_3055 : memref<64x128xf32, #tpu.memory_space<vmem>>)
      %and3A_3059 = arith.constant 127 : i32
      %and3A_3060 = arith.andi %squeeze3A_32, %and3A_3059 : i32
      %broadcast_in_dim3A_3061 = vector.broadcast %and3A_3060 : i32 to vector<16xi32>
      %broadcast_in_dim3A_3062 = arith.constant 12 : i32
      %broadcast_in_dim3A_3063 = vector.broadcast %broadcast_in_dim3A_3062 : i32 to vector<16xi32>
      %broadcast_in_dim3A_3064 = arith.constant 0 : i32
      %broadcast_in_dim3A_3065 = vector.broadcast %broadcast_in_dim3A_3064 : i32 to vector<16xi32>
      %add3A_3066 = arith.constant 0 : i32
      %add3A_3067 = vector.broadcast %add3A_3066 : i32 to vector<16xi32>
      %add3A_3068 = arith.addi %iota3A, %add3A_3067 : vector<16xi32>
      %gather3A_3069 = tpu.vector_load_idx %arg6[%broadcast_in_dim3A_3065, %add3A_3068, %broadcast_in_dim3A_3061] : memref<4x64x128xf32, #tpu.memory_space<vmem>>[vector<16xi32>, vector<16xi32>, vector<16xi32>], vector<16xf32>,
      tpu.vector_store_idx %arg9[%broadcast_in_dim3A_3063, %add3A_3068], %gather3A_3069 : memref<16x64xf32, #tpu.memory_space<vmem>>[vector<16xi32>, vector<16xi32>], vector<16xf32>,
      %add3A_3070 = arith.constant 16 : i32
      %add3A_3071 = vector.broadcast %add3A_3070 : i32 to vector<16xi32>
      %add3A_3072 = arith.addi %iota3A, %add3A_3071 : vector<16xi32>
      %gather3A_3073 = tpu.vector_load_idx %arg6[%broadcast_in_dim3A_3065, %add3A_3072, %broadcast_in_dim3A_3061] : memref<4x64x128xf32, #tpu.memory_space<vmem>>[vector<16xi32>, vector<16xi32>, vector<16xi32>], vector<16xf32>,
      tpu.vector_store_idx %arg9[%broadcast_in_dim3A_3063, %add3A_3072], %gather3A_3073 : memref<16x64xf32, #tpu.memory_space<vmem>>[vector<16xi32>, vector<16xi32>], vector<16xf32>,
      %add3A_3074 = arith.constant 32 : i32
      %add3A_3075 = vector.broadcast %add3A_3074 : i32 to vector<16xi32>
      %add3A_3076 = arith.addi %iota3A, %add3A_3075 : vector<16xi32>
      %gather3A_3077 = tpu.vector_load_idx %arg6[%broadcast_in_dim3A_3065, %add3A_3076, %broadcast_in_dim3A_3061] : memref<4x64x128xf32, #tpu.memory_space<vmem>>[vector<16xi32>, vector<16xi32>, vector<16xi32>], vector<16xf32>,
      tpu.vector_store_idx %arg9[%broadcast_in_dim3A_3063, %add3A_3076], %gather3A_3077 : memref<16x64xf32, #tpu.memory_space<vmem>>[vector<16xi32>, vector<16xi32>], vector<16xf32>,
      %add3A_3078 = arith.constant 48 : i32
      %add3A_3079 = vector.broadcast %add3A_3078 : i32 to vector<16xi32>
      %add3A_3080 = arith.addi %iota3A, %add3A_3079 : vector<16xi32>
      %gather3A_3081 = tpu.vector_load_idx %arg6[%broadcast_in_dim3A_3065, %add3A_3080, %broadcast_in_dim3A_3061] : memref<4x64x128xf32, #tpu.memory_space<vmem>>[vector<16xi32>, vector<16xi32>, vector<16xi32>], vector<16xf32>,
      tpu.vector_store_idx %arg9[%broadcast_in_dim3A_3063, %add3A_3080], %gather3A_3081 : memref<16x64xf32, #tpu.memory_space<vmem>>[vector<16xi32>, vector<16xi32>], vector<16xf32>,
      %and3A_3082 = arith.constant 127 : i32
      %and3A_3083 = arith.andi %squeeze3A_34, %and3A_3082 : i32
      %broadcast_in_dim3A_3084 = vector.broadcast %and3A_3083 : i32 to vector<16xi32>
      %broadcast_in_dim3A_3085 = arith.constant 13 : i32
      %broadcast_in_dim3A_3086 = vector.broadcast %broadcast_in_dim3A_3085 : i32 to vector<16xi32>
      %broadcast_in_dim3A_3087 = arith.constant 1 : i32
      %broadcast_in_dim3A_3088 = vector.broadcast %broadcast_in_dim3A_3087 : i32 to vector<16xi32>
      %add3A_3089 = arith.constant 0 : i32
      %add3A_3090 = vector.broadcast %add3A_3089 : i32 to vector<16xi32>
      %add3A_3091 = arith.addi %iota3A, %add3A_3090 : vector<16xi32>
      %gather3A_3092 = tpu.vector_load_idx %arg6[%broadcast_in_dim3A_3088, %add3A_3091, %broadcast_in_dim3A_3084] : memref<4x64x128xf32, #tpu.memory_space<vmem>>[vector<16xi32>, vector<16xi32>, vector<16xi32>], vector<16xf32>,
      tpu.vector_store_idx %arg9[%broadcast_in_dim3A_3086, %add3A_3091], %gather3A_3092 : memref<16x64xf32, #tpu.memory_space<vmem>>[vector<16xi32>, vector<16xi32>], vector<16xf32>,
      %add3A_3093 = arith.constant 16 : i32
      %add3A_3094 = vector.broadcast %add3A_3093 : i32 to vector<16xi32>
      %add3A_3095 = arith.addi %iota3A, %add3A_3094 : vector<16xi32>
      %gather3A_3096 = tpu.vector_load_idx %arg6[%broadcast_in_dim3A_3088, %add3A_3095, %broadcast_in_dim3A_3084] : memref<4x64x128xf32, #tpu.memory_space<vmem>>[vector<16xi32>, vector<16xi32>, vector<16xi32>], vector<16xf32>,
      tpu.vector_store_idx %arg9[%broadcast_in_dim3A_3086, %add3A_3095], %gather3A_3096 : memref<16x64xf32, #tpu.memory_space<vmem>>[vector<16xi32>, vector<16xi32>], vector<16xf32>,
      %add3A_3097 = arith.constant 32 : i32
      %add3A_3098 = vector.broadcast %add3A_3097 : i32 to vector<16xi32>
      %add3A_3099 = arith.addi %iota3A, %add3A_3098 : vector<16xi32>
      %gather3A_3100 = tpu.vector_load_idx %arg6[%broadcast_in_dim3A_3088, %add3A_3099, %broadcast_in_dim3A_3084] : memref<4x64x128xf32, #tpu.memory_space<vmem>>[vector<16xi32>, vector<16xi32>, vector<16xi32>], vector<16xf32>,
      tpu.vector_store_idx %arg9[%broadcast_in_dim3A_3086, %add3A_3099], %gather3A_3100 : memref<16x64xf32, #tpu.memory_space<vmem>>[vector<16xi32>, vector<16xi32>], vector<16xf32>,
      %add3A_3101 = arith.constant 48 : i32
      %add3A_3102 = vector.broadcast %add3A_3101 : i32 to vector<16xi32>
      %add3A_3103 = arith.addi %iota3A, %add3A_3102 : vector<16xi32>
      %gather3A_3104 = tpu.vector_load_idx %arg6[%broadcast_in_dim3A_3088, %add3A_3103, %broadcast_in_dim3A_3084] : memref<4x64x128xf32, #tpu.memory_space<vmem>>[vector<16xi32>, vector<16xi32>, vector<16xi32>], vector<16xf32>,
      tpu.vector_store_idx %arg9[%broadcast_in_dim3A_3086, %add3A_3103], %gather3A_3104 : memref<16x64xf32, #tpu.memory_space<vmem>>[vector<16xi32>, vector<16xi32>], vector<16xf32>,
      %and3A_3105 = arith.constant 127 : i32
      %and3A_3106 = arith.andi %squeeze3A_36, %and3A_3105 : i32
      %broadcast_in_dim3A_3107 = vector.broadcast %and3A_3106 : i32 to vector<16xi32>
      %broadcast_in_dim3A_3108 = arith.constant 14 : i32
      %broadcast_in_dim3A_3109 = vector.broadcast %broadcast_in_dim3A_3108 : i32 to vector<16xi32>
      %broadcast_in_dim3A_3110 = arith.constant 2 : i32
      %broadcast_in_dim3A_3111 = vector.broadcast %broadcast_in_dim3A_3110 : i32 to vector<16xi32>
      %add3A_3112 = arith.constant 0 : i32
      %add3A_3113 = vector.broadcast %add3A_3112 : i32 to vector<16xi32>
      %add3A_3114 = arith.addi %iota3A, %add3A_3113 : vector<16xi32>
      %gather3A_3115 = tpu.vector_load_idx %arg6[%broadcast_in_dim3A_3111, %add3A_3114, %broadcast_in_dim3A_3107] : memref<4x64x128xf32, #tpu.memory_space<vmem>>[vector<16xi32>, vector<16xi32>, vector<16xi32>], vector<16xf32>,
      tpu.vector_store_idx %arg9[%broadcast_in_dim3A_3109, %add3A_3114], %gather3A_3115 : memref<16x64xf32, #tpu.memory_space<vmem>>[vector<16xi32>, vector<16xi32>], vector<16xf32>,
      %add3A_3116 = arith.constant 16 : i32
      %add3A_3117 = vector.broadcast %add3A_3116 : i32 to vector<16xi32>
      %add3A_3118 = arith.addi %iota3A, %add3A_3117 : vector<16xi32>
      %gather3A_3119 = tpu.vector_load_idx %arg6[%broadcast_in_dim3A_3111, %add3A_3118, %broadcast_in_dim3A_3107] : memref<4x64x128xf32, #tpu.memory_space<vmem>>[vector<16xi32>, vector<16xi32>, vector<16xi32>], vector<16xf32>,
      tpu.vector_store_idx %arg9[%broadcast_in_dim3A_3109, %add3A_3118], %gather3A_3119 : memref<16x64xf32, #tpu.memory_space<vmem>>[vector<16xi32>, vector<16xi32>], vector<16xf32>,
      %add3A_3120 = arith.constant 32 : i32
      %add3A_3121 = vector.broadcast %add3A_3120 : i32 to vector<16xi32>
      %add3A_3122 = arith.addi %iota3A, %add3A_3121 : vector<16xi32>
      %gather3A_3123 = tpu.vector_load_idx %arg6[%broadcast_in_dim3A_3111, %add3A_3122, %broadcast_in_dim3A_3107] : memref<4x64x128xf32, #tpu.memory_space<vmem>>[vector<16xi32>, vector<16xi32>, vector<16xi32>], vector<16xf32>,
      tpu.vector_store_idx %arg9[%broadcast_in_dim3A_3109, %add3A_3122], %gather3A_3123 : memref<16x64xf32, #tpu.memory_space<vmem>>[vector<16xi32>, vector<16xi32>], vector<16xf32>,
      %add3A_3124 = arith.constant 48 : i32
      %add3A_3125 = vector.broadcast %add3A_3124 : i32 to vector<16xi32>
      %add3A_3126 = arith.addi %iota3A, %add3A_3125 : vector<16xi32>
      %gather3A_3127 = tpu.vector_load_idx %arg6[%broadcast_in_dim3A_3111, %add3A_3126, %broadcast_in_dim3A_3107] : memref<4x64x128xf32, #tpu.memory_space<vmem>>[vector<16xi32>, vector<16xi32>, vector<16xi32>], vector<16xf32>,
      tpu.vector_store_idx %arg9[%broadcast_in_dim3A_3109, %add3A_3126], %gather3A_3127 : memref<16x64xf32, #tpu.memory_space<vmem>>[vector<16xi32>, vector<16xi32>], vector<16xf32>,
      %and3A_3128 = arith.constant 127 : i32
      %and3A_3129 = arith.andi %squeeze3A_38, %and3A_3128 : i32
      %broadcast_in_dim3A_3130 = vector.broadcast %and3A_3129 : i32 to vector<16xi32>
      %broadcast_in_dim3A_3131 = arith.constant 15 : i32
      %broadcast_in_dim3A_3132 = vector.broadcast %broadcast_in_dim3A_3131 : i32 to vector<16xi32>
      %broadcast_in_dim3A_3133 = arith.constant 3 : i32
      %broadcast_in_dim3A_3134 = vector.broadcast %broadcast_in_dim3A_3133 : i32 to vector<16xi32>
      %add3A_3135 = arith.constant 0 : i32
      %add3A_3136 = vector.broadcast %add3A_3135 : i32 to vector<16xi32>
      %add3A_3137 = arith.addi %iota3A, %add3A_3136 : vector<16xi32>
      %gather3A_3138 = tpu.vector_load_idx %arg6[%broadcast_in_dim3A_3134, %add3A_3137, %broadcast_in_dim3A_3130] : memref<4x64x128xf32, #tpu.memory_space<vmem>>[vector<16xi32>, vector<16xi32>, vector<16xi32>], vector<16xf32>,
      tpu.vector_store_idx %arg9[%broadcast_in_dim3A_3132, %add3A_3137], %gather3A_3138 : memref<16x64xf32, #tpu.memory_space<vmem>>[vector<16xi32>, vector<16xi32>], vector<16xf32>,
      %add3A_3139 = arith.constant 16 : i32
      %add3A_3140 = vector.broadcast %add3A_3139 : i32 to vector<16xi32>
      %add3A_3141 = arith.addi %iota3A, %add3A_3140 : vector<16xi32>
      %gather3A_3142 = tpu.vector_load_idx %arg6[%broadcast_in_dim3A_3134, %add3A_3141, %broadcast_in_dim3A_3130] : memref<4x64x128xf32, #tpu.memory_space<vmem>>[vector<16xi32>, vector<16xi32>, vector<16xi32>], vector<16xf32>,
      tpu.vector_store_idx %arg9[%broadcast_in_dim3A_3132, %add3A_3141], %gather3A_3142 : memref<16x64xf32, #tpu.memory_space<vmem>>[vector<16xi32>, vector<16xi32>], vector<16xf32>,
      %add3A_3143 = arith.constant 32 : i32
      %add3A_3144 = vector.broadcast %add3A_3143 : i32 to vector<16xi32>
      %add3A_3145 = arith.addi %iota3A, %add3A_3144 : vector<16xi32>
      %gather3A_3146 = tpu.vector_load_idx %arg6[%broadcast_in_dim3A_3134, %add3A_3145, %broadcast_in_dim3A_3130] : memref<4x64x128xf32, #tpu.memory_space<vmem>>[vector<16xi32>, vector<16xi32>, vector<16xi32>], vector<16xf32>,
      tpu.vector_store_idx %arg9[%broadcast_in_dim3A_3132, %add3A_3145], %gather3A_3146 : memref<16x64xf32, #tpu.memory_space<vmem>>[vector<16xi32>, vector<16xi32>], vector<16xf32>,
      %add3A_3147 = arith.constant 48 : i32
      %add3A_3148 = vector.broadcast %add3A_3147 : i32 to vector<16xi32>
      %add3A_3149 = arith.addi %iota3A, %add3A_3148 : vector<16xi32>
      %gather3A_3150 = tpu.vector_load_idx %arg6[%broadcast_in_dim3A_3134, %add3A_3149, %broadcast_in_dim3A_3130] : memref<4x64x128xf32, #tpu.memory_space<vmem>>[vector<16xi32>, vector<16xi32>, vector<16xi32>], vector<16xf32>,
      tpu.vector_store_idx %arg9[%broadcast_in_dim3A_3132, %add3A_3149], %gather3A_3150 : memref<16x64xf32, #tpu.memory_space<vmem>>[vector<16xi32>, vector<16xi32>], vector<16xf32>,
      %mul3A_3151 = arith.constant 512 : i32
      %mul3A_3152 = arith.muli %add3A, %mul3A_3151 : i32
      %add3A_3153 = arith.addi %mul3A_3152, %mul3A_7 : i32
      "tpu.region"() ({
        %run_scoped3A = tpu.sem_alloc : memref<!tpu.dma_semaphore, #tpu.memory_space<semaphore_mem>>
        %dma_start3A_3154 = arith.constant 0 : i32
        %dma_start3A_3155 = tpu.memref_slice %arg4[%add3A_3153, %dma_start3A_3154] : memref<16384x64xf32, #tpu.memory_space<hbm>> -> memref<16x64xf32, #tpu.memory_space<hbm>>
        %dma_start3A_3156 = arith.constant 0 : i32
        %dma_start3A_3157 = tpu.memref_slice %arg4[%add3A_3153, %dma_start3A_3156] : memref<16384x64xf32, #tpu.memory_space<hbm>> -> memref<16x64xf32, #tpu.memory_space<hbm>>
        tpu.enqueue_dma source(%arg9 : memref<16x64xf32, #tpu.memory_space<vmem>>) target(%dma_start3A_3157 : memref<16x64xf32, #tpu.memory_space<hbm>>) target_semaphore(%run_scoped3A : memref<!tpu.dma_semaphore, #tpu.memory_space<semaphore_mem>>)
        %dma_wait3A_3158 = arith.constant 0 : i32
        %dma_wait3A_3159 = tpu.memref_slice %arg4[%add3A_3153, %dma_wait3A_3158] : memref<16384x64xf32, #tpu.memory_space<hbm>> -> memref<16x64xf32, #tpu.memory_space<hbm>>
        %dma_wait3A_3160 = arith.constant 0 : i32
        %dma_wait3A_3161 = tpu.memref_slice %arg4[%add3A_3153, %dma_wait3A_3160] : memref<16384x64xf32, #tpu.memory_space<hbm>> -> memref<16x64xf32, #tpu.memory_space<hbm>>
        tpu.wait_dma2 semaphore(%run_scoped3A : memref<!tpu.dma_semaphore, #tpu.memory_space<semaphore_mem>>) src(%arg9 : memref<16x64xf32, #tpu.memory_space<vmem>>) dst(%dma_wait3A_3161 : memref<16x64xf32, #tpu.memory_space<hbm>>)
        tpu.yield
      }) : () -> ()
    }
    %scan3A_4 = arith.constant 32 : i32
    return
  }
}

module attributes {stable_mosaic.version = 14 : i64} {
  func.func @_mlp_body(%arg0: i32, %arg1: memref<4096x64xf32, #tpu.memory_space<vmem>>, %arg2: memref<64x96xf32, #tpu.memory_space<vmem>>, %arg3: memref<1x96xf32, #tpu.memory_space<vmem>>, %arg4: memref<96x3xf32, #tpu.memory_space<vmem>>, %arg5: memref<1x3xf32, #tpu.memory_space<vmem>>, %arg6: memref<4096xf32, #tpu.memory_space<vmem>>, %arg7: memref<4096xf32, #tpu.memory_space<vmem>>, %arg8: memref<4096xf32, #tpu.memory_space<vmem>>) attributes {dimension_semantics = [#tpu.dimension_semantics<arbitrary>], iteration_bounds = array<i64: 4>, scalar_prefetch = 0 : i64, scratch_operands = 0 : i64, tpu.core_type = #tpu.core_type<tc>, window_params = [{transform_indices = @transform_0, window_bounds = array<i64: 4096, 64>}, {pipeline_mode = #tpu.pipeline_mode<synchronous>, transform_indices = @transform_1, window_bounds = array<i64: 64, 96>}, {pipeline_mode = #tpu.pipeline_mode<synchronous>, transform_indices = @transform_2, window_bounds = array<i64: 1, 96>}, {pipeline_mode = #tpu.pipeline_mode<synchronous>, transform_indices = @transform_3, window_bounds = array<i64: 96, 3>}, {pipeline_mode = #tpu.pipeline_mode<synchronous>, transform_indices = @transform_4, window_bounds = array<i64: 1, 3>}, {transform_indices = @transform_5, window_bounds = array<i64: 4096>}, {transform_indices = @transform_6, window_bounds = array<i64: 4096>}, {transform_indices = @transform_7, window_bounds = array<i64: 4096>}]} {
    %get3A = arith.constant 0 : index
    %get3A_0 = arith.constant 0 : index
    %get3A_1 = vector.load %arg1[%get3A, %get3A_0] : memref<4096x64xf32, #tpu.memory_space<vmem>>, vector<4096x64xf32>
    %get3A_2 = arith.constant 0 : index
    %get3A_3 = arith.constant 0 : index
    %get3A_4 = vector.load %arg2[%get3A_2, %get3A_3] : memref<64x96xf32, #tpu.memory_space<vmem>>, vector<64x96xf32>
    %dot_general3A = arith.constant dense<0.000000e+00> : vector<4096x96xf32>
    %dot_general3A_5 = tpu.matmul %get3A_1, %get3A_4, %dot_general3A {dimension_numbers = #tpu.dot_dimension_numbers<[1], [0], [0], [1], [0, 0, 1, 1], [], []>, transpose_lhs_hint = false} : vector<4096x64xf32>, vector<64x96xf32>, vector<4096x96xf32> -> vector<4096x96xf32>
    %get3A_6 = arith.constant 0 : index
    %get3A_7 = arith.constant 0 : index
    %get3A_8 = vector.load %arg3[%get3A_6, %get3A_7] : memref<1x96xf32, #tpu.memory_space<vmem>>, vector<1x96xf32>
    %add3A = vector.broadcast %get3A_8 : vector<1x96xf32> to vector<4096x96xf32>
    %add3A_9 = arith.addf %dot_general3A_5, %add3A : vector<4096x96xf32>
    %max3A = arith.constant 0.000000e+00 : f32
    %max3A_10 = vector.broadcast %max3A : f32 to vector<4096x96xf32>
    %max3A_11 = arith.maximumf %add3A_9, %max3A_10 : vector<4096x96xf32>
    %get3A_12 = arith.constant 0 : index
    %get3A_13 = arith.constant 0 : index
    %get3A_14 = vector.load %arg4[%get3A_12, %get3A_13] : memref<96x3xf32, #tpu.memory_space<vmem>>, vector<96x3xf32>
    %dot_general3A_15 = arith.constant dense<0.000000e+00> : vector<4096x3xf32>
    %dot_general3A_16 = tpu.matmul %max3A_11, %get3A_14, %dot_general3A_15 {dimension_numbers = #tpu.dot_dimension_numbers<[1], [0], [0], [1], [0, 0, 1, 1], [], []>, transpose_lhs_hint = false} : vector<4096x96xf32>, vector<96x3xf32>, vector<4096x3xf32> -> vector<4096x3xf32>
    %get3A_17 = arith.constant 0 : index
    %get3A_18 = arith.constant 0 : index
    %get3A_19 = vector.load %arg5[%get3A_17, %get3A_18] : memref<1x3xf32, #tpu.memory_space<vmem>>, vector<1x3xf32>
    %add3A_20 = vector.broadcast %get3A_19 : vector<1x3xf32> to vector<4096x3xf32>
    %add3A_21 = arith.addf %dot_general3A_16, %add3A_20 : vector<4096x3xf32>
    %slice3A = vector.extract_strided_slice %add3A_21 {offsets = [0, 0], sizes = [4096, 1], strides = [1, 1]} : vector<4096x3xf32> to vector<4096x1xf32>
    %squeeze3A = vector.shape_cast %slice3A : vector<4096x1xf32> to vector<4096xf32>
    %swap3A = arith.constant 0 : index
    %swap3A_22 = vector.load %arg6[%swap3A] : memref<4096xf32, #tpu.memory_space<vmem>>, vector<4096xf32>
    tpu.vector_store %arg6[%swap3A], %squeeze3A {strides = array<i32>} : memref<4096xf32, #tpu.memory_space<vmem>>, vector<4096xf32>,
    %slice3A_23 = vector.extract_strided_slice %add3A_21 {offsets = [0, 1], sizes = [4096, 1], strides = [1, 1]} : vector<4096x3xf32> to vector<4096x1xf32>
    %squeeze3A_24 = vector.shape_cast %slice3A_23 : vector<4096x1xf32> to vector<4096xf32>
    %swap3A_25 = arith.constant 0 : index
    %swap3A_26 = vector.load %arg7[%swap3A_25] : memref<4096xf32, #tpu.memory_space<vmem>>, vector<4096xf32>
    tpu.vector_store %arg7[%swap3A_25], %squeeze3A_24 {strides = array<i32>} : memref<4096xf32, #tpu.memory_space<vmem>>, vector<4096xf32>,
    %slice3A_27 = vector.extract_strided_slice %add3A_21 {offsets = [0, 2], sizes = [4096, 1], strides = [1, 1]} : vector<4096x3xf32> to vector<4096x1xf32>
    %squeeze3A_28 = vector.shape_cast %slice3A_27 : vector<4096x1xf32> to vector<4096xf32>
    %swap3A_29 = arith.constant 0 : index
    %swap3A_30 = vector.load %arg8[%swap3A_29] : memref<4096xf32, #tpu.memory_space<vmem>>, vector<4096xf32>
    tpu.vector_store %arg8[%swap3A_29], %squeeze3A_28 {strides = array<i32>} : memref<4096xf32, #tpu.memory_space<vmem>>, vector<4096xf32>,
    return
  }
  func.func @transform_0(%arg0: i32) -> (i32, i32) {
    %c0_i32 = arith.constant 0 : i32
    %c0_i32_0 = arith.constant 0 : i32
    return %arg0, %c0_i32 : i32, i32
  }
  func.func @transform_1(%arg0: i32) -> (i32, i32) {
    %c0_i32 = arith.constant 0 : i32
    %c0_i32_0 = arith.constant 0 : i32
    %c0_i32_1 = arith.constant 0 : i32
    return %c0_i32, %c0_i32_0 : i32, i32
  }
  func.func @transform_2(%arg0: i32) -> (i32, i32) {
    %c0_i32 = arith.constant 0 : i32
    %c0_i32_0 = arith.constant 0 : i32
    %c0_i32_1 = arith.constant 0 : i32
    return %c0_i32, %c0_i32_0 : i32, i32
  }
  func.func @transform_3(%arg0: i32) -> (i32, i32) {
    %c0_i32 = arith.constant 0 : i32
    %c0_i32_0 = arith.constant 0 : i32
    %c0_i32_1 = arith.constant 0 : i32
    return %c0_i32, %c0_i32_0 : i32, i32
  }
  func.func @transform_4(%arg0: i32) -> (i32, i32) {
    %c0_i32 = arith.constant 0 : i32
    %c0_i32_0 = arith.constant 0 : i32
    %c0_i32_1 = arith.constant 0 : i32
    return %c0_i32, %c0_i32_0 : i32, i32
  }
  func.func @transform_5(%arg0: i32) -> i32 {
    %c0_i32 = arith.constant 0 : i32
    return %arg0 : i32
  }
  func.func @transform_6(%arg0: i32) -> i32 {
    %c0_i32 = arith.constant 0 : i32
    return %arg0 : i32
  }
  func.func @transform_7(%arg0: i32) -> i32 {
    %c0_i32 = arith.constant 0 : i32
    return %arg0 : i32
  }
}

</mosaic_0001>

<sc_bundles>
// kernel: kernel.4.cloned.1.call-start
scs
__scs_entry_jumppad:
0x0: {  	(pc) =	sbr.rel $0x88, $3  }
0x1: {  	(tag) =	ssettag $0x0;
	lr =	simm.s32 $0x1  }
0x2: {  	[smem:$0x3F93] =	sst lr;
	_ =	strace $0xD0000000  }
0x3: {  	_ = 	snop  }
0x4: {  	_ = 	snop  }
0x5: {  	_ = 	snop  }
0x6: {  	_ = 	snop  }
0x7: {  	_ = 	snop  }
__scs_overlays_trampoline_lowered:
0x8: {  	[smem:$0x3FA2] =	sst s0  }
0x9: {  	[smem:$0x3FA3] =	sst s1  }
0xa: {  	[smem:$0x3FA4] =	sst s2  }
0xb: {  	[smem:$0x3FA5] =	sst s3  }
0xc: {  	[smem:$0x3FA6] =	sst s4  }
0xd: {  	[smem:$0x3FA7] =	sst s5  }
0xe: {  	[smem:$0x3FA8] =	sst s6  }
0xf: {  	[smem:$0x3FA9] =	sst s7  }
0x10: {  	[smem:$0x3FAA] =	sst s8  }
0x11: {  	[smem:$0x3FAB] =	sst s9;
	s0 =	simm.s32 @!p0 $0x0  }
0x12: {  	s1 =	sld [smem:$0x3F91];
	s0 =	simm.s32 @p0 $0x1  }
0x13: {  	[smem:$0x3FAC] =	sst s0;
	s0 =	simm.s32 @!p1 $0x0  }
0x14: {  	s2 =	sld [smem:$0x3F90];
	s0 =	simm.s32 @p1 $0x1  }
0x15: {  	[smem:$0x3FAD] =	sst s0;
	s0 =	simm.s32 @!p2 $0x0  }
0x16: {  	s3 =	sld [smem:$0x3FDB];
	s0 =	simm.s32 @p2 $0x1  }
0x17: {  	s4 =	simm.s32 $0x1BF5;
	[smem:$0x3FAF] =	sst s0  }
0x18: {  	s0 =	sld [smem:$0x3F92];
	_ =	swait.ge [sflag:s4], $0x0  }
0x19: {  	s7 =	sld [smem:$0x3F93]  }
0x1a: {  	s8 =	sadd.s32 $0xFFFFE003, lr  }
0x1b: {  	s9 =	sadd.s32 $0xFFFFFEF7, lr;
	s5 =	simm.s32 $0xFFFFFFFF;
	p2 =	slt.u32 s8, $0xFFFFF086  }
0x1c: {  	p1 =	slt.u32 s9, $0xF7A;
	s5 =	simm.s32 @!p2 $0x0  }
0x1d: {  	s5 =	simm.s32 @p1 $0x1;
	p0 =	seq.s32 s7, s2  }
0x1e: {  	s7 =	smul.u32 @!p0 $0xF7A, s2;
	p2 =	seq.s32 @!p0 s5, $0x0  }
0x1f: {  	s9 =	smul.u32 $0xF7A, s1;
	s8 =	simm.s32 @!p0 $0x1BF5;
	p2 =	por !p2, p0  }
0x20: {  	[sflag:s8] =	ssyncset.s32 @!p0 $0xFFFFF086;
	s6 =	sadd.s32 @!p0 s3, s7;
	s7 =	simm.s32 @!p0 $0x108  }
0x21: {  	s3 =	sadd.s32 s3, s9;
	s6 =	sadd.s32 @!p0 $0x88, s6;
	s7 =	simm.s32 @p2 $0x1082  }
0x22: {  	[simem:s7], [sflag:s8] =	dma.local @!p0 [hbm:s6], $0xF7A  }
0x23: {  	s9 =	sor.u32 $0xD0000000, s2;
	s6 =	simm.s32 $0x108;
	_ =	swait.ge @!p0 [sflag:s8], $0x0  }
0x24: {  	s3 =	sadd.s32 $0x88, s3;
	s6 =	simm.s32 @!p1 $0x1082;
	[sflag:s4] =	ssyncset.s32 $0xFFFFF086  }
0x25: {  	[simem:s6], [sflag:s4] =	dma.local [hbm:s3], $0xF7A  }
0x26: {  	[smem:$0x3F93] =	sst s1;
	(tag) =	ssettag s2;
	_ =	strace s9  }
0x27: {  	s1 =	sld [smem:$0x3FA3]  }
0x28: {  	s2 =	sld [smem:$0x3FA4]  }
0x29: {  	s4 =	sld [smem:$0x3FA6]  }
0x2a: {  	p0 =	seq.s32 s5, $0x0;
	s5 =	sld [smem:$0x3FA7]  }
0x2b: {  	s6 =	sld [smem:$0x3FA8]  }
0x2c: {  	s7 =	sld [smem:$0x3FA9]  }
0x2d: {  	s3 =	simm.s32 $0x108;
	s8 =	sld [smem:$0x3FAA]  }
0x2e: {  	s3 =	simm.s32 @!p0 $0x1082;
	s9 =	sld [smem:$0x3FAB]  }
0x2f: {  	lr =	sadd.s32 s0, s3;
	s0 =	sld [smem:$0x3FA2]  }
0x30: {  	s3 =	sld [smem:$0x3FA5]  }
0x31: {  	[smem:$0x3FAE] =	sst s10  }
0x32: {  	s10 =	sld [smem:$0x3FAC];
	_ =	sdelay $0x3  }
0x33: {  	p0 =	seq.s32 s10, $0x1;
	s10 =	sld [smem:$0x3FAE];
	_ =	sdelay $0x3  }
0x34: {  	[smem:$0x3FAE] =	sst s10  }
0x35: {  	s10 =	sld [smem:$0x3FAD];
	_ =	sdelay $0x3  }
0x36: {  	p1 =	seq.s32 s10, $0x1;
	s10 =	sld [smem:$0x3FAE];
	_ =	sdelay $0x3  }
0x37: {  	[smem:$0x3FAE] =	sst s10  }
0x38: {  	s10 =	sld [smem:$0x3FAF]  }
0x39: {  	_ = 	snop;
	(pc) =	sbr.ind lr, $3  }
0x3a: {  	_ = 	snop  }
0x3b: {  	_ = 	snop  }
0x3c: {  	p2 =	seq.s32 s10, $0x1;
	s10 =	sld [smem:$0x3FAE]  }
0x3d: {  	_ =	shalt  }
0x3e: {  	_ =	shalt  }
0x3f: {  	_ =	shalt  }
0x40: {  	_ =	shalt  }
0x41: {  	_ =	shalt  }
0x42: {  	_ =	shalt  }
0x43: {  	_ =	shalt  }
0x44: {  	_ =	shalt  }
0x45: {  	_ =	shalt  }
0x46: {  	_ =	shalt  }
0x47: {  	_ =	shalt  }
0x48: {  	_ =	shalt  }
0x49: {  	_ =	shalt  }
0x4a: {  	_ =	shalt  }
0x4b: {  	_ =	shalt  }
0x4c: {  	_ =	shalt  }
0x4d: {  	_ =	shalt  }
0x4e: {  	_ =	shalt  }
0x4f: {  	_ =	shalt  }
0x50: {  	_ =	shalt  }
0x51: {  	_ =	shalt  }
0x52: {  	_ =	shalt  }
0x53: {  	_ =	shalt  }
0x54: {  	_ =	shalt  }
0x55: {  	_ =	shalt  }
0x56: {  	_ =	shalt  }
0x57: {  	_ =	shalt  }
0x58: {  	_ =	shalt  }
0x59: {  	_ =	shalt  }
0x5a: {  	_ =	shalt  }
0x5b: {  	_ =	shalt  }
0x5c: {  	_ =	shalt  }
0x5d: {  	_ =	shalt  }
0x5e: {  	_ =	shalt  }
0x5f: {  	_ =	shalt  }
0x60: {  	_ =	shalt  }
0x61: {  	_ =	shalt  }
0x62: {  	_ =	shalt  }
0x63: {  	_ =	shalt  }
0x64: {  	_ =	shalt  }
0x65: {  	_ =	shalt  }
0x66: {  	_ =	shalt  }
0x67: {  	_ =	shalt  }
0x68: {  	_ =	shalt  }
0x69: {  	_ =	shalt  }
0x6a: {  	_ =	shalt  }
0x6b: {  	_ =	shalt  }
0x6c: {  	_ =	shalt  }
0x6d: {  	_ =	shalt  }
0x6e: {  	_ =	shalt  }
0x6f: {  	_ =	shalt  }
0x70: {  	_ =	shalt  }
0x71: {  	_ =	shalt  }
0x72: {  	_ =	shalt  }
0x73: {  	_ =	shalt  }
0x74: {  	_ =	shalt  }
0x75: {  	_ =	shalt  }
0x76: {  	_ =	shalt  }
0x77: {  	_ =	shalt  }
0x78: {  	_ =	shalt  }
0x79: {  	_ =	shalt  }
0x7a: {  	_ =	shalt  }
0x7b: {  	_ =	shalt  }
0x7c: {  	_ =	shalt  }
0x7d: {  	_ =	shalt  }
0x7e: {  	_ =	shalt  }
0x7f: {  	_ =	shalt  }
0x80: {  	_ =	shalt  }
0x81: {  	_ =	shalt  }
0x82: {  	_ =	shalt  }
0x83: {  	_ =	shalt  }
0x84: {  	_ =	shalt  }
0x85: {  	_ =	shalt  }
0x86: {  	_ =	shalt  }
0x87: {  	_ =	shalt  }
.Lfunc_end0:
.L_simem_size_0:
called_computation_lowered:
.L_overlay_start_0:
0x88: {  	s2 =	sld [smem:$0x3FD9]  }
0x89: {  	s3 =	sld [smem:$0x3FFE];
	_ =	sdelay $0x1  }
0x8a: {  	s1 =	srdreg.scid  }
0x8b: {  	s0 =	sand.u32 $0x1, s1  }
0x8c: {  	s14 =	sshll.u32 s0, $0xA;
	s2 =	sadd.s32 s3, s2  }
0x8d: {  	s2 =	sadd.s32 s2, s14  }
0x8e: {  	[smem:$0x3FBA] =	sst s2  }
0x8f: {  	_ = 	snop  }
0x90: {  	s2 =	sld [smem:$0x3FD0];
	_ =	sdelay $0x2  }
0x91: {  	s4 =	simm.s32 $0xA;
	s5 =	simm.s32 $0x10;
	s15 =	sld [smem:$0x3FC8]  }
0x92: {  	[smem:s5], [sflag:s4] =	dma.local [hbm:s2], $0x1  }
0x93: {  	_ =	swait.eq [sflag:s4], $0x1  }
0x94: {  	[sflag:s4] =	ssyncset.done $0x0  }
0x95: {  	[sflag:s4] =	ssyncadd.s32 $0xFFFFFFFF  }
0x96: {  	s16 =	sld [smem:$0x13];
	(tm) =	ssettm $0x1  }
0x97: {  	s17 =	sld [smem:$0x3FFB];
	_ =	sdelay $0x3  }
0x98: {  	_ =	strace s17  }
0x99: {  	s4 =	sld [smem:$0x3FFC];
	_ =	sdelay $0x3  }
0x9a: {  	_ =	strace s4  }
0x9b: {  	s4 =	sld [smem:$0x3FFD];
	_ =	sdelay $0x3  }
0x9c: {  	_ =	strace s4  }
0x9d: {  	_ =	strace $0x8FFFFFFF  }
0x9e: {  	s18 =	sld [smem:$0x3FDB];
	_ =	sdelay $0x1  }
0x9f: {  	s19 =	simm.s32 $_scs_section_size  }
0xa0: {  	s6 =	simm.s32 $_size__tile_overlayer_lowered;
	s7 =	simm.s32 $_tile_overlayer_lowered  }
0xa1: {  	s22 =	simm.s32 $0x1BFF;
	s21 =	sshll.u32 s7, $0x1;
	s4 =	sadd.s32 s19, s18  }
0xa2: {  	s8 =	simm.s32 $0x0;
	s20 =	sshll.u32 s6, $0x1;
	s6 =	sadd.s32 s21, s4  }
0xa3: {  	[timem:s8], [sflag:s22] =	dma.local [hbm:s6], s20  }
0xa4: {  	_ =	swait.ge [sflag:s22], s20  }
0xa5: {  	s5 =	ssub.s32 $0x0, s20;
	[sflag:s22] =	ssyncset.done $0x0  }
0xa6: {  	[sflag:s22] =	ssyncadd.s32 s5;
	_ =	sdelay $0x1  }
0xa7: {  	s23 =	simm.s32 $0x1B8B  }
0xa8: {  	_ =	swait.ge [sflag:s23], $0x1  }
0xa9: {  	[sflag:s23] =	ssyncset.done $0x0  }
0xaa: {  	s25 =	simm.s32 $0x1B8E;
	s24 =	sld [smem:$0x3FFE];
	[sflag:s23] =	ssyncadd.s32 $0xFFFFFFFF  }
0xab: {  	s26 =	simm.s32 $execute0_lowered;
	[smem:$0x3FD2] =	sst s25  }
0xac: {  	s6 =	sshll.u32 s26, $0x1;
	_ =	strace $0x80000046;
	[dreg:$0x1] =	wrdreg $0xFFFFFFFF  }
0xad: {  	s28 =	simm.s32 $_size_execute0_lowered;
	s4 =	sadd.s32 s4, s6;
	[dreg:$0x0] =	wrdreg $0x0  }
0xae: {  	s6 =	sshll.u32 s28, $0x1;
	[dreg:$0x2] =	wrdreg s4  }
0xaf: {  	[dreg:$0x3] =	wrdreg s6  }
0xb0: {  	[dreg:$0x4] =	wrdreg $0xC0  }
0xb1: {  	_ =	task [dreg:s8], $0x5FFFF  }
0xb2: {  	[dreg:$0x1] =	wrdreg $0xFFFFFFFF  }
0xb3: {  	[dreg:$0x0] =	wrdreg $0x60  }
0xb4: {  	[dreg:$0x2] =	wrdreg s15  }
0xb5: {  	[dreg:$0x3] =	wrdreg s16  }
0xb6: {  	[dreg:$0x4] =	wrdreg s24  }
0xb7: {  	[dreg:$0x5] =	wrdreg $0x9  }
0xb8: {  	_ =	task.clear_ibuf [dreg:s8], $0x6FFFF;
	_ =	strace $0x90000046  }
0xb9: {  	s29 =	simm.s32 $0x9;
	_ =	strace $0x80000048  }
0xba: {  	_ =	swait.ge [sflag:s29], $0x1  }
0xbb: {  	[sflag:s29] =	ssyncadd.s32 $0xFFFFFFFF  }
0xbc: {  	_ =	strace $0x90000048  }
0xbd: {  	_ =	sfence  }
0xbe: {  	s30 =	sld [smem:$0x0];
	_ =	sdelay $0x2  }
0xbf: {  	s31 =	sshll.u32 s1, $0xD;
	s1 =	sshrl.u32 s1, $0x2  }
0xc0: {  	s3 =	sand.u32 $0x4000, s31;
	s1 =	sadd.s32 s1, s30  }
0xc1: {  	s0 =	sor.u32 s3, s0;
	s1 =	sshll.u32 s1, $0x11  }
0xc2: {  	s0 =	sor.u32 s1, s0  }
0xc3: {  	s0 =	sadd.s32 $0x8F2B, s0  }
0xc4: {  	[sflag:s0] =	ssyncadd.remote.s32 $0x1  }
0xc5: {  	_ =	sfence.sel $0xFFFF  }
0xc6: {  	[dreg:$0x0] =	wrdreg $0xFFFFFFFF;
	(pc) =	sbr.abs _section_cstart, $3  }
0xc7: {  	[dreg:$0x1] =	wrdreg $0xFFFFFFFF  }
0xc8: {  	_ =	task.clear_ibuf [dreg:s8], $0x2FFFF;
	_ =	strace $0x9FFFFFFF  }
0xc9: {  	(tm) =	ssettm $0x7FFFFFFF  }
tec
execute0_lowered:
.L_overlay_start_1:
0x0: {  	(tag) =	ssettag $0x1  }
0x1: {  	s1 =	rddreg [dreg:$0x0]  }
0x2: {  	s0 =	rddreg [dreg:$0x1]  }
0x3: {  	s3 =	rddreg [dreg:$0x2];
	s2 =	simm.s32 $0x0  }
0x4: {  	s4 =	simm.s32 $0x8600;
	[smem:$0x7FF] =	sst s2  }
0x5: {  	s22 =	simm.s32 $0x8A00;
	_ =	strace $0x80000047;
	[dreg:$0x4] =	wrdreg s4  }
0x6: {  	s23 =	simm.s32 $0x8E00;
	[dreg:$0x5] =	wrdreg s22  }
0x7: {  	s24 =	simm.s32 $0x9200;
	[dreg:$0x6] =	wrdreg s23  }
0x8: {  	s25 =	simm.s32 $0x9600;
	[dreg:$0x7] =	wrdreg s24  }
0x9: {  	s26 =	simm.s32 $0x9A00;
	[dreg:$0x8] =	wrdreg s25  }
0xa: {  	s5 =	simm.s32 $0x9E00;
	[dreg:$0x9] =	wrdreg s26  }
0xb: {  	s6 =	simm.s32 $0xA200;
	[dreg:$0xa] =	wrdreg s5  }
0xc: {  	s7 =	simm.s32 $0xA600;
	[dreg:$0xb] =	wrdreg s6  }
0xd: {  	s8 =	simm.s32 $0xAA00;
	[dreg:$0xc] =	wrdreg s7  }
0xe: {  	s9 =	simm.s32 $0xAE00;
	[dreg:$0xd] =	wrdreg s8  }
0xf: {  	s10 =	simm.s32 $0xB200;
	[dreg:$0xe] =	wrdreg s9  }
0x10: {  	s11 =	simm.s32 $0xB600;
	[dreg:$0xf] =	wrdreg s10  }
0x11: {  	s12 =	simm.s32 $0xBA00;
	[dreg:$0x10] =	wrdreg s11  }
0x12: {  	s13 =	simm.s32 $0xBE00;
	[dreg:$0x11] =	wrdreg s12  }
0x13: {  	s14 =	simm.s32 $0xC200;
	[dreg:$0x12] =	wrdreg s13  }
0x14: {  	s15 =	simm.s32 $0xC600;
	[dreg:$0x13] =	wrdreg s14  }
0x15: {  	s16 =	simm.s32 $0xCA00;
	[dreg:$0x14] =	wrdreg s15  }
0x16: {  	s17 =	simm.s32 $0xCE00;
	[dreg:$0x15] =	wrdreg s16  }
0x17: {  	s18 =	simm.s32 $0xD200;
	[dreg:$0x16] =	wrdreg s17  }
0x18: {  	s19 =	simm.s32 $0xD600;
	[dreg:$0x17] =	wrdreg s18  }
0x19: {  	s20 =	simm.s32 $0xDA00;
	[dreg:$0x18] =	wrdreg s19  }
0x1a: {  	s21 =	simm.s32 $0xDE00;
	[dreg:$0x19] =	wrdreg s20  }
0x1b: {  	[dreg:$0x1a] =	wrdreg s21;
	s22 =	simm.s32 $0xE200  }
0x1c: {  	s23 =	simm.s32 $0xE600;
	[dreg:$0x1b] =	wrdreg s22  }
0x1d: {  	s24 =	simm.s32 $0xEA00;
	[dreg:$0x1c] =	wrdreg s23  }
0x1e: {  	s25 =	simm.s32 $0xEE00;
	[dreg:$0x1d] =	wrdreg s24  }
0x1f: {  	s26 =	simm.s32 $0xF200;
	[dreg:$0x1e] =	wrdreg s25  }
0x20: {  	s7 =	simm.s32 $0xFA00;
	[dreg:$0x1f] =	wrdreg s26  }
0x21: {  	s9 =	simm.s32 $0xFE00;
	[smem:$0x7DA] =	sst s7  }
0x22: {  	s10 =	simm.s32 $0x10600;
	[smem:$0x7DB] =	sst s9  }
0x23: {  	s11 =	simm.s32 $0x10A00;
	[smem:$0x7DC] =	sst s10  }
0x24: {  	s12 =	simm.s32 $0x10E00;
	[smem:$0x7DD] =	sst s11  }
0x25: {  	s14 =	simm.s32 $0x11200;
	[smem:$0x7DE] =	sst s12  }
0x26: {  	s15 =	simm.s32 $0x11600;
	[smem:$0x7DF] =	sst s14  }
0x27: {  	s16 =	simm.s32 $0x11A00;
	[smem:$0x7E0] =	sst s15  }
0x28: {  	s17 =	simm.s32 $0x11E00;
	[smem:$0x7E1] =	sst s16  }
0x29: {  	s28 =	simm.s32 $0x3600;
	s18 =	simm.s32 $0x12200;
	[smem:$0x7E2] =	sst s17  }
0x2a: {  	s29 =	simm.s32 $0x3A00;
	s19 =	simm.s32 $0x12600;
	[smem:$0x7E3] =	sst s18  }
0x2b: {  	s30 =	simm.s32 $0x3E00;
	s20 =	simm.s32 $0x12A00;
	[smem:$0x7E4] =	sst s19  }
0x2c: {  	s31 =	simm.s32 $0x4200;
	s21 =	simm.s32 $0x12E00;
	[smem:$0x7E6] =	sst s20  }
0x2d: {  	s8 =	stileid.u32;
	s4 =	simm.s32 $0x13E00;
	[smem:$0x7E8] =	sst s21  }
0x2e: {  	s6 =	srdreg.scid;
	s23 =	simm.s32 $0x13200;
	[smem:$0x7ED] =	sst s4  }
0x2f: {  	s5 =	sshll.u32 s8, $0xE;
	s25 =	simm.s32 $0x13600;
	[smem:$0x7E9] =	sst s23  }
0x30: {  	s13 =	sshll.u32 s8, $0x7;
	s26 =	simm.s32 $0x13A00;
	[smem:$0x7EA] =	sst s25  }
0x31: {  	s8 =	sshll.u32 s8, $0x5;
	s11 =	simm.s32 $0x15200;
	[smem:$0x7EC] =	sst s26  }
0x32: {  	s10 =	simm.s32 $0x200;
	s12 =	simm.s32 $0x15600;
	[smem:$0x7F2] =	sst s11  }
0x33: {  	v0 =	vlaneseq.u32;
	s14 =	simm.s32 $0x15E00;
	s15 =	simm.s32 $0x16200;
	[smem:$0x7F3] =	sst s12  }
0x34: {  	v1 =	vmul.u32 $0x80, v0;
	v9 =	vor.u32 $0x10, v0;
	s16 =	simm.s32 $0x16600;
	s17 =	simm.s32 $0x16A00;
	[smem:$0x7F5] =	sst s14  }
0x35: {  	v11 =	vor.u32 $0x20, v0;
	v13 =	vor.u32 $0x30, v0;
	v15 =	vor.u32 $0x80, v0;
	s18 =	simm.s32 $0x16E00;
	s19 =	simm.s32 $0x17200;
	[smem:$0x7F6] =	sst s15  }
0x36: {  	v17 =	vor.u32 $0x90, v0;
	v19 =	vor.u32 $0xA0, v0;
	v21 =	vor.u32 $0xB0, v0;
	s20 =	simm.s32 $0x17600;
	s21 =	simm.s32 $0x17A00;
	[smem:$0x7F7] =	sst s16  }
0x37: {  	v23 =	vor.u32 $0x100, v0;
	v25 =	vor.u32 $0x110, v0;
	v27 =	vor.u32 $0x120, v0;
	s3 =	sadd.s32 s5, s3;
	s5 =	simm.s32 $0xF600;
	[smem:$0x7F8] =	sst s17  }
0x38: {  	v29 =	vor.u32 $0x130, v0;
	v31 =	vor.u32 $0x180, v0;
	v32 =	vor.u32 $0x190, v0;
	s12 =	simm.s32 $0x1200;
	s11 =	simm.s32 $0x1E00;
	[smem:$0x7F9] =	sst s18  }
0x39: {  	v33 =	vor.u32 $0x1A0, v0;
	v34 =	vor.u32 $0x1B0, v0;
	v3 =	vor.u32 $0x200, v0;
	s14 =	simm.s32 $0x2200;
	s23 =	simm.s32 $0x2600;
	[smem:$0x7FA] =	sst s19  }
0x3a: {  	v35 =	vor.u32 $0x210, v0;
	v36 =	vor.u32 $0x220, v0;
	v37 =	vor.u32 $0x230, v0;
	s25 =	simm.s32 $0x2E00;
	[smem:$0x7FB] =	sst s20;
	s26 =	simm.s32 $0x3200  }
0x3b: {  	v38 =	vor.u32 $0x280, v0;
	v39 =	vor.u32 $0x290, v0;
	v40 =	vor.u32 $0x2A0, v0;
	[smem:$0x7FC] =	sst s21;
	s15 =	simm.s32 $0x8200;
	s16 =	simm.s32 $0x10200  }
0x3c: {  	v41 =	vor.u32 $0x2B0, v0;
	v42 =	vor.u32 $0x300, v0;
	v43 =	vor.u32 $0x310, v0;
	s17 =	simm.s32 $0x1;
	s18 =	simm.s32 $0x18200;
	s19 =	simm.s32 $0x2  }
0x3d: {  	v44 =	vor.u32 $0x320, v0;
	v45 =	vor.u32 $0x330, v0;
	v46 =	vor.u32 $0x380, v0;
	s20 =	simm.s32 $0x3;
	[smem:$0x7D9] =	sst s5;
	s5 =	sand.u32 $0x1, s6  }
0x3e: {  	v47 =	vor.u32 $0x390, v0;
	v48 =	vor.u32 $0x3A0, v0;
	v49 =	vor.u32 $0x3B0, v0;
	s6 =	ssub.s32 $0x2, s5;
	s9 =	sshll.u32 s5, $0x4;
	s24 =	sshll.u32 s5, $0xD  }
0x3f: {  	v50 =	vor.u32 $0x400, v0;
	v52 =	vor.u32 $0x410, v0;
	v51 =	vor.u32 $0x420, v0;
	s5 =	simm.s32 $0x14200;
	s7 =	sshrl.u32 s6, $0x1;
	s8 =	sor.u32 s9, s8  }
0x40: {  	v53 =	vor.u32 $0x430, v0;
	v54 =	vor.u32 $0x480, v0;
	v55 =	vor.u32 $0x490, v0;
	s3 =	sadd.s32 s24, s3;
	[smem:$0x7EE] =	sst s5;
	s9 =	simm.s32 $0x4  }
0x41: {  	v56 =	vor.u32 $0x4A0, v0;
	v58 =	vor.u32 $0x4B0, v0;
	v57 =	vor.u32 $0x500, v0;
	s5 =	simm.s32 $0x600;
	s6 =	ssub.s32 s6, s7;
	s3 =	sadd.s32 $0x1A00, s3  }
0x42: {  	v59 =	vor.u32 $0x510, v0;
	v60 =	vor.u32 $0x520, v0;
	v62 =	vor.u32 $0x530, v0;
	s7 =	sand.u32 $0x600, s13;
	s13 =	simm.s32 $0x15A00;
	[smem:$0x7EB] =	sst s3  }
0x43: {  	v61 =	vor.u32 $0x580, v0;
	v63 =	vor.u32 $0x5A0, v0;
	[tilespmem:$0x1FFC0] =	vst v3;
	v3 =	vor.u32 $0x590, v0;
	s24 =	simm.s32 $0x2A00;
	s22 =	smax.u32 s6, $0x1;
	[smem:$0x7F4] =	sst s13  }
0x44: {  	v2 =	vor.u32 $0x800, v1;
	v4 =	vor.u32 $0x1000, v1;
	v6 =	vor.u32 $0x1800, v1;
	s8 =	sand.u32 $0x70, s8;
	s6 =	simm.s32 $0x14600;
	[smem:$0x7E7] =	sst s22  }
0x45: {  	v8 =	vor.u32 $0x2000, v1;
	v10 =	vor.u32 $0x2800, v1;
	v12 =	vor.u32 $0x3000, v1;
	s0 =	sadd.s32 s0, s7;
	s7 =	simm.s32 $0x14A00;
	[smem:$0x7EF] =	sst s6  }
0x46: {  	v14 =	vor.u32 $0x3800, v1;
	v16 =	vor.u32 $0x4000, v1;
	v18 =	vor.u32 $0x4800, v1;
	s13 =	simm.s32 $0x1A00;
	s0 =	sadd.s32 s8, s0;
	[smem:$0x7F0] =	sst s7  }
0x47: {  	v20 =	vor.u32 $0x5000, v1;
	v22 =	vor.u32 $0x5800, v1;
	v24 =	vor.u32 $0x6000, v1;
	[tilespmem:$0x1FFD0] =	vst v3;
	s3 =	simm.s32 $0x0;
	s8 =	simm.s32 $0x14E00;
	[smem:$0x7E5] =	sst s0  }
0x48: {  	v26 =	vor.u32 $0x6800, v1;
	v3 =	vor.u32 $0x5B0, v0;
	[tilespmem:$0x1FFF0] =	vst v1;
	s7 =	simm.s32 $0xA00;
	s22 =	simm.s32 $0x17E00;
	[smem:$0x7F1] =	sst s8  }
0x49: {  	v28 =	vor.u32 $0x7000, v1;
	v30 =	vor.u32 $0x7800, v1;
	[tilespmem:$0x1FFE0] =	vst v3;
	s6 =	simm.s32 $0xE00;
	s8 =	simm.s32 $0x1600;
	[smem:$0x7FD] =	sst s22  }
.LBB2_1:
0x4a: {  	s0 =	sld [smem:$0x7E5];
	_ =	sdelay $0x1  }
0x4b: {  	[smem:$0x7D8] =	sst s3;
	s22 =	simm.s32 $0x80;
	s4 =	simm.s32 $0x400  }
0x4c: {  	[tilespmem:s2], [sflag:$0x4] =	stream.strided.gather [hbm4b:s0+s22], $0x200, s4, s22, $0x38;
	[tilespmem:$0x18A00] =	vst v63  }
0x4d: {  	_ =	swait.ge [sflag:s9], $0x200  }
0x4e: {  	[sflag:s9] =	ssyncset.done $0x0  }
0x4f: {  	s22 =	simm.s32 $0x0;
	s21 =	sld [smem:$0x7EB];
	[sflag:s9] =	ssyncadd.s32 $0xFFFFFE00  }
.LBB2_2:
0x50: {  	s0 =	sshra.s32 s22, $0x2  }
0x51: {  	v3 =	vld [tilespmem:s0+$0x0];
	_ =	sdelay $0x4  }
0x52: {  	(v2sf) =	vpush v3, $0x0;
	_ =	sdelay $0xd  }
0x53: {  	(v2sf) =	vpush v3, $0x1  }
0x54: {  	s0 =	spop (v2sf)  }
0x55: {  	s3 =	sand.u32 $0xFFFFF80, s0  }
0x56: {  	s4 =	sadd.s32 s1, s3  }
0x57: {  	[tilespmem:s10], [sflag:$0x1] =	stream.linear.gather [hbm4b:s4+s2], $0x400, $0x38;
	[tilespmem:$0x18A00] =	vst v63  }
0x58: {  	s3 =	sadd.s32 $0xF4280, s4  }
0x59: {  	[tilespmem:s5], [sflag:$0x1] =	stream.linear.gather [hbm4b:s3+s2], $0x400, $0x38;
	[tilespmem:$0x18A00] =	vst v63  }
0x5a: {  	s9 =	sadd.s32 $0x1E8500, s4  }
0x5b: {  	[tilespmem:s7], [sflag:$0x1] =	stream.linear.gather [hbm4b:s9+s2], $0x400, $0x38;
	[tilespmem:$0x18A00] =	vst v63  }
0x5c: {  	s5 =	sadd.s32 $0x2DC780, s4  }
0x5d: {  	[tilespmem:s6], [sflag:$0x1] =	stream.linear.gather [hbm4b:s5+s2], $0x400, $0x38;
	[tilespmem:$0x18A00] =	vst v63  }
0x5e: {  	s6 =	sadd.s32 $0x3D0A00, s4  }
0x5f: {  	[tilespmem:s12], [sflag:$0x1] =	stream.linear.gather [hbm4b:s6+s2], $0x400, $0x38;
	[tilespmem:$0x18A00] =	vst v63  }
0x60: {  	s7 =	sadd.s32 $0x4C4C80, s4  }
0x61: {  	[tilespmem:s8], [sflag:$0x1] =	stream.linear.gather [hbm4b:s7+s2], $0x400, $0x38;
	[tilespmem:$0x18A00] =	vst v63  }
0x62: {  	s3 =	spop (v2sf);
	s9 =	sadd.s32 $0x5B8F00, s4  }
0x63: {  	(v2sf) =	vpush v3, $0x2;
	[tilespmem:s13], [sflag:$0x1] =	stream.linear.gather [hbm4b:s9+s2], $0x400, $0x38;
	[tilespmem:$0x18A00] =	vst v63  }
0x64: {  	s4 =	sadd.s32 $0x6AD180, s4;
	s12 =	sand.u32 $0xFFFFF80, s3  }
0x65: {  	[tilespmem:s11], [sflag:$0x1] =	stream.linear.gather [hbm4b:s4+s2], $0x400, $0x38;
	[tilespmem:$0x18A00] =	vst v63  }
0x66: {  	s4 =	sadd.s32 s1, s12  }
0x67: {  	[tilespmem:s14], [sflag:$0x1] =	stream.linear.gather [hbm4b:s4+s2], $0x400, $0x38;
	[tilespmem:$0x18A00] =	vst v63  }
0x68: {  	s13 =	sadd.s32 $0xF4280, s4  }
0x69: {  	[tilespmem:s23], [sflag:$0x1] =	stream.linear.gather [hbm4b:s13+s2], $0x400, $0x38;
	[tilespmem:$0x18A00] =	vst v63  }
0x6a: {  	s14 =	sadd.s32 $0x1E8500, s4  }
0x6b: {  	[tilespmem:s24], [sflag:$0x1] =	stream.linear.gather [hbm4b:s14+s2], $0x400, $0x38;
	[tilespmem:$0x18A00] =	vst v63  }
0x6c: {  	s23 =	sadd.s32 $0x2DC780, s4  }
0x6d: {  	[tilespmem:s25], [sflag:$0x1] =	stream.linear.gather [hbm4b:s23+s2], $0x400, $0x38;
	[tilespmem:$0x18A00] =	vst v63  }
0x6e: {  	s24 =	sadd.s32 $0x3D0A00, s4  }
0x6f: {  	[tilespmem:s26], [sflag:$0x1] =	stream.linear.gather [hbm4b:s24+s2], $0x400, $0x38;
	[tilespmem:$0x18A00] =	vst v63  }
0x70: {  	s25 =	sadd.s32 $0x4C4C80, s4  }
0x71: {  	[tilespmem:s28], [sflag:$0x1] =	stream.linear.gather [hbm4b:s25+s2], $0x400, $0x38;
	[tilespmem:$0x18A00] =	vst v63  }
0x72: {  	s7 =	spop (v2sf);
	s26 =	sadd.s32 $0x5B8F00, s4  }
0x73: {  	(v2sf) =	vpush v3, $0x3;
	[tilespmem:s29], [sflag:$0x1] =	stream.linear.gather [hbm4b:s26+s2], $0x400, $0x38;
	[tilespmem:$0x18A00] =	vst v63  }
0x74: {  	s6 =	sand.u32 $0xFFFFF80, s7;
	s4 =	sadd.s32 $0x6AD180, s4  }
0x75: {  	[tilespmem:s30], [sflag:$0x1] =	stream.linear.gather [hbm4b:s4+s2], $0x400, $0x38;
	[tilespmem:$0x18A00] =	vst v63  }
0x76: {  	s4 =	sadd.s32 s1, s6  }
0x77: {  	[tilespmem:s31], [sflag:$0x1] =	stream.linear.gather [hbm4b:s4+s2], $0x400, $0x38;
	[tilespmem:$0x18A00] =	vst v63  }
0x78: {  	s9 =	simm.s32 $0x4600;
	s8 =	sadd.s32 $0xF4280, s4  }
0x79: {  	[tilespmem:s9], [sflag:$0x1] =	stream.linear.gather [hbm4b:s8+s2], $0x400, $0x38;
	[tilespmem:$0x18A00] =	vst v63  }
0x7a: {  	s12 =	simm.s32 $0x4A00;
	s11 =	sadd.s32 $0x1E8500, s4  }
0x7b: {  	[tilespmem:s12], [sflag:$0x1] =	stream.linear.gather [hbm4b:s11+s2], $0x400, $0x38;
	[tilespmem:$0x18A00] =	vst v63  }
0x7c: {  	s14 =	simm.s32 $0x4E00;
	s13 =	sadd.s32 $0x2DC780, s4  }
0x7d: {  	[tilespmem:s14], [sflag:$0x1] =	stream.linear.gather [hbm4b:s13+s2], $0x400, $0x38;
	[tilespmem:$0x18A00] =	vst v63  }
0x7e: {  	s24 =	simm.s32 $0x5200;
	s26 =	simm.s32 $0x5600;
	s23 =	sadd.s32 $0x3D0A00, s4  }
0x7f: {  	[tilespmem:s24], [sflag:$0x1] =	stream.linear.gather [hbm4b:s23+s2], $0x400, $0x38;
	[tilespmem:$0x18A00] =	vst v63  }
0x80: {  	s25 =	sadd.s32 $0x4C4C80, s4;
	s6 =	sadd.s32 $0x5B8F00, s4  }
0x81: {  	[tilespmem:s26], [sflag:$0x1] =	stream.linear.gather [hbm4b:s25+s2], $0x400, $0x38;
	[tilespmem:$0x18A00] =	vst v63  }
0x82: {  	s5 =	spop (v2sf);
	s4 =	sadd.s32 $0x6AD180, s4;
	s8 =	simm.s32 $0x5A00  }
0x83: {  	(v2sf) =	vpush v3, $0x4;
	[tilespmem:s8], [sflag:$0x1] =	stream.linear.gather [hbm4b:s6+s2], $0x400, $0x38;
	[tilespmem:$0x18A00] =	vst v63  }
0x84: {  	s9 =	simm.s32 $0x5E00;
	s11 =	sand.u32 $0xFFFFF80, s5  }
0x85: {  	[tilespmem:s9], [sflag:$0x1] =	stream.linear.gather [hbm4b:s4+s2], $0x400, $0x38;
	[tilespmem:$0x18A00] =	vst v63  }
0x86: {  	s12 =	simm.s32 $0x6200;
	s4 =	sadd.s32 s1, s11  }
0x87: {  	[tilespmem:s12], [sflag:$0x1] =	stream.linear.gather [hbm4b:s4+s2], $0x400, $0x38;
	[tilespmem:$0x18A00] =	vst v63  }
0x88: {  	s14 =	simm.s32 $0x6600;
	s13 =	sadd.s32 $0xF4280, s4  }
0x89: {  	[tilespmem:s14], [sflag:$0x1] =	stream.linear.gather [hbm4b:s13+s2], $0x400, $0x38;
	[tilespmem:$0x18A00] =	vst v63  }
0x8a: {  	s24 =	simm.s32 $0x6A00;
	s23 =	sadd.s32 $0x1E8500, s4  }
0x8b: {  	[tilespmem:s24], [sflag:$0x1] =	stream.linear.gather [hbm4b:s23+s2], $0x400, $0x38;
	[tilespmem:$0x18A00] =	vst v63  }
0x8c: {  	s26 =	simm.s32 $0x6E00;
	s11 =	simm.s32 $0x7200;
	s25 =	sadd.s32 $0x2DC780, s4  }
0x8d: {  	[tilespmem:s26], [sflag:$0x1] =	stream.linear.gather [hbm4b:s25+s2], $0x400, $0x38;
	[tilespmem:$0x18A00] =	vst v63  }
0x8e: {  	s9 =	sadd.s32 $0x3D0A00, s4;
	s13 =	sadd.s32 $0x4C4C80, s4  }
0x8f: {  	[tilespmem:s11], [sflag:$0x1] =	stream.linear.gather [hbm4b:s9+s2], $0x400, $0x38;
	[tilespmem:$0x18A00] =	vst v63  }
0x90: {  	s14 =	simm.s32 $0x7600;
	s23 =	sadd.s32 $0x5B8F00, s4  }
0x91: {  	[tilespmem:s14], [sflag:$0x1] =	stream.linear.gather [hbm4b:s13+s2], $0x400, $0x38;
	[tilespmem:$0x18A00] =	vst v63  }
0x92: {  	s24 =	simm.s32 $0x7A00;
	s4 =	sadd.s32 $0x6AD180, s4;
	s25 =	spop (v2sf)  }
0x93: {  	[tilespmem:s24], [sflag:$0x1] =	stream.linear.gather [hbm4b:s23+s2], $0x400, $0x38;
	[tilespmem:$0x18A00] =	vst v63  }
0x94: {  	s26 =	simm.s32 $0x7E00;
	s8 =	sand.u32 $0xFFFFF80, s25  }
0x95: {  	(v2sf) =	vpush v3, $0x5;
	[tilespmem:s26], [sflag:$0x1] =	stream.linear.gather [hbm4b:s4+s2], $0x400, $0x38;
	[tilespmem:$0x18A00] =	vst v63  }
0x96: {  	[smem:$0x7D7] =	sst s25;
	s4 =	sadd.s32 s1, s8  }
0x97: {  	[tilespmem:s15], [sflag:$0x2] =	stream.linear.gather [hbm4b:s4+s2], $0x400, $0x38;
	[tilespmem:$0x18A00] =	vst v63  }
0x98: {  	s11 =	rddreg [dreg:$0x4];
	s23 =	sadd.s32 $0xF4280, s4  }
0x99: {  	[tilespmem:s11], [sflag:$0x2] =	stream.linear.gather [hbm4b:s23+s2], $0x400, $0x38;
	[tilespmem:$0x18A00] =	vst v63  }
0x9a: {  	s24 =	rddreg [dreg:$0x5];
	s25 =	sadd.s32 $0x1E8500, s4  }
0x9b: {  	[tilespmem:s24], [sflag:$0x2] =	stream.linear.gather [hbm4b:s25+s2], $0x400, $0x38;
	[tilespmem:$0x18A00] =	vst v63  }
0x9c: {  	s26 =	rddreg [dreg:$0x6];
	s23 =	sadd.s32 $0x2DC780, s4  }
0x9d: {  	[tilespmem:s26], [sflag:$0x2] =	stream.linear.gather [hbm4b:s23+s2], $0x400, $0x38;
	[tilespmem:$0x18A00] =	vst v63  }
0x9e: {  	s24 =	rddreg [dreg:$0x7];
	s25 =	sadd.s32 $0x3D0A00, s4  }
0x9f: {  	[tilespmem:s24], [sflag:$0x2] =	stream.linear.gather [hbm4b:s25+s2], $0x400, $0x38;
	[tilespmem:$0x18A00] =	vst v63  }
0xa0: {  	s26 =	rddreg [dreg:$0x8];
	s23 =	sadd.s32 $0x4C4C80, s4  }
0xa1: {  	[tilespmem:s26], [sflag:$0x2] =	stream.linear.gather [hbm4b:s23+s2], $0x400, $0x38;
	[tilespmem:$0x18A00] =	vst v63  }
0xa2: {  	s24 =	rddreg [dreg:$0x9];
	s25 =	sadd.s32 $0x5B8F00, s4  }
0xa3: {  	[tilespmem:s24], [sflag:$0x2] =	stream.linear.gather [hbm4b:s25+s2], $0x400, $0x38;
	[tilespmem:$0x18A00] =	vst v63  }
0xa4: {  	s24 =	spop (v2sf)  }
0xa5: {  	s4 =	sadd.s32 $0x6AD180, s4;
	s26 =	rddreg [dreg:$0xa];
	s25 =	sand.u32 $0xFFFFF80, s24  }
0xa6: {  	(v2sf) =	vpush v3, $0x6;
	[tilespmem:s26], [sflag:$0x2] =	stream.linear.gather [hbm4b:s4+s2], $0x400, $0x38;
	[tilespmem:$0x18A00] =	vst v63  }
0xa7: {  	s23 =	rddreg [dreg:$0xb];
	s6 =	sadd.s32 s1, s25  }
0xa8: {  	[tilespmem:s23], [sflag:$0x2] =	stream.linear.gather [hbm4b:s6+s2], $0x400, $0x38;
	[tilespmem:$0x18A00] =	vst v63  }
0xa9: {  	s26 =	rddreg [dreg:$0xc];
	s11 =	sadd.s32 $0xF4280, s6  }
0xaa: {  	[tilespmem:s26], [sflag:$0x2] =	stream.linear.gather [hbm4b:s11+s2], $0x400, $0x38;
	[tilespmem:$0x18A00] =	vst v63  }
0xab: {  	s25 =	sadd.s32 $0x1E8500, s6;
	s23 =	rddreg [dreg:$0xd]  }
0xac: {  	[tilespmem:s23], [sflag:$0x2] =	stream.linear.gather [hbm4b:s25+s2], $0x400, $0x38;
	[tilespmem:$0x18A00] =	vst v63  }
0xad: {  	s26 =	rddreg [dreg:$0xe];
	s11 =	sadd.s32 $0x2DC780, s6  }
0xae: {  	[tilespmem:s26], [sflag:$0x2] =	stream.linear.gather [hbm4b:s11+s2], $0x400, $0x38;
	[tilespmem:$0x18A00] =	vst v63  }
0xaf: {  	s23 =	rddreg [dreg:$0xf];
	s25 =	sadd.s32 $0x3D0A00, s6  }
0xb0: {  	[tilespmem:s23], [sflag:$0x2] =	stream.linear.gather [hbm4b:s25+s2], $0x400, $0x38;
	[tilespmem:$0x18A00] =	vst v63  }
0xb1: {  	s26 =	rddreg [dreg:$0x10];
	s11 =	sadd.s32 $0x4C4C80, s6  }
0xb2: {  	[tilespmem:s26], [sflag:$0x2] =	stream.linear.gather [hbm4b:s11+s2], $0x400, $0x38;
	[tilespmem:$0x18A00] =	vst v63  }
0xb3: {  	s23 =	rddreg [dreg:$0x11];
	s25 =	sadd.s32 $0x5B8F00, s6  }
0xb4: {  	[tilespmem:s23], [sflag:$0x2] =	stream.linear.gather [hbm4b:s25+s2], $0x400, $0x38;
	[tilespmem:$0x18A00] =	vst v63  }
0xb5: {  	s25 =	spop (v2sf)  }
0xb6: {  	s6 =	sadd.s32 $0x6AD180, s6;
	s26 =	rddreg [dreg:$0x12];
	s23 =	sand.u32 $0xFFFFF80, s25  }
0xb7: {  	[tilespmem:s26], [sflag:$0x2] =	stream.linear.gather [hbm4b:s6+s2], $0x400, $0x38;
	[tilespmem:$0x18A00] =	vst v63  }
0xb8: {  	s11 =	rddreg [dreg:$0x13];
	s6 =	sadd.s32 s1, s23  }
0xb9: {  	(v2sf) =	vpush v3, $0x7;
	[tilespmem:s11], [sflag:$0x2] =	stream.linear.gather [hbm4b:s6+s2], $0x400, $0x38;
	[tilespmem:$0x18A00] =	vst v63  }
0xba: {  	s26 =	rddreg [dreg:$0x14];
	s11 =	sadd.s32 $0xF4280, s6  }
0xbb: {  	[tilespmem:s26], [sflag:$0x2] =	stream.linear.gather [hbm4b:s11+s2], $0x400, $0x38;
	[tilespmem:$0x18A00] =	vst v63  }
0xbc: {  	s23 =	rddreg [dreg:$0x15];
	s26 =	sadd.s32 $0x1E8500, s6  }
0xbd: {  	[tilespmem:s23], [sflag:$0x2] =	stream.linear.gather [hbm4b:s26+s2], $0x400, $0x38;
	[tilespmem:$0x18A00] =	vst v63  }
0xbe: {  	s8 =	rddreg [dreg:$0x16];
	s23 =	sadd.s32 $0x2DC780, s6  }
0xbf: {  	[tilespmem:s8], [sflag:$0x2] =	stream.linear.gather [hbm4b:s23+s2], $0x400, $0x38;
	[tilespmem:$0x18A00] =	vst v63  }
0xc0: {  	s26 =	rddreg [dreg:$0x17];
	s8 =	sadd.s32 $0x3D0A00, s6  }
0xc1: {  	[tilespmem:s26], [sflag:$0x2] =	stream.linear.gather [hbm4b:s8+s2], $0x400, $0x38;
	[tilespmem:$0x18A00] =	vst v63  }
0xc2: {  	s23 =	rddreg [dreg:$0x18];
	s26 =	sadd.s32 $0x4C4C80, s6  }
0xc3: {  	[tilespmem:s23], [sflag:$0x2] =	stream.linear.gather [hbm4b:s26+s2], $0x400, $0x38;
	[tilespmem:$0x18A00] =	vst v63  }
0xc4: {  	s11 =	rddreg [dreg:$0x19];
	s23 =	sadd.s32 $0x5B8F00, s6  }
0xc5: {  	[tilespmem:s11], [sflag:$0x2] =	stream.linear.gather [hbm4b:s23+s2], $0x400, $0x38;
	[tilespmem:$0x18A00] =	vst v63  }
0xc6: {  	s26 =	rddreg [dreg:$0x1a];
	s11 =	sadd.s32 $0x6AD180, s6  }
0xc7: {  	(v2sf) =	vpush v3, $0x8;
	[tilespmem:s26], [sflag:$0x2] =	stream.linear.gather [hbm4b:s11+s2], $0x400, $0x38;
	[tilespmem:$0x18A00] =	vst v63  }
0xc8: {  	s26 =	spop (v2sf)  }
0xc9: {  	s8 =	rddreg [dreg:$0x1c];
	s11 =	sand.u32 $0xFFFFF80, s26  }
0xca: {  	s23 =	rddreg [dreg:$0x1b];
	s6 =	sadd.s32 s1, s11  }
0xcb: {  	[tilespmem:s23], [sflag:$0x2] =	stream.linear.gather [hbm4b:s6+s2], $0x400, $0x38;
	[tilespmem:$0x18A00] =	vst v63  }
0xcc: {  	s11 =	rddreg [dreg:$0x1d];
	s23 =	sadd.s32 $0xF4280, s6  }
0xcd: {  	[tilespmem:s8], [sflag:$0x2] =	stream.linear.gather [hbm4b:s23+s2], $0x400, $0x38;
	[tilespmem:$0x18A00] =	vst v63  }
0xce: {  	s23 =	sadd.s32 $0x1E8500, s6;
	s8 =	rddreg [dreg:$0x1e]  }
0xcf: {  	[tilespmem:s11], [sflag:$0x2] =	stream.linear.gather [hbm4b:s23+s2], $0x400, $0x38;
	[tilespmem:$0x18A00] =	vst v63  }
0xd0: {  	s23 =	sadd.s32 $0x2DC780, s6;
	s11 =	rddreg [dreg:$0x1f]  }
0xd1: {  	[tilespmem:s8], [sflag:$0x2] =	stream.linear.gather [hbm4b:s23+s2], $0x400, $0x38;
	[tilespmem:$0x18A00] =	vst v63  }
0xd2: {  	s23 =	sadd.s32 $0x3D0A00, s6;
	s8 =	sld [smem:$0x7D9]  }
0xd3: {  	[tilespmem:s11], [sflag:$0x2] =	stream.linear.gather [hbm4b:s23+s2], $0x400, $0x38;
	[tilespmem:$0x18A00] =	vst v63  }
0xd4: {  	s23 =	sadd.s32 $0x4C4C80, s6;
	s11 =	sld [smem:$0x7DA]  }
0xd5: {  	[tilespmem:s8], [sflag:$0x2] =	stream.linear.gather [hbm4b:s23+s2], $0x400, $0x38;
	[tilespmem:$0x18A00] =	vst v63  }
0xd6: {  	s29 =	spop (v2sf);
	s23 =	sadd.s32 $0x5B8F00, s6;
	s8 =	sld [smem:$0x7DB]  }
0xd7: {  	[tilespmem:s11], [sflag:$0x2] =	stream.linear.gather [hbm4b:s23+s2], $0x400, $0x38;
	[tilespmem:$0x18A00] =	vst v63  }
0xd8: {  	s23 =	sadd.s32 $0x6AD180, s6;
	s6 =	sand.u32 $0xFFFFF80, s29  }
0xd9: {  	[tilespmem:s8], [sflag:$0x2] =	stream.linear.gather [hbm4b:s23+s2], $0x400, $0x38;
	[tilespmem:$0x18A00] =	vst v63  }
0xda: {  	s4 =	sadd.s32 s1, s6;
	s8 =	sld [smem:$0x7DC]  }
0xdb: {  	(v2sf) =	vpush v3, $0x9;
	[tilespmem:s16], [sflag:$0x3] =	stream.linear.gather [hbm4b:s4+s2], $0x400, $0x38;
	[tilespmem:$0x18A00] =	vst v63  }
0xdc: {  	s11 =	sld [smem:$0x7DD];
	s23 =	sadd.s32 $0xF4280, s4  }
0xdd: {  	[tilespmem:s8], [sflag:$0x3] =	stream.linear.gather [hbm4b:s23+s2], $0x400, $0x38;
	[tilespmem:$0x18A00] =	vst v63  }
0xde: {  	s23 =	sadd.s32 $0x1E8500, s4;
	s8 =	sld [smem:$0x7DE]  }
0xdf: {  	[tilespmem:s11], [sflag:$0x3] =	stream.linear.gather [hbm4b:s23+s2], $0x400, $0x38;
	[tilespmem:$0x18A00] =	vst v63  }
0xe0: {  	s23 =	sadd.s32 $0x2DC780, s4;
	s11 =	sld [smem:$0x7DF]  }
0xe1: {  	[tilespmem:s8], [sflag:$0x3] =	stream.linear.gather [hbm4b:s23+s2], $0x400, $0x38;
	[tilespmem:$0x18A00] =	vst v63  }
0xe2: {  	s23 =	sadd.s32 $0x3D0A00, s4;
	s8 =	sld [smem:$0x7E0]  }
0xe3: {  	[tilespmem:s11], [sflag:$0x3] =	stream.linear.gather [hbm4b:s23+s2], $0x400, $0x38;
	[tilespmem:$0x18A00] =	vst v63  }
0xe4: {  	s23 =	sadd.s32 $0x4C4C80, s4;
	s11 =	sld [smem:$0x7E1]  }
0xe5: {  	[tilespmem:s8], [sflag:$0x3] =	stream.linear.gather [hbm4b:s23+s2], $0x400, $0x38;
	[tilespmem:$0x18A00] =	vst v63  }
0xe6: {  	s8 =	sadd.s32 $0x5B8F00, s4;
	s23 =	sld [smem:$0x7E2]  }
0xe7: {  	[tilespmem:s11], [sflag:$0x3] =	stream.linear.gather [hbm4b:s8+s2], $0x400, $0x38;
	[tilespmem:$0x18A00] =	vst v63  }
0xe8: {  	s4 =	sadd.s32 $0x6AD180, s4  }
0xe9: {  	[tilespmem:s23], [sflag:$0x3] =	stream.linear.gather [hbm4b:s4+s2], $0x400, $0x38;
	[tilespmem:$0x18A00] =	vst v63  }
0xea: {  	s30 =	spop (v2sf);
	s23 =	sld [smem:$0x7E3]  }
0xeb: {  	s11 =	sand.u32 $0xFFFFF80, s30  }
0xec: {  	s8 =	sld [smem:$0x7E4];
	s6 =	sadd.s32 s1, s11  }
0xed: {  	(v2sf) =	vpush v3, $0xA;
	[tilespmem:s23], [sflag:$0x3] =	stream.linear.gather [hbm4b:s6+s2], $0x400, $0x38;
	[tilespmem:$0x18A00] =	vst v63  }
0xee: {  	s11 =	sld [smem:$0x7E6];
	s23 =	sadd.s32 $0xF4280, s6  }
0xef: {  	[tilespmem:s8], [sflag:$0x3] =	stream.linear.gather [hbm4b:s23+s2], $0x400, $0x38;
	[tilespmem:$0x18A00] =	vst v63  }
0xf0: {  	s23 =	sadd.s32 $0x1E8500, s6;
	s8 =	sld [smem:$0x7E8]  }
0xf1: {  	[tilespmem:s11], [sflag:$0x3] =	stream.linear.gather [hbm4b:s23+s2], $0x400, $0x38;
	[tilespmem:$0x18A00] =	vst v63  }
0xf2: {  	s23 =	sadd.s32 $0x2DC780, s6;
	s11 =	sld [smem:$0x7E9]  }
0xf3: {  	[tilespmem:s8], [sflag:$0x3] =	stream.linear.gather [hbm4b:s23+s2], $0x400, $0x38;
	[tilespmem:$0x18A00] =	vst v63  }
0xf4: {  	s23 =	sadd.s32 $0x3D0A00, s6;
	s8 =	sld [smem:$0x7EA]  }
0xf5: {  	[tilespmem:s11], [sflag:$0x3] =	stream.linear.gather [hbm4b:s23+s2], $0x400, $0x38;
	[tilespmem:$0x18A00] =	vst v63  }
0xf6: {  	s23 =	sadd.s32 $0x4C4C80, s6;
	s11 =	sld [smem:$0x7EC]  }
0xf7: {  	[tilespmem:s8], [sflag:$0x3] =	stream.linear.gather [hbm4b:s23+s2], $0x400, $0x38;
	[tilespmem:$0x18A00] =	vst v63  }
0xf8: {  	s8 =	sadd.s32 $0x5B8F00, s6;
	s23 =	sld [smem:$0x7ED]  }
0xf9: {  	[tilespmem:s11], [sflag:$0x3] =	stream.linear.gather [hbm4b:s8+s2], $0x400, $0x38;
	[tilespmem:$0x18A00] =	vst v63  }
0xfa: {  	s11 =	sadd.s32 $0x6AD180, s6  }
0xfb: {  	[tilespmem:s23], [sflag:$0x3] =	stream.linear.gather [hbm4b:s11+s2], $0x400, $0x38;
	[tilespmem:$0x18A00] =	vst v63  }
0xfc: {  	s8 =	spop (v2sf);
	s23 =	sld [smem:$0x7EE]  }
0xfd: {  	s11 =	sand.u32 $0xFFFFF80, s8  }
0xfe: {  	s6 =	sadd.s32 s1, s11;
	s11 =	sld [smem:$0x7EF]  }
0xff: {  	(v2sf) =	vpush v3, $0xB;
	[tilespmem:s23], [sflag:$0x3] =	stream.linear.gather [hbm4b:s6+s2], $0x400, $0x38;
	[tilespmem:$0x18A00] =	vst v63  }
0x100: {  	s28 =	sld [smem:$0x7F0];
	s23 =	sadd.s32 $0xF4280, s6  }
0x101: {  	[tilespmem:s11], [sflag:$0x3] =	stream.linear.gather [hbm4b:s23+s2], $0x400, $0x38;
	[tilespmem:$0x18A00] =	vst v63  }
0x102: {  	s23 =	sadd.s32 $0x1E8500, s6;
	s11 =	sld [smem:$0x7F1]  }
0x103: {  	[tilespmem:s28], [sflag:$0x3] =	stream.linear.gather [hbm4b:s23+s2], $0x400, $0x38;
	[tilespmem:$0x18A00] =	vst v63  }
0x104: {  	s23 =	sadd.s32 $0x2DC780, s6;
	s28 =	sld [smem:$0x7F2]  }
0x105: {  	[tilespmem:s11], [sflag:$0x3] =	stream.linear.gather [hbm4b:s23+s2], $0x400, $0x38;
	[tilespmem:$0x18A00] =	vst v63  }
0x106: {  	s23 =	sadd.s32 $0x3D0A00, s6;
	s11 =	sld [smem:$0x7F3]  }
0x107: {  	[tilespmem:s28], [sflag:$0x3] =	stream.linear.gather [hbm4b:s23+s2], $0x400, $0x38;
	[tilespmem:$0x18A00] =	vst v63  }
0x108: {  	s23 =	sadd.s32 $0x4C4C80, s6;
	s28 =	sld [smem:$0x7F4]  }
0x109: {  	[tilespmem:s11], [sflag:$0x3] =	stream.linear.gather [hbm4b:s23+s2], $0x400, $0x38;
	[tilespmem:$0x18A00] =	vst v63  }
0x10a: {  	s11 =	sadd.s32 $0x5B8F00, s6;
	s23 =	sld [smem:$0x7F5]  }
0x10b: {  	[tilespmem:s28], [sflag:$0x3] =	stream.linear.gather [hbm4b:s11+s2], $0x400, $0x38;
	[tilespmem:$0x18A00] =	vst v63  }
0x10c: {  	s6 =	sadd.s32 $0x6AD180, s6  }
0x10d: {  	[tilespmem:s23], [sflag:$0x3] =	stream.linear.gather [hbm4b:s6+s2], $0x400, $0x38;
	[tilespmem:$0x18A00] =	vst v63  }
0x10e: {  	s4 =	sld [smem:$0x7F6];
	s6 =	spop (v2sf)  }
0x10f: {  	s23 =	sand.u32 $0xFFFFF80, s6  }
0x110: {  	(v2sf) =	vpush v3, $0xC;
	s11 =	sld [smem:$0x7F7];
	s28 =	sadd.s32 s1, s23  }
0x111: {  	(v2sf) =	vpush v3, $0xD;
	[tilespmem:s4], [sflag:$0x3] =	stream.linear.gather [hbm4b:s28+s2], $0x400, $0x38;
	[tilespmem:$0x18A00] =	vst v63  }
0x112: {  	s31 =	sld [smem:$0x7F8];
	s23 =	sadd.s32 $0xF4280, s28  }
0x113: {  	(v2sf) =	vpush v3, $0xE;
	[tilespmem:s11], [sflag:$0x3] =	stream.linear.gather [hbm4b:s23+s2], $0x400, $0x38;
	[tilespmem:$0x18A00] =	vst v63  }
0x114: {  	(v2sf) =	vpush v3, $0xF;
	s23 =	sadd.s32 $0x1E8500, s28;
	s11 =	sld [smem:$0x7F9]  }
0x115: {  	[tilespmem:s31], [sflag:$0x3] =	stream.linear.gather [hbm4b:s23+s2], $0x400, $0x38;
	[tilespmem:$0x18A00] =	vst v63  }
0x116: {  	s23 =	sadd.s32 $0x2DC780, s28;
	s31 =	sld [smem:$0x7FA]  }
0x117: {  	[tilespmem:s11], [sflag:$0x3] =	stream.linear.gather [hbm4b:s23+s2], $0x400, $0x38;
	[tilespmem:$0x18A00] =	vst v63  }
0x118: {  	s23 =	sadd.s32 $0x3D0A00, s28;
	s11 =	sld [smem:$0x7FB]  }
0x119: {  	[tilespmem:s31], [sflag:$0x3] =	stream.linear.gather [hbm4b:s23+s2], $0x400, $0x38;
	[tilespmem:$0x18A00] =	vst v63  }
0x11a: {  	s23 =	sadd.s32 $0x4C4C80, s28;
	s31 =	sld [smem:$0x7FC]  }
0x11b: {  	[tilespmem:s11], [sflag:$0x3] =	stream.linear.gather [hbm4b:s23+s2], $0x400, $0x38;
	[tilespmem:$0x18A00] =	vst v63  }
0x11c: {  	s11 =	sadd.s32 $0x5B8F00, s28  }
0x11d: {  	[tilespmem:s31], [sflag:$0x3] =	stream.linear.gather [hbm4b:s11+s2], $0x400, $0x38;
	[tilespmem:$0x18A00] =	vst v63  }
0x11e: {  	s31 =	sld [smem:$0x7FD]  }
0x11f: {  	s11 =	spop (v2sf)  }
0x120: {  	s28 =	sadd.s32 $0x6AD180, s28;
	s4 =	spop (v2sf)  }
0x121: {  	[tilespmem:s31], [sflag:$0x3] =	stream.linear.gather [hbm4b:s28+s2], $0x400, $0x38;
	[tilespmem:$0x18A00] =	vst v63  }
0x122: {  	s31 =	spop (v2sf)  }
0x123: {  	s28 =	spop (v2sf)  }
0x124: {  	_ =	swait.ge [sflag:s17], $0x2000  }
0x125: {  	[sflag:s17] =	ssyncset.done $0x0  }
0x126: {  	[sflag:s17] =	ssyncadd.s32 $0xFFFFE000  }
0x127: {  	_ =	swait.ge [sflag:s17], $0x2000  }
0x128: {  	[sflag:s17] =	ssyncset.done $0x0  }
0x129: {  	[sflag:s17] =	ssyncadd.s32 $0xFFFFE000  }
0x12a: {  	s0 =	sand.u32 $0x7F, s0;
	_ =	swait.ge [sflag:s17], $0x2000  }
0x12b: {  	v3 =	vor.u32 s0, v1;
	[sflag:s17] =	ssyncset.done $0x0  }
0x12c: {  	[sflag:s17] =	ssyncadd.s32 $0xFFFFE000  }
0x12d: {  	_ =	swait.ge [sflag:s17], $0x2000  }
0x12e: {  	[sflag:s17] =	ssyncset.done $0x0  }
0x12f: {  	[sflag:s17] =	ssyncadd.s32 $0xFFFFE000  }
0x130: {  	v3 =	vld.idx.msk [tilespmem:v3+s10+$0x0], $0xffff  }
0x131: {  	v5 =	vor.u32 s0, v2;
	_ =	sdelay $0x3  }
0x132: {  	[tilespmem:v0+s18+$0x0] =	vst.idx.msk $0xffff, v3  }
0x133: {  	v3 =	vld.idx.msk [tilespmem:v5+s10+$0x0], $0xffff  }
0x134: {  	v5 =	vor.u32 s0, v4;
	_ =	sdelay $0x3  }
0x135: {  	[tilespmem:v9+s18+$0x0] =	vst.idx.msk $0xffff, v3  }
0x136: {  	v3 =	vld.idx.msk [tilespmem:v5+s10+$0x0], $0xffff  }
0x137: {  	v5 =	vor.u32 s0, v6;
	_ =	sdelay $0x3  }
0x138: {  	[tilespmem:v11+s18+$0x0] =	vst.idx.msk $0xffff, v3  }
0x139: {  	s23 =	sand.u32 $0x7F, s3;
	v3 =	vld.idx.msk [tilespmem:v5+s10+$0x0], $0xffff  }
0x13a: {  	v5 =	vor.u32 s23, v8;
	_ =	sdelay $0x3  }
0x13b: {  	[tilespmem:v13+s18+$0x0] =	vst.idx.msk $0xffff, v3  }
0x13c: {  	v3 =	vld.idx.msk [tilespmem:v5+s10+$0x0], $0xffff  }
0x13d: {  	v5 =	vor.u32 s23, v10;
	_ =	sdelay $0x3  }
0x13e: {  	[tilespmem:v15+s18+$0x0] =	vst.idx.msk $0xffff, v3  }
0x13f: {  	v3 =	vld.idx.msk [tilespmem:v5+s10+$0x0], $0xffff  }
0x140: {  	v5 =	vor.u32 s23, v12;
	_ =	sdelay $0x3  }
0x141: {  	[tilespmem:v17+s18+$0x0] =	vst.idx.msk $0xffff, v3  }
0x142: {  	v3 =	vld.idx.msk [tilespmem:v5+s10+$0x0], $0xffff  }
0x143: {  	v5 =	vor.u32 s23, v14;
	_ =	sdelay $0x3  }
0x144: {  	[tilespmem:v19+s18+$0x0] =	vst.idx.msk $0xffff, v3  }
0x145: {  	s3 =	sand.u32 $0x7F, s7;
	v3 =	vld.idx.msk [tilespmem:v5+s10+$0x0], $0xffff  }
0x146: {  	v5 =	vor.u32 s3, v16;
	_ =	sdelay $0x3  }
0x147: {  	[tilespmem:v21+s18+$0x0] =	vst.idx.msk $0xffff, v3  }
0x148: {  	v3 =	vld.idx.msk [tilespmem:v5+s10+$0x0], $0xffff  }
0x149: {  	v5 =	vor.u32 s3, v18;
	_ =	sdelay $0x3  }
0x14a: {  	[tilespmem:v23+s18+$0x0] =	vst.idx.msk $0xffff, v3  }
0x14b: {  	v3 =	vld.idx.msk [tilespmem:v5+s10+$0x0], $0xffff  }
0x14c: {  	v5 =	vor.u32 s3, v20;
	_ =	sdelay $0x3  }
0x14d: {  	[tilespmem:v25+s18+$0x0] =	vst.idx.msk $0xffff, v3  }
0x14e: {  	v3 =	vld.idx.msk [tilespmem:v5+s10+$0x0], $0xffff  }
0x14f: {  	v5 =	vor.u32 s3, v22;
	_ =	sdelay $0x3  }
0x150: {  	[tilespmem:v27+s18+$0x0] =	vst.idx.msk $0xffff, v3  }
0x151: {  	s23 =	sand.u32 $0x7F, s5;
	v3 =	vld.idx.msk [tilespmem:v5+s10+$0x0], $0xffff  }
0x152: {  	v5 =	vor.u32 s23, v24;
	_ =	sdelay $0x3  }
0x153: {  	[tilespmem:v29+s18+$0x0] =	vst.idx.msk $0xffff, v3  }
0x154: {  	v3 =	vld.idx.msk [tilespmem:v5+s10+$0x0], $0xffff  }
0x155: {  	v5 =	vor.u32 s23, v26;
	_ =	sdelay $0x3  }
0x156: {  	[tilespmem:v31+s18+$0x0] =	vst.idx.msk $0xffff, v3  }
0x157: {  	v3 =	vld.idx.msk [tilespmem:v5+s10+$0x0], $0xffff  }
0x158: {  	v5 =	vor.u32 s23, v28;
	_ =	sdelay $0x3  }
0x159: {  	[tilespmem:v32+s18+$0x0] =	vst.idx.msk $0xffff, v3  }
0x15a: {  	v3 =	vld.idx.msk [tilespmem:v5+s10+$0x0], $0xffff  }
0x15b: {  	v5 =	vor.u32 s23, v30;
	_ =	sdelay $0x3  }
0x15c: {  	[tilespmem:v33+s18+$0x0] =	vst.idx.msk $0xffff, v3  }
0x15d: {  	v3 =	vld.idx.msk [tilespmem:v5+s10+$0x0], $0xffff;
	_ =	sdelay $0x3  }
0x15e: {  	s3 =	sand.u32 $0xFFFFF80, s11  }
0x15f: {  	s0 =	sadd.s32 s1, s3;
	[tilespmem:v34+s18+$0x0] =	vst.idx.msk $0xffff, v3  }
0x160: {  	[tilespmem:s10], [sflag:$0x1] =	stream.linear.gather [hbm4b:s0+s2], $0x400, $0x38;
	[tilespmem:$0x18A00] =	vst v63  }
0x161: {  	s5 =	simm.s32 $0x600;
	s23 =	sadd.s32 $0xF4280, s0  }
0x162: {  	[tilespmem:s5], [sflag:$0x1] =	stream.linear.gather [hbm4b:s23+s2], $0x400, $0x38;
	[tilespmem:$0x18A00] =	vst v63  }
0x163: {  	s7 =	simm.s32 $0xA00;
	s23 =	sadd.s32 $0x1E8500, s0  }
0x164: {  	[tilespmem:s7], [sflag:$0x1] =	stream.linear.gather [hbm4b:s23+s2], $0x400, $0x38;
	[tilespmem:$0x18A00] =	vst v63  }
0x165: {  	s12 =	simm.s32 $0xE00;
	s23 =	sadd.s32 $0x2DC780, s0  }
0x166: {  	[tilespmem:s12], [sflag:$0x1] =	stream.linear.gather [hbm4b:s23+s2], $0x400, $0x38;
	[tilespmem:$0x18A00] =	vst v63  }
0x167: {  	s12 =	simm.s32 $0x1200;
	s23 =	sadd.s32 $0x3D0A00, s0  }
0x168: {  	[tilespmem:s12], [sflag:$0x1] =	stream.linear.gather [hbm4b:s23+s2], $0x400, $0x38;
	[tilespmem:$0x18A00] =	vst v63  }
0x169: {  	s13 =	simm.s32 $0x1600;
	s23 =	sadd.s32 $0x4C4C80, s0  }
0x16a: {  	[tilespmem:s13], [sflag:$0x1] =	stream.linear.gather [hbm4b:s23+s2], $0x400, $0x38;
	[tilespmem:$0x18A00] =	vst v63  }
0x16b: {  	s14 =	simm.s32 $0x1E00;
	s13 =	simm.s32 $0x1A00;
	s23 =	sadd.s32 $0x5B8F00, s0  }
0x16c: {  	[tilespmem:s13], [sflag:$0x1] =	stream.linear.gather [hbm4b:s23+s2], $0x400, $0x38;
	[tilespmem:$0x18A00] =	vst v63  }
0x16d: {  	s3 =	sand.u32 $0xFFFFF80, s4;
	s0 =	sadd.s32 $0x6AD180, s0  }
0x16e: {  	[tilespmem:s14], [sflag:$0x1] =	stream.linear.gather [hbm4b:s0+s2], $0x400, $0x38;
	[tilespmem:$0x18A00] =	vst v63  }
0x16f: {  	s14 =	simm.s32 $0x2200;
	s0 =	sadd.s32 s1, s3  }
0x170: {  	[tilespmem:s14], [sflag:$0x1] =	stream.linear.gather [hbm4b:s0+s2], $0x400, $0x38;
	[tilespmem:$0x18A00] =	vst v63  }
0x171: {  	s9 =	simm.s32 $0x2600;
	s23 =	sadd.s32 $0xF4280, s0  }
0x172: {  	[tilespmem:s9], [sflag:$0x1] =	stream.linear.gather [hbm4b:s23+s2], $0x400, $0x38;
	[tilespmem:$0x18A00] =	vst v63  }
0x173: {  	s3 =	sadd.s32 $0x1E8500, s0;
	s23 =	simm.s32 $0x2A00  }
0x174: {  	[tilespmem:s23], [sflag:$0x1] =	stream.linear.gather [hbm4b:s3+s2], $0x400, $0x38;
	[tilespmem:$0x18A00] =	vst v63  }
0x175: {  	s3 =	sadd.s32 $0x2DC780, s0;
	s23 =	simm.s32 $0x2E00  }
0x176: {  	[tilespmem:s23], [sflag:$0x1] =	stream.linear.gather [hbm4b:s3+s2], $0x400, $0x38;
	[tilespmem:$0x18A00] =	vst v63  }
0x177: {  	s3 =	sadd.s32 $0x3D0A00, s0;
	s23 =	simm.s32 $0x3200  }
0x178: {  	[tilespmem:s23], [sflag:$0x1] =	stream.linear.gather [hbm4b:s3+s2], $0x400, $0x38;
	[tilespmem:$0x18A00] =	vst v63  }
0x179: {  	s3 =	sadd.s32 $0x4C4C80, s0;
	s23 =	simm.s32 $0x3600  }
0x17a: {  	[tilespmem:s23], [sflag:$0x1] =	stream.linear.gather [hbm4b:s3+s2], $0x400, $0x38;
	[tilespmem:$0x18A00] =	vst v63  }
0x17b: {  	s3 =	sadd.s32 $0x5B8F00, s0  }
0x17c: {  	s23 =	simm.s32 $0x3A00;
	s0 =	sadd.s32 $0x6AD180, s0  }
0x17d: {  	[tilespmem:s23], [sflag:$0x1] =	stream.linear.gather [hbm4b:s3+s2], $0x400, $0x38;
	[tilespmem:$0x18A00] =	vst v63  }
0x17e: {  	s23 =	simm.s32 $0x3E00;
	s3 =	sand.u32 $0xFFFFF80, s31  }
0x17f: {  	[tilespmem:s23], [sflag:$0x1] =	stream.linear.gather [hbm4b:s0+s2], $0x400, $0x38;
	[tilespmem:$0x18A00] =	vst v63  }
0x180: {  	s0 =	sadd.s32 s1, s3;
	s23 =	simm.s32 $0x4200  }
0x181: {  	[tilespmem:s23], [sflag:$0x1] =	stream.linear.gather [hbm4b:s0+s2], $0x400, $0x38;
	[tilespmem:$0x18A00] =	vst v63  }
0x182: {  	s3 =	sadd.s32 $0xF4280, s0;
	s23 =	simm.s32 $0x4600  }
0x183: {  	[tilespmem:s23], [sflag:$0x1] =	stream.linear.gather [hbm4b:s3+s2], $0x400, $0x38;
	[tilespmem:$0x18A00] =	vst v63  }
0x184: {  	s3 =	sadd.s32 $0x1E8500, s0;
	s23 =	simm.s32 $0x4A00  }
0x185: {  	[tilespmem:s23], [sflag:$0x1] =	stream.linear.gather [hbm4b:s3+s2], $0x400, $0x38;
	[tilespmem:$0x18A00] =	vst v63  }
0x186: {  	s3 =	sadd.s32 $0x2DC780, s0;
	s23 =	simm.s32 $0x4E00  }
0x187: {  	[tilespmem:s23], [sflag:$0x1] =	stream.linear.gather [hbm4b:s3+s2], $0x400, $0x38;
	[tilespmem:$0x18A00] =	vst v63  }
0x188: {  	s3 =	sadd.s32 $0x3D0A00, s0;
	s23 =	simm.s32 $0x5200  }
0x189: {  	[tilespmem:s23], [sflag:$0x1] =	stream.linear.gather [hbm4b:s3+s2], $0x400, $0x38;
	[tilespmem:$0x18A00] =	vst v63  }
0x18a: {  	s3 =	sadd.s32 $0x4C4C80, s0;
	s23 =	simm.s32 $0x5600  }
0x18b: {  	[tilespmem:s23], [sflag:$0x1] =	stream.linear.gather [hbm4b:s3+s2], $0x400, $0x38;
	[tilespmem:$0x18A00] =	vst v63  }
0x18c: {  	s3 =	sadd.s32 $0x5B8F00, s0  }
0x18d: {  	s23 =	simm.s32 $0x5A00;
	s0 =	sadd.s32 $0x6AD180, s0  }
0x18e: {  	[tilespmem:s23], [sflag:$0x1] =	stream.linear.gather [hbm4b:s3+s2], $0x400, $0x38;
	[tilespmem:$0x18A00] =	vst v63  }
0x18f: {  	s23 =	simm.s32 $0x5E00;
	s3 =	sand.u32 $0xFFFFF80, s28  }
0x190: {  	[tilespmem:s23], [sflag:$0x1] =	stream.linear.gather [hbm4b:s0+s2], $0x400, $0x38;
	[tilespmem:$0x18A00] =	vst v63  }
0x191: {  	s0 =	sadd.s32 s1, s3;
	s23 =	simm.s32 $0x6200  }
0x192: {  	[tilespmem:s23], [sflag:$0x1] =	stream.linear.gather [hbm4b:s0+s2], $0x400, $0x38;
	[tilespmem:$0x18A00] =	vst v63  }
0x193: {  	s3 =	sadd.s32 $0xF4280, s0;
	s23 =	simm.s32 $0x6600  }
0x194: {  	[tilespmem:s23], [sflag:$0x1] =	stream.linear.gather [hbm4b:s3+s2], $0x400, $0x38;
	[tilespmem:$0x18A00] =	vst v63  }
0x195: {  	s3 =	sadd.s32 $0x1E8500, s0;
	s23 =	simm.s32 $0x6A00  }
0x196: {  	[tilespmem:s23], [sflag:$0x1] =	stream.linear.gather [hbm4b:s3+s2], $0x400, $0x38;
	[tilespmem:$0x18A00] =	vst v63  }
0x197: {  	s3 =	sadd.s32 $0x2DC780, s0;
	s23 =	simm.s32 $0x6E00  }
0x198: {  	[tilespmem:s23], [sflag:$0x1] =	stream.linear.gather [hbm4b:s3+s2], $0x400, $0x38;
	[tilespmem:$0x18A00] =	vst v63  }
0x199: {  	s3 =	sadd.s32 $0x3D0A00, s0;
	s23 =	simm.s32 $0x7200  }
0x19a: {  	[tilespmem:s23], [sflag:$0x1] =	stream.linear.gather [hbm4b:s3+s2], $0x400, $0x38;
	[tilespmem:$0x18A00] =	vst v63  }
0x19b: {  	s3 =	sadd.s32 $0x4C4C80, s0;
	s23 =	simm.s32 $0x7600  }
0x19c: {  	[tilespmem:s23], [sflag:$0x1] =	stream.linear.gather [hbm4b:s3+s2], $0x400, $0x38;
	[tilespmem:$0x18A00] =	vst v63  }
0x19d: {  	s3 =	sadd.s32 $0x5B8F00, s0;
	s23 =	simm.s32 $0x7A00  }
0x19e: {  	[tilespmem:s23], [sflag:$0x1] =	stream.linear.gather [hbm4b:s3+s2], $0x400, $0x38;
	[tilespmem:$0x18A00] =	vst v63  }
0x19f: {  	s0 =	sadd.s32 $0x6AD180, s0;
	s23 =	simm.s32 $0x7E00  }
0x1a0: {  	[tilespmem:s23], [sflag:$0x1] =	stream.linear.gather [hbm4b:s0+s2], $0x400, $0x38;
	[tilespmem:$0x18A00] =	vst v63  }
0x1a1: {  	_ =	swait.ge [sflag:s19], $0x2000  }
0x1a2: {  	[sflag:s19] =	ssyncset.done $0x0  }
0x1a3: {  	[sflag:s19] =	ssyncadd.s32 $0xFFFFE000  }
0x1a4: {  	_ =	swait.ge [sflag:s19], $0x2000  }
0x1a5: {  	[sflag:s19] =	ssyncset.done $0x0  }
0x1a6: {  	[sflag:s19] =	ssyncadd.s32 $0xFFFFE000  }
0x1a7: {  	_ =	swait.ge [sflag:s19], $0x2000  }
0x1a8: {  	s23 =	sld [smem:$0x7D7];
	_ =	sdelay $0x2  }
0x1a9: {  	[sflag:s19] =	ssyncset.done $0x0;
	s0 =	sand.u32 $0x7F, s23  }
0x1aa: {  	[sflag:s19] =	ssyncadd.s32 $0xFFFFE000;
	v3 =	vor.u32 s0, v1  }
0x1ab: {  	_ =	swait.ge [sflag:s19], $0x2000  }
0x1ac: {  	v7 =	vld [tilespmem:$0x1FFC0]  }
0x1ad: {  	[sflag:s19] =	ssyncset.done $0x0  }
0x1ae: {  	[sflag:s19] =	ssyncadd.s32 $0xFFFFE000  }
0x1af: {  	v3 =	vld.idx.msk [tilespmem:v3+s15+$0x0], $0xffff  }
0x1b0: {  	v5 =	vor.u32 s0, v2;
	_ =	sdelay $0x3  }
0x1b1: {  	[tilespmem:v7+s18+$0x0] =	vst.idx.msk $0xffff, v3  }
0x1b2: {  	v3 =	vld.idx.msk [tilespmem:v5+s15+$0x0], $0xffff  }
0x1b3: {  	v5 =	vor.u32 s0, v4;
	_ =	sdelay $0x3  }
0x1b4: {  	[tilespmem:v35+s18+$0x0] =	vst.idx.msk $0xffff, v3  }
0x1b5: {  	v3 =	vld.idx.msk [tilespmem:v5+s15+$0x0], $0xffff  }
0x1b6: {  	v5 =	vor.u32 s0, v6;
	_ =	sdelay $0x3  }
0x1b7: {  	[tilespmem:v36+s18+$0x0] =	vst.idx.msk $0xffff, v3  }
0x1b8: {  	s3 =	sand.u32 $0x7F, s24;
	v3 =	vld.idx.msk [tilespmem:v5+s15+$0x0], $0xffff  }
0x1b9: {  	v5 =	vor.u32 s3, v8;
	_ =	sdelay $0x3  }
0x1ba: {  	[tilespmem:v37+s18+$0x0] =	vst.idx.msk $0xffff, v3  }
0x1bb: {  	v3 =	vld.idx.msk [tilespmem:v5+s15+$0x0], $0xffff  }
0x1bc: {  	v5 =	vor.u32 s3, v10;
	_ =	sdelay $0x3  }
0x1bd: {  	[tilespmem:v38+s18+$0x0] =	vst.idx.msk $0xffff, v3  }
0x1be: {  	v3 =	vld.idx.msk [tilespmem:v5+s15+$0x0], $0xffff  }
0x1bf: {  	v5 =	vor.u32 s3, v12;
	_ =	sdelay $0x3  }
0x1c0: {  	[tilespmem:v39+s18+$0x0] =	vst.idx.msk $0xffff, v3  }
0x1c1: {  	v3 =	vld.idx.msk [tilespmem:v5+s15+$0x0], $0xffff  }
0x1c2: {  	v5 =	vor.u32 s3, v14;
	_ =	sdelay $0x3  }
0x1c3: {  	[tilespmem:v40+s18+$0x0] =	vst.idx.msk $0xffff, v3  }
0x1c4: {  	s3 =	sand.u32 $0x7F, s25;
	v3 =	vld.idx.msk [tilespmem:v5+s15+$0x0], $0xffff  }
0x1c5: {  	v5 =	vor.u32 s3, v16;
	_ =	sdelay $0x3  }
0x1c6: {  	[tilespmem:v41+s18+$0x0] =	vst.idx.msk $0xffff, v3  }
0x1c7: {  	v3 =	vld.idx.msk [tilespmem:v5+s15+$0x0], $0xffff  }
0x1c8: {  	v5 =	vor.u32 s3, v18;
	_ =	sdelay $0x3  }
0x1c9: {  	[tilespmem:v42+s18+$0x0] =	vst.idx.msk $0xffff, v3  }
0x1ca: {  	v3 =	vld.idx.msk [tilespmem:v5+s15+$0x0], $0xffff  }
0x1cb: {  	v5 =	vor.u32 s3, v20;
	_ =	sdelay $0x3  }
0x1cc: {  	[tilespmem:v43+s18+$0x0] =	vst.idx.msk $0xffff, v3  }
0x1cd: {  	v3 =	vld.idx.msk [tilespmem:v5+s15+$0x0], $0xffff  }
0x1ce: {  	v5 =	vor.u32 s3, v22;
	_ =	sdelay $0x3  }
0x1cf: {  	[tilespmem:v44+s18+$0x0] =	vst.idx.msk $0xffff, v3  }
0x1d0: {  	s3 =	sand.u32 $0x7F, s26;
	v3 =	vld.idx.msk [tilespmem:v5+s15+$0x0], $0xffff  }
0x1d1: {  	v5 =	vor.u32 s3, v24;
	_ =	sdelay $0x3  }
0x1d2: {  	[tilespmem:v45+s18+$0x0] =	vst.idx.msk $0xffff, v3  }
0x1d3: {  	v3 =	vld.idx.msk [tilespmem:v5+s15+$0x0], $0xffff  }
0x1d4: {  	v5 =	vor.u32 s3, v26;
	_ =	sdelay $0x3  }
0x1d5: {  	[tilespmem:v46+s18+$0x0] =	vst.idx.msk $0xffff, v3  }
0x1d6: {  	v3 =	vld.idx.msk [tilespmem:v5+s15+$0x0], $0xffff  }
0x1d7: {  	v5 =	vor.u32 s3, v28;
	_ =	sdelay $0x3  }
0x1d8: {  	[tilespmem:v47+s18+$0x0] =	vst.idx.msk $0xffff, v3  }
0x1d9: {  	v3 =	vld.idx.msk [tilespmem:v5+s15+$0x0], $0xffff  }
0x1da: {  	v5 =	vor.u32 s3, v30;
	_ =	sdelay $0x3  }
0x1db: {  	[tilespmem:v48+s18+$0x0] =	vst.idx.msk $0xffff, v3  }
0x1dc: {  	v3 =	vld.idx.msk [tilespmem:v5+s15+$0x0], $0xffff;
	_ =	sdelay $0x4  }
0x1dd: {  	[tilespmem:v49+s18+$0x0] =	vst.idx.msk $0xffff, v3  }
0x1de: {  	_ =	swait.ge [sflag:s20], $0x2000  }
0x1df: {  	[sflag:s20] =	ssyncset.done $0x0  }
0x1e0: {  	[sflag:s20] =	ssyncadd.s32 $0xFFFFE000  }
0x1e1: {  	_ =	swait.ge [sflag:s20], $0x2000  }
0x1e2: {  	[sflag:s20] =	ssyncset.done $0x0  }
0x1e3: {  	[sflag:s20] =	ssyncadd.s32 $0xFFFFE000  }
0x1e4: {  	s3 =	sand.u32 $0x7F, s29;
	_ =	swait.ge [sflag:s20], $0x2000  }
0x1e5: {  	v3 =	vor.u32 s3, v1;
	[sflag:s20] =	ssyncset.done $0x0  }
0x1e6: {  	[sflag:s20] =	ssyncadd.s32 $0xFFFFE000  }
0x1e7: {  	_ =	swait.ge [sflag:s20], $0x2000  }
0x1e8: {  	[sflag:s20] =	ssyncset.done $0x0  }
0x1e9: {  	[sflag:s20] =	ssyncadd.s32 $0xFFFFE000  }
0x1ea: {  	v3 =	vld.idx.msk [tilespmem:v3+s16+$0x0], $0xffff  }
0x1eb: {  	v5 =	vor.u32 s3, v2;
	_ =	sdelay $0x3  }
0x1ec: {  	[tilespmem:v50+s18+$0x0] =	vst.idx.msk $0xffff, v3  }
0x1ed: {  	v3 =	vld.idx.msk [tilespmem:v5+s16+$0x0], $0xffff  }
0x1ee: {  	v5 =	vor.u32 s3, v4;
	_ =	sdelay $0x3  }
0x1ef: {  	[tilespmem:v52+s18+$0x0] =	vst.idx.msk $0xffff, v3  }
0x1f0: {  	v3 =	vld.idx.msk [tilespmem:v5+s16+$0x0], $0xffff  }
0x1f1: {  	v5 =	vor.u32 s3, v6;
	_ =	sdelay $0x3  }
0x1f2: {  	[tilespmem:v51+s18+$0x0] =	vst.idx.msk $0xffff, v3  }
0x1f3: {  	s3 =	sand.u32 $0x7F, s30;
	v3 =	vld.idx.msk [tilespmem:v5+s16+$0x0], $0xffff  }
0x1f4: {  	v5 =	vor.u32 s3, v8;
	_ =	sdelay $0x3  }
0x1f5: {  	[tilespmem:v53+s18+$0x0] =	vst.idx.msk $0xffff, v3  }
0x1f6: {  	v3 =	vld.idx.msk [tilespmem:v5+s16+$0x0], $0xffff  }
0x1f7: {  	v5 =	vor.u32 s3, v10;
	_ =	sdelay $0x3  }
0x1f8: {  	[tilespmem:v54+s18+$0x0] =	vst.idx.msk $0xffff, v3  }
0x1f9: {  	v3 =	vld.idx.msk [tilespmem:v5+s16+$0x0], $0xffff  }
0x1fa: {  	v5 =	vor.u32 s3, v12;
	_ =	sdelay $0x3  }
0x1fb: {  	[tilespmem:v55+s18+$0x0] =	vst.idx.msk $0xffff, v3  }
0x1fc: {  	v3 =	vld.idx.msk [tilespmem:v5+s16+$0x0], $0xffff  }
0x1fd: {  	v5 =	vor.u32 s3, v14;
	_ =	sdelay $0x3  }
0x1fe: {  	[tilespmem:v56+s18+$0x0] =	vst.idx.msk $0xffff, v3  }
0x1ff: {  	s3 =	sand.u32 $0x7F, s8;
	v3 =	vld.idx.msk [tilespmem:v5+s16+$0x0], $0xffff  }
0x200: {  	v5 =	vor.u32 s3, v16;
	_ =	sdelay $0x3  }
0x201: {  	[tilespmem:v58+s18+$0x0] =	vst.idx.msk $0xffff, v3  }
0x202: {  	v3 =	vld.idx.msk [tilespmem:v5+s16+$0x0], $0xffff  }
0x203: {  	v5 =	vor.u32 s3, v18;
	_ =	sdelay $0x3  }
0x204: {  	[tilespmem:v57+s18+$0x0] =	vst.idx.msk $0xffff, v3  }
0x205: {  	v3 =	vld.idx.msk [tilespmem:v5+s16+$0x0], $0xffff  }
0x206: {  	v5 =	vor.u32 s3, v20;
	_ =	sdelay $0x3  }
0x207: {  	[tilespmem:v59+s18+$0x0] =	vst.idx.msk $0xffff, v3  }
0x208: {  	v3 =	vld.idx.msk [tilespmem:v5+s16+$0x0], $0xffff  }
0x209: {  	v5 =	vor.u32 s3, v22;
	_ =	sdelay $0x3  }
0x20a: {  	[tilespmem:v60+s18+$0x0] =	vst.idx.msk $0xffff, v3  }
0x20b: {  	s3 =	sand.u32 $0x7F, s6;
	v3 =	vld.idx.msk [tilespmem:v5+s16+$0x0], $0xffff  }
0x20c: {  	v5 =	vor.u32 s3, v24;
	_ =	sdelay $0x3  }
0x20d: {  	[tilespmem:v62+s18+$0x0] =	vst.idx.msk $0xffff, v3  }
0x20e: {  	v3 =	vld.idx.msk [tilespmem:v5+s16+$0x0], $0xffff  }
0x20f: {  	v5 =	vor.u32 s3, v26;
	_ =	sdelay $0x1  }
0x210: {  	v7 =	vld [tilespmem:$0x1FFD0];
	_ =	sdelay $0x1  }
0x211: {  	[tilespmem:v61+s18+$0x0] =	vst.idx.msk $0xffff, v3  }
0x212: {  	v3 =	vld.idx.msk [tilespmem:v5+s16+$0x0], $0xffff  }
0x213: {  	v5 =	vor.u32 s3, v28;
	_ =	sdelay $0x3  }
0x214: {  	[tilespmem:v7+s18+$0x0] =	vst.idx.msk $0xffff, v3  }
0x215: {  	v3 =	vld.idx.msk [tilespmem:v5+s16+$0x0], $0xffff  }
0x216: {  	v5 =	vor.u32 s3, v30;
	_ =	sdelay $0x3  }
0x217: {  	[tilespmem:v63+s18+$0x0] =	vst.idx.msk $0xffff, v3  }
0x218: {  	v3 =	vld.idx.msk [tilespmem:v5+s16+$0x0], $0xffff  }
0x219: {  	v5 =	vld [tilespmem:$0x1FFE0];
	_ =	sdelay $0x7  }
0x21a: {  	[tilespmem:v5+s18+$0x0] =	vst.idx.msk $0xffff, v3  }
0x21b: {  	_ =	swait.ge [sflag:s17], $0x2000  }
0x21c: {  	[sflag:s17] =	ssyncset.done $0x0  }
0x21d: {  	[sflag:s17] =	ssyncadd.s32 $0xFFFFE000  }
0x21e: {  	_ =	swait.ge [sflag:s17], $0x2000  }
0x21f: {  	[sflag:s17] =	ssyncset.done $0x0  }
0x220: {  	[sflag:s17] =	ssyncadd.s32 $0xFFFFE000  }
0x221: {  	s3 =	sand.u32 $0x7F, s11;
	_ =	swait.ge [sflag:s17], $0x2000  }
0x222: {  	v3 =	vor.u32 s3, v1;
	[sflag:s17] =	ssyncset.done $0x0  }
0x223: {  	[sflag:s17] =	ssyncadd.s32 $0xFFFFE000  }
0x224: {  	_ =	swait.ge [sflag:s17], $0x2000  }
0x225: {  	[sflag:s17] =	ssyncset.done $0x0  }
0x226: {  	[sflag:s17] =	ssyncadd.s32 $0xFFFFE000  }
0x227: {  	v5 =	vor.u32 $0x600, v0;
	v3 =	vld.idx.msk [tilespmem:v3+s10+$0x0], $0xffff  }
0x228: {  	v7 =	vor.u32 s3, v2;
	_ =	sdelay $0x3  }
0x229: {  	v0 =	vlaneseq.u32;
	[tilespmem:v5+s18+$0x0] =	vst.idx.msk $0xffff, v3  }
0x22a: {  	v5 =	vor.u32 $0x610, v0;
	v3 =	vld.idx.msk [tilespmem:v7+s10+$0x0], $0xffff  }
0x22b: {  	v7 =	vor.u32 s3, v4;
	_ =	sdelay $0x3  }
0x22c: {  	[tilespmem:v5+s18+$0x0] =	vst.idx.msk $0xffff, v3  }
0x22d: {  	v5 =	vor.u32 $0x620, v0;
	v3 =	vld.idx.msk [tilespmem:v7+s10+$0x0], $0xffff  }
0x22e: {  	v7 =	vor.u32 s3, v6;
	_ =	sdelay $0x3  }
0x22f: {  	[tilespmem:v5+s18+$0x0] =	vst.idx.msk $0xffff, v3  }
0x230: {  	s4 =	sand.u32 $0x7F, s4;
	v5 =	vor.u32 $0x630, v0;
	v3 =	vld.idx.msk [tilespmem:v7+s10+$0x0], $0xffff  }
0x231: {  	v7 =	vor.u32 s4, v8;
	_ =	sdelay $0x3  }
0x232: {  	[tilespmem:v5+s18+$0x0] =	vst.idx.msk $0xffff, v3  }
0x233: {  	v5 =	vor.u32 $0x680, v0;
	v3 =	vld.idx.msk [tilespmem:v7+s10+$0x0], $0xffff  }
0x234: {  	v7 =	vor.u32 s4, v10;
	_ =	sdelay $0x3  }
0x235: {  	[tilespmem:v5+s18+$0x0] =	vst.idx.msk $0xffff, v3  }
0x236: {  	v5 =	vor.u32 $0x690, v0;
	v3 =	vld.idx.msk [tilespmem:v7+s10+$0x0], $0xffff  }
0x237: {  	v7 =	vor.u32 s4, v12;
	_ =	sdelay $0x3  }
0x238: {  	[tilespmem:v5+s18+$0x0] =	vst.idx.msk $0xffff, v3  }
0x239: {  	v5 =	vor.u32 $0x6A0, v0;
	v3 =	vld.idx.msk [tilespmem:v7+s10+$0x0], $0xffff  }
0x23a: {  	v7 =	vor.u32 s4, v14;
	_ =	sdelay $0x3  }
0x23b: {  	[tilespmem:v5+s18+$0x0] =	vst.idx.msk $0xffff, v3  }
0x23c: {  	s3 =	sand.u32 $0x7F, s31;
	v5 =	vor.u32 $0x6B0, v0;
	v3 =	vld.idx.msk [tilespmem:v7+s10+$0x0], $0xffff  }
0x23d: {  	v7 =	vor.u32 s3, v16;
	_ =	sdelay $0x3  }
0x23e: {  	[tilespmem:v5+s18+$0x0] =	vst.idx.msk $0xffff, v3  }
0x23f: {  	v5 =	vor.u32 $0x700, v0;
	v3 =	vld.idx.msk [tilespmem:v7+s10+$0x0], $0xffff  }
0x240: {  	v7 =	vor.u32 s3, v18;
	_ =	sdelay $0x3  }
0x241: {  	[tilespmem:v5+s18+$0x0] =	vst.idx.msk $0xffff, v3  }
0x242: {  	v5 =	vor.u32 $0x710, v0;
	v3 =	vld.idx.msk [tilespmem:v7+s10+$0x0], $0xffff  }
0x243: {  	v7 =	vor.u32 s3, v20;
	_ =	sdelay $0x3  }
0x244: {  	[tilespmem:v5+s18+$0x0] =	vst.idx.msk $0xffff, v3  }
0x245: {  	v5 =	vor.u32 $0x720, v0;
	v3 =	vld.idx.msk [tilespmem:v7+s10+$0x0], $0xffff  }
0x246: {  	v7 =	vor.u32 s3, v22;
	_ =	sdelay $0x3  }
0x247: {  	[tilespmem:v5+s18+$0x0] =	vst.idx.msk $0xffff, v3  }
0x248: {  	s4 =	sand.u32 $0x7F, s28;
	v5 =	vor.u32 $0x730, v0;
	v3 =	vld.idx.msk [tilespmem:v7+s10+$0x0], $0xffff  }
0x249: {  	v7 =	vor.u32 s4, v24;
	_ =	sdelay $0x3  }
0x24a: {  	[tilespmem:v5+s18+$0x0] =	vst.idx.msk $0xffff, v3  }
0x24b: {  	v5 =	vor.u32 $0x780, v0;
	v3 =	vld.idx.msk [tilespmem:v7+s10+$0x0], $0xffff  }
0x24c: {  	v7 =	vor.u32 s4, v26;
	_ =	sdelay $0x3  }
0x24d: {  	[tilespmem:v5+s18+$0x0] =	vst.idx.msk $0xffff, v3  }
0x24e: {  	v5 =	vor.u32 $0x790, v0;
	v3 =	vld.idx.msk [tilespmem:v7+s10+$0x0], $0xffff  }
0x24f: {  	v7 =	vor.u32 s4, v28;
	_ =	sdelay $0x3  }
0x250: {  	[tilespmem:v5+s18+$0x0] =	vst.idx.msk $0xffff, v3  }
0x251: {  	v1 =	vmovc v63;
	v63 =	vmovc v62;
	v62 =	vmov v61;
	v61 =	vmov v60;
	v5 =	vor.u32 $0x7A0, v0;
	v3 =	vld.idx.msk [tilespmem:v7+s10+$0x0], $0xffff  }
0x252: {  	v60 =	vmovc v59;
	v59 =	vmovc v58;
	v58 =	vmov v57;
	v57 =	vmov v56;
	v7 =	vor.u32 s4, v30  }
0x253: {  	v56 =	vmovc v55;
	v55 =	vmovc v54;
	v54 =	vmov v53;
	v53 =	vmov v52;
	v52 =	vmov v51  }
0x254: {  	v51 =	vmovc v50;
	v50 =	vmovc v49;
	v49 =	vmov v48;
	v48 =	vmov v47;
	v47 =	vmov v46  }
0x255: {  	v46 =	vmovc v45;
	v45 =	vmovc v44;
	v44 =	vmov v43;
	v43 =	vmov v42;
	v42 =	vmov v41  }
0x256: {  	v41 =	vmovc v40;
	v40 =	vmovc v39;
	v39 =	vmov v38;
	v38 =	vmov v37;
	v0 =	vlaneseq.u32;
	[tilespmem:v5+s18+$0x0] =	vst.idx.msk $0xffff, v3  }
0x257: {  	v5 =	vor.u32 $0x7B0, v0;
	v3 =	vld.idx.msk [tilespmem:v7+s10+$0x0], $0xffff;
	_ =	sdelay $0x1  }
0x258: {  	p0 =	sne.s32 s22, $0x7C0;
	v37 =	vmov v38;
	v38 =	vmov v39  }
0x259: {  	s22 =	sadd.s32 $0x40, s22;
	s9 =	simm.s32 $0x4;
	s24 =	simm.s32 $0x2A00;
	v39 =	vmovc v40;
	v40 =	vmovc v41;
	v41 =	vmov v42;
	v42 =	vmov v43;
	v43 =	vmov v44  }
0x25a: {  	s23 =	simm.s32 $0x2600;
	s25 =	simm.s32 $0x2E00;
	s26 =	simm.s32 $0x3200;
	v44 =	vmovc v45;
	v45 =	vmovc v46;
	v46 =	vmov v47;
	v47 =	vmov v48;
	v48 =	vmov v49  }
.Ltmp0:
0x25b: {  	s29 =	simm.s32 $0x3A00;
	s30 =	simm.s32 $0x3E00;
	v49 =	vmovc v50;
	v50 =	vmovc v51;
	v51 =	vmov v52;
	v52 =	vmov v53;
	v53 =	vmov v54;
	[tilespmem:v5+s18+$0x0] =	vst.idx.msk $0xffff, v3;
	(pc) =	sbr.rel @p0 .LBB2_2-.Ltmp0, $4  }
0x25c: {  	v54 =	vmovc v55;
	v55 =	vmovc v56;
	v56 =	vmov v57;
	v57 =	vmov v58;
	v58 =	vmov v59;
	[hbm4b:s21+s2] =	stream.linear.scatter [tilespmem:s18], [sflag:$0x4], $0x800, $0x38;
	[tilespmem:$0x18A00] =	vst v63  }
0x25d: {  	s8 =	simm.s32 $0x1600;
	s6 =	simm.s32 $0xE00;
	v59 =	vmovc v60;
	v60 =	vmovc v61;
	v61 =	vmov v62;
	v62 =	vmov v63;
	v63 =	vmov v1;
	v1 =	vld [tilespmem:$0x1FFF0];
	_ =	swait.ge [sflag:s9], $0x800  }
0x25e: {  	s11 =	simm.s32 $0x1E00;
	s31 =	simm.s32 $0x4200;
	[sflag:s9] =	ssyncset.done $0x0  }
0x25f: {  	s28 =	simm.s32 $0x3600;
	s21 =	sadd.s32 $0x100, s21;
	[sflag:s9] =	ssyncadd.s32 $0xFFFFF800  }
0x260: {  	s3 =	sld [smem:$0x7D8]  }
0x261: {  	s0 =	sld [smem:$0x7E7];
	_ =	sdelay $0x1  }
0x262: {  	s3 =	sadd.s32 $0x1, s3  }
0x263: {  	p0 =	sne.s32 s3, s0  }
.Ltmp1:
0x264: {  	_ = 	snop;
	(pc) =	sbr.rel @p0 .LBB2_1-.Ltmp1, $1  }
0x265: {  	_ =	sdelay $0x3  }
0x266: {  	_ =	sfence.sel $0x180000  }
0x267: {  	[bflag:$0x0] =	sbarrier.arrive $0xFFFF  }
0x268: {  	_ =	strace $0x90000047  }
0x269: {  	s0 =	stileid.u32;
	[bflag:$0x2] =	sbarrier.arrive $0xFFFF  }
0x26a: {  	p0 =	sne.s32 s0, $0x0;
	s0 =	rddreg [dreg:$0x3]  }
0x26b: {  	s0 =	sadd.s32 @!p0 $0x100000, s0  }
0x26c: {  	[sflag:s0] =	ssyncadd.tile.s32 @!p0 $0x1;
	_ =	shalt  }
.Lfunc_end2:
_tile_overlayer_lowered:
.L_overlay_start_2:
0x26d: {  	(tag) =	ssettag $0x2  }
0x26e: {  	s0 =	rddreg [dreg:$0x0];
	s2 =	stileid.u32  }
0x26f: {  	s1 =	rddreg [dreg:$0x1];
	p0 =	sne.s32 s2, $0x0  }
0x270: {  	s3 =	rddreg [dreg:$0x2];
	[bflag:$0x3] =	sbarrier.arrive $0xFFFF;
	s2 =	simm.s32 @!p0 $0x1C04  }
0x271: {  	[timem:s3], [sflag:s2] =	dma.local @!p0 [hbm:s0], s1  }
0x272: {  	s0 =	simm.s32 @!p0 $0x4  }
0x273: {  	_ =	swait.ge @!p0 [sflag:s0], s1  }
0x274: {  	s1 =	ssub.s32 @!p0 $0x0, s1;
	[sflag:s0] =	ssyncset.done @!p0 $0x0  }
0x275: {  	[sflag:s0] =	ssyncadd.s32 @!p0 s1  }
0x276: {  	[bflag:$0x3] =	sbarrier.arrive $0xFFFF  }
0x277: {  	_ =	shalt  }

</sc_bundles>
